<compile_context>
chip_gen: v7x
topology: tpu7x:2x2x1
jax: 0.10.2.dev20260603
libtpu: 0.0.44.dev20260713+nightly
codegen_flags: <defaults>
</compile_context>

<pallas_src>
import functools

import jax
import jax.numpy as jnp
from jax import lax
from jax.experimental import pallas as pl
from jax.experimental.pallas import tpu as pltpu
from jax.experimental.pallas import tpu_sc as plsc

_NC = 2
_NS = 16
_LANES = 16
_CHUNK = 128


def _sc_extract(L, B, NK, K, scores, mnn_batch, mnn_a, mnn_b):
    P = L * B
    NW = NK // _CHUNK
    assert P + 2 <= _NC * _NS

    mesh = plsc.VectorSubcoreMesh(core_axis_name="c", subcore_axis_name="s")

    @functools.partial(
        pl.kernel,
        out_type=(
            jax.ShapeDtypeStruct((L * K, _CHUNK), jnp.float32),
            jax.ShapeDtypeStruct((B * NK,), jnp.float32),
            jax.ShapeDtypeStruct((B * NK,), jnp.float32),
        ),
        mesh=mesh,
        scratch_types=[
            pltpu.VMEM((K,), jnp.int32),
            pltpu.VMEM((K,), jnp.int32),
            pltpu.VMEM((K,), jnp.int32),
            pltpu.VMEM((K + _LANES,), jnp.int32),
            pltpu.VMEM((K + _LANES,), jnp.int32),
            pltpu.VMEM((_LANES, _CHUNK), jnp.float32),
            pltpu.VMEM((NK,), jnp.float32),
            pltpu.VMEM((K // _CHUNK, _CHUNK), jnp.int32),
            pltpu.VMEM((_CHUNK,), jnp.float32),
            pltpu.SemaphoreType.DMA,
        ],
        compiler_params=pltpu.CompilerParams(needs_layout_passes=False),
    )
    def sc_kernel(scores_hbm, mb_hbm, ma_hbm, mbb_hbm,
                  win_hbm, mA_hbm, mB_hbm,
                  bi_v, ai_v, ci_v, klist_v, klist2_v, rows_v,
                  zbuf_v, idx2_v, ones_v, sem):
        wid = lax.axis_index("s") * _NC + lax.axis_index("c")
        lane = lax.iota(jnp.int32, _LANES)

        @pl.when(wid < P)
        def _():
            l = wid // B
            b = wid % B
            pltpu.sync_copy(mb_hbm, bi_v)
            pltpu.sync_copy(ma_hbm, ai_v)
            pltpu.sync_copy(mbb_hbm, ci_v)

            zero16 = jnp.zeros((_LANES,), jnp.int32)

            def zklist(t, _):
                klist_v[pl.ds(t * _LANES, _LANES)] = zero16
                klist2_v[pl.ds(t * _LANES, _LANES)] = zero16
                return 0
            lax.fori_loop(0, (K + _LANES) // _LANES, zklist, 0, unroll=8)

            def comp(t, off):
                o = t * _LANES
                kidx = o + lane
                m = bi_v[pl.ds(o, _LANES)] == b
                pos = plsc.cumsum(m.astype(jnp.int32)) - 1 + off
                plsc.store_scatter(klist_v, [pos], kidx, mask=m)
                return off + jnp.sum(m.astype(jnp.int32))
            cnt = lax.fori_loop(0, K // _LANES, comp, 0, unroll=8)
            nch = (cnt + _LANES - 1) // _LANES

            def wbody(w, _):
                def comp2(t, off):
                    o = t * _LANES
                    kc = klist_v[pl.ds(o, _LANES)]
                    valid = (o + lane) < cnt
                    col = plsc.load_gather(ci_v, [kc])
                    m = jnp.logical_and(valid, (col // _CHUNK) == w)
                    pos = plsc.cumsum(m.astype(jnp.int32)) - 1 + off
                    plsc.store_scatter(klist2_v, [pos], kc, mask=m)
                    return off + jnp.sum(m.astype(jnp.int32))
                cntw = lax.fori_loop(0, nch, comp2, 0)

                def rowloop(c, _):
                    o = c * _LANES
                    kc = klist2_v[pl.ds(o, _LANES)]
                    valid = (o + lane) < cntw
                    row_i = plsc.load_gather(ai_v, [kc])
                    pltpu.async_copy(
                        scores_hbm.at[l, b].at[row_i,
                                               pl.ds(w * _CHUNK, _CHUNK)],
                        rows_v, sem).wait()
                    out_idx = jnp.where(valid, l * K + kc, -1)
                    pltpu.async_copy(
                        rows_v,
                        win_hbm.at[plsc.Indices(out_idx, ignored_value=-1)],
                        sem).wait()
                    return 0
                lax.fori_loop(0, (cntw + _LANES - 1) // _LANES, rowloop, 0)
                return 0
            lax.fori_loop(0, NW, wbody, 0)

        def build_mask(key_ref, out_hbm):
            def zero(t, _):
                zbuf_v[pl.ds(t * _LANES, _LANES)] = jnp.zeros(
                    (_LANES,), jnp.float32)
                return 0
            lax.fori_loop(0, NK // _LANES, zero, 0, unroll=8)
            for q in range((B * NK) // NK):
                pltpu.sync_copy(zbuf_v, out_hbm.at[pl.ds(q * NK, NK)])
            for j in range(_CHUNK // _LANES):
                ones_v[pl.ds(j * _LANES, _LANES)] = jnp.ones(
                    (_LANES,), jnp.float32)
            pltpu.sync_copy(mb_hbm, bi_v)
            pltpu.sync_copy(key_ref, ai_v)
            for ci in range(K // _CHUNK):
                for j in range(_CHUNK // _LANES):
                    o = ci * _CHUNK + j * _LANES
                    key = (bi_v[pl.ds(o, _LANES)] * NK
                           + ai_v[pl.ds(o, _LANES)])
                    idx2_v[ci, pl.ds(j * _LANES, _LANES)] = key
            copies = []
            for ci in range(K // _CHUNK):
                copies.append(
                    pltpu.async_copy(ones_v, out_hbm.at[idx2_v.at[ci]], sem))
            for cp in copies:
                cp.wait()

        @pl.when(wid == P)
        def _():
            build_mask(ma_hbm, mA_hbm)

        @pl.when(wid == P + 1)
        def _():
            build_mask(mbb_hbm, mB_hbm)

    return sc_kernel(scores, mnn_batch, mnn_a, mnn_b)


def _tc_reduce(L, B, NK, K, scores, win, mbbcol, mA, mB):
    P = L * B
    KB = K // B
    NWIN = (NK + 1 + _CHUNK - 1) // _CHUNK - 1

    def body(colb_ref, rowb_ref, win_ref, mbb_ref, mA_ref, mB_ref, out_ref):
        p = pl.program_id(0)
        b = p % B

        def sp(v):
            return jnp.maximum(v, 0.0) + jnp.log1p(jnp.exp(-jnp.abs(v)))

        c1 = colb_ref[0, 0, :, pl.ds(0, 1)]
        r1 = rowb_ref[0, 0, pl.ds(0, 1), :]
        w = win_ref[...]
        mbb = mbb_ref[pl.ds(b * KB, KB), :]
        ma1 = mA_ref[pl.ds(b, 1), :]
        mb1 = mB_ref[pl.ds(b, 1), :]

        oh = (mbb == lax.broadcasted_iota(
            jnp.int32, (1, _CHUNK), 1)).astype(jnp.float32)
        maT = jnp.transpose(ma1)

        partial = ((jnp.sum(sp(c1)) - jnp.sum(c1 * maT)
                    + jnp.sum(sp(r1)) - jnp.sum(r1 * mb1)) / (L * B * NK)
                   - jnp.sum(w * oh) / (L * K))

        @pl.when(p == 0)
        def _():
            out_ref[...] = jnp.zeros((1, 1), jnp.float32)
        out_ref[...] += jnp.broadcast_to(partial, (1, 1))

    out = pl.pallas_call(
        body,
        grid=(P,),
        in_specs=[
            pl.BlockSpec((1, 1, NK, _CHUNK),
                         lambda p: (p // B, p % B, 0, NWIN)),
            pl.BlockSpec((1, 1, 8, NK),
                         lambda p: (p // B, p % B, NK // 8, 0)),
            pl.BlockSpec((KB, _CHUNK), lambda p: (p, 0)),
            pl.BlockSpec((K, 1), lambda p: (0, 0)),
            pl.BlockSpec((B, NK), lambda p: (0, 0)),
            pl.BlockSpec((B, NK), lambda p: (0, 0)),
        ],
        out_specs=pl.BlockSpec((1, 1), lambda p: (0, 0)),
        out_shape=jax.ShapeDtypeStruct((1, 1), jnp.float32),
    )(scores, scores, win, mbbcol, mA, mB)
    return out.reshape(())


def kernel(scores, mnn_batch, mnn_a, mnn_b):
    L, B, Mp1, Np1 = scores.shape
    NK = Mp1 - 1
    K = mnn_batch.shape[0]
    P = L * B
    assert Mp1 == Np1 and NK % _CHUNK == 0 and K % _CHUNK == 0
    assert (B * NK) % _LANES == 0 and K % B == 0

    win_f, mA_f, mB_f = _sc_extract(
        L, B, NK, K, scores,
        mnn_batch.astype(jnp.int32), mnn_a.astype(jnp.int32),
        mnn_b.astype(jnp.int32))

    return _tc_reduce(
        L, B, NK, K, scores,
        win_f,
        (mnn_b.astype(jnp.int32) % _CHUNK).reshape(K, 1),
        mA_f.reshape(B, NK),
        mB_f.reshape(B, NK))

# --- scband reference (transcript-rebuilt; emitter-appended) ---
"""Pipeline reference for scband-glue-loss-26474178412766 (READ-ONLY COPY).

The authoritative reference and input builder live on the scoring server;
editing this copy changes nothing except your own understanding.
"""

import jax, jax.numpy as jnp
import numpy as np


def setup_inputs(seed: int = 0) -> dict:
    key = jax.random.key(seed)
    k1, k2, k3, k4 = jax.random.split(key, 4)
    L, B, NK, K = 4, 4, 2048, 1024
    scores = jax.random.normal(k1, (L, B, NK + 1, NK + 1), dtype=jnp.float32)
    mnn_batch = jax.random.randint(k2, (K,), 0, B, dtype=jnp.int64) if jax.config.jax_enable_x64 else jax.random.randint(k2, (K,), 0, B).astype(jnp.int32)
    mnn_a = jax.random.randint(k3, (K,), 0, NK).astype(jnp.int32)
    mnn_b = jax.random.randint(k4, (K,), 0, NK).astype(jnp.int32)
    mnn_batch = mnn_batch.astype(jnp.int32)
    return {"scores": scores, "mnn_batch": mnn_batch, "mnn_a": mnn_a, "mnn_b": mnn_b}


def _bce_with_logits(x, z):
    # numerically-stable binary_cross_entropy_with_logits, mean reduction
    return jnp.mean(jnp.maximum(x, 0.0) - x * z + jnp.log1p(jnp.exp(-jnp.abs(x))))


def reference(scores, mnn_batch, mnn_a, mnn_b):
    layer_loss_weight = 1.0
    n_layers = scores.shape[0]
    Bsz, Mp1, Np1 = scores.shape[1], scores.shape[2], scores.shape[3]
    M, N = Mp1 - 1, Np1 - 1
    # matchability targets: scatter-overwrite 1.0 at matched keypoints
    matchable_A = jnp.zeros((Bsz, M), dtype=jnp.float32).at[mnn_batch, mnn_a].set(1.0)
    matchable_B = jnp.zeros((Bsz, N), dtype=jnp.float32).at[mnn_batch, mnn_b].set(1.0)
    total_loss = 0.0
    for l in range(n_layers):
        s = scores[l]
        # conditional log-likelihood of true matches (gather)
        layer_loss_conditional = -jnp.mean(s[mnn_batch, mnn_a, mnn_b])
        # matchability BCE against dustbin row/column logits
        layer_loss_matchability_A = _bce_with_logits(s[:, :-1, -1], matchable_A)
        layer_loss_matchability_B = _bce_with_logits(s[:, -1, :-1], matchable_B)
        layer_loss_matchability = layer_loss_matchability_A + layer_loss_matchability_B
        total_loss = total_loss + (layer_loss_conditional + layer_loss_matchability) * layer_loss_weight
    total_loss = total_loss / n_layers
    return total_loss

if __name__ == "__main__":
    import jax
    _d = setup_inputs()
    print(jax.jit(kernel)(*tuple(_d.values())))

</pallas_src>

<mosaic_0001>
#map = affine_map<(d0, d1) -> (0, 0, 0, 0)>
#map1 = affine_map<(d0, d1) -> (0)>
#map2 = affine_map<(d0, d1) -> (0, 0)>
module attributes {stable_mosaic.version = 14 : i64} {
  func.func @sc_kernel(%arg0: i32, %arg1: i32, %arg2: memref<4x4x2049x2049xf32, #tpu.memory_space<hbm>>, %arg3: memref<1024xi32, #tpu.memory_space<hbm>>, %arg4: memref<1024xi32, #tpu.memory_space<hbm>>, %arg5: memref<1024xi32, #tpu.memory_space<hbm>>, %arg6: memref<4096x128xf32, #tpu.memory_space<hbm>>, %arg7: memref<8192xf32, #tpu.memory_space<hbm>>, %arg8: memref<8192xf32, #tpu.memory_space<hbm>>, %arg9: memref<1024xi32, #tpu.memory_space<vmem>>, %arg10: memref<1024xi32, #tpu.memory_space<vmem>>, %arg11: memref<1024xi32, #tpu.memory_space<vmem>>, %arg12: memref<1040xi32, #tpu.memory_space<vmem>>, %arg13: memref<1040xi32, #tpu.memory_space<vmem>>, %arg14: memref<16x128xf32, #tpu.memory_space<vmem>>, %arg15: memref<2048xf32, #tpu.memory_space<vmem>>, %arg16: memref<8x128xi32, #tpu.memory_space<vmem>>, %arg17: memref<128xf32, #tpu.memory_space<vmem>>, %arg18: memref<!tpu.dma_semaphore, #tpu.memory_space<semaphore_mem>>) attributes {dimension_semantics = [#tpu.dimension_semantics<core_parallel>, #tpu.dimension_semantics<subcore_parallel>], iteration_bounds = array<i64: 2, 16>, scalar_prefetch = 0 : i64, scratch_operands = 10 : i64, tpu.core_type = #tpu.core_type<sc_vector_subcore>, window_params = [{transform_indices = #map}, {transform_indices = #map1}, {transform_indices = #map1}, {transform_indices = #map1}, {transform_indices = #map2}, {transform_indices = #map1}, {transform_indices = #map1}]} {
    %mul3A = arith.constant 2 : i32
    %mul3A_0 = arith.muli %arg1, %mul3A : i32
    %add3A = arith.addi %mul3A_0, %arg0 : i32
    %iota3A = tpu.iota {dimensions = array<i32: 0>} : vector<16xi32>
    %lt3A = arith.constant 16 : i32
    %lt3A_1 = arith.cmpi slt, %add3A, %lt3A : i32
    %convert_element_type3A = arith.extui %lt3A_1 : i1 to i32
    %cond3A = arith.constant 0 : i32
    %cond3A_2 = arith.cmpi ne, %convert_element_type3A, %cond3A : i32
    scf.if %cond3A_2 {
      %jit3A = arith.constant 4 : i32
      %div3A = arith.divsi %add3A, %jit3A : i32
      %sign3A = arith.constant 0 : i32
      %sign3A_12 = arith.cmpi sgt, %add3A, %sign3A : i32
      %sign3A_13 = arith.extui %sign3A_12 : i1 to i32
      %sign3A_14 = arith.constant 0 : i32
      %sign3A_15 = arith.cmpi slt, %add3A, %sign3A_14 : i32
      %sign3A_16 = arith.extui %sign3A_15 : i1 to i32
      %sign3A_17 = arith.subi %sign3A_13, %sign3A_16 : i32
      %sign3A_18 = arith.constant 0 : i32
      %sign3A_19 = arith.cmpi sgt, %jit3A, %sign3A_18 : i32
      %sign3A_20 = arith.extui %sign3A_19 : i1 to i32
      %sign3A_21 = arith.constant 0 : i32
      %sign3A_22 = arith.cmpi slt, %jit3A, %sign3A_21 : i32
      %sign3A_23 = arith.extui %sign3A_22 : i1 to i32
      %sign3A_24 = arith.subi %sign3A_20, %sign3A_23 : i32
      %ne3A = arith.cmpi ne, %sign3A_17, %sign3A_24 : i32
      %rem3A = arith.remsi %add3A, %jit3A : i32
      %ne3A_25 = arith.constant 0 : i32
      %ne3A_26 = arith.cmpi ne, %rem3A, %ne3A_25 : i32
      %and3A = arith.andi %ne3A, %ne3A_26 : i1
      %sub3A = arith.constant 1 : i32
      %sub3A_27 = arith.subi %div3A, %sub3A : i32
      %select_n3A = arith.select %and3A, %sub3A_27, %div3A : i32
      %jit3A_28 = arith.constant 4 : i32
      %eq3A_29 = arith.constant 0 : i32
      %eq3A_30 = arith.cmpi eq, %jit3A_28, %eq3A_29 : i32
      %jit3A_31 = arith.constant 1 : i32
      %select_n3A_32 = arith.select %eq3A_30, %jit3A_31, %jit3A_28 : i32
      %rem3A_33 = arith.remsi %add3A, %select_n3A_32 : i32
      %ne3A_34 = arith.constant 0 : i32
      %ne3A_35 = arith.cmpi ne, %rem3A_33, %ne3A_34 : i32
      %lt3A_36 = arith.constant 0 : i32
      %lt3A_37 = arith.cmpi slt, %rem3A_33, %lt3A_36 : i32
      %lt3A_38 = arith.constant 0 : i32
      %lt3A_39 = arith.cmpi slt, %select_n3A_32, %lt3A_38 : i32
      %ne3A_40 = arith.xori %lt3A_37, %lt3A_39 : i1
      %and3A_41 = arith.andi %ne3A_40, %ne3A_35 : i1
      %add3A_42 = arith.addi %rem3A_33, %select_n3A_32 : i32
      %select_n3A_43 = arith.select %and3A_41, %add3A_42, %rem3A_33 : i32
      "tpu.region"() ({
        %run_scoped3A = tpu.sem_alloc : memref<!tpu.dma_semaphore, #tpu.memory_space<semaphore_mem>>
        tpu.enqueue_dma source(%arg3 : memref<1024xi32, #tpu.memory_space<hbm>>) target(%arg9 : memref<1024xi32, #tpu.memory_space<vmem>>) target_semaphore(%run_scoped3A : memref<!tpu.dma_semaphore, #tpu.memory_space<semaphore_mem>>)
        tpu.wait_dma2 semaphore(%run_scoped3A : memref<!tpu.dma_semaphore, #tpu.memory_space<semaphore_mem>>) src(%arg3 : memref<1024xi32, #tpu.memory_space<hbm>>) dst(%arg9 : memref<1024xi32, #tpu.memory_space<vmem>>)
        tpu.yield
      }) : () -> ()
      "tpu.region"() ({
        %run_scoped3A = tpu.sem_alloc : memref<!tpu.dma_semaphore, #tpu.memory_space<semaphore_mem>>
        tpu.enqueue_dma source(%arg4 : memref<1024xi32, #tpu.memory_space<hbm>>) target(%arg10 : memref<1024xi32, #tpu.memory_space<vmem>>) target_semaphore(%run_scoped3A : memref<!tpu.dma_semaphore, #tpu.memory_space<semaphore_mem>>)
        tpu.wait_dma2 semaphore(%run_scoped3A : memref<!tpu.dma_semaphore, #tpu.memory_space<semaphore_mem>>) src(%arg4 : memref<1024xi32, #tpu.memory_space<hbm>>) dst(%arg10 : memref<1024xi32, #tpu.memory_space<vmem>>)
        tpu.yield
      }) : () -> ()
      "tpu.region"() ({
        %run_scoped3A = tpu.sem_alloc : memref<!tpu.dma_semaphore, #tpu.memory_space<semaphore_mem>>
        tpu.enqueue_dma source(%arg5 : memref<1024xi32, #tpu.memory_space<hbm>>) target(%arg11 : memref<1024xi32, #tpu.memory_space<vmem>>) target_semaphore(%run_scoped3A : memref<!tpu.dma_semaphore, #tpu.memory_space<semaphore_mem>>)
        tpu.wait_dma2 semaphore(%run_scoped3A : memref<!tpu.dma_semaphore, #tpu.memory_space<semaphore_mem>>) src(%arg5 : memref<1024xi32, #tpu.memory_space<hbm>>) dst(%arg11 : memref<1024xi32, #tpu.memory_space<vmem>>)
        tpu.yield
      }) : () -> ()
      %broadcast_in_dim3A = arith.constant 0 : i32
      %broadcast_in_dim3A_44 = vector.broadcast %broadcast_in_dim3A : i32 to vector<16xi32>
      %scan3A = arith.constant 0 : i32
      %scan3A_45 = arith.constant 0 : i32
      %scan3A_46 = arith.constant 64 : i32
      %scan3A_47 = arith.addi %scan3A_45, %scan3A_46 : i32
      %scan3A_48 = arith.constant 8 : i32
      %scan3A_49 = scf.for %scan3A_103 = %scan3A_45 to %scan3A_47 step %scan3A_48 iter_args(%scan3A_104 = %scan3A) -> (i32)  : i32 {
        %mul3A_105 = arith.constant 16 : i32
        %mul3A_106 = arith.muli %scan3A_103, %mul3A_105 : i32
        %swap3A_107 = arith.index_cast %mul3A_106 : i32 to index
        %swap3A_108 = tpu.vector_load %arg12[%swap3A_107] {strides = array<i32>} : memref<1040xi32, #tpu.memory_space<vmem>>, vector<16xi32>,
        tpu.vector_store %arg12[%swap3A_107], %broadcast_in_dim3A_44 {strides = array<i32>} : memref<1040xi32, #tpu.memory_space<vmem>>, vector<16xi32>,
        %mul3A_109 = arith.constant 16 : i32
        %mul3A_110 = arith.muli %scan3A_103, %mul3A_109 : i32
        %swap3A_111 = arith.index_cast %mul3A_110 : i32 to index
        %swap3A_112 = tpu.vector_load %arg13[%swap3A_111] {strides = array<i32>} : memref<1040xi32, #tpu.memory_space<vmem>>, vector<16xi32>,
        tpu.vector_store %arg13[%swap3A_111], %broadcast_in_dim3A_44 {strides = array<i32>} : memref<1040xi32, #tpu.memory_space<vmem>>, vector<16xi32>,
        %scan3A_113 = arith.constant 0 : i32
        %scan3A_114 = arith.constant 1 : i32
        %scan3A_115 = arith.addi %scan3A_103, %scan3A_114 : i32
        %mul3A_116 = arith.constant 16 : i32
        %mul3A_117 = arith.muli %scan3A_115, %mul3A_116 : i32
        %swap3A_118 = arith.index_cast %mul3A_117 : i32 to index
        %swap3A_119 = tpu.vector_load %arg12[%swap3A_118] {strides = array<i32>} : memref<1040xi32, #tpu.memory_space<vmem>>, vector<16xi32>,
        tpu.vector_store %arg12[%swap3A_118], %broadcast_in_dim3A_44 {strides = array<i32>} : memref<1040xi32, #tpu.memory_space<vmem>>, vector<16xi32>,
        %mul3A_120 = arith.constant 16 : i32
        %mul3A_121 = arith.muli %scan3A_115, %mul3A_120 : i32
        %swap3A_122 = arith.index_cast %mul3A_121 : i32 to index
        %swap3A_123 = tpu.vector_load %arg13[%swap3A_122] {strides = array<i32>} : memref<1040xi32, #tpu.memory_space<vmem>>, vector<16xi32>,
        tpu.vector_store %arg13[%swap3A_122], %broadcast_in_dim3A_44 {strides = array<i32>} : memref<1040xi32, #tpu.memory_space<vmem>>, vector<16xi32>,
        %scan3A_124 = arith.constant 0 : i32
        %scan3A_125 = arith.constant 2 : i32
        %scan3A_126 = arith.addi %scan3A_103, %scan3A_125 : i32
        %mul3A_127 = arith.constant 16 : i32
        %mul3A_128 = arith.muli %scan3A_126, %mul3A_127 : i32
        %swap3A_129 = arith.index_cast %mul3A_128 : i32 to index
        %swap3A_130 = tpu.vector_load %arg12[%swap3A_129] {strides = array<i32>} : memref<1040xi32, #tpu.memory_space<vmem>>, vector<16xi32>,
        tpu.vector_store %arg12[%swap3A_129], %broadcast_in_dim3A_44 {strides = array<i32>} : memref<1040xi32, #tpu.memory_space<vmem>>, vector<16xi32>,
        %mul3A_131 = arith.constant 16 : i32
        %mul3A_132 = arith.muli %scan3A_126, %mul3A_131 : i32
        %swap3A_133 = arith.index_cast %mul3A_132 : i32 to index
        %swap3A_134 = tpu.vector_load %arg13[%swap3A_133] {strides = array<i32>} : memref<1040xi32, #tpu.memory_space<vmem>>, vector<16xi32>,
        tpu.vector_store %arg13[%swap3A_133], %broadcast_in_dim3A_44 {strides = array<i32>} : memref<1040xi32, #tpu.memory_space<vmem>>, vector<16xi32>,
        %scan3A_135 = arith.constant 0 : i32
        %scan3A_136 = arith.constant 3 : i32
        %scan3A_137 = arith.addi %scan3A_103, %scan3A_136 : i32
        %mul3A_138 = arith.constant 16 : i32
        %mul3A_139 = arith.muli %scan3A_137, %mul3A_138 : i32
        %swap3A_140 = arith.index_cast %mul3A_139 : i32 to index
        %swap3A_141 = tpu.vector_load %arg12[%swap3A_140] {strides = array<i32>} : memref<1040xi32, #tpu.memory_space<vmem>>, vector<16xi32>,
        tpu.vector_store %arg12[%swap3A_140], %broadcast_in_dim3A_44 {strides = array<i32>} : memref<1040xi32, #tpu.memory_space<vmem>>, vector<16xi32>,
        %mul3A_142 = arith.constant 16 : i32
        %mul3A_143 = arith.muli %scan3A_137, %mul3A_142 : i32
        %swap3A_144 = arith.index_cast %mul3A_143 : i32 to index
        %swap3A_145 = tpu.vector_load %arg13[%swap3A_144] {strides = array<i32>} : memref<1040xi32, #tpu.memory_space<vmem>>, vector<16xi32>,
        tpu.vector_store %arg13[%swap3A_144], %broadcast_in_dim3A_44 {strides = array<i32>} : memref<1040xi32, #tpu.memory_space<vmem>>, vector<16xi32>,
        %scan3A_146 = arith.constant 0 : i32
        %scan3A_147 = arith.constant 4 : i32
        %scan3A_148 = arith.addi %scan3A_103, %scan3A_147 : i32
        %mul3A_149 = arith.constant 16 : i32
        %mul3A_150 = arith.muli %scan3A_148, %mul3A_149 : i32
        %swap3A_151 = arith.index_cast %mul3A_150 : i32 to index
        %swap3A_152 = tpu.vector_load %arg12[%swap3A_151] {strides = array<i32>} : memref<1040xi32, #tpu.memory_space<vmem>>, vector<16xi32>,
        tpu.vector_store %arg12[%swap3A_151], %broadcast_in_dim3A_44 {strides = array<i32>} : memref<1040xi32, #tpu.memory_space<vmem>>, vector<16xi32>,
        %mul3A_153 = arith.constant 16 : i32
        %mul3A_154 = arith.muli %scan3A_148, %mul3A_153 : i32
        %swap3A_155 = arith.index_cast %mul3A_154 : i32 to index
        %swap3A_156 = tpu.vector_load %arg13[%swap3A_155] {strides = array<i32>} : memref<1040xi32, #tpu.memory_space<vmem>>, vector<16xi32>,
        tpu.vector_store %arg13[%swap3A_155], %broadcast_in_dim3A_44 {strides = array<i32>} : memref<1040xi32, #tpu.memory_space<vmem>>, vector<16xi32>,
        %scan3A_157 = arith.constant 0 : i32
        %scan3A_158 = arith.constant 5 : i32
        %scan3A_159 = arith.addi %scan3A_103, %scan3A_158 : i32
        %mul3A_160 = arith.constant 16 : i32
        %mul3A_161 = arith.muli %scan3A_159, %mul3A_160 : i32
        %swap3A_162 = arith.index_cast %mul3A_161 : i32 to index
        %swap3A_163 = tpu.vector_load %arg12[%swap3A_162] {strides = array<i32>} : memref<1040xi32, #tpu.memory_space<vmem>>, vector<16xi32>,
        tpu.vector_store %arg12[%swap3A_162], %broadcast_in_dim3A_44 {strides = array<i32>} : memref<1040xi32, #tpu.memory_space<vmem>>, vector<16xi32>,
        %mul3A_164 = arith.constant 16 : i32
        %mul3A_165 = arith.muli %scan3A_159, %mul3A_164 : i32
        %swap3A_166 = arith.index_cast %mul3A_165 : i32 to index
        %swap3A_167 = tpu.vector_load %arg13[%swap3A_166] {strides = array<i32>} : memref<1040xi32, #tpu.memory_space<vmem>>, vector<16xi32>,
        tpu.vector_store %arg13[%swap3A_166], %broadcast_in_dim3A_44 {strides = array<i32>} : memref<1040xi32, #tpu.memory_space<vmem>>, vector<16xi32>,
        %scan3A_168 = arith.constant 0 : i32
        %scan3A_169 = arith.constant 6 : i32
        %scan3A_170 = arith.addi %scan3A_103, %scan3A_169 : i32
        %mul3A_171 = arith.constant 16 : i32
        %mul3A_172 = arith.muli %scan3A_170, %mul3A_171 : i32
        %swap3A_173 = arith.index_cast %mul3A_172 : i32 to index
        %swap3A_174 = tpu.vector_load %arg12[%swap3A_173] {strides = array<i32>} : memref<1040xi32, #tpu.memory_space<vmem>>, vector<16xi32>,
        tpu.vector_store %arg12[%swap3A_173], %broadcast_in_dim3A_44 {strides = array<i32>} : memref<1040xi32, #tpu.memory_space<vmem>>, vector<16xi32>,
        %mul3A_175 = arith.constant 16 : i32
        %mul3A_176 = arith.muli %scan3A_170, %mul3A_175 : i32
        %swap3A_177 = arith.index_cast %mul3A_176 : i32 to index
        %swap3A_178 = tpu.vector_load %arg13[%swap3A_177] {strides = array<i32>} : memref<1040xi32, #tpu.memory_space<vmem>>, vector<16xi32>,
        tpu.vector_store %arg13[%swap3A_177], %broadcast_in_dim3A_44 {strides = array<i32>} : memref<1040xi32, #tpu.memory_space<vmem>>, vector<16xi32>,
        %scan3A_179 = arith.constant 0 : i32
        %scan3A_180 = arith.constant 7 : i32
        %scan3A_181 = arith.addi %scan3A_103, %scan3A_180 : i32
        %mul3A_182 = arith.constant 16 : i32
        %mul3A_183 = arith.muli %scan3A_181, %mul3A_182 : i32
        %swap3A_184 = arith.index_cast %mul3A_183 : i32 to index
        %swap3A_185 = tpu.vector_load %arg12[%swap3A_184] {strides = array<i32>} : memref<1040xi32, #tpu.memory_space<vmem>>, vector<16xi32>,
        tpu.vector_store %arg12[%swap3A_184], %broadcast_in_dim3A_44 {strides = array<i32>} : memref<1040xi32, #tpu.memory_space<vmem>>, vector<16xi32>,
        %mul3A_186 = arith.constant 16 : i32
        %mul3A_187 = arith.muli %scan3A_181, %mul3A_186 : i32
        %swap3A_188 = arith.index_cast %mul3A_187 : i32 to index
        %swap3A_189 = tpu.vector_load %arg13[%swap3A_188] {strides = array<i32>} : memref<1040xi32, #tpu.memory_space<vmem>>, vector<16xi32>,
        tpu.vector_store %arg13[%swap3A_188], %broadcast_in_dim3A_44 {strides = array<i32>} : memref<1040xi32, #tpu.memory_space<vmem>>, vector<16xi32>,
        %scan3A_190 = arith.constant 0 : i32
        scf.yield %scan3A_190 : i32
      }
      %scan3A_50 = arith.constant 64 : i32
      %scan3A_51 = arith.addi %scan3A_45, %scan3A_50 : i32
      %mul3A_52 = arith.constant 16 : i32
      %mul3A_53 = arith.muli %scan3A_51, %mul3A_52 : i32
      %swap3A = arith.index_cast %mul3A_53 : i32 to index
      %swap3A_54 = tpu.vector_load %arg12[%swap3A] {strides = array<i32>} : memref<1040xi32, #tpu.memory_space<vmem>>, vector<16xi32>,
      tpu.vector_store %arg12[%swap3A], %broadcast_in_dim3A_44 {strides = array<i32>} : memref<1040xi32, #tpu.memory_space<vmem>>, vector<16xi32>,
      %mul3A_55 = arith.constant 16 : i32
      %mul3A_56 = arith.muli %scan3A_51, %mul3A_55 : i32
      %swap3A_57 = arith.index_cast %mul3A_56 : i32 to index
      %swap3A_58 = tpu.vector_load %arg13[%swap3A_57] {strides = array<i32>} : memref<1040xi32, #tpu.memory_space<vmem>>, vector<16xi32>,
      tpu.vector_store %arg13[%swap3A_57], %broadcast_in_dim3A_44 {strides = array<i32>} : memref<1040xi32, #tpu.memory_space<vmem>>, vector<16xi32>,
      %scan3A_59 = arith.constant 0 : i32
      %scan3A_60 = arith.constant 65 : i32
      %scan3A_61 = arith.constant 0 : i32
      %scan3A_62 = arith.constant 0 : i32
      %scan3A_63 = arith.constant 64 : i32
      %scan3A_64 = arith.addi %scan3A_62, %scan3A_63 : i32
      %scan3A_65 = arith.constant 8 : i32
      %scan3A_66 = scf.for %scan3A_103 = %scan3A_62 to %scan3A_64 step %scan3A_65 iter_args(%scan3A_104 = %scan3A_61) -> (i32)  : i32 {
        %mul3A_105 = arith.constant 16 : i32
        %mul3A_106 = arith.muli %scan3A_103, %mul3A_105 : i32
        %add3A_107 = vector.broadcast %mul3A_106 : i32 to vector<16xi32>
        %add3A_108 = arith.addi %add3A_107, %iota3A : vector<16xi32>
        %get3A = arith.index_cast %mul3A_106 : i32 to index
        %get3A_109 = tpu.vector_load %arg9[%get3A] {strides = array<i32>} : memref<1024xi32, #tpu.memory_space<vmem>>, vector<16xi32>,
        %eq3A_110 = vector.broadcast %select_n3A_43 : i32 to vector<16xi32>
        %eq3A_111 = arith.cmpi eq, %get3A_109, %eq3A_110 : vector<16xi32>
        %convert_element_type3A_112 = arith.extui %eq3A_111 : vector<16xi1> to vector<16xi32>
        %broadcast_in_dim3A_113 = arith.constant true
        %broadcast_in_dim3A_114 = vector.broadcast %broadcast_in_dim3A_113 : i1 to vector<16xi1>
        %masked_cumsum3A = tpu.scan <sum>, %convert_element_type3A_112 masked %broadcast_in_dim3A_114 : vector<16xi32>, vector<16xi1> -> vector<16xi32>
        %sub3A_115 = arith.constant 1 : i32
        %sub3A_116 = vector.broadcast %sub3A_115 : i32 to vector<16xi32>
        %sub3A_117 = arith.subi %masked_cumsum3A, %sub3A_116 : vector<16xi32>
        %add3A_118 = vector.broadcast %scan3A_104 : i32 to vector<16xi32>
        %add3A_119 = arith.addi %sub3A_117, %add3A_118 : vector<16xi32>
        tpu.vector_store_idx %arg12[%add3A_119], %add3A_108 masked %eq3A_111 : memref<1040xi32, #tpu.memory_space<vmem>>[vector<16xi32>], vector<16xi32>, vector<16xi1>
        %convert_element_type3A_120 = arith.extui %eq3A_111 : vector<16xi1> to vector<16xi32>
        %reduce_sum3A = arith.constant true
        %reduce_sum3A_121 = vector.broadcast %reduce_sum3A : i1 to vector<16xi1>
        %reduce_sum3A_122 = tpu.scan <sum>, %convert_element_type3A_120 masked %reduce_sum3A_121 : vector<16xi32>, vector<16xi1> -> vector<16xi32>
        %reduce_sum3A_123 = vector.extract %reduce_sum3A_122[15] : i32 from vector<16xi32>
        %add3A_124 = arith.addi %scan3A_104, %reduce_sum3A_123 : i32
        %scan3A_125 = arith.constant 1 : i32
        %scan3A_126 = arith.addi %scan3A_103, %scan3A_125 : i32
        %mul3A_127 = arith.constant 16 : i32
        %mul3A_128 = arith.muli %scan3A_126, %mul3A_127 : i32
        %add3A_129 = vector.broadcast %mul3A_128 : i32 to vector<16xi32>
        %add3A_130 = arith.addi %add3A_129, %iota3A : vector<16xi32>
        %get3A_131 = arith.index_cast %mul3A_128 : i32 to index
        %get3A_132 = tpu.vector_load %arg9[%get3A_131] {strides = array<i32>} : memref<1024xi32, #tpu.memory_space<vmem>>, vector<16xi32>,
        %eq3A_133 = vector.broadcast %select_n3A_43 : i32 to vector<16xi32>
        %eq3A_134 = arith.cmpi eq, %get3A_132, %eq3A_133 : vector<16xi32>
        %convert_element_type3A_135 = arith.extui %eq3A_134 : vector<16xi1> to vector<16xi32>
        %broadcast_in_dim3A_136 = arith.constant true
        %broadcast_in_dim3A_137 = vector.broadcast %broadcast_in_dim3A_136 : i1 to vector<16xi1>
        %masked_cumsum3A_138 = tpu.scan <sum>, %convert_element_type3A_135 masked %broadcast_in_dim3A_137 : vector<16xi32>, vector<16xi1> -> vector<16xi32>
        %sub3A_139 = arith.constant 1 : i32
        %sub3A_140 = vector.broadcast %sub3A_139 : i32 to vector<16xi32>
        %sub3A_141 = arith.subi %masked_cumsum3A_138, %sub3A_140 : vector<16xi32>
        %add3A_142 = vector.broadcast %add3A_124 : i32 to vector<16xi32>
        %add3A_143 = arith.addi %sub3A_141, %add3A_142 : vector<16xi32>
        tpu.vector_store_idx %arg12[%add3A_143], %add3A_130 masked %eq3A_134 : memref<1040xi32, #tpu.memory_space<vmem>>[vector<16xi32>], vector<16xi32>, vector<16xi1>
        %convert_element_type3A_144 = arith.extui %eq3A_134 : vector<16xi1> to vector<16xi32>
        %reduce_sum3A_145 = arith.constant true
        %reduce_sum3A_146 = vector.broadcast %reduce_sum3A_145 : i1 to vector<16xi1>
        %reduce_sum3A_147 = tpu.scan <sum>, %convert_element_type3A_144 masked %reduce_sum3A_146 : vector<16xi32>, vector<16xi1> -> vector<16xi32>
        %reduce_sum3A_148 = vector.extract %reduce_sum3A_147[15] : i32 from vector<16xi32>
        %add3A_149 = arith.addi %add3A_124, %reduce_sum3A_148 : i32
        %scan3A_150 = arith.constant 2 : i32
        %scan3A_151 = arith.addi %scan3A_103, %scan3A_150 : i32
        %mul3A_152 = arith.constant 16 : i32
        %mul3A_153 = arith.muli %scan3A_151, %mul3A_152 : i32
        %add3A_154 = vector.broadcast %mul3A_153 : i32 to vector<16xi32>
        %add3A_155 = arith.addi %add3A_154, %iota3A : vector<16xi32>
        %get3A_156 = arith.index_cast %mul3A_153 : i32 to index
        %get3A_157 = tpu.vector_load %arg9[%get3A_156] {strides = array<i32>} : memref<1024xi32, #tpu.memory_space<vmem>>, vector<16xi32>,
        %eq3A_158 = vector.broadcast %select_n3A_43 : i32 to vector<16xi32>
        %eq3A_159 = arith.cmpi eq, %get3A_157, %eq3A_158 : vector<16xi32>
        %convert_element_type3A_160 = arith.extui %eq3A_159 : vector<16xi1> to vector<16xi32>
        %broadcast_in_dim3A_161 = arith.constant true
        %broadcast_in_dim3A_162 = vector.broadcast %broadcast_in_dim3A_161 : i1 to vector<16xi1>
        %masked_cumsum3A_163 = tpu.scan <sum>, %convert_element_type3A_160 masked %broadcast_in_dim3A_162 : vector<16xi32>, vector<16xi1> -> vector<16xi32>
        %sub3A_164 = arith.constant 1 : i32
        %sub3A_165 = vector.broadcast %sub3A_164 : i32 to vector<16xi32>
        %sub3A_166 = arith.subi %masked_cumsum3A_163, %sub3A_165 : vector<16xi32>
        %add3A_167 = vector.broadcast %add3A_149 : i32 to vector<16xi32>
        %add3A_168 = arith.addi %sub3A_166, %add3A_167 : vector<16xi32>
        tpu.vector_store_idx %arg12[%add3A_168], %add3A_155 masked %eq3A_159 : memref<1040xi32, #tpu.memory_space<vmem>>[vector<16xi32>], vector<16xi32>, vector<16xi1>
        %convert_element_type3A_169 = arith.extui %eq3A_159 : vector<16xi1> to vector<16xi32>
        %reduce_sum3A_170 = arith.constant true
        %reduce_sum3A_171 = vector.broadcast %reduce_sum3A_170 : i1 to vector<16xi1>
        %reduce_sum3A_172 = tpu.scan <sum>, %convert_element_type3A_169 masked %reduce_sum3A_171 : vector<16xi32>, vector<16xi1> -> vector<16xi32>
        %reduce_sum3A_173 = vector.extract %reduce_sum3A_172[15] : i32 from vector<16xi32>
        %add3A_174 = arith.addi %add3A_149, %reduce_sum3A_173 : i32
        %scan3A_175 = arith.constant 3 : i32
        %scan3A_176 = arith.addi %scan3A_103, %scan3A_175 : i32
        %mul3A_177 = arith.constant 16 : i32
        %mul3A_178 = arith.muli %scan3A_176, %mul3A_177 : i32
        %add3A_179 = vector.broadcast %mul3A_178 : i32 to vector<16xi32>
        %add3A_180 = arith.addi %add3A_179, %iota3A : vector<16xi32>
        %get3A_181 = arith.index_cast %mul3A_178 : i32 to index
        %get3A_182 = tpu.vector_load %arg9[%get3A_181] {strides = array<i32>} : memref<1024xi32, #tpu.memory_space<vmem>>, vector<16xi32>,
        %eq3A_183 = vector.broadcast %select_n3A_43 : i32 to vector<16xi32>
        %eq3A_184 = arith.cmpi eq, %get3A_182, %eq3A_183 : vector<16xi32>
        %convert_element_type3A_185 = arith.extui %eq3A_184 : vector<16xi1> to vector<16xi32>
        %broadcast_in_dim3A_186 = arith.constant true
        %broadcast_in_dim3A_187 = vector.broadcast %broadcast_in_dim3A_186 : i1 to vector<16xi1>
        %masked_cumsum3A_188 = tpu.scan <sum>, %convert_element_type3A_185 masked %broadcast_in_dim3A_187 : vector<16xi32>, vector<16xi1> -> vector<16xi32>
        %sub3A_189 = arith.constant 1 : i32
        %sub3A_190 = vector.broadcast %sub3A_189 : i32 to vector<16xi32>
        %sub3A_191 = arith.subi %masked_cumsum3A_188, %sub3A_190 : vector<16xi32>
        %add3A_192 = vector.broadcast %add3A_174 : i32 to vector<16xi32>
        %add3A_193 = arith.addi %sub3A_191, %add3A_192 : vector<16xi32>
        tpu.vector_store_idx %arg12[%add3A_193], %add3A_180 masked %eq3A_184 : memref<1040xi32, #tpu.memory_space<vmem>>[vector<16xi32>], vector<16xi32>, vector<16xi1>
        %convert_element_type3A_194 = arith.extui %eq3A_184 : vector<16xi1> to vector<16xi32>
        %reduce_sum3A_195 = arith.constant true
        %reduce_sum3A_196 = vector.broadcast %reduce_sum3A_195 : i1 to vector<16xi1>
        %reduce_sum3A_197 = tpu.scan <sum>, %convert_element_type3A_194 masked %reduce_sum3A_196 : vector<16xi32>, vector<16xi1> -> vector<16xi32>
        %reduce_sum3A_198 = vector.extract %reduce_sum3A_197[15] : i32 from vector<16xi32>
        %add3A_199 = arith.addi %add3A_174, %reduce_sum3A_198 : i32
        %scan3A_200 = arith.constant 4 : i32
        %scan3A_201 = arith.addi %scan3A_103, %scan3A_200 : i32
        %mul3A_202 = arith.constant 16 : i32
        %mul3A_203 = arith.muli %scan3A_201, %mul3A_202 : i32
        %add3A_204 = vector.broadcast %mul3A_203 : i32 to vector<16xi32>
        %add3A_205 = arith.addi %add3A_204, %iota3A : vector<16xi32>
        %get3A_206 = arith.index_cast %mul3A_203 : i32 to index
        %get3A_207 = tpu.vector_load %arg9[%get3A_206] {strides = array<i32>} : memref<1024xi32, #tpu.memory_space<vmem>>, vector<16xi32>,
        %eq3A_208 = vector.broadcast %select_n3A_43 : i32 to vector<16xi32>
        %eq3A_209 = arith.cmpi eq, %get3A_207, %eq3A_208 : vector<16xi32>
        %convert_element_type3A_210 = arith.extui %eq3A_209 : vector<16xi1> to vector<16xi32>
        %broadcast_in_dim3A_211 = arith.constant true
        %broadcast_in_dim3A_212 = vector.broadcast %broadcast_in_dim3A_211 : i1 to vector<16xi1>
        %masked_cumsum3A_213 = tpu.scan <sum>, %convert_element_type3A_210 masked %broadcast_in_dim3A_212 : vector<16xi32>, vector<16xi1> -> vector<16xi32>
        %sub3A_214 = arith.constant 1 : i32
        %sub3A_215 = vector.broadcast %sub3A_214 : i32 to vector<16xi32>
        %sub3A_216 = arith.subi %masked_cumsum3A_213, %sub3A_215 : vector<16xi32>
        %add3A_217 = vector.broadcast %add3A_199 : i32 to vector<16xi32>
        %add3A_218 = arith.addi %sub3A_216, %add3A_217 : vector<16xi32>
        tpu.vector_store_idx %arg12[%add3A_218], %add3A_205 masked %eq3A_209 : memref<1040xi32, #tpu.memory_space<vmem>>[vector<16xi32>], vector<16xi32>, vector<16xi1>
        %convert_element_type3A_219 = arith.extui %eq3A_209 : vector<16xi1> to vector<16xi32>
        %reduce_sum3A_220 = arith.constant true
        %reduce_sum3A_221 = vector.broadcast %reduce_sum3A_220 : i1 to vector<16xi1>
        %reduce_sum3A_222 = tpu.scan <sum>, %convert_element_type3A_219 masked %reduce_sum3A_221 : vector<16xi32>, vector<16xi1> -> vector<16xi32>
        %reduce_sum3A_223 = vector.extract %reduce_sum3A_222[15] : i32 from vector<16xi32>
        %add3A_224 = arith.addi %add3A_199, %reduce_sum3A_223 : i32
        %scan3A_225 = arith.constant 5 : i32
        %scan3A_226 = arith.addi %scan3A_103, %scan3A_225 : i32
        %mul3A_227 = arith.constant 16 : i32
        %mul3A_228 = arith.muli %scan3A_226, %mul3A_227 : i32
        %add3A_229 = vector.broadcast %mul3A_228 : i32 to vector<16xi32>
        %add3A_230 = arith.addi %add3A_229, %iota3A : vector<16xi32>
        %get3A_231 = arith.index_cast %mul3A_228 : i32 to index
        %get3A_232 = tpu.vector_load %arg9[%get3A_231] {strides = array<i32>} : memref<1024xi32, #tpu.memory_space<vmem>>, vector<16xi32>,
        %eq3A_233 = vector.broadcast %select_n3A_43 : i32 to vector<16xi32>
        %eq3A_234 = arith.cmpi eq, %get3A_232, %eq3A_233 : vector<16xi32>
        %convert_element_type3A_235 = arith.extui %eq3A_234 : vector<16xi1> to vector<16xi32>
        %broadcast_in_dim3A_236 = arith.constant true
        %broadcast_in_dim3A_237 = vector.broadcast %broadcast_in_dim3A_236 : i1 to vector<16xi1>
        %masked_cumsum3A_238 = tpu.scan <sum>, %convert_element_type3A_235 masked %broadcast_in_dim3A_237 : vector<16xi32>, vector<16xi1> -> vector<16xi32>
        %sub3A_239 = arith.constant 1 : i32
        %sub3A_240 = vector.broadcast %sub3A_239 : i32 to vector<16xi32>
        %sub3A_241 = arith.subi %masked_cumsum3A_238, %sub3A_240 : vector<16xi32>
        %add3A_242 = vector.broadcast %add3A_224 : i32 to vector<16xi32>
        %add3A_243 = arith.addi %sub3A_241, %add3A_242 : vector<16xi32>
        tpu.vector_store_idx %arg12[%add3A_243], %add3A_230 masked %eq3A_234 : memref<1040xi32, #tpu.memory_space<vmem>>[vector<16xi32>], vector<16xi32>, vector<16xi1>
        %convert_element_type3A_244 = arith.extui %eq3A_234 : vector<16xi1> to vector<16xi32>
        %reduce_sum3A_245 = arith.constant true
        %reduce_sum3A_246 = vector.broadcast %reduce_sum3A_245 : i1 to vector<16xi1>
        %reduce_sum3A_247 = tpu.scan <sum>, %convert_element_type3A_244 masked %reduce_sum3A_246 : vector<16xi32>, vector<16xi1> -> vector<16xi32>
        %reduce_sum3A_248 = vector.extract %reduce_sum3A_247[15] : i32 from vector<16xi32>
        %add3A_249 = arith.addi %add3A_224, %reduce_sum3A_248 : i32
        %scan3A_250 = arith.constant 6 : i32
        %scan3A_251 = arith.addi %scan3A_103, %scan3A_250 : i32
        %mul3A_252 = arith.constant 16 : i32
        %mul3A_253 = arith.muli %scan3A_251, %mul3A_252 : i32
        %add3A_254 = vector.broadcast %mul3A_253 : i32 to vector<16xi32>
        %add3A_255 = arith.addi %add3A_254, %iota3A : vector<16xi32>
        %get3A_256 = arith.index_cast %mul3A_253 : i32 to index
        %get3A_257 = tpu.vector_load %arg9[%get3A_256] {strides = array<i32>} : memref<1024xi32, #tpu.memory_space<vmem>>, vector<16xi32>,
        %eq3A_258 = vector.broadcast %select_n3A_43 : i32 to vector<16xi32>
        %eq3A_259 = arith.cmpi eq, %get3A_257, %eq3A_258 : vector<16xi32>
        %convert_element_type3A_260 = arith.extui %eq3A_259 : vector<16xi1> to vector<16xi32>
        %broadcast_in_dim3A_261 = arith.constant true
        %broadcast_in_dim3A_262 = vector.broadcast %broadcast_in_dim3A_261 : i1 to vector<16xi1>
        %masked_cumsum3A_263 = tpu.scan <sum>, %convert_element_type3A_260 masked %broadcast_in_dim3A_262 : vector<16xi32>, vector<16xi1> -> vector<16xi32>
        %sub3A_264 = arith.constant 1 : i32
        %sub3A_265 = vector.broadcast %sub3A_264 : i32 to vector<16xi32>
        %sub3A_266 = arith.subi %masked_cumsum3A_263, %sub3A_265 : vector<16xi32>
        %add3A_267 = vector.broadcast %add3A_249 : i32 to vector<16xi32>
        %add3A_268 = arith.addi %sub3A_266, %add3A_267 : vector<16xi32>
        tpu.vector_store_idx %arg12[%add3A_268], %add3A_255 masked %eq3A_259 : memref<1040xi32, #tpu.memory_space<vmem>>[vector<16xi32>], vector<16xi32>, vector<16xi1>
        %convert_element_type3A_269 = arith.extui %eq3A_259 : vector<16xi1> to vector<16xi32>
        %reduce_sum3A_270 = arith.constant true
        %reduce_sum3A_271 = vector.broadcast %reduce_sum3A_270 : i1 to vector<16xi1>
        %reduce_sum3A_272 = tpu.scan <sum>, %convert_element_type3A_269 masked %reduce_sum3A_271 : vector<16xi32>, vector<16xi1> -> vector<16xi32>
        %reduce_sum3A_273 = vector.extract %reduce_sum3A_272[15] : i32 from vector<16xi32>
        %add3A_274 = arith.addi %add3A_249, %reduce_sum3A_273 : i32
        %scan3A_275 = arith.constant 7 : i32
        %scan3A_276 = arith.addi %scan3A_103, %scan3A_275 : i32
        %mul3A_277 = arith.constant 16 : i32
        %mul3A_278 = arith.muli %scan3A_276, %mul3A_277 : i32
        %add3A_279 = vector.broadcast %mul3A_278 : i32 to vector<16xi32>
        %add3A_280 = arith.addi %add3A_279, %iota3A : vector<16xi32>
        %get3A_281 = arith.index_cast %mul3A_278 : i32 to index
        %get3A_282 = tpu.vector_load %arg9[%get3A_281] {strides = array<i32>} : memref<1024xi32, #tpu.memory_space<vmem>>, vector<16xi32>,
        %eq3A_283 = vector.broadcast %select_n3A_43 : i32 to vector<16xi32>
        %eq3A_284 = arith.cmpi eq, %get3A_282, %eq3A_283 : vector<16xi32>
        %convert_element_type3A_285 = arith.extui %eq3A_284 : vector<16xi1> to vector<16xi32>
        %broadcast_in_dim3A_286 = arith.constant true
        %broadcast_in_dim3A_287 = vector.broadcast %broadcast_in_dim3A_286 : i1 to vector<16xi1>
        %masked_cumsum3A_288 = tpu.scan <sum>, %convert_element_type3A_285 masked %broadcast_in_dim3A_287 : vector<16xi32>, vector<16xi1> -> vector<16xi32>
        %sub3A_289 = arith.constant 1 : i32
        %sub3A_290 = vector.broadcast %sub3A_289 : i32 to vector<16xi32>
        %sub3A_291 = arith.subi %masked_cumsum3A_288, %sub3A_290 : vector<16xi32>
        %add3A_292 = vector.broadcast %add3A_274 : i32 to vector<16xi32>
        %add3A_293 = arith.addi %sub3A_291, %add3A_292 : vector<16xi32>
        tpu.vector_store_idx %arg12[%add3A_293], %add3A_280 masked %eq3A_284 : memref<1040xi32, #tpu.memory_space<vmem>>[vector<16xi32>], vector<16xi32>, vector<16xi1>
        %convert_element_type3A_294 = arith.extui %eq3A_284 : vector<16xi1> to vector<16xi32>
        %reduce_sum3A_295 = arith.constant true
        %reduce_sum3A_296 = vector.broadcast %reduce_sum3A_295 : i1 to vector<16xi1>
        %reduce_sum3A_297 = tpu.scan <sum>, %convert_element_type3A_294 masked %reduce_sum3A_296 : vector<16xi32>, vector<16xi1> -> vector<16xi32>
        %reduce_sum3A_298 = vector.extract %reduce_sum3A_297[15] : i32 from vector<16xi32>
        %add3A_299 = arith.addi %add3A_274, %reduce_sum3A_298 : i32
        scf.yield %add3A_299 : i32
      }
      %scan3A_67 = arith.constant 64 : i32
      %add3A_68 = arith.constant 16 : i32
      %add3A_69 = arith.addi %scan3A_66, %add3A_68 : i32
      %sub3A_70 = arith.constant 1 : i32
      %sub3A_71 = arith.subi %add3A_69, %sub3A_70 : i32
      %jit3A_72 = arith.constant 16 : i32
      %div3A_73 = arith.divsi %sub3A_71, %jit3A_72 : i32
      %sign3A_74 = arith.constant 0 : i32
      %sign3A_75 = arith.cmpi sgt, %sub3A_71, %sign3A_74 : i32
      %sign3A_76 = arith.extui %sign3A_75 : i1 to i32
      %sign3A_77 = arith.constant 0 : i32
      %sign3A_78 = arith.cmpi slt, %sub3A_71, %sign3A_77 : i32
      %sign3A_79 = arith.extui %sign3A_78 : i1 to i32
      %sign3A_80 = arith.subi %sign3A_76, %sign3A_79 : i32
      %sign3A_81 = arith.constant 0 : i32
      %sign3A_82 = arith.cmpi sgt, %jit3A_72, %sign3A_81 : i32
      %sign3A_83 = arith.extui %sign3A_82 : i1 to i32
      %sign3A_84 = arith.constant 0 : i32
      %sign3A_85 = arith.cmpi slt, %jit3A_72, %sign3A_84 : i32
      %sign3A_86 = arith.extui %sign3A_85 : i1 to i32
      %sign3A_87 = arith.subi %sign3A_83, %sign3A_86 : i32
      %ne3A_88 = arith.cmpi ne, %sign3A_80, %sign3A_87 : i32
      %rem3A_89 = arith.remsi %sub3A_71, %jit3A_72 : i32
      %ne3A_90 = arith.constant 0 : i32
      %ne3A_91 = arith.cmpi ne, %rem3A_89, %ne3A_90 : i32
      %and3A_92 = arith.andi %ne3A_88, %ne3A_91 : i1
      %sub3A_93 = arith.constant 1 : i32
      %sub3A_94 = arith.subi %div3A_73, %sub3A_93 : i32
      %select_n3A_95 = arith.select %and3A_92, %sub3A_94, %div3A_73 : i32
      %scan3A_96 = arith.constant 0 : i32
      %scan3A_97 = arith.constant 0 : i32
      %scan3A_98 = arith.constant 16 : i32
      %scan3A_99 = arith.addi %scan3A_97, %scan3A_98 : i32
      %scan3A_100 = arith.constant 1 : i32
      %scan3A_101 = scf.for %scan3A_103 = %scan3A_97 to %scan3A_99 step %scan3A_100 iter_args(%scan3A_104 = %scan3A_96) -> (i32)  : i32 {
        %while3A = arith.constant 0 : i32
        %while3A_105 = arith.constant 0 : i32
        %while3A_106 = arith.subi %select_n3A_95, %while3A : i32
        %while3A_107 = arith.addi %while3A, %while3A_106 : i32
        %while3A_108 = arith.constant 1 : i32
        %while3A_109 = arith.divsi %while3A_106, %while3A_108 : i32
        %while3A_110 = arith.muli %while3A_109, %while3A_108 : i32
        %while3A_111 = arith.addi %while3A, %while3A_110 : i32
        %while3A_112 = arith.constant 1 : i32
        %while3A_113 = scf.for %while3A_157 = %while3A to %while3A_111 step %while3A_112 iter_args(%while3A_158 = %while3A_105) -> (i32)  : i32 {
          %mul3A_159 = arith.constant 16 : i32
          %mul3A_160 = arith.muli %while3A_157, %mul3A_159 : i32
          %get3A = arith.index_cast %mul3A_160 : i32 to index
          %get3A_161 = tpu.vector_load %arg12[%get3A] {strides = array<i32>} : memref<1040xi32, #tpu.memory_space<vmem>>, vector<16xi32>,
          %add3A_162 = vector.broadcast %mul3A_160 : i32 to vector<16xi32>
          %add3A_163 = arith.addi %add3A_162, %iota3A : vector<16xi32>
          %lt3A_164 = vector.broadcast %scan3A_66 : i32 to vector<16xi32>
          %lt3A_165 = arith.cmpi slt, %add3A_163, %lt3A_164 : vector<16xi32>
          %gather3A = tpu.vector_load_idx %arg11[%get3A_161] : memref<1024xi32, #tpu.memory_space<vmem>>[vector<16xi32>], vector<16xi32>,
          %jit3A_166 = arith.constant 128 : i32
          %div3A_167 = vector.broadcast %jit3A_166 : i32 to vector<16xi32>
          %div3A_168 = arith.divsi %gather3A, %div3A_167 : vector<16xi32>
          %sign3A_169 = arith.constant 0 : i32
          %sign3A_170 = vector.broadcast %sign3A_169 : i32 to vector<16xi32>
          %sign3A_171 = arith.cmpi sgt, %gather3A, %sign3A_170 : vector<16xi32>
          %sign3A_172 = arith.extui %sign3A_171 : vector<16xi1> to vector<16xi32>
          %sign3A_173 = arith.constant 0 : i32
          %sign3A_174 = vector.broadcast %sign3A_173 : i32 to vector<16xi32>
          %sign3A_175 = arith.cmpi slt, %gather3A, %sign3A_174 : vector<16xi32>
          %sign3A_176 = arith.extui %sign3A_175 : vector<16xi1> to vector<16xi32>
          %sign3A_177 = arith.subi %sign3A_172, %sign3A_176 : vector<16xi32>
          %sign3A_178 = arith.constant 0 : i32
          %sign3A_179 = arith.cmpi sgt, %jit3A_166, %sign3A_178 : i32
          %sign3A_180 = arith.extui %sign3A_179 : i1 to i32
          %sign3A_181 = arith.constant 0 : i32
          %sign3A_182 = arith.cmpi slt, %jit3A_166, %sign3A_181 : i32
          %sign3A_183 = arith.extui %sign3A_182 : i1 to i32
          %sign3A_184 = arith.subi %sign3A_180, %sign3A_183 : i32
          %ne3A_185 = vector.broadcast %sign3A_184 : i32 to vector<16xi32>
          %ne3A_186 = arith.cmpi ne, %sign3A_177, %ne3A_185 : vector<16xi32>
          %rem3A_187 = vector.broadcast %jit3A_166 : i32 to vector<16xi32>
          %rem3A_188 = arith.remsi %gather3A, %rem3A_187 : vector<16xi32>
          %ne3A_189 = arith.constant 0 : i32
          %ne3A_190 = vector.broadcast %ne3A_189 : i32 to vector<16xi32>
          %ne3A_191 = arith.cmpi ne, %rem3A_188, %ne3A_190 : vector<16xi32>
          %and3A_192 = arith.andi %ne3A_186, %ne3A_191 : vector<16xi1>
          %sub3A_193 = arith.constant 1 : i32
          %sub3A_194 = vector.broadcast %sub3A_193 : i32 to vector<16xi32>
          %sub3A_195 = arith.subi %div3A_168, %sub3A_194 : vector<16xi32>
          %select_n3A_196 = arith.select %and3A_192, %sub3A_195, %div3A_168 : vector<16xi1>, vector<16xi32>
          %eq3A_197 = vector.broadcast %scan3A_103 : i32 to vector<16xi32>
          %eq3A_198 = arith.cmpi eq, %select_n3A_196, %eq3A_197 : vector<16xi32>
          %and3A_199 = arith.andi %lt3A_165, %eq3A_198 : vector<16xi1>
          %convert_element_type3A_200 = arith.extui %and3A_199 : vector<16xi1> to vector<16xi32>
          %broadcast_in_dim3A_201 = arith.constant true
          %broadcast_in_dim3A_202 = vector.broadcast %broadcast_in_dim3A_201 : i1 to vector<16xi1>
          %masked_cumsum3A = tpu.scan <sum>, %convert_element_type3A_200 masked %broadcast_in_dim3A_202 : vector<16xi32>, vector<16xi1> -> vector<16xi32>
          %sub3A_203 = arith.constant 1 : i32
          %sub3A_204 = vector.broadcast %sub3A_203 : i32 to vector<16xi32>
          %sub3A_205 = arith.subi %masked_cumsum3A, %sub3A_204 : vector<16xi32>
          %add3A_206 = vector.broadcast %while3A_158 : i32 to vector<16xi32>
          %add3A_207 = arith.addi %sub3A_205, %add3A_206 : vector<16xi32>
          tpu.vector_store_idx %arg13[%add3A_207], %get3A_161 masked %and3A_199 : memref<1040xi32, #tpu.memory_space<vmem>>[vector<16xi32>], vector<16xi32>, vector<16xi1>
          %convert_element_type3A_208 = arith.extui %and3A_199 : vector<16xi1> to vector<16xi32>
          %reduce_sum3A = arith.constant true
          %reduce_sum3A_209 = vector.broadcast %reduce_sum3A : i1 to vector<16xi1>
          %reduce_sum3A_210 = tpu.scan <sum>, %convert_element_type3A_208 masked %reduce_sum3A_209 : vector<16xi32>, vector<16xi1> -> vector<16xi32>
          %reduce_sum3A_211 = vector.extract %reduce_sum3A_210[15] : i32 from vector<16xi32>
          %add3A_212 = arith.addi %while3A_158, %reduce_sum3A_211 : i32
          scf.yield %add3A_212 : i32
        }
        %while3A_114 = arith.constant 1 : i32
        %while3A_115 = scf.for %while3A_157 = %while3A_111 to %while3A_107 step %while3A_114 iter_args(%while3A_158 = %while3A_113) -> (i32)  : i32 {
          %mul3A_159 = arith.constant 16 : i32
          %mul3A_160 = arith.muli %while3A_157, %mul3A_159 : i32
          %get3A = arith.index_cast %mul3A_160 : i32 to index
          %get3A_161 = tpu.vector_load %arg12[%get3A] {strides = array<i32>} : memref<1040xi32, #tpu.memory_space<vmem>>, vector<16xi32>,
          %add3A_162 = vector.broadcast %mul3A_160 : i32 to vector<16xi32>
          %add3A_163 = arith.addi %add3A_162, %iota3A : vector<16xi32>
          %lt3A_164 = vector.broadcast %scan3A_66 : i32 to vector<16xi32>
          %lt3A_165 = arith.cmpi slt, %add3A_163, %lt3A_164 : vector<16xi32>
          %gather3A = tpu.vector_load_idx %arg11[%get3A_161] : memref<1024xi32, #tpu.memory_space<vmem>>[vector<16xi32>], vector<16xi32>,
          %jit3A_166 = arith.constant 128 : i32
          %div3A_167 = vector.broadcast %jit3A_166 : i32 to vector<16xi32>
          %div3A_168 = arith.divsi %gather3A, %div3A_167 : vector<16xi32>
          %sign3A_169 = arith.constant 0 : i32
          %sign3A_170 = vector.broadcast %sign3A_169 : i32 to vector<16xi32>
          %sign3A_171 = arith.cmpi sgt, %gather3A, %sign3A_170 : vector<16xi32>
          %sign3A_172 = arith.extui %sign3A_171 : vector<16xi1> to vector<16xi32>
          %sign3A_173 = arith.constant 0 : i32
          %sign3A_174 = vector.broadcast %sign3A_173 : i32 to vector<16xi32>
          %sign3A_175 = arith.cmpi slt, %gather3A, %sign3A_174 : vector<16xi32>
          %sign3A_176 = arith.extui %sign3A_175 : vector<16xi1> to vector<16xi32>
          %sign3A_177 = arith.subi %sign3A_172, %sign3A_176 : vector<16xi32>
          %sign3A_178 = arith.constant 0 : i32
          %sign3A_179 = arith.cmpi sgt, %jit3A_166, %sign3A_178 : i32
          %sign3A_180 = arith.extui %sign3A_179 : i1 to i32
          %sign3A_181 = arith.constant 0 : i32
          %sign3A_182 = arith.cmpi slt, %jit3A_166, %sign3A_181 : i32
          %sign3A_183 = arith.extui %sign3A_182 : i1 to i32
          %sign3A_184 = arith.subi %sign3A_180, %sign3A_183 : i32
          %ne3A_185 = vector.broadcast %sign3A_184 : i32 to vector<16xi32>
          %ne3A_186 = arith.cmpi ne, %sign3A_177, %ne3A_185 : vector<16xi32>
          %rem3A_187 = vector.broadcast %jit3A_166 : i32 to vector<16xi32>
          %rem3A_188 = arith.remsi %gather3A, %rem3A_187 : vector<16xi32>
          %ne3A_189 = arith.constant 0 : i32
          %ne3A_190 = vector.broadcast %ne3A_189 : i32 to vector<16xi32>
          %ne3A_191 = arith.cmpi ne, %rem3A_188, %ne3A_190 : vector<16xi32>
          %and3A_192 = arith.andi %ne3A_186, %ne3A_191 : vector<16xi1>
          %sub3A_193 = arith.constant 1 : i32
          %sub3A_194 = vector.broadcast %sub3A_193 : i32 to vector<16xi32>
          %sub3A_195 = arith.subi %div3A_168, %sub3A_194 : vector<16xi32>
          %select_n3A_196 = arith.select %and3A_192, %sub3A_195, %div3A_168 : vector<16xi1>, vector<16xi32>
          %eq3A_197 = vector.broadcast %scan3A_103 : i32 to vector<16xi32>
          %eq3A_198 = arith.cmpi eq, %select_n3A_196, %eq3A_197 : vector<16xi32>
          %and3A_199 = arith.andi %lt3A_165, %eq3A_198 : vector<16xi1>
          %convert_element_type3A_200 = arith.extui %and3A_199 : vector<16xi1> to vector<16xi32>
          %broadcast_in_dim3A_201 = arith.constant true
          %broadcast_in_dim3A_202 = vector.broadcast %broadcast_in_dim3A_201 : i1 to vector<16xi1>
          %masked_cumsum3A = tpu.scan <sum>, %convert_element_type3A_200 masked %broadcast_in_dim3A_202 : vector<16xi32>, vector<16xi1> -> vector<16xi32>
          %sub3A_203 = arith.constant 1 : i32
          %sub3A_204 = vector.broadcast %sub3A_203 : i32 to vector<16xi32>
          %sub3A_205 = arith.subi %masked_cumsum3A, %sub3A_204 : vector<16xi32>
          %add3A_206 = vector.broadcast %while3A_158 : i32 to vector<16xi32>
          %add3A_207 = arith.addi %sub3A_205, %add3A_206 : vector<16xi32>
          tpu.vector_store_idx %arg13[%add3A_207], %get3A_161 masked %and3A_199 : memref<1040xi32, #tpu.memory_space<vmem>>[vector<16xi32>], vector<16xi32>, vector<16xi1>
          %convert_element_type3A_208 = arith.extui %and3A_199 : vector<16xi1> to vector<16xi32>
          %reduce_sum3A = arith.constant true
          %reduce_sum3A_209 = vector.broadcast %reduce_sum3A : i1 to vector<16xi1>
          %reduce_sum3A_210 = tpu.scan <sum>, %convert_element_type3A_208 masked %reduce_sum3A_209 : vector<16xi32>, vector<16xi1> -> vector<16xi32>
          %reduce_sum3A_211 = vector.extract %reduce_sum3A_210[15] : i32 from vector<16xi32>
          %add3A_212 = arith.addi %while3A_158, %reduce_sum3A_211 : i32
          scf.yield %add3A_212 : i32
        }
        %add3A_116 = arith.constant 16 : i32
        %add3A_117 = arith.addi %while3A_115, %add3A_116 : i32
        %sub3A_118 = arith.constant 1 : i32
        %sub3A_119 = arith.subi %add3A_117, %sub3A_118 : i32
        %jit3A_120 = arith.constant 16 : i32
        %div3A_121 = arith.divsi %sub3A_119, %jit3A_120 : i32
        %sign3A_122 = arith.constant 0 : i32
        %sign3A_123 = arith.cmpi sgt, %sub3A_119, %sign3A_122 : i32
        %sign3A_124 = arith.extui %sign3A_123 : i1 to i32
        %sign3A_125 = arith.constant 0 : i32
        %sign3A_126 = arith.cmpi slt, %sub3A_119, %sign3A_125 : i32
        %sign3A_127 = arith.extui %sign3A_126 : i1 to i32
        %sign3A_128 = arith.subi %sign3A_124, %sign3A_127 : i32
        %sign3A_129 = arith.constant 0 : i32
        %sign3A_130 = arith.cmpi sgt, %jit3A_120, %sign3A_129 : i32
        %sign3A_131 = arith.extui %sign3A_130 : i1 to i32
        %sign3A_132 = arith.constant 0 : i32
        %sign3A_133 = arith.cmpi slt, %jit3A_120, %sign3A_132 : i32
        %sign3A_134 = arith.extui %sign3A_133 : i1 to i32
        %sign3A_135 = arith.subi %sign3A_131, %sign3A_134 : i32
        %ne3A_136 = arith.cmpi ne, %sign3A_128, %sign3A_135 : i32
        %rem3A_137 = arith.remsi %sub3A_119, %jit3A_120 : i32
        %ne3A_138 = arith.constant 0 : i32
        %ne3A_139 = arith.cmpi ne, %rem3A_137, %ne3A_138 : i32
        %and3A_140 = arith.andi %ne3A_136, %ne3A_139 : i1
        %sub3A_141 = arith.constant 1 : i32
        %sub3A_142 = arith.subi %div3A_121, %sub3A_141 : i32
        %select_n3A_143 = arith.select %and3A_140, %sub3A_142, %div3A_121 : i32
        %while3A_144 = arith.constant 0 : i32
        %while3A_145 = arith.constant 0 : i32
        %while3A_146 = arith.subi %select_n3A_143, %while3A_144 : i32
        %while3A_147 = arith.addi %while3A_144, %while3A_146 : i32
        %while3A_148 = arith.constant 1 : i32
        %while3A_149 = arith.divsi %while3A_146, %while3A_148 : i32
        %while3A_150 = arith.muli %while3A_149, %while3A_148 : i32
        %while3A_151 = arith.addi %while3A_144, %while3A_150 : i32
        %while3A_152 = arith.constant 1 : i32
        %while3A_153 = scf.for %while3A_157 = %while3A_144 to %while3A_151 step %while3A_152 iter_args(%while3A_158 = %while3A_145) -> (i32)  : i32 {
          %mul3A_159 = arith.constant 16 : i32
          %mul3A_160 = arith.muli %while3A_157, %mul3A_159 : i32
          %get3A = arith.index_cast %mul3A_160 : i32 to index
          %get3A_161 = tpu.vector_load %arg13[%get3A] {strides = array<i32>} : memref<1040xi32, #tpu.memory_space<vmem>>, vector<16xi32>,
          %add3A_162 = vector.broadcast %mul3A_160 : i32 to vector<16xi32>
          %add3A_163 = arith.addi %add3A_162, %iota3A : vector<16xi32>
          %lt3A_164 = vector.broadcast %while3A_115 : i32 to vector<16xi32>
          %lt3A_165 = arith.cmpi slt, %add3A_163, %lt3A_164 : vector<16xi32>
          %gather3A = tpu.vector_load_idx %arg10[%get3A_161] : memref<1024xi32, #tpu.memory_space<vmem>>[vector<16xi32>], vector<16xi32>,
          %mul3A_166 = arith.constant 128 : i32
          %mul3A_167 = arith.muli %scan3A_103, %mul3A_166 : i32
          %dma_start3A = arith.constant 0 : i32
          %dma_start3A_168 = arith.constant 0 : i32
          %dma_start3A_169 = tpu.memref_slice %arg2[%select_n3A, %select_n3A_43, %dma_start3A, %dma_start3A_168] : memref<4x4x2049x2049xf32, #tpu.memory_space<hbm>> -> memref<1x1x2049x2049xf32, #tpu.memory_space<hbm>>
          %dma_start3A_170 = tpu.memref_squeeze %dma_start3A_169 : memref<1x1x2049x2049xf32, #tpu.memory_space<hbm>> -> memref<2049x2049xf32, #tpu.memory_space<hbm>>
          %dma_start3A_171 = arith.constant 0 : i32
          %dma_start3A_172 = tpu.memref_slice %dma_start3A_170[%dma_start3A_171, %mul3A_167] : memref<2049x2049xf32, #tpu.memory_space<hbm>> -> memref<2049x128xf32, #tpu.memory_space<hbm>>
          tpu.enqueue_indirect_dma source(%dma_start3A_172 : memref<2049x128xf32, #tpu.memory_space<hbm>>) target(%arg14 : memref<16x128xf32, #tpu.memory_space<vmem>>) offsets(%gather3A : vector<16xi32>) semaphore(%arg18 : memref<!tpu.dma_semaphore, #tpu.memory_space<semaphore_mem>>)
          %dma_wait3A = arith.constant 0 : i32
          %dma_wait3A_173 = arith.constant 0 : i32
          %dma_wait3A_174 = tpu.memref_slice %arg2[%select_n3A, %select_n3A_43, %dma_wait3A, %dma_wait3A_173] : memref<4x4x2049x2049xf32, #tpu.memory_space<hbm>> -> memref<1x1x2049x2049xf32, #tpu.memory_space<hbm>>
          %dma_wait3A_175 = tpu.memref_squeeze %dma_wait3A_174 : memref<1x1x2049x2049xf32, #tpu.memory_space<hbm>> -> memref<2049x2049xf32, #tpu.memory_space<hbm>>
          %dma_wait3A_176 = arith.constant 0 : i32
          %dma_wait3A_177 = tpu.memref_slice %dma_wait3A_175[%dma_wait3A_176, %mul3A_167] : memref<2049x2049xf32, #tpu.memory_space<hbm>> -> memref<2049x128xf32, #tpu.memory_space<hbm>>
          tpu.wait_indirect_dma semaphore(%arg18 : memref<!tpu.dma_semaphore, #tpu.memory_space<semaphore_mem>>) src(%dma_wait3A_177 : memref<2049x128xf32, #tpu.memory_space<hbm>>) dst(%arg14 : memref<16x128xf32, #tpu.memory_space<vmem>>)
          %mul3A_178 = arith.constant 1024 : i32
          %mul3A_179 = arith.muli %select_n3A, %mul3A_178 : i32
          %add3A_180 = vector.broadcast %mul3A_179 : i32 to vector<16xi32>
          %add3A_181 = arith.addi %add3A_180, %get3A_161 : vector<16xi32>
          %jit3A_182 = arith.constant -1 : i32
          %broadcast_in_dim3A_183 = vector.broadcast %jit3A_182 : i32 to vector<16xi32>
          %select_n3A_184 = arith.select %lt3A_165, %add3A_181, %broadcast_in_dim3A_183 : vector<16xi1>, vector<16xi32>
          %dma_start3A_185 = arith.constant 0 : i32
          %dma_start3A_186 = arith.constant 0 : i32
          %dma_start3A_187 = tpu.memref_slice %arg6[%dma_start3A_185, %dma_start3A_186] : memref<4096x128xf32, #tpu.memory_space<hbm>> -> memref<4096x128xf32, #tpu.memory_space<hbm>>
          %dma_start3A_188 = arith.constant -1 : i32
          tpu.enqueue_indirect_dma source(%arg14 : memref<16x128xf32, #tpu.memory_space<vmem>>) target(%dma_start3A_187 : memref<4096x128xf32, #tpu.memory_space<hbm>>) offsets(%select_n3A_184 : vector<16xi32>) offset_filter(%dma_start3A_188) semaphore(%arg18 : memref<!tpu.dma_semaphore, #tpu.memory_space<semaphore_mem>>)
          %dma_wait3A_189 = arith.constant 0 : i32
          %dma_wait3A_190 = arith.constant 0 : i32
          %dma_wait3A_191 = tpu.memref_slice %arg6[%dma_wait3A_189, %dma_wait3A_190] : memref<4096x128xf32, #tpu.memory_space<hbm>> -> memref<4096x128xf32, #tpu.memory_space<hbm>>
          tpu.wait_indirect_dma semaphore(%arg18 : memref<!tpu.dma_semaphore, #tpu.memory_space<semaphore_mem>>) src(%arg14 : memref<16x128xf32, #tpu.memory_space<vmem>>) dst(%dma_wait3A_191 : memref<4096x128xf32, #tpu.memory_space<hbm>>)
          %while3A_192 = arith.constant 0 : i32
          scf.yield %while3A_192 : i32
        }
        %while3A_154 = arith.constant 1 : i32
        %while3A_155 = scf.for %while3A_157 = %while3A_151 to %while3A_147 step %while3A_154 iter_args(%while3A_158 = %while3A_153) -> (i32)  : i32 {
          %mul3A_159 = arith.constant 16 : i32
          %mul3A_160 = arith.muli %while3A_157, %mul3A_159 : i32
          %get3A = arith.index_cast %mul3A_160 : i32 to index
          %get3A_161 = tpu.vector_load %arg13[%get3A] {strides = array<i32>} : memref<1040xi32, #tpu.memory_space<vmem>>, vector<16xi32>,
          %add3A_162 = vector.broadcast %mul3A_160 : i32 to vector<16xi32>
          %add3A_163 = arith.addi %add3A_162, %iota3A : vector<16xi32>
          %lt3A_164 = vector.broadcast %while3A_115 : i32 to vector<16xi32>
          %lt3A_165 = arith.cmpi slt, %add3A_163, %lt3A_164 : vector<16xi32>
          %gather3A = tpu.vector_load_idx %arg10[%get3A_161] : memref<1024xi32, #tpu.memory_space<vmem>>[vector<16xi32>], vector<16xi32>,
          %mul3A_166 = arith.constant 128 : i32
          %mul3A_167 = arith.muli %scan3A_103, %mul3A_166 : i32
          %dma_start3A = arith.constant 0 : i32
          %dma_start3A_168 = arith.constant 0 : i32
          %dma_start3A_169 = tpu.memref_slice %arg2[%select_n3A, %select_n3A_43, %dma_start3A, %dma_start3A_168] : memref<4x4x2049x2049xf32, #tpu.memory_space<hbm>> -> memref<1x1x2049x2049xf32, #tpu.memory_space<hbm>>
          %dma_start3A_170 = tpu.memref_squeeze %dma_start3A_169 : memref<1x1x2049x2049xf32, #tpu.memory_space<hbm>> -> memref<2049x2049xf32, #tpu.memory_space<hbm>>
          %dma_start3A_171 = arith.constant 0 : i32
          %dma_start3A_172 = tpu.memref_slice %dma_start3A_170[%dma_start3A_171, %mul3A_167] : memref<2049x2049xf32, #tpu.memory_space<hbm>> -> memref<2049x128xf32, #tpu.memory_space<hbm>>
          tpu.enqueue_indirect_dma source(%dma_start3A_172 : memref<2049x128xf32, #tpu.memory_space<hbm>>) target(%arg14 : memref<16x128xf32, #tpu.memory_space<vmem>>) offsets(%gather3A : vector<16xi32>) semaphore(%arg18 : memref<!tpu.dma_semaphore, #tpu.memory_space<semaphore_mem>>)
          %dma_wait3A = arith.constant 0 : i32
          %dma_wait3A_173 = arith.constant 0 : i32
          %dma_wait3A_174 = tpu.memref_slice %arg2[%select_n3A, %select_n3A_43, %dma_wait3A, %dma_wait3A_173] : memref<4x4x2049x2049xf32, #tpu.memory_space<hbm>> -> memref<1x1x2049x2049xf32, #tpu.memory_space<hbm>>
          %dma_wait3A_175 = tpu.memref_squeeze %dma_wait3A_174 : memref<1x1x2049x2049xf32, #tpu.memory_space<hbm>> -> memref<2049x2049xf32, #tpu.memory_space<hbm>>
          %dma_wait3A_176 = arith.constant 0 : i32
          %dma_wait3A_177 = tpu.memref_slice %dma_wait3A_175[%dma_wait3A_176, %mul3A_167] : memref<2049x2049xf32, #tpu.memory_space<hbm>> -> memref<2049x128xf32, #tpu.memory_space<hbm>>
          tpu.wait_indirect_dma semaphore(%arg18 : memref<!tpu.dma_semaphore, #tpu.memory_space<semaphore_mem>>) src(%dma_wait3A_177 : memref<2049x128xf32, #tpu.memory_space<hbm>>) dst(%arg14 : memref<16x128xf32, #tpu.memory_space<vmem>>)
          %mul3A_178 = arith.constant 1024 : i32
          %mul3A_179 = arith.muli %select_n3A, %mul3A_178 : i32
          %add3A_180 = vector.broadcast %mul3A_179 : i32 to vector<16xi32>
          %add3A_181 = arith.addi %add3A_180, %get3A_161 : vector<16xi32>
          %jit3A_182 = arith.constant -1 : i32
          %broadcast_in_dim3A_183 = vector.broadcast %jit3A_182 : i32 to vector<16xi32>
          %select_n3A_184 = arith.select %lt3A_165, %add3A_181, %broadcast_in_dim3A_183 : vector<16xi1>, vector<16xi32>
          %dma_start3A_185 = arith.constant 0 : i32
          %dma_start3A_186 = arith.constant 0 : i32
          %dma_start3A_187 = tpu.memref_slice %arg6[%dma_start3A_185, %dma_start3A_186] : memref<4096x128xf32, #tpu.memory_space<hbm>> -> memref<4096x128xf32, #tpu.memory_space<hbm>>
          %dma_start3A_188 = arith.constant -1 : i32
          tpu.enqueue_indirect_dma source(%arg14 : memref<16x128xf32, #tpu.memory_space<vmem>>) target(%dma_start3A_187 : memref<4096x128xf32, #tpu.memory_space<hbm>>) offsets(%select_n3A_184 : vector<16xi32>) offset_filter(%dma_start3A_188) semaphore(%arg18 : memref<!tpu.dma_semaphore, #tpu.memory_space<semaphore_mem>>)
          %dma_wait3A_189 = arith.constant 0 : i32
          %dma_wait3A_190 = arith.constant 0 : i32
          %dma_wait3A_191 = tpu.memref_slice %arg6[%dma_wait3A_189, %dma_wait3A_190] : memref<4096x128xf32, #tpu.memory_space<hbm>> -> memref<4096x128xf32, #tpu.memory_space<hbm>>
          tpu.wait_indirect_dma semaphore(%arg18 : memref<!tpu.dma_semaphore, #tpu.memory_space<semaphore_mem>>) src(%arg14 : memref<16x128xf32, #tpu.memory_space<vmem>>) dst(%dma_wait3A_191 : memref<4096x128xf32, #tpu.memory_space<hbm>>)
          %while3A_192 = arith.constant 0 : i32
          scf.yield %while3A_192 : i32
        }
        %scan3A_156 = arith.constant 0 : i32
        scf.yield %scan3A_156 : i32
      }
      %scan3A_102 = arith.constant 16 : i32
    } else {
    }
    %eq3A = arith.constant 16 : i32
    %eq3A_3 = arith.cmpi eq, %add3A, %eq3A : i32
    %convert_element_type3A_4 = arith.extui %eq3A_3 : i1 to i32
    %cond3A_5 = arith.constant 0 : i32
    %cond3A_6 = arith.cmpi ne, %convert_element_type3A_4, %cond3A_5 : i32
    scf.if %cond3A_6 {
      %scan3A = arith.constant 0 : i32
      %scan3A_12 = arith.constant 0 : i32
      %scan3A_13 = arith.constant 128 : i32
      %scan3A_14 = arith.addi %scan3A_12, %scan3A_13 : i32
      %scan3A_15 = arith.constant 8 : i32
      %scan3A_16 = scf.for %scan3A_909 = %scan3A_12 to %scan3A_14 step %scan3A_15 iter_args(%scan3A_910 = %scan3A) -> (i32)  : i32 {
        %broadcast_in_dim3A_911 = arith.constant 0.000000e+00 : f32
        %broadcast_in_dim3A_912 = vector.broadcast %broadcast_in_dim3A_911 : f32 to vector<16xf32>
        %mul3A_913 = arith.constant 16 : i32
        %mul3A_914 = arith.muli %scan3A_909, %mul3A_913 : i32
        %swap3A_915 = arith.index_cast %mul3A_914 : i32 to index
        %swap3A_916 = tpu.vector_load %arg15[%swap3A_915] {strides = array<i32>} : memref<2048xf32, #tpu.memory_space<vmem>>, vector<16xf32>,
        tpu.vector_store %arg15[%swap3A_915], %broadcast_in_dim3A_912 {strides = array<i32>} : memref<2048xf32, #tpu.memory_space<vmem>>, vector<16xf32>,
        %scan3A_917 = arith.constant 0 : i32
        %scan3A_918 = arith.constant 1 : i32
        %scan3A_919 = arith.addi %scan3A_909, %scan3A_918 : i32
        %broadcast_in_dim3A_920 = arith.constant 0.000000e+00 : f32
        %broadcast_in_dim3A_921 = vector.broadcast %broadcast_in_dim3A_920 : f32 to vector<16xf32>
        %mul3A_922 = arith.constant 16 : i32
        %mul3A_923 = arith.muli %scan3A_919, %mul3A_922 : i32
        %swap3A_924 = arith.index_cast %mul3A_923 : i32 to index
        %swap3A_925 = tpu.vector_load %arg15[%swap3A_924] {strides = array<i32>} : memref<2048xf32, #tpu.memory_space<vmem>>, vector<16xf32>,
        tpu.vector_store %arg15[%swap3A_924], %broadcast_in_dim3A_921 {strides = array<i32>} : memref<2048xf32, #tpu.memory_space<vmem>>, vector<16xf32>,
        %scan3A_926 = arith.constant 0 : i32
        %scan3A_927 = arith.constant 2 : i32
        %scan3A_928 = arith.addi %scan3A_909, %scan3A_927 : i32
        %broadcast_in_dim3A_929 = arith.constant 0.000000e+00 : f32
        %broadcast_in_dim3A_930 = vector.broadcast %broadcast_in_dim3A_929 : f32 to vector<16xf32>
        %mul3A_931 = arith.constant 16 : i32
        %mul3A_932 = arith.muli %scan3A_928, %mul3A_931 : i32
        %swap3A_933 = arith.index_cast %mul3A_932 : i32 to index
        %swap3A_934 = tpu.vector_load %arg15[%swap3A_933] {strides = array<i32>} : memref<2048xf32, #tpu.memory_space<vmem>>, vector<16xf32>,
        tpu.vector_store %arg15[%swap3A_933], %broadcast_in_dim3A_930 {strides = array<i32>} : memref<2048xf32, #tpu.memory_space<vmem>>, vector<16xf32>,
        %scan3A_935 = arith.constant 0 : i32
        %scan3A_936 = arith.constant 3 : i32
        %scan3A_937 = arith.addi %scan3A_909, %scan3A_936 : i32
        %broadcast_in_dim3A_938 = arith.constant 0.000000e+00 : f32
        %broadcast_in_dim3A_939 = vector.broadcast %broadcast_in_dim3A_938 : f32 to vector<16xf32>
        %mul3A_940 = arith.constant 16 : i32
        %mul3A_941 = arith.muli %scan3A_937, %mul3A_940 : i32
        %swap3A_942 = arith.index_cast %mul3A_941 : i32 to index
        %swap3A_943 = tpu.vector_load %arg15[%swap3A_942] {strides = array<i32>} : memref<2048xf32, #tpu.memory_space<vmem>>, vector<16xf32>,
        tpu.vector_store %arg15[%swap3A_942], %broadcast_in_dim3A_939 {strides = array<i32>} : memref<2048xf32, #tpu.memory_space<vmem>>, vector<16xf32>,
        %scan3A_944 = arith.constant 0 : i32
        %scan3A_945 = arith.constant 4 : i32
        %scan3A_946 = arith.addi %scan3A_909, %scan3A_945 : i32
        %broadcast_in_dim3A_947 = arith.constant 0.000000e+00 : f32
        %broadcast_in_dim3A_948 = vector.broadcast %broadcast_in_dim3A_947 : f32 to vector<16xf32>
        %mul3A_949 = arith.constant 16 : i32
        %mul3A_950 = arith.muli %scan3A_946, %mul3A_949 : i32
        %swap3A_951 = arith.index_cast %mul3A_950 : i32 to index
        %swap3A_952 = tpu.vector_load %arg15[%swap3A_951] {strides = array<i32>} : memref<2048xf32, #tpu.memory_space<vmem>>, vector<16xf32>,
        tpu.vector_store %arg15[%swap3A_951], %broadcast_in_dim3A_948 {strides = array<i32>} : memref<2048xf32, #tpu.memory_space<vmem>>, vector<16xf32>,
        %scan3A_953 = arith.constant 0 : i32
        %scan3A_954 = arith.constant 5 : i32
        %scan3A_955 = arith.addi %scan3A_909, %scan3A_954 : i32
        %broadcast_in_dim3A_956 = arith.constant 0.000000e+00 : f32
        %broadcast_in_dim3A_957 = vector.broadcast %broadcast_in_dim3A_956 : f32 to vector<16xf32>
        %mul3A_958 = arith.constant 16 : i32
        %mul3A_959 = arith.muli %scan3A_955, %mul3A_958 : i32
        %swap3A_960 = arith.index_cast %mul3A_959 : i32 to index
        %swap3A_961 = tpu.vector_load %arg15[%swap3A_960] {strides = array<i32>} : memref<2048xf32, #tpu.memory_space<vmem>>, vector<16xf32>,
        tpu.vector_store %arg15[%swap3A_960], %broadcast_in_dim3A_957 {strides = array<i32>} : memref<2048xf32, #tpu.memory_space<vmem>>, vector<16xf32>,
        %scan3A_962 = arith.constant 0 : i32
        %scan3A_963 = arith.constant 6 : i32
        %scan3A_964 = arith.addi %scan3A_909, %scan3A_963 : i32
        %broadcast_in_dim3A_965 = arith.constant 0.000000e+00 : f32
        %broadcast_in_dim3A_966 = vector.broadcast %broadcast_in_dim3A_965 : f32 to vector<16xf32>
        %mul3A_967 = arith.constant 16 : i32
        %mul3A_968 = arith.muli %scan3A_964, %mul3A_967 : i32
        %swap3A_969 = arith.index_cast %mul3A_968 : i32 to index
        %swap3A_970 = tpu.vector_load %arg15[%swap3A_969] {strides = array<i32>} : memref<2048xf32, #tpu.memory_space<vmem>>, vector<16xf32>,
        tpu.vector_store %arg15[%swap3A_969], %broadcast_in_dim3A_966 {strides = array<i32>} : memref<2048xf32, #tpu.memory_space<vmem>>, vector<16xf32>,
        %scan3A_971 = arith.constant 0 : i32
        %scan3A_972 = arith.constant 7 : i32
        %scan3A_973 = arith.addi %scan3A_909, %scan3A_972 : i32
        %broadcast_in_dim3A_974 = arith.constant 0.000000e+00 : f32
        %broadcast_in_dim3A_975 = vector.broadcast %broadcast_in_dim3A_974 : f32 to vector<16xf32>
        %mul3A_976 = arith.constant 16 : i32
        %mul3A_977 = arith.muli %scan3A_973, %mul3A_976 : i32
        %swap3A_978 = arith.index_cast %mul3A_977 : i32 to index
        %swap3A_979 = tpu.vector_load %arg15[%swap3A_978] {strides = array<i32>} : memref<2048xf32, #tpu.memory_space<vmem>>, vector<16xf32>,
        tpu.vector_store %arg15[%swap3A_978], %broadcast_in_dim3A_975 {strides = array<i32>} : memref<2048xf32, #tpu.memory_space<vmem>>, vector<16xf32>,
        %scan3A_980 = arith.constant 0 : i32
        scf.yield %scan3A_980 : i32
      }
      %scan3A_17 = arith.constant 128 : i32
      "tpu.region"() ({
        %run_scoped3A = tpu.sem_alloc : memref<!tpu.dma_semaphore, #tpu.memory_space<semaphore_mem>>
        %dma_start3A_909 = arith.constant 0 : i32
        %dma_start3A_910 = tpu.memref_slice %arg7[%dma_start3A_909] : memref<8192xf32, #tpu.memory_space<hbm>> -> memref<2048xf32, #tpu.memory_space<hbm>>
        %dma_start3A_911 = arith.constant 0 : i32
        %dma_start3A_912 = tpu.memref_slice %arg7[%dma_start3A_911] : memref<8192xf32, #tpu.memory_space<hbm>> -> memref<2048xf32, #tpu.memory_space<hbm>>
        tpu.enqueue_dma source(%arg15 : memref<2048xf32, #tpu.memory_space<vmem>>) target(%dma_start3A_912 : memref<2048xf32, #tpu.memory_space<hbm>>) target_semaphore(%run_scoped3A : memref<!tpu.dma_semaphore, #tpu.memory_space<semaphore_mem>>)
        %dma_wait3A_913 = arith.constant 0 : i32
        %dma_wait3A_914 = tpu.memref_slice %arg7[%dma_wait3A_913] : memref<8192xf32, #tpu.memory_space<hbm>> -> memref<2048xf32, #tpu.memory_space<hbm>>
        %dma_wait3A_915 = arith.constant 0 : i32
        %dma_wait3A_916 = tpu.memref_slice %arg7[%dma_wait3A_915] : memref<8192xf32, #tpu.memory_space<hbm>> -> memref<2048xf32, #tpu.memory_space<hbm>>
        tpu.wait_dma2 semaphore(%run_scoped3A : memref<!tpu.dma_semaphore, #tpu.memory_space<semaphore_mem>>) src(%arg15 : memref<2048xf32, #tpu.memory_space<vmem>>) dst(%dma_wait3A_916 : memref<2048xf32, #tpu.memory_space<hbm>>)
        tpu.yield
      }) : () -> ()
      "tpu.region"() ({
        %run_scoped3A = tpu.sem_alloc : memref<!tpu.dma_semaphore, #tpu.memory_space<semaphore_mem>>
        %dma_start3A_909 = arith.constant 2048 : i32
        %dma_start3A_910 = tpu.memref_slice %arg7[%dma_start3A_909] : memref<8192xf32, #tpu.memory_space<hbm>> -> memref<2048xf32, #tpu.memory_space<hbm>>
        %dma_start3A_911 = arith.constant 2048 : i32
        %dma_start3A_912 = tpu.memref_slice %arg7[%dma_start3A_911] : memref<8192xf32, #tpu.memory_space<hbm>> -> memref<2048xf32, #tpu.memory_space<hbm>>
        tpu.enqueue_dma source(%arg15 : memref<2048xf32, #tpu.memory_space<vmem>>) target(%dma_start3A_912 : memref<2048xf32, #tpu.memory_space<hbm>>) target_semaphore(%run_scoped3A : memref<!tpu.dma_semaphore, #tpu.memory_space<semaphore_mem>>)
        %dma_wait3A_913 = arith.constant 2048 : i32
        %dma_wait3A_914 = tpu.memref_slice %arg7[%dma_wait3A_913] : memref<8192xf32, #tpu.memory_space<hbm>> -> memref<2048xf32, #tpu.memory_space<hbm>>
        %dma_wait3A_915 = arith.constant 2048 : i32
        %dma_wait3A_916 = tpu.memref_slice %arg7[%dma_wait3A_915] : memref<8192xf32, #tpu.memory_space<hbm>> -> memref<2048xf32, #tpu.memory_space<hbm>>
        tpu.wait_dma2 semaphore(%run_scoped3A : memref<!tpu.dma_semaphore, #tpu.memory_space<semaphore_mem>>) src(%arg15 : memref<2048xf32, #tpu.memory_space<vmem>>) dst(%dma_wait3A_916 : memref<2048xf32, #tpu.memory_space<hbm>>)
        tpu.yield
      }) : () -> ()
      "tpu.region"() ({
        %run_scoped3A = tpu.sem_alloc : memref<!tpu.dma_semaphore, #tpu.memory_space<semaphore_mem>>
        %dma_start3A_909 = arith.constant 4096 : i32
        %dma_start3A_910 = tpu.memref_slice %arg7[%dma_start3A_909] : memref<8192xf32, #tpu.memory_space<hbm>> -> memref<2048xf32, #tpu.memory_space<hbm>>
        %dma_start3A_911 = arith.constant 4096 : i32
        %dma_start3A_912 = tpu.memref_slice %arg7[%dma_start3A_911] : memref<8192xf32, #tpu.memory_space<hbm>> -> memref<2048xf32, #tpu.memory_space<hbm>>
        tpu.enqueue_dma source(%arg15 : memref<2048xf32, #tpu.memory_space<vmem>>) target(%dma_start3A_912 : memref<2048xf32, #tpu.memory_space<hbm>>) target_semaphore(%run_scoped3A : memref<!tpu.dma_semaphore, #tpu.memory_space<semaphore_mem>>)
        %dma_wait3A_913 = arith.constant 4096 : i32
        %dma_wait3A_914 = tpu.memref_slice %arg7[%dma_wait3A_913] : memref<8192xf32, #tpu.memory_space<hbm>> -> memref<2048xf32, #tpu.memory_space<hbm>>
        %dma_wait3A_915 = arith.constant 4096 : i32
        %dma_wait3A_916 = tpu.memref_slice %arg7[%dma_wait3A_915] : memref<8192xf32, #tpu.memory_space<hbm>> -> memref<2048xf32, #tpu.memory_space<hbm>>
        tpu.wait_dma2 semaphore(%run_scoped3A : memref<!tpu.dma_semaphore, #tpu.memory_space<semaphore_mem>>) src(%arg15 : memref<2048xf32, #tpu.memory_space<vmem>>) dst(%dma_wait3A_916 : memref<2048xf32, #tpu.memory_space<hbm>>)
        tpu.yield
      }) : () -> ()
      "tpu.region"() ({
        %run_scoped3A = tpu.sem_alloc : memref<!tpu.dma_semaphore, #tpu.memory_space<semaphore_mem>>
        %dma_start3A_909 = arith.constant 6144 : i32
        %dma_start3A_910 = tpu.memref_slice %arg7[%dma_start3A_909] : memref<8192xf32, #tpu.memory_space<hbm>> -> memref<2048xf32, #tpu.memory_space<hbm>>
        %dma_start3A_911 = arith.constant 6144 : i32
        %dma_start3A_912 = tpu.memref_slice %arg7[%dma_start3A_911] : memref<8192xf32, #tpu.memory_space<hbm>> -> memref<2048xf32, #tpu.memory_space<hbm>>
        tpu.enqueue_dma source(%arg15 : memref<2048xf32, #tpu.memory_space<vmem>>) target(%dma_start3A_912 : memref<2048xf32, #tpu.memory_space<hbm>>) target_semaphore(%run_scoped3A : memref<!tpu.dma_semaphore, #tpu.memory_space<semaphore_mem>>)
        %dma_wait3A_913 = arith.constant 6144 : i32
        %dma_wait3A_914 = tpu.memref_slice %arg7[%dma_wait3A_913] : memref<8192xf32, #tpu.memory_space<hbm>> -> memref<2048xf32, #tpu.memory_space<hbm>>
        %dma_wait3A_915 = arith.constant 6144 : i32
        %dma_wait3A_916 = tpu.memref_slice %arg7[%dma_wait3A_915] : memref<8192xf32, #tpu.memory_space<hbm>> -> memref<2048xf32, #tpu.memory_space<hbm>>
        tpu.wait_dma2 semaphore(%run_scoped3A : memref<!tpu.dma_semaphore, #tpu.memory_space<semaphore_mem>>) src(%arg15 : memref<2048xf32, #tpu.memory_space<vmem>>) dst(%dma_wait3A_916 : memref<2048xf32, #tpu.memory_space<hbm>>)
        tpu.yield
      }) : () -> ()
      %broadcast_in_dim3A = arith.constant 1.000000e+00 : f32
      %broadcast_in_dim3A_18 = vector.broadcast %broadcast_in_dim3A : f32 to vector<16xf32>
      %swap3A = arith.constant 0 : index
      %swap3A_19 = tpu.vector_load %arg17[%swap3A] {strides = array<i32>} : memref<128xf32, #tpu.memory_space<vmem>>, vector<16xf32>,
      tpu.vector_store %arg17[%swap3A], %broadcast_in_dim3A_18 {strides = array<i32>} : memref<128xf32, #tpu.memory_space<vmem>>, vector<16xf32>,
      %broadcast_in_dim3A_20 = arith.constant 1.000000e+00 : f32
      %broadcast_in_dim3A_21 = vector.broadcast %broadcast_in_dim3A_20 : f32 to vector<16xf32>
      %swap3A_22 = arith.constant 16 : index
      %swap3A_23 = tpu.vector_load %arg17[%swap3A_22] {strides = array<i32>} : memref<128xf32, #tpu.memory_space<vmem>>, vector<16xf32>,
      tpu.vector_store %arg17[%swap3A_22], %broadcast_in_dim3A_21 {strides = array<i32>} : memref<128xf32, #tpu.memory_space<vmem>>, vector<16xf32>,
      %broadcast_in_dim3A_24 = arith.constant 1.000000e+00 : f32
      %broadcast_in_dim3A_25 = vector.broadcast %broadcast_in_dim3A_24 : f32 to vector<16xf32>
      %swap3A_26 = arith.constant 32 : index
      %swap3A_27 = tpu.vector_load %arg17[%swap3A_26] {strides = array<i32>} : memref<128xf32, #tpu.memory_space<vmem>>, vector<16xf32>,
      tpu.vector_store %arg17[%swap3A_26], %broadcast_in_dim3A_25 {strides = array<i32>} : memref<128xf32, #tpu.memory_space<vmem>>, vector<16xf32>,
      %broadcast_in_dim3A_28 = arith.constant 1.000000e+00 : f32
      %broadcast_in_dim3A_29 = vector.broadcast %broadcast_in_dim3A_28 : f32 to vector<16xf32>
      %swap3A_30 = arith.constant 48 : index
      %swap3A_31 = tpu.vector_load %arg17[%swap3A_30] {strides = array<i32>} : memref<128xf32, #tpu.memory_space<vmem>>, vector<16xf32>,
      tpu.vector_store %arg17[%swap3A_30], %broadcast_in_dim3A_29 {strides = array<i32>} : memref<128xf32, #tpu.memory_space<vmem>>, vector<16xf32>,
      %broadcast_in_dim3A_32 = arith.constant 1.000000e+00 : f32
      %broadcast_in_dim3A_33 = vector.broadcast %broadcast_in_dim3A_32 : f32 to vector<16xf32>
      %swap3A_34 = arith.constant 64 : index
      %swap3A_35 = tpu.vector_load %arg17[%swap3A_34] {strides = array<i32>} : memref<128xf32, #tpu.memory_space<vmem>>, vector<16xf32>,
      tpu.vector_store %arg17[%swap3A_34], %broadcast_in_dim3A_33 {strides = array<i32>} : memref<128xf32, #tpu.memory_space<vmem>>, vector<16xf32>,
      %broadcast_in_dim3A_36 = arith.constant 1.000000e+00 : f32
      %broadcast_in_dim3A_37 = vector.broadcast %broadcast_in_dim3A_36 : f32 to vector<16xf32>
      %swap3A_38 = arith.constant 80 : index
      %swap3A_39 = tpu.vector_load %arg17[%swap3A_38] {strides = array<i32>} : memref<128xf32, #tpu.memory_space<vmem>>, vector<16xf32>,
      tpu.vector_store %arg17[%swap3A_38], %broadcast_in_dim3A_37 {strides = array<i32>} : memref<128xf32, #tpu.memory_space<vmem>>, vector<16xf32>,
      %broadcast_in_dim3A_40 = arith.constant 1.000000e+00 : f32
      %broadcast_in_dim3A_41 = vector.broadcast %broadcast_in_dim3A_40 : f32 to vector<16xf32>
      %swap3A_42 = arith.constant 96 : index
      %swap3A_43 = tpu.vector_load %arg17[%swap3A_42] {strides = array<i32>} : memref<128xf32, #tpu.memory_space<vmem>>, vector<16xf32>,
      tpu.vector_store %arg17[%swap3A_42], %broadcast_in_dim3A_41 {strides = array<i32>} : memref<128xf32, #tpu.memory_space<vmem>>, vector<16xf32>,
      %broadcast_in_dim3A_44 = arith.constant 1.000000e+00 : f32
      %broadcast_in_dim3A_45 = vector.broadcast %broadcast_in_dim3A_44 : f32 to vector<16xf32>
      %swap3A_46 = arith.constant 112 : index
      %swap3A_47 = tpu.vector_load %arg17[%swap3A_46] {strides = array<i32>} : memref<128xf32, #tpu.memory_space<vmem>>, vector<16xf32>,
      tpu.vector_store %arg17[%swap3A_46], %broadcast_in_dim3A_45 {strides = array<i32>} : memref<128xf32, #tpu.memory_space<vmem>>, vector<16xf32>,
      "tpu.region"() ({
        %run_scoped3A = tpu.sem_alloc : memref<!tpu.dma_semaphore, #tpu.memory_space<semaphore_mem>>
        tpu.enqueue_dma source(%arg3 : memref<1024xi32, #tpu.memory_space<hbm>>) target(%arg9 : memref<1024xi32, #tpu.memory_space<vmem>>) target_semaphore(%run_scoped3A : memref<!tpu.dma_semaphore, #tpu.memory_space<semaphore_mem>>)
        tpu.wait_dma2 semaphore(%run_scoped3A : memref<!tpu.dma_semaphore, #tpu.memory_space<semaphore_mem>>) src(%arg3 : memref<1024xi32, #tpu.memory_space<hbm>>) dst(%arg9 : memref<1024xi32, #tpu.memory_space<vmem>>)
        tpu.yield
      }) : () -> ()
      "tpu.region"() ({
        %run_scoped3A = tpu.sem_alloc : memref<!tpu.dma_semaphore, #tpu.memory_space<semaphore_mem>>
        tpu.enqueue_dma source(%arg4 : memref<1024xi32, #tpu.memory_space<hbm>>) target(%arg10 : memref<1024xi32, #tpu.memory_space<vmem>>) target_semaphore(%run_scoped3A : memref<!tpu.dma_semaphore, #tpu.memory_space<semaphore_mem>>)
        tpu.wait_dma2 semaphore(%run_scoped3A : memref<!tpu.dma_semaphore, #tpu.memory_space<semaphore_mem>>) src(%arg4 : memref<1024xi32, #tpu.memory_space<hbm>>) dst(%arg10 : memref<1024xi32, #tpu.memory_space<vmem>>)
        tpu.yield
      }) : () -> ()
      %get3A = arith.constant 0 : index
      %get3A_48 = tpu.vector_load %arg9[%get3A] {strides = array<i32>} : memref<1024xi32, #tpu.memory_space<vmem>>, vector<16xi32>,
      %mul3A_49 = arith.constant 2048 : i32
      %mul3A_50 = vector.broadcast %mul3A_49 : i32 to vector<16xi32>
      %mul3A_51 = arith.muli %get3A_48, %mul3A_50 : vector<16xi32>
      %get3A_52 = arith.constant 0 : index
      %get3A_53 = tpu.vector_load %arg10[%get3A_52] {strides = array<i32>} : memref<1024xi32, #tpu.memory_space<vmem>>, vector<16xi32>,
      %add3A_54 = arith.addi %mul3A_51, %get3A_53 : vector<16xi32>
      %swap3A_55 = arith.constant 0 : i32
      %swap3A_56 = arith.index_cast %swap3A_55 : i32 to index
      %swap3A_57 = arith.constant 0 : index
      %swap3A_58 = tpu.vector_load %arg16[%swap3A_56, %swap3A_57] {strides = array<i32>} : memref<8x128xi32, #tpu.memory_space<vmem>>, vector<16xi32>,
      tpu.vector_store %arg16[%swap3A_56, %swap3A_57], %add3A_54 {strides = array<i32>} : memref<8x128xi32, #tpu.memory_space<vmem>>, vector<16xi32>,
      %get3A_59 = arith.constant 16 : index
      %get3A_60 = tpu.vector_load %arg9[%get3A_59] {strides = array<i32>} : memref<1024xi32, #tpu.memory_space<vmem>>, vector<16xi32>,
      %mul3A_61 = arith.constant 2048 : i32
      %mul3A_62 = vector.broadcast %mul3A_61 : i32 to vector<16xi32>
      %mul3A_63 = arith.muli %get3A_60, %mul3A_62 : vector<16xi32>
      %get3A_64 = arith.constant 16 : index
      %get3A_65 = tpu.vector_load %arg10[%get3A_64] {strides = array<i32>} : memref<1024xi32, #tpu.memory_space<vmem>>, vector<16xi32>,
      %add3A_66 = arith.addi %mul3A_63, %get3A_65 : vector<16xi32>
      %swap3A_67 = arith.constant 0 : i32
      %swap3A_68 = arith.index_cast %swap3A_67 : i32 to index
      %swap3A_69 = arith.constant 16 : index
      %swap3A_70 = tpu.vector_load %arg16[%swap3A_68, %swap3A_69] {strides = array<i32>} : memref<8x128xi32, #tpu.memory_space<vmem>>, vector<16xi32>,
      tpu.vector_store %arg16[%swap3A_68, %swap3A_69], %add3A_66 {strides = array<i32>} : memref<8x128xi32, #tpu.memory_space<vmem>>, vector<16xi32>,
      %get3A_71 = arith.constant 32 : index
      %get3A_72 = tpu.vector_load %arg9[%get3A_71] {strides = array<i32>} : memref<1024xi32, #tpu.memory_space<vmem>>, vector<16xi32>,
      %mul3A_73 = arith.constant 2048 : i32
      %mul3A_74 = vector.broadcast %mul3A_73 : i32 to vector<16xi32>
      %mul3A_75 = arith.muli %get3A_72, %mul3A_74 : vector<16xi32>
      %get3A_76 = arith.constant 32 : index
      %get3A_77 = tpu.vector_load %arg10[%get3A_76] {strides = array<i32>} : memref<1024xi32, #tpu.memory_space<vmem>>, vector<16xi32>,
      %add3A_78 = arith.addi %mul3A_75, %get3A_77 : vector<16xi32>
      %swap3A_79 = arith.constant 0 : i32
      %swap3A_80 = arith.index_cast %swap3A_79 : i32 to index
      %swap3A_81 = arith.constant 32 : index
      %swap3A_82 = tpu.vector_load %arg16[%swap3A_80, %swap3A_81] {strides = array<i32>} : memref<8x128xi32, #tpu.memory_space<vmem>>, vector<16xi32>,
      tpu.vector_store %arg16[%swap3A_80, %swap3A_81], %add3A_78 {strides = array<i32>} : memref<8x128xi32, #tpu.memory_space<vmem>>, vector<16xi32>,
      %get3A_83 = arith.constant 48 : index
      %get3A_84 = tpu.vector_load %arg9[%get3A_83] {strides = array<i32>} : memref<1024xi32, #tpu.memory_space<vmem>>, vector<16xi32>,
      %mul3A_85 = arith.constant 2048 : i32
      %mul3A_86 = vector.broadcast %mul3A_85 : i32 to vector<16xi32>
      %mul3A_87 = arith.muli %get3A_84, %mul3A_86 : vector<16xi32>
      %get3A_88 = arith.constant 48 : index
      %get3A_89 = tpu.vector_load %arg10[%get3A_88] {strides = array<i32>} : memref<1024xi32, #tpu.memory_space<vmem>>, vector<16xi32>,
      %add3A_90 = arith.addi %mul3A_87, %get3A_89 : vector<16xi32>
      %swap3A_91 = arith.constant 0 : i32
      %swap3A_92 = arith.index_cast %swap3A_91 : i32 to index
      %swap3A_93 = arith.constant 48 : index
      %swap3A_94 = tpu.vector_load %arg16[%swap3A_92, %swap3A_93] {strides = array<i32>} : memref<8x128xi32, #tpu.memory_space<vmem>>, vector<16xi32>,
      tpu.vector_store %arg16[%swap3A_92, %swap3A_93], %add3A_90 {strides = array<i32>} : memref<8x128xi32, #tpu.memory_space<vmem>>, vector<16xi32>,
      %get3A_95 = arith.constant 64 : index
      %get3A_96 = tpu.vector_load %arg9[%get3A_95] {strides = array<i32>} : memref<1024xi32, #tpu.memory_space<vmem>>, vector<16xi32>,
      %mul3A_97 = arith.constant 2048 : i32
      %mul3A_98 = vector.broadcast %mul3A_97 : i32 to vector<16xi32>
      %mul3A_99 = arith.muli %get3A_96, %mul3A_98 : vector<16xi32>
      %get3A_100 = arith.constant 64 : index
      %get3A_101 = tpu.vector_load %arg10[%get3A_100] {strides = array<i32>} : memref<1024xi32, #tpu.memory_space<vmem>>, vector<16xi32>,
      %add3A_102 = arith.addi %mul3A_99, %get3A_101 : vector<16xi32>
      %swap3A_103 = arith.constant 0 : i32
      %swap3A_104 = arith.index_cast %swap3A_103 : i32 to index
      %swap3A_105 = arith.constant 64 : index
      %swap3A_106 = tpu.vector_load %arg16[%swap3A_104, %swap3A_105] {strides = array<i32>} : memref<8x128xi32, #tpu.memory_space<vmem>>, vector<16xi32>,
      tpu.vector_store %arg16[%swap3A_104, %swap3A_105], %add3A_102 {strides = array<i32>} : memref<8x128xi32, #tpu.memory_space<vmem>>, vector<16xi32>,
      %get3A_107 = arith.constant 80 : index
      %get3A_108 = tpu.vector_load %arg9[%get3A_107] {strides = array<i32>} : memref<1024xi32, #tpu.memory_space<vmem>>, vector<16xi32>,
      %mul3A_109 = arith.constant 2048 : i32
      %mul3A_110 = vector.broadcast %mul3A_109 : i32 to vector<16xi32>
      %mul3A_111 = arith.muli %get3A_108, %mul3A_110 : vector<16xi32>
      %get3A_112 = arith.constant 80 : index
      %get3A_113 = tpu.vector_load %arg10[%get3A_112] {strides = array<i32>} : memref<1024xi32, #tpu.memory_space<vmem>>, vector<16xi32>,
      %add3A_114 = arith.addi %mul3A_111, %get3A_113 : vector<16xi32>
      %swap3A_115 = arith.constant 0 : i32
      %swap3A_116 = arith.index_cast %swap3A_115 : i32 to index
      %swap3A_117 = arith.constant 80 : index
      %swap3A_118 = tpu.vector_load %arg16[%swap3A_116, %swap3A_117] {strides = array<i32>} : memref<8x128xi32, #tpu.memory_space<vmem>>, vector<16xi32>,
      tpu.vector_store %arg16[%swap3A_116, %swap3A_117], %add3A_114 {strides = array<i32>} : memref<8x128xi32, #tpu.memory_space<vmem>>, vector<16xi32>,
      %get3A_119 = arith.constant 96 : index
      %get3A_120 = tpu.vector_load %arg9[%get3A_119] {strides = array<i32>} : memref<1024xi32, #tpu.memory_space<vmem>>, vector<16xi32>,
      %mul3A_121 = arith.constant 2048 : i32
      %mul3A_122 = vector.broadcast %mul3A_121 : i32 to vector<16xi32>
      %mul3A_123 = arith.muli %get3A_120, %mul3A_122 : vector<16xi32>
      %get3A_124 = arith.constant 96 : index
      %get3A_125 = tpu.vector_load %arg10[%get3A_124] {strides = array<i32>} : memref<1024xi32, #tpu.memory_space<vmem>>, vector<16xi32>,
      %add3A_126 = arith.addi %mul3A_123, %get3A_125 : vector<16xi32>
      %swap3A_127 = arith.constant 0 : i32
      %swap3A_128 = arith.index_cast %swap3A_127 : i32 to index
      %swap3A_129 = arith.constant 96 : index
      %swap3A_130 = tpu.vector_load %arg16[%swap3A_128, %swap3A_129] {strides = array<i32>} : memref<8x128xi32, #tpu.memory_space<vmem>>, vector<16xi32>,
      tpu.vector_store %arg16[%swap3A_128, %swap3A_129], %add3A_126 {strides = array<i32>} : memref<8x128xi32, #tpu.memory_space<vmem>>, vector<16xi32>,
      %get3A_131 = arith.constant 112 : index
      %get3A_132 = tpu.vector_load %arg9[%get3A_131] {strides = array<i32>} : memref<1024xi32, #tpu.memory_space<vmem>>, vector<16xi32>,
      %mul3A_133 = arith.constant 2048 : i32
      %mul3A_134 = vector.broadcast %mul3A_133 : i32 to vector<16xi32>
      %mul3A_135 = arith.muli %get3A_132, %mul3A_134 : vector<16xi32>
      %get3A_136 = arith.constant 112 : index
      %get3A_137 = tpu.vector_load %arg10[%get3A_136] {strides = array<i32>} : memref<1024xi32, #tpu.memory_space<vmem>>, vector<16xi32>,
      %add3A_138 = arith.addi %mul3A_135, %get3A_137 : vector<16xi32>
      %swap3A_139 = arith.constant 0 : i32
      %swap3A_140 = arith.index_cast %swap3A_139 : i32 to index
      %swap3A_141 = arith.constant 112 : index
      %swap3A_142 = tpu.vector_load %arg16[%swap3A_140, %swap3A_141] {strides = array<i32>} : memref<8x128xi32, #tpu.memory_space<vmem>>, vector<16xi32>,
      tpu.vector_store %arg16[%swap3A_140, %swap3A_141], %add3A_138 {strides = array<i32>} : memref<8x128xi32, #tpu.memory_space<vmem>>, vector<16xi32>,
      %get3A_143 = arith.constant 128 : index
      %get3A_144 = tpu.vector_load %arg9[%get3A_143] {strides = array<i32>} : memref<1024xi32, #tpu.memory_space<vmem>>, vector<16xi32>,
      %mul3A_145 = arith.constant 2048 : i32
      %mul3A_146 = vector.broadcast %mul3A_145 : i32 to vector<16xi32>
      %mul3A_147 = arith.muli %get3A_144, %mul3A_146 : vector<16xi32>
      %get3A_148 = arith.constant 128 : index
      %get3A_149 = tpu.vector_load %arg10[%get3A_148] {strides = array<i32>} : memref<1024xi32, #tpu.memory_space<vmem>>, vector<16xi32>,
      %add3A_150 = arith.addi %mul3A_147, %get3A_149 : vector<16xi32>
      %swap3A_151 = arith.constant 1 : i32
      %swap3A_152 = arith.index_cast %swap3A_151 : i32 to index
      %swap3A_153 = arith.constant 0 : index
      %swap3A_154 = tpu.vector_load %arg16[%swap3A_152, %swap3A_153] {strides = array<i32>} : memref<8x128xi32, #tpu.memory_space<vmem>>, vector<16xi32>,
      tpu.vector_store %arg16[%swap3A_152, %swap3A_153], %add3A_150 {strides = array<i32>} : memref<8x128xi32, #tpu.memory_space<vmem>>, vector<16xi32>,
      %get3A_155 = arith.constant 144 : index
      %get3A_156 = tpu.vector_load %arg9[%get3A_155] {strides = array<i32>} : memref<1024xi32, #tpu.memory_space<vmem>>, vector<16xi32>,
      %mul3A_157 = arith.constant 2048 : i32
      %mul3A_158 = vector.broadcast %mul3A_157 : i32 to vector<16xi32>
      %mul3A_159 = arith.muli %get3A_156, %mul3A_158 : vector<16xi32>
      %get3A_160 = arith.constant 144 : index
      %get3A_161 = tpu.vector_load %arg10[%get3A_160] {strides = array<i32>} : memref<1024xi32, #tpu.memory_space<vmem>>, vector<16xi32>,
      %add3A_162 = arith.addi %mul3A_159, %get3A_161 : vector<16xi32>
      %swap3A_163 = arith.constant 1 : i32
      %swap3A_164 = arith.index_cast %swap3A_163 : i32 to index
      %swap3A_165 = arith.constant 16 : index
      %swap3A_166 = tpu.vector_load %arg16[%swap3A_164, %swap3A_165] {strides = array<i32>} : memref<8x128xi32, #tpu.memory_space<vmem>>, vector<16xi32>,
      tpu.vector_store %arg16[%swap3A_164, %swap3A_165], %add3A_162 {strides = array<i32>} : memref<8x128xi32, #tpu.memory_space<vmem>>, vector<16xi32>,
      %get3A_167 = arith.constant 160 : index
      %get3A_168 = tpu.vector_load %arg9[%get3A_167] {strides = array<i32>} : memref<1024xi32, #tpu.memory_space<vmem>>, vector<16xi32>,
      %mul3A_169 = arith.constant 2048 : i32
      %mul3A_170 = vector.broadcast %mul3A_169 : i32 to vector<16xi32>
      %mul3A_171 = arith.muli %get3A_168, %mul3A_170 : vector<16xi32>
      %get3A_172 = arith.constant 160 : index
      %get3A_173 = tpu.vector_load %arg10[%get3A_172] {strides = array<i32>} : memref<1024xi32, #tpu.memory_space<vmem>>, vector<16xi32>,
      %add3A_174 = arith.addi %mul3A_171, %get3A_173 : vector<16xi32>
      %swap3A_175 = arith.constant 1 : i32
      %swap3A_176 = arith.index_cast %swap3A_175 : i32 to index
      %swap3A_177 = arith.constant 32 : index
      %swap3A_178 = tpu.vector_load %arg16[%swap3A_176, %swap3A_177] {strides = array<i32>} : memref<8x128xi32, #tpu.memory_space<vmem>>, vector<16xi32>,
      tpu.vector_store %arg16[%swap3A_176, %swap3A_177], %add3A_174 {strides = array<i32>} : memref<8x128xi32, #tpu.memory_space<vmem>>, vector<16xi32>,
      %get3A_179 = arith.constant 176 : index
      %get3A_180 = tpu.vector_load %arg9[%get3A_179] {strides = array<i32>} : memref<1024xi32, #tpu.memory_space<vmem>>, vector<16xi32>,
      %mul3A_181 = arith.constant 2048 : i32
      %mul3A_182 = vector.broadcast %mul3A_181 : i32 to vector<16xi32>
      %mul3A_183 = arith.muli %get3A_180, %mul3A_182 : vector<16xi32>
      %get3A_184 = arith.constant 176 : index
      %get3A_185 = tpu.vector_load %arg10[%get3A_184] {strides = array<i32>} : memref<1024xi32, #tpu.memory_space<vmem>>, vector<16xi32>,
      %add3A_186 = arith.addi %mul3A_183, %get3A_185 : vector<16xi32>
      %swap3A_187 = arith.constant 1 : i32
      %swap3A_188 = arith.index_cast %swap3A_187 : i32 to index
      %swap3A_189 = arith.constant 48 : index
      %swap3A_190 = tpu.vector_load %arg16[%swap3A_188, %swap3A_189] {strides = array<i32>} : memref<8x128xi32, #tpu.memory_space<vmem>>, vector<16xi32>,
      tpu.vector_store %arg16[%swap3A_188, %swap3A_189], %add3A_186 {strides = array<i32>} : memref<8x128xi32, #tpu.memory_space<vmem>>, vector<16xi32>,
      %get3A_191 = arith.constant 192 : index
      %get3A_192 = tpu.vector_load %arg9[%get3A_191] {strides = array<i32>} : memref<1024xi32, #tpu.memory_space<vmem>>, vector<16xi32>,
      %mul3A_193 = arith.constant 2048 : i32
      %mul3A_194 = vector.broadcast %mul3A_193 : i32 to vector<16xi32>
      %mul3A_195 = arith.muli %get3A_192, %mul3A_194 : vector<16xi32>
      %get3A_196 = arith.constant 192 : index
      %get3A_197 = tpu.vector_load %arg10[%get3A_196] {strides = array<i32>} : memref<1024xi32, #tpu.memory_space<vmem>>, vector<16xi32>,
      %add3A_198 = arith.addi %mul3A_195, %get3A_197 : vector<16xi32>
      %swap3A_199 = arith.constant 1 : i32
      %swap3A_200 = arith.index_cast %swap3A_199 : i32 to index
      %swap3A_201 = arith.constant 64 : index
      %swap3A_202 = tpu.vector_load %arg16[%swap3A_200, %swap3A_201] {strides = array<i32>} : memref<8x128xi32, #tpu.memory_space<vmem>>, vector<16xi32>,
      tpu.vector_store %arg16[%swap3A_200, %swap3A_201], %add3A_198 {strides = array<i32>} : memref<8x128xi32, #tpu.memory_space<vmem>>, vector<16xi32>,
      %get3A_203 = arith.constant 208 : index
      %get3A_204 = tpu.vector_load %arg9[%get3A_203] {strides = array<i32>} : memref<1024xi32, #tpu.memory_space<vmem>>, vector<16xi32>,
      %mul3A_205 = arith.constant 2048 : i32
      %mul3A_206 = vector.broadcast %mul3A_205 : i32 to vector<16xi32>
      %mul3A_207 = arith.muli %get3A_204, %mul3A_206 : vector<16xi32>
      %get3A_208 = arith.constant 208 : index
      %get3A_209 = tpu.vector_load %arg10[%get3A_208] {strides = array<i32>} : memref<1024xi32, #tpu.memory_space<vmem>>, vector<16xi32>,
      %add3A_210 = arith.addi %mul3A_207, %get3A_209 : vector<16xi32>
      %swap3A_211 = arith.constant 1 : i32
      %swap3A_212 = arith.index_cast %swap3A_211 : i32 to index
      %swap3A_213 = arith.constant 80 : index
      %swap3A_214 = tpu.vector_load %arg16[%swap3A_212, %swap3A_213] {strides = array<i32>} : memref<8x128xi32, #tpu.memory_space<vmem>>, vector<16xi32>,
      tpu.vector_store %arg16[%swap3A_212, %swap3A_213], %add3A_210 {strides = array<i32>} : memref<8x128xi32, #tpu.memory_space<vmem>>, vector<16xi32>,
      %get3A_215 = arith.constant 224 : index
      %get3A_216 = tpu.vector_load %arg9[%get3A_215] {strides = array<i32>} : memref<1024xi32, #tpu.memory_space<vmem>>, vector<16xi32>,
      %mul3A_217 = arith.constant 2048 : i32
      %mul3A_218 = vector.broadcast %mul3A_217 : i32 to vector<16xi32>
      %mul3A_219 = arith.muli %get3A_216, %mul3A_218 : vector<16xi32>
      %get3A_220 = arith.constant 224 : index
      %get3A_221 = tpu.vector_load %arg10[%get3A_220] {strides = array<i32>} : memref<1024xi32, #tpu.memory_space<vmem>>, vector<16xi32>,
      %add3A_222 = arith.addi %mul3A_219, %get3A_221 : vector<16xi32>
      %swap3A_223 = arith.constant 1 : i32
      %swap3A_224 = arith.index_cast %swap3A_223 : i32 to index
      %swap3A_225 = arith.constant 96 : index
      %swap3A_226 = tpu.vector_load %arg16[%swap3A_224, %swap3A_225] {strides = array<i32>} : memref<8x128xi32, #tpu.memory_space<vmem>>, vector<16xi32>,
      tpu.vector_store %arg16[%swap3A_224, %swap3A_225], %add3A_222 {strides = array<i32>} : memref<8x128xi32, #tpu.memory_space<vmem>>, vector<16xi32>,
      %get3A_227 = arith.constant 240 : index
      %get3A_228 = tpu.vector_load %arg9[%get3A_227] {strides = array<i32>} : memref<1024xi32, #tpu.memory_space<vmem>>, vector<16xi32>,
      %mul3A_229 = arith.constant 2048 : i32
      %mul3A_230 = vector.broadcast %mul3A_229 : i32 to vector<16xi32>
      %mul3A_231 = arith.muli %get3A_228, %mul3A_230 : vector<16xi32>
      %get3A_232 = arith.constant 240 : index
      %get3A_233 = tpu.vector_load %arg10[%get3A_232] {strides = array<i32>} : memref<1024xi32, #tpu.memory_space<vmem>>, vector<16xi32>,
      %add3A_234 = arith.addi %mul3A_231, %get3A_233 : vector<16xi32>
      %swap3A_235 = arith.constant 1 : i32
      %swap3A_236 = arith.index_cast %swap3A_235 : i32 to index
      %swap3A_237 = arith.constant 112 : index
      %swap3A_238 = tpu.vector_load %arg16[%swap3A_236, %swap3A_237] {strides = array<i32>} : memref<8x128xi32, #tpu.memory_space<vmem>>, vector<16xi32>,
      tpu.vector_store %arg16[%swap3A_236, %swap3A_237], %add3A_234 {strides = array<i32>} : memref<8x128xi32, #tpu.memory_space<vmem>>, vector<16xi32>,
      %get3A_239 = arith.constant 256 : index
      %get3A_240 = tpu.vector_load %arg9[%get3A_239] {strides = array<i32>} : memref<1024xi32, #tpu.memory_space<vmem>>, vector<16xi32>,
      %mul3A_241 = arith.constant 2048 : i32
      %mul3A_242 = vector.broadcast %mul3A_241 : i32 to vector<16xi32>
      %mul3A_243 = arith.muli %get3A_240, %mul3A_242 : vector<16xi32>
      %get3A_244 = arith.constant 256 : index
      %get3A_245 = tpu.vector_load %arg10[%get3A_244] {strides = array<i32>} : memref<1024xi32, #tpu.memory_space<vmem>>, vector<16xi32>,
      %add3A_246 = arith.addi %mul3A_243, %get3A_245 : vector<16xi32>
      %swap3A_247 = arith.constant 2 : i32
      %swap3A_248 = arith.index_cast %swap3A_247 : i32 to index
      %swap3A_249 = arith.constant 0 : index
      %swap3A_250 = tpu.vector_load %arg16[%swap3A_248, %swap3A_249] {strides = array<i32>} : memref<8x128xi32, #tpu.memory_space<vmem>>, vector<16xi32>,
      tpu.vector_store %arg16[%swap3A_248, %swap3A_249], %add3A_246 {strides = array<i32>} : memref<8x128xi32, #tpu.memory_space<vmem>>, vector<16xi32>,
      %get3A_251 = arith.constant 272 : index
      %get3A_252 = tpu.vector_load %arg9[%get3A_251] {strides = array<i32>} : memref<1024xi32, #tpu.memory_space<vmem>>, vector<16xi32>,
      %mul3A_253 = arith.constant 2048 : i32
      %mul3A_254 = vector.broadcast %mul3A_253 : i32 to vector<16xi32>
      %mul3A_255 = arith.muli %get3A_252, %mul3A_254 : vector<16xi32>
      %get3A_256 = arith.constant 272 : index
      %get3A_257 = tpu.vector_load %arg10[%get3A_256] {strides = array<i32>} : memref<1024xi32, #tpu.memory_space<vmem>>, vector<16xi32>,
      %add3A_258 = arith.addi %mul3A_255, %get3A_257 : vector<16xi32>
      %swap3A_259 = arith.constant 2 : i32
      %swap3A_260 = arith.index_cast %swap3A_259 : i32 to index
      %swap3A_261 = arith.constant 16 : index
      %swap3A_262 = tpu.vector_load %arg16[%swap3A_260, %swap3A_261] {strides = array<i32>} : memref<8x128xi32, #tpu.memory_space<vmem>>, vector<16xi32>,
      tpu.vector_store %arg16[%swap3A_260, %swap3A_261], %add3A_258 {strides = array<i32>} : memref<8x128xi32, #tpu.memory_space<vmem>>, vector<16xi32>,
      %get3A_263 = arith.constant 288 : index
      %get3A_264 = tpu.vector_load %arg9[%get3A_263] {strides = array<i32>} : memref<1024xi32, #tpu.memory_space<vmem>>, vector<16xi32>,
      %mul3A_265 = arith.constant 2048 : i32
      %mul3A_266 = vector.broadcast %mul3A_265 : i32 to vector<16xi32>
      %mul3A_267 = arith.muli %get3A_264, %mul3A_266 : vector<16xi32>
      %get3A_268 = arith.constant 288 : index
      %get3A_269 = tpu.vector_load %arg10[%get3A_268] {strides = array<i32>} : memref<1024xi32, #tpu.memory_space<vmem>>, vector<16xi32>,
      %add3A_270 = arith.addi %mul3A_267, %get3A_269 : vector<16xi32>
      %swap3A_271 = arith.constant 2 : i32
      %swap3A_272 = arith.index_cast %swap3A_271 : i32 to index
      %swap3A_273 = arith.constant 32 : index
      %swap3A_274 = tpu.vector_load %arg16[%swap3A_272, %swap3A_273] {strides = array<i32>} : memref<8x128xi32, #tpu.memory_space<vmem>>, vector<16xi32>,
      tpu.vector_store %arg16[%swap3A_272, %swap3A_273], %add3A_270 {strides = array<i32>} : memref<8x128xi32, #tpu.memory_space<vmem>>, vector<16xi32>,
      %get3A_275 = arith.constant 304 : index
      %get3A_276 = tpu.vector_load %arg9[%get3A_275] {strides = array<i32>} : memref<1024xi32, #tpu.memory_space<vmem>>, vector<16xi32>,
      %mul3A_277 = arith.constant 2048 : i32
      %mul3A_278 = vector.broadcast %mul3A_277 : i32 to vector<16xi32>
      %mul3A_279 = arith.muli %get3A_276, %mul3A_278 : vector<16xi32>
      %get3A_280 = arith.constant 304 : index
      %get3A_281 = tpu.vector_load %arg10[%get3A_280] {strides = array<i32>} : memref<1024xi32, #tpu.memory_space<vmem>>, vector<16xi32>,
      %add3A_282 = arith.addi %mul3A_279, %get3A_281 : vector<16xi32>
      %swap3A_283 = arith.constant 2 : i32
      %swap3A_284 = arith.index_cast %swap3A_283 : i32 to index
      %swap3A_285 = arith.constant 48 : index
      %swap3A_286 = tpu.vector_load %arg16[%swap3A_284, %swap3A_285] {strides = array<i32>} : memref<8x128xi32, #tpu.memory_space<vmem>>, vector<16xi32>,
      tpu.vector_store %arg16[%swap3A_284, %swap3A_285], %add3A_282 {strides = array<i32>} : memref<8x128xi32, #tpu.memory_space<vmem>>, vector<16xi32>,
      %get3A_287 = arith.constant 320 : index
      %get3A_288 = tpu.vector_load %arg9[%get3A_287] {strides = array<i32>} : memref<1024xi32, #tpu.memory_space<vmem>>, vector<16xi32>,
      %mul3A_289 = arith.constant 2048 : i32
      %mul3A_290 = vector.broadcast %mul3A_289 : i32 to vector<16xi32>
      %mul3A_291 = arith.muli %get3A_288, %mul3A_290 : vector<16xi32>
      %get3A_292 = arith.constant 320 : index
      %get3A_293 = tpu.vector_load %arg10[%get3A_292] {strides = array<i32>} : memref<1024xi32, #tpu.memory_space<vmem>>, vector<16xi32>,
      %add3A_294 = arith.addi %mul3A_291, %get3A_293 : vector<16xi32>
      %swap3A_295 = arith.constant 2 : i32
      %swap3A_296 = arith.index_cast %swap3A_295 : i32 to index
      %swap3A_297 = arith.constant 64 : index
      %swap3A_298 = tpu.vector_load %arg16[%swap3A_296, %swap3A_297] {strides = array<i32>} : memref<8x128xi32, #tpu.memory_space<vmem>>, vector<16xi32>,
      tpu.vector_store %arg16[%swap3A_296, %swap3A_297], %add3A_294 {strides = array<i32>} : memref<8x128xi32, #tpu.memory_space<vmem>>, vector<16xi32>,
      %get3A_299 = arith.constant 336 : index
      %get3A_300 = tpu.vector_load %arg9[%get3A_299] {strides = array<i32>} : memref<1024xi32, #tpu.memory_space<vmem>>, vector<16xi32>,
      %mul3A_301 = arith.constant 2048 : i32
      %mul3A_302 = vector.broadcast %mul3A_301 : i32 to vector<16xi32>
      %mul3A_303 = arith.muli %get3A_300, %mul3A_302 : vector<16xi32>
      %get3A_304 = arith.constant 336 : index
      %get3A_305 = tpu.vector_load %arg10[%get3A_304] {strides = array<i32>} : memref<1024xi32, #tpu.memory_space<vmem>>, vector<16xi32>,
      %add3A_306 = arith.addi %mul3A_303, %get3A_305 : vector<16xi32>
      %swap3A_307 = arith.constant 2 : i32
      %swap3A_308 = arith.index_cast %swap3A_307 : i32 to index
      %swap3A_309 = arith.constant 80 : index
      %swap3A_310 = tpu.vector_load %arg16[%swap3A_308, %swap3A_309] {strides = array<i32>} : memref<8x128xi32, #tpu.memory_space<vmem>>, vector<16xi32>,
      tpu.vector_store %arg16[%swap3A_308, %swap3A_309], %add3A_306 {strides = array<i32>} : memref<8x128xi32, #tpu.memory_space<vmem>>, vector<16xi32>,
      %get3A_311 = arith.constant 352 : index
      %get3A_312 = tpu.vector_load %arg9[%get3A_311] {strides = array<i32>} : memref<1024xi32, #tpu.memory_space<vmem>>, vector<16xi32>,
      %mul3A_313 = arith.constant 2048 : i32
      %mul3A_314 = vector.broadcast %mul3A_313 : i32 to vector<16xi32>
      %mul3A_315 = arith.muli %get3A_312, %mul3A_314 : vector<16xi32>
      %get3A_316 = arith.constant 352 : index
      %get3A_317 = tpu.vector_load %arg10[%get3A_316] {strides = array<i32>} : memref<1024xi32, #tpu.memory_space<vmem>>, vector<16xi32>,
      %add3A_318 = arith.addi %mul3A_315, %get3A_317 : vector<16xi32>
      %swap3A_319 = arith.constant 2 : i32
      %swap3A_320 = arith.index_cast %swap3A_319 : i32 to index
      %swap3A_321 = arith.constant 96 : index
      %swap3A_322 = tpu.vector_load %arg16[%swap3A_320, %swap3A_321] {strides = array<i32>} : memref<8x128xi32, #tpu.memory_space<vmem>>, vector<16xi32>,
      tpu.vector_store %arg16[%swap3A_320, %swap3A_321], %add3A_318 {strides = array<i32>} : memref<8x128xi32, #tpu.memory_space<vmem>>, vector<16xi32>,
      %get3A_323 = arith.constant 368 : index
      %get3A_324 = tpu.vector_load %arg9[%get3A_323] {strides = array<i32>} : memref<1024xi32, #tpu.memory_space<vmem>>, vector<16xi32>,
      %mul3A_325 = arith.constant 2048 : i32
      %mul3A_326 = vector.broadcast %mul3A_325 : i32 to vector<16xi32>
      %mul3A_327 = arith.muli %get3A_324, %mul3A_326 : vector<16xi32>
      %get3A_328 = arith.constant 368 : index
      %get3A_329 = tpu.vector_load %arg10[%get3A_328] {strides = array<i32>} : memref<1024xi32, #tpu.memory_space<vmem>>, vector<16xi32>,
      %add3A_330 = arith.addi %mul3A_327, %get3A_329 : vector<16xi32>
      %swap3A_331 = arith.constant 2 : i32
      %swap3A_332 = arith.index_cast %swap3A_331 : i32 to index
      %swap3A_333 = arith.constant 112 : index
      %swap3A_334 = tpu.vector_load %arg16[%swap3A_332, %swap3A_333] {strides = array<i32>} : memref<8x128xi32, #tpu.memory_space<vmem>>, vector<16xi32>,
      tpu.vector_store %arg16[%swap3A_332, %swap3A_333], %add3A_330 {strides = array<i32>} : memref<8x128xi32, #tpu.memory_space<vmem>>, vector<16xi32>,
      %get3A_335 = arith.constant 384 : index
      %get3A_336 = tpu.vector_load %arg9[%get3A_335] {strides = array<i32>} : memref<1024xi32, #tpu.memory_space<vmem>>, vector<16xi32>,
      %mul3A_337 = arith.constant 2048 : i32
      %mul3A_338 = vector.broadcast %mul3A_337 : i32 to vector<16xi32>
      %mul3A_339 = arith.muli %get3A_336, %mul3A_338 : vector<16xi32>
      %get3A_340 = arith.constant 384 : index
      %get3A_341 = tpu.vector_load %arg10[%get3A_340] {strides = array<i32>} : memref<1024xi32, #tpu.memory_space<vmem>>, vector<16xi32>,
      %add3A_342 = arith.addi %mul3A_339, %get3A_341 : vector<16xi32>
      %swap3A_343 = arith.constant 3 : i32
      %swap3A_344 = arith.index_cast %swap3A_343 : i32 to index
      %swap3A_345 = arith.constant 0 : index
      %swap3A_346 = tpu.vector_load %arg16[%swap3A_344, %swap3A_345] {strides = array<i32>} : memref<8x128xi32, #tpu.memory_space<vmem>>, vector<16xi32>,
      tpu.vector_store %arg16[%swap3A_344, %swap3A_345], %add3A_342 {strides = array<i32>} : memref<8x128xi32, #tpu.memory_space<vmem>>, vector<16xi32>,
      %get3A_347 = arith.constant 400 : index
      %get3A_348 = tpu.vector_load %arg9[%get3A_347] {strides = array<i32>} : memref<1024xi32, #tpu.memory_space<vmem>>, vector<16xi32>,
      %mul3A_349 = arith.constant 2048 : i32
      %mul3A_350 = vector.broadcast %mul3A_349 : i32 to vector<16xi32>
      %mul3A_351 = arith.muli %get3A_348, %mul3A_350 : vector<16xi32>
      %get3A_352 = arith.constant 400 : index
      %get3A_353 = tpu.vector_load %arg10[%get3A_352] {strides = array<i32>} : memref<1024xi32, #tpu.memory_space<vmem>>, vector<16xi32>,
      %add3A_354 = arith.addi %mul3A_351, %get3A_353 : vector<16xi32>
      %swap3A_355 = arith.constant 3 : i32
      %swap3A_356 = arith.index_cast %swap3A_355 : i32 to index
      %swap3A_357 = arith.constant 16 : index
      %swap3A_358 = tpu.vector_load %arg16[%swap3A_356, %swap3A_357] {strides = array<i32>} : memref<8x128xi32, #tpu.memory_space<vmem>>, vector<16xi32>,
      tpu.vector_store %arg16[%swap3A_356, %swap3A_357], %add3A_354 {strides = array<i32>} : memref<8x128xi32, #tpu.memory_space<vmem>>, vector<16xi32>,
      %get3A_359 = arith.constant 416 : index
      %get3A_360 = tpu.vector_load %arg9[%get3A_359] {strides = array<i32>} : memref<1024xi32, #tpu.memory_space<vmem>>, vector<16xi32>,
      %mul3A_361 = arith.constant 2048 : i32
      %mul3A_362 = vector.broadcast %mul3A_361 : i32 to vector<16xi32>
      %mul3A_363 = arith.muli %get3A_360, %mul3A_362 : vector<16xi32>
      %get3A_364 = arith.constant 416 : index
      %get3A_365 = tpu.vector_load %arg10[%get3A_364] {strides = array<i32>} : memref<1024xi32, #tpu.memory_space<vmem>>, vector<16xi32>,
      %add3A_366 = arith.addi %mul3A_363, %get3A_365 : vector<16xi32>
      %swap3A_367 = arith.constant 3 : i32
      %swap3A_368 = arith.index_cast %swap3A_367 : i32 to index
      %swap3A_369 = arith.constant 32 : index
      %swap3A_370 = tpu.vector_load %arg16[%swap3A_368, %swap3A_369] {strides = array<i32>} : memref<8x128xi32, #tpu.memory_space<vmem>>, vector<16xi32>,
      tpu.vector_store %arg16[%swap3A_368, %swap3A_369], %add3A_366 {strides = array<i32>} : memref<8x128xi32, #tpu.memory_space<vmem>>, vector<16xi32>,
      %get3A_371 = arith.constant 432 : index
      %get3A_372 = tpu.vector_load %arg9[%get3A_371] {strides = array<i32>} : memref<1024xi32, #tpu.memory_space<vmem>>, vector<16xi32>,
      %mul3A_373 = arith.constant 2048 : i32
      %mul3A_374 = vector.broadcast %mul3A_373 : i32 to vector<16xi32>
      %mul3A_375 = arith.muli %get3A_372, %mul3A_374 : vector<16xi32>
      %get3A_376 = arith.constant 432 : index
      %get3A_377 = tpu.vector_load %arg10[%get3A_376] {strides = array<i32>} : memref<1024xi32, #tpu.memory_space<vmem>>, vector<16xi32>,
      %add3A_378 = arith.addi %mul3A_375, %get3A_377 : vector<16xi32>
      %swap3A_379 = arith.constant 3 : i32
      %swap3A_380 = arith.index_cast %swap3A_379 : i32 to index
      %swap3A_381 = arith.constant 48 : index
      %swap3A_382 = tpu.vector_load %arg16[%swap3A_380, %swap3A_381] {strides = array<i32>} : memref<8x128xi32, #tpu.memory_space<vmem>>, vector<16xi32>,
      tpu.vector_store %arg16[%swap3A_380, %swap3A_381], %add3A_378 {strides = array<i32>} : memref<8x128xi32, #tpu.memory_space<vmem>>, vector<16xi32>,
      %get3A_383 = arith.constant 448 : index
      %get3A_384 = tpu.vector_load %arg9[%get3A_383] {strides = array<i32>} : memref<1024xi32, #tpu.memory_space<vmem>>, vector<16xi32>,
      %mul3A_385 = arith.constant 2048 : i32
      %mul3A_386 = vector.broadcast %mul3A_385 : i32 to vector<16xi32>
      %mul3A_387 = arith.muli %get3A_384, %mul3A_386 : vector<16xi32>
      %get3A_388 = arith.constant 448 : index
      %get3A_389 = tpu.vector_load %arg10[%get3A_388] {strides = array<i32>} : memref<1024xi32, #tpu.memory_space<vmem>>, vector<16xi32>,
      %add3A_390 = arith.addi %mul3A_387, %get3A_389 : vector<16xi32>
      %swap3A_391 = arith.constant 3 : i32
      %swap3A_392 = arith.index_cast %swap3A_391 : i32 to index
      %swap3A_393 = arith.constant 64 : index
      %swap3A_394 = tpu.vector_load %arg16[%swap3A_392, %swap3A_393] {strides = array<i32>} : memref<8x128xi32, #tpu.memory_space<vmem>>, vector<16xi32>,
      tpu.vector_store %arg16[%swap3A_392, %swap3A_393], %add3A_390 {strides = array<i32>} : memref<8x128xi32, #tpu.memory_space<vmem>>, vector<16xi32>,
      %get3A_395 = arith.constant 464 : index
      %get3A_396 = tpu.vector_load %arg9[%get3A_395] {strides = array<i32>} : memref<1024xi32, #tpu.memory_space<vmem>>, vector<16xi32>,
      %mul3A_397 = arith.constant 2048 : i32
      %mul3A_398 = vector.broadcast %mul3A_397 : i32 to vector<16xi32>
      %mul3A_399 = arith.muli %get3A_396, %mul3A_398 : vector<16xi32>
      %get3A_400 = arith.constant 464 : index
      %get3A_401 = tpu.vector_load %arg10[%get3A_400] {strides = array<i32>} : memref<1024xi32, #tpu.memory_space<vmem>>, vector<16xi32>,
      %add3A_402 = arith.addi %mul3A_399, %get3A_401 : vector<16xi32>
      %swap3A_403 = arith.constant 3 : i32
      %swap3A_404 = arith.index_cast %swap3A_403 : i32 to index
      %swap3A_405 = arith.constant 80 : index
      %swap3A_406 = tpu.vector_load %arg16[%swap3A_404, %swap3A_405] {strides = array<i32>} : memref<8x128xi32, #tpu.memory_space<vmem>>, vector<16xi32>,
      tpu.vector_store %arg16[%swap3A_404, %swap3A_405], %add3A_402 {strides = array<i32>} : memref<8x128xi32, #tpu.memory_space<vmem>>, vector<16xi32>,
      %get3A_407 = arith.constant 480 : index
      %get3A_408 = tpu.vector_load %arg9[%get3A_407] {strides = array<i32>} : memref<1024xi32, #tpu.memory_space<vmem>>, vector<16xi32>,
      %mul3A_409 = arith.constant 2048 : i32
      %mul3A_410 = vector.broadcast %mul3A_409 : i32 to vector<16xi32>
      %mul3A_411 = arith.muli %get3A_408, %mul3A_410 : vector<16xi32>
      %get3A_412 = arith.constant 480 : index
      %get3A_413 = tpu.vector_load %arg10[%get3A_412] {strides = array<i32>} : memref<1024xi32, #tpu.memory_space<vmem>>, vector<16xi32>,
      %add3A_414 = arith.addi %mul3A_411, %get3A_413 : vector<16xi32>
      %swap3A_415 = arith.constant 3 : i32
      %swap3A_416 = arith.index_cast %swap3A_415 : i32 to index
      %swap3A_417 = arith.constant 96 : index
      %swap3A_418 = tpu.vector_load %arg16[%swap3A_416, %swap3A_417] {strides = array<i32>} : memref<8x128xi32, #tpu.memory_space<vmem>>, vector<16xi32>,
      tpu.vector_store %arg16[%swap3A_416, %swap3A_417], %add3A_414 {strides = array<i32>} : memref<8x128xi32, #tpu.memory_space<vmem>>, vector<16xi32>,
      %get3A_419 = arith.constant 496 : index
      %get3A_420 = tpu.vector_load %arg9[%get3A_419] {strides = array<i32>} : memref<1024xi32, #tpu.memory_space<vmem>>, vector<16xi32>,
      %mul3A_421 = arith.constant 2048 : i32
      %mul3A_422 = vector.broadcast %mul3A_421 : i32 to vector<16xi32>
      %mul3A_423 = arith.muli %get3A_420, %mul3A_422 : vector<16xi32>
      %get3A_424 = arith.constant 496 : index
      %get3A_425 = tpu.vector_load %arg10[%get3A_424] {strides = array<i32>} : memref<1024xi32, #tpu.memory_space<vmem>>, vector<16xi32>,
      %add3A_426 = arith.addi %mul3A_423, %get3A_425 : vector<16xi32>
      %swap3A_427 = arith.constant 3 : i32
      %swap3A_428 = arith.index_cast %swap3A_427 : i32 to index
      %swap3A_429 = arith.constant 112 : index
      %swap3A_430 = tpu.vector_load %arg16[%swap3A_428, %swap3A_429] {strides = array<i32>} : memref<8x128xi32, #tpu.memory_space<vmem>>, vector<16xi32>,
      tpu.vector_store %arg16[%swap3A_428, %swap3A_429], %add3A_426 {strides = array<i32>} : memref<8x128xi32, #tpu.memory_space<vmem>>, vector<16xi32>,
      %get3A_431 = arith.constant 512 : index
      %get3A_432 = tpu.vector_load %arg9[%get3A_431] {strides = array<i32>} : memref<1024xi32, #tpu.memory_space<vmem>>, vector<16xi32>,
      %mul3A_433 = arith.constant 2048 : i32
      %mul3A_434 = vector.broadcast %mul3A_433 : i32 to vector<16xi32>
      %mul3A_435 = arith.muli %get3A_432, %mul3A_434 : vector<16xi32>
      %get3A_436 = arith.constant 512 : index
      %get3A_437 = tpu.vector_load %arg10[%get3A_436] {strides = array<i32>} : memref<1024xi32, #tpu.memory_space<vmem>>, vector<16xi32>,
      %add3A_438 = arith.addi %mul3A_435, %get3A_437 : vector<16xi32>
      %swap3A_439 = arith.constant 4 : i32
      %swap3A_440 = arith.index_cast %swap3A_439 : i32 to index
      %swap3A_441 = arith.constant 0 : index
      %swap3A_442 = tpu.vector_load %arg16[%swap3A_440, %swap3A_441] {strides = array<i32>} : memref<8x128xi32, #tpu.memory_space<vmem>>, vector<16xi32>,
      tpu.vector_store %arg16[%swap3A_440, %swap3A_441], %add3A_438 {strides = array<i32>} : memref<8x128xi32, #tpu.memory_space<vmem>>, vector<16xi32>,
      %get3A_443 = arith.constant 528 : index
      %get3A_444 = tpu.vector_load %arg9[%get3A_443] {strides = array<i32>} : memref<1024xi32, #tpu.memory_space<vmem>>, vector<16xi32>,
      %mul3A_445 = arith.constant 2048 : i32
      %mul3A_446 = vector.broadcast %mul3A_445 : i32 to vector<16xi32>
      %mul3A_447 = arith.muli %get3A_444, %mul3A_446 : vector<16xi32>
      %get3A_448 = arith.constant 528 : index
      %get3A_449 = tpu.vector_load %arg10[%get3A_448] {strides = array<i32>} : memref<1024xi32, #tpu.memory_space<vmem>>, vector<16xi32>,
      %add3A_450 = arith.addi %mul3A_447, %get3A_449 : vector<16xi32>
      %swap3A_451 = arith.constant 4 : i32
      %swap3A_452 = arith.index_cast %swap3A_451 : i32 to index
      %swap3A_453 = arith.constant 16 : index
      %swap3A_454 = tpu.vector_load %arg16[%swap3A_452, %swap3A_453] {strides = array<i32>} : memref<8x128xi32, #tpu.memory_space<vmem>>, vector<16xi32>,
      tpu.vector_store %arg16[%swap3A_452, %swap3A_453], %add3A_450 {strides = array<i32>} : memref<8x128xi32, #tpu.memory_space<vmem>>, vector<16xi32>,
      %get3A_455 = arith.constant 544 : index
      %get3A_456 = tpu.vector_load %arg9[%get3A_455] {strides = array<i32>} : memref<1024xi32, #tpu.memory_space<vmem>>, vector<16xi32>,
      %mul3A_457 = arith.constant 2048 : i32
      %mul3A_458 = vector.broadcast %mul3A_457 : i32 to vector<16xi32>
      %mul3A_459 = arith.muli %get3A_456, %mul3A_458 : vector<16xi32>
      %get3A_460 = arith.constant 544 : index
      %get3A_461 = tpu.vector_load %arg10[%get3A_460] {strides = array<i32>} : memref<1024xi32, #tpu.memory_space<vmem>>, vector<16xi32>,
      %add3A_462 = arith.addi %mul3A_459, %get3A_461 : vector<16xi32>
      %swap3A_463 = arith.constant 4 : i32
      %swap3A_464 = arith.index_cast %swap3A_463 : i32 to index
      %swap3A_465 = arith.constant 32 : index
      %swap3A_466 = tpu.vector_load %arg16[%swap3A_464, %swap3A_465] {strides = array<i32>} : memref<8x128xi32, #tpu.memory_space<vmem>>, vector<16xi32>,
      tpu.vector_store %arg16[%swap3A_464, %swap3A_465], %add3A_462 {strides = array<i32>} : memref<8x128xi32, #tpu.memory_space<vmem>>, vector<16xi32>,
      %get3A_467 = arith.constant 560 : index
      %get3A_468 = tpu.vector_load %arg9[%get3A_467] {strides = array<i32>} : memref<1024xi32, #tpu.memory_space<vmem>>, vector<16xi32>,
      %mul3A_469 = arith.constant 2048 : i32
      %mul3A_470 = vector.broadcast %mul3A_469 : i32 to vector<16xi32>
      %mul3A_471 = arith.muli %get3A_468, %mul3A_470 : vector<16xi32>
      %get3A_472 = arith.constant 560 : index
      %get3A_473 = tpu.vector_load %arg10[%get3A_472] {strides = array<i32>} : memref<1024xi32, #tpu.memory_space<vmem>>, vector<16xi32>,
      %add3A_474 = arith.addi %mul3A_471, %get3A_473 : vector<16xi32>
      %swap3A_475 = arith.constant 4 : i32
      %swap3A_476 = arith.index_cast %swap3A_475 : i32 to index
      %swap3A_477 = arith.constant 48 : index
      %swap3A_478 = tpu.vector_load %arg16[%swap3A_476, %swap3A_477] {strides = array<i32>} : memref<8x128xi32, #tpu.memory_space<vmem>>, vector<16xi32>,
      tpu.vector_store %arg16[%swap3A_476, %swap3A_477], %add3A_474 {strides = array<i32>} : memref<8x128xi32, #tpu.memory_space<vmem>>, vector<16xi32>,
      %get3A_479 = arith.constant 576 : index
      %get3A_480 = tpu.vector_load %arg9[%get3A_479] {strides = array<i32>} : memref<1024xi32, #tpu.memory_space<vmem>>, vector<16xi32>,
      %mul3A_481 = arith.constant 2048 : i32
      %mul3A_482 = vector.broadcast %mul3A_481 : i32 to vector<16xi32>
      %mul3A_483 = arith.muli %get3A_480, %mul3A_482 : vector<16xi32>
      %get3A_484 = arith.constant 576 : index
      %get3A_485 = tpu.vector_load %arg10[%get3A_484] {strides = array<i32>} : memref<1024xi32, #tpu.memory_space<vmem>>, vector<16xi32>,
      %add3A_486 = arith.addi %mul3A_483, %get3A_485 : vector<16xi32>
      %swap3A_487 = arith.constant 4 : i32
      %swap3A_488 = arith.index_cast %swap3A_487 : i32 to index
      %swap3A_489 = arith.constant 64 : index
      %swap3A_490 = tpu.vector_load %arg16[%swap3A_488, %swap3A_489] {strides = array<i32>} : memref<8x128xi32, #tpu.memory_space<vmem>>, vector<16xi32>,
      tpu.vector_store %arg16[%swap3A_488, %swap3A_489], %add3A_486 {strides = array<i32>} : memref<8x128xi32, #tpu.memory_space<vmem>>, vector<16xi32>,
      %get3A_491 = arith.constant 592 : index
      %get3A_492 = tpu.vector_load %arg9[%get3A_491] {strides = array<i32>} : memref<1024xi32, #tpu.memory_space<vmem>>, vector<16xi32>,
      %mul3A_493 = arith.constant 2048 : i32
      %mul3A_494 = vector.broadcast %mul3A_493 : i32 to vector<16xi32>
      %mul3A_495 = arith.muli %get3A_492, %mul3A_494 : vector<16xi32>
      %get3A_496 = arith.constant 592 : index
      %get3A_497 = tpu.vector_load %arg10[%get3A_496] {strides = array<i32>} : memref<1024xi32, #tpu.memory_space<vmem>>, vector<16xi32>,
      %add3A_498 = arith.addi %mul3A_495, %get3A_497 : vector<16xi32>
      %swap3A_499 = arith.constant 4 : i32
      %swap3A_500 = arith.index_cast %swap3A_499 : i32 to index
      %swap3A_501 = arith.constant 80 : index
      %swap3A_502 = tpu.vector_load %arg16[%swap3A_500, %swap3A_501] {strides = array<i32>} : memref<8x128xi32, #tpu.memory_space<vmem>>, vector<16xi32>,
      tpu.vector_store %arg16[%swap3A_500, %swap3A_501], %add3A_498 {strides = array<i32>} : memref<8x128xi32, #tpu.memory_space<vmem>>, vector<16xi32>,
      %get3A_503 = arith.constant 608 : index
      %get3A_504 = tpu.vector_load %arg9[%get3A_503] {strides = array<i32>} : memref<1024xi32, #tpu.memory_space<vmem>>, vector<16xi32>,
      %mul3A_505 = arith.constant 2048 : i32
      %mul3A_506 = vector.broadcast %mul3A_505 : i32 to vector<16xi32>
      %mul3A_507 = arith.muli %get3A_504, %mul3A_506 : vector<16xi32>
      %get3A_508 = arith.constant 608 : index
      %get3A_509 = tpu.vector_load %arg10[%get3A_508] {strides = array<i32>} : memref<1024xi32, #tpu.memory_space<vmem>>, vector<16xi32>,
      %add3A_510 = arith.addi %mul3A_507, %get3A_509 : vector<16xi32>
      %swap3A_511 = arith.constant 4 : i32
      %swap3A_512 = arith.index_cast %swap3A_511 : i32 to index
      %swap3A_513 = arith.constant 96 : index
      %swap3A_514 = tpu.vector_load %arg16[%swap3A_512, %swap3A_513] {strides = array<i32>} : memref<8x128xi32, #tpu.memory_space<vmem>>, vector<16xi32>,
      tpu.vector_store %arg16[%swap3A_512, %swap3A_513], %add3A_510 {strides = array<i32>} : memref<8x128xi32, #tpu.memory_space<vmem>>, vector<16xi32>,
      %get3A_515 = arith.constant 624 : index
      %get3A_516 = tpu.vector_load %arg9[%get3A_515] {strides = array<i32>} : memref<1024xi32, #tpu.memory_space<vmem>>, vector<16xi32>,
      %mul3A_517 = arith.constant 2048 : i32
      %mul3A_518 = vector.broadcast %mul3A_517 : i32 to vector<16xi32>
      %mul3A_519 = arith.muli %get3A_516, %mul3A_518 : vector<16xi32>
      %get3A_520 = arith.constant 624 : index
      %get3A_521 = tpu.vector_load %arg10[%get3A_520] {strides = array<i32>} : memref<1024xi32, #tpu.memory_space<vmem>>, vector<16xi32>,
      %add3A_522 = arith.addi %mul3A_519, %get3A_521 : vector<16xi32>
      %swap3A_523 = arith.constant 4 : i32
      %swap3A_524 = arith.index_cast %swap3A_523 : i32 to index
      %swap3A_525 = arith.constant 112 : index
      %swap3A_526 = tpu.vector_load %arg16[%swap3A_524, %swap3A_525] {strides = array<i32>} : memref<8x128xi32, #tpu.memory_space<vmem>>, vector<16xi32>,
      tpu.vector_store %arg16[%swap3A_524, %swap3A_525], %add3A_522 {strides = array<i32>} : memref<8x128xi32, #tpu.memory_space<vmem>>, vector<16xi32>,
      %get3A_527 = arith.constant 640 : index
      %get3A_528 = tpu.vector_load %arg9[%get3A_527] {strides = array<i32>} : memref<1024xi32, #tpu.memory_space<vmem>>, vector<16xi32>,
      %mul3A_529 = arith.constant 2048 : i32
      %mul3A_530 = vector.broadcast %mul3A_529 : i32 to vector<16xi32>
      %mul3A_531 = arith.muli %get3A_528, %mul3A_530 : vector<16xi32>
      %get3A_532 = arith.constant 640 : index
      %get3A_533 = tpu.vector_load %arg10[%get3A_532] {strides = array<i32>} : memref<1024xi32, #tpu.memory_space<vmem>>, vector<16xi32>,
      %add3A_534 = arith.addi %mul3A_531, %get3A_533 : vector<16xi32>
      %swap3A_535 = arith.constant 5 : i32
      %swap3A_536 = arith.index_cast %swap3A_535 : i32 to index
      %swap3A_537 = arith.constant 0 : index
      %swap3A_538 = tpu.vector_load %arg16[%swap3A_536, %swap3A_537] {strides = array<i32>} : memref<8x128xi32, #tpu.memory_space<vmem>>, vector<16xi32>,
      tpu.vector_store %arg16[%swap3A_536, %swap3A_537], %add3A_534 {strides = array<i32>} : memref<8x128xi32, #tpu.memory_space<vmem>>, vector<16xi32>,
      %get3A_539 = arith.constant 656 : index
      %get3A_540 = tpu.vector_load %arg9[%get3A_539] {strides = array<i32>} : memref<1024xi32, #tpu.memory_space<vmem>>, vector<16xi32>,
      %mul3A_541 = arith.constant 2048 : i32
      %mul3A_542 = vector.broadcast %mul3A_541 : i32 to vector<16xi32>
      %mul3A_543 = arith.muli %get3A_540, %mul3A_542 : vector<16xi32>
      %get3A_544 = arith.constant 656 : index
      %get3A_545 = tpu.vector_load %arg10[%get3A_544] {strides = array<i32>} : memref<1024xi32, #tpu.memory_space<vmem>>, vector<16xi32>,
      %add3A_546 = arith.addi %mul3A_543, %get3A_545 : vector<16xi32>
      %swap3A_547 = arith.constant 5 : i32
      %swap3A_548 = arith.index_cast %swap3A_547 : i32 to index
      %swap3A_549 = arith.constant 16 : index
      %swap3A_550 = tpu.vector_load %arg16[%swap3A_548, %swap3A_549] {strides = array<i32>} : memref<8x128xi32, #tpu.memory_space<vmem>>, vector<16xi32>,
      tpu.vector_store %arg16[%swap3A_548, %swap3A_549], %add3A_546 {strides = array<i32>} : memref<8x128xi32, #tpu.memory_space<vmem>>, vector<16xi32>,
      %get3A_551 = arith.constant 672 : index
      %get3A_552 = tpu.vector_load %arg9[%get3A_551] {strides = array<i32>} : memref<1024xi32, #tpu.memory_space<vmem>>, vector<16xi32>,
      %mul3A_553 = arith.constant 2048 : i32
      %mul3A_554 = vector.broadcast %mul3A_553 : i32 to vector<16xi32>
      %mul3A_555 = arith.muli %get3A_552, %mul3A_554 : vector<16xi32>
      %get3A_556 = arith.constant 672 : index
      %get3A_557 = tpu.vector_load %arg10[%get3A_556] {strides = array<i32>} : memref<1024xi32, #tpu.memory_space<vmem>>, vector<16xi32>,
      %add3A_558 = arith.addi %mul3A_555, %get3A_557 : vector<16xi32>
      %swap3A_559 = arith.constant 5 : i32
      %swap3A_560 = arith.index_cast %swap3A_559 : i32 to index
      %swap3A_561 = arith.constant 32 : index
      %swap3A_562 = tpu.vector_load %arg16[%swap3A_560, %swap3A_561] {strides = array<i32>} : memref<8x128xi32, #tpu.memory_space<vmem>>, vector<16xi32>,
      tpu.vector_store %arg16[%swap3A_560, %swap3A_561], %add3A_558 {strides = array<i32>} : memref<8x128xi32, #tpu.memory_space<vmem>>, vector<16xi32>,
      %get3A_563 = arith.constant 688 : index
      %get3A_564 = tpu.vector_load %arg9[%get3A_563] {strides = array<i32>} : memref<1024xi32, #tpu.memory_space<vmem>>, vector<16xi32>,
      %mul3A_565 = arith.constant 2048 : i32
      %mul3A_566 = vector.broadcast %mul3A_565 : i32 to vector<16xi32>
      %mul3A_567 = arith.muli %get3A_564, %mul3A_566 : vector<16xi32>
      %get3A_568 = arith.constant 688 : index
      %get3A_569 = tpu.vector_load %arg10[%get3A_568] {strides = array<i32>} : memref<1024xi32, #tpu.memory_space<vmem>>, vector<16xi32>,
      %add3A_570 = arith.addi %mul3A_567, %get3A_569 : vector<16xi32>
      %swap3A_571 = arith.constant 5 : i32
      %swap3A_572 = arith.index_cast %swap3A_571 : i32 to index
      %swap3A_573 = arith.constant 48 : index
      %swap3A_574 = tpu.vector_load %arg16[%swap3A_572, %swap3A_573] {strides = array<i32>} : memref<8x128xi32, #tpu.memory_space<vmem>>, vector<16xi32>,
      tpu.vector_store %arg16[%swap3A_572, %swap3A_573], %add3A_570 {strides = array<i32>} : memref<8x128xi32, #tpu.memory_space<vmem>>, vector<16xi32>,
      %get3A_575 = arith.constant 704 : index
      %get3A_576 = tpu.vector_load %arg9[%get3A_575] {strides = array<i32>} : memref<1024xi32, #tpu.memory_space<vmem>>, vector<16xi32>,
      %mul3A_577 = arith.constant 2048 : i32
      %mul3A_578 = vector.broadcast %mul3A_577 : i32 to vector<16xi32>
      %mul3A_579 = arith.muli %get3A_576, %mul3A_578 : vector<16xi32>
      %get3A_580 = arith.constant 704 : index
      %get3A_581 = tpu.vector_load %arg10[%get3A_580] {strides = array<i32>} : memref<1024xi32, #tpu.memory_space<vmem>>, vector<16xi32>,
      %add3A_582 = arith.addi %mul3A_579, %get3A_581 : vector<16xi32>
      %swap3A_583 = arith.constant 5 : i32
      %swap3A_584 = arith.index_cast %swap3A_583 : i32 to index
      %swap3A_585 = arith.constant 64 : index
      %swap3A_586 = tpu.vector_load %arg16[%swap3A_584, %swap3A_585] {strides = array<i32>} : memref<8x128xi32, #tpu.memory_space<vmem>>, vector<16xi32>,
      tpu.vector_store %arg16[%swap3A_584, %swap3A_585], %add3A_582 {strides = array<i32>} : memref<8x128xi32, #tpu.memory_space<vmem>>, vector<16xi32>,
      %get3A_587 = arith.constant 720 : index
      %get3A_588 = tpu.vector_load %arg9[%get3A_587] {strides = array<i32>} : memref<1024xi32, #tpu.memory_space<vmem>>, vector<16xi32>,
      %mul3A_589 = arith.constant 2048 : i32
      %mul3A_590 = vector.broadcast %mul3A_589 : i32 to vector<16xi32>
      %mul3A_591 = arith.muli %get3A_588, %mul3A_590 : vector<16xi32>
      %get3A_592 = arith.constant 720 : index
      %get3A_593 = tpu.vector_load %arg10[%get3A_592] {strides = array<i32>} : memref<1024xi32, #tpu.memory_space<vmem>>, vector<16xi32>,
      %add3A_594 = arith.addi %mul3A_591, %get3A_593 : vector<16xi32>
      %swap3A_595 = arith.constant 5 : i32
      %swap3A_596 = arith.index_cast %swap3A_595 : i32 to index
      %swap3A_597 = arith.constant 80 : index
      %swap3A_598 = tpu.vector_load %arg16[%swap3A_596, %swap3A_597] {strides = array<i32>} : memref<8x128xi32, #tpu.memory_space<vmem>>, vector<16xi32>,
      tpu.vector_store %arg16[%swap3A_596, %swap3A_597], %add3A_594 {strides = array<i32>} : memref<8x128xi32, #tpu.memory_space<vmem>>, vector<16xi32>,
      %get3A_599 = arith.constant 736 : index
      %get3A_600 = tpu.vector_load %arg9[%get3A_599] {strides = array<i32>} : memref<1024xi32, #tpu.memory_space<vmem>>, vector<16xi32>,
      %mul3A_601 = arith.constant 2048 : i32
      %mul3A_602 = vector.broadcast %mul3A_601 : i32 to vector<16xi32>
      %mul3A_603 = arith.muli %get3A_600, %mul3A_602 : vector<16xi32>
      %get3A_604 = arith.constant 736 : index
      %get3A_605 = tpu.vector_load %arg10[%get3A_604] {strides = array<i32>} : memref<1024xi32, #tpu.memory_space<vmem>>, vector<16xi32>,
      %add3A_606 = arith.addi %mul3A_603, %get3A_605 : vector<16xi32>
      %swap3A_607 = arith.constant 5 : i32
      %swap3A_608 = arith.index_cast %swap3A_607 : i32 to index
      %swap3A_609 = arith.constant 96 : index
      %swap3A_610 = tpu.vector_load %arg16[%swap3A_608, %swap3A_609] {strides = array<i32>} : memref<8x128xi32, #tpu.memory_space<vmem>>, vector<16xi32>,
      tpu.vector_store %arg16[%swap3A_608, %swap3A_609], %add3A_606 {strides = array<i32>} : memref<8x128xi32, #tpu.memory_space<vmem>>, vector<16xi32>,
      %get3A_611 = arith.constant 752 : index
      %get3A_612 = tpu.vector_load %arg9[%get3A_611] {strides = array<i32>} : memref<1024xi32, #tpu.memory_space<vmem>>, vector<16xi32>,
      %mul3A_613 = arith.constant 2048 : i32
      %mul3A_614 = vector.broadcast %mul3A_613 : i32 to vector<16xi32>
      %mul3A_615 = arith.muli %get3A_612, %mul3A_614 : vector<16xi32>
      %get3A_616 = arith.constant 752 : index
      %get3A_617 = tpu.vector_load %arg10[%get3A_616] {strides = array<i32>} : memref<1024xi32, #tpu.memory_space<vmem>>, vector<16xi32>,
      %add3A_618 = arith.addi %mul3A_615, %get3A_617 : vector<16xi32>
      %swap3A_619 = arith.constant 5 : i32
      %swap3A_620 = arith.index_cast %swap3A_619 : i32 to index
      %swap3A_621 = arith.constant 112 : index
      %swap3A_622 = tpu.vector_load %arg16[%swap3A_620, %swap3A_621] {strides = array<i32>} : memref<8x128xi32, #tpu.memory_space<vmem>>, vector<16xi32>,
      tpu.vector_store %arg16[%swap3A_620, %swap3A_621], %add3A_618 {strides = array<i32>} : memref<8x128xi32, #tpu.memory_space<vmem>>, vector<16xi32>,
      %get3A_623 = arith.constant 768 : index
      %get3A_624 = tpu.vector_load %arg9[%get3A_623] {strides = array<i32>} : memref<1024xi32, #tpu.memory_space<vmem>>, vector<16xi32>,
      %mul3A_625 = arith.constant 2048 : i32
      %mul3A_626 = vector.broadcast %mul3A_625 : i32 to vector<16xi32>
      %mul3A_627 = arith.muli %get3A_624, %mul3A_626 : vector<16xi32>
      %get3A_628 = arith.constant 768 : index
      %get3A_629 = tpu.vector_load %arg10[%get3A_628] {strides = array<i32>} : memref<1024xi32, #tpu.memory_space<vmem>>, vector<16xi32>,
      %add3A_630 = arith.addi %mul3A_627, %get3A_629 : vector<16xi32>
      %swap3A_631 = arith.constant 6 : i32
      %swap3A_632 = arith.index_cast %swap3A_631 : i32 to index
      %swap3A_633 = arith.constant 0 : index
      %swap3A_634 = tpu.vector_load %arg16[%swap3A_632, %swap3A_633] {strides = array<i32>} : memref<8x128xi32, #tpu.memory_space<vmem>>, vector<16xi32>,
      tpu.vector_store %arg16[%swap3A_632, %swap3A_633], %add3A_630 {strides = array<i32>} : memref<8x128xi32, #tpu.memory_space<vmem>>, vector<16xi32>,
      %get3A_635 = arith.constant 784 : index
      %get3A_636 = tpu.vector_load %arg9[%get3A_635] {strides = array<i32>} : memref<1024xi32, #tpu.memory_space<vmem>>, vector<16xi32>,
      %mul3A_637 = arith.constant 2048 : i32
      %mul3A_638 = vector.broadcast %mul3A_637 : i32 to vector<16xi32>
      %mul3A_639 = arith.muli %get3A_636, %mul3A_638 : vector<16xi32>
      %get3A_640 = arith.constant 784 : index
      %get3A_641 = tpu.vector_load %arg10[%get3A_640] {strides = array<i32>} : memref<1024xi32, #tpu.memory_space<vmem>>, vector<16xi32>,
      %add3A_642 = arith.addi %mul3A_639, %get3A_641 : vector<16xi32>
      %swap3A_643 = arith.constant 6 : i32
      %swap3A_644 = arith.index_cast %swap3A_643 : i32 to index
      %swap3A_645 = arith.constant 16 : index
      %swap3A_646 = tpu.vector_load %arg16[%swap3A_644, %swap3A_645] {strides = array<i32>} : memref<8x128xi32, #tpu.memory_space<vmem>>, vector<16xi32>,
      tpu.vector_store %arg16[%swap3A_644, %swap3A_645], %add3A_642 {strides = array<i32>} : memref<8x128xi32, #tpu.memory_space<vmem>>, vector<16xi32>,
      %get3A_647 = arith.constant 800 : index
      %get3A_648 = tpu.vector_load %arg9[%get3A_647] {strides = array<i32>} : memref<1024xi32, #tpu.memory_space<vmem>>, vector<16xi32>,
      %mul3A_649 = arith.constant 2048 : i32
      %mul3A_650 = vector.broadcast %mul3A_649 : i32 to vector<16xi32>
      %mul3A_651 = arith.muli %get3A_648, %mul3A_650 : vector<16xi32>
      %get3A_652 = arith.constant 800 : index
      %get3A_653 = tpu.vector_load %arg10[%get3A_652] {strides = array<i32>} : memref<1024xi32, #tpu.memory_space<vmem>>, vector<16xi32>,
      %add3A_654 = arith.addi %mul3A_651, %get3A_653 : vector<16xi32>
      %swap3A_655 = arith.constant 6 : i32
      %swap3A_656 = arith.index_cast %swap3A_655 : i32 to index
      %swap3A_657 = arith.constant 32 : index
      %swap3A_658 = tpu.vector_load %arg16[%swap3A_656, %swap3A_657] {strides = array<i32>} : memref<8x128xi32, #tpu.memory_space<vmem>>, vector<16xi32>,
      tpu.vector_store %arg16[%swap3A_656, %swap3A_657], %add3A_654 {strides = array<i32>} : memref<8x128xi32, #tpu.memory_space<vmem>>, vector<16xi32>,
      %get3A_659 = arith.constant 816 : index
      %get3A_660 = tpu.vector_load %arg9[%get3A_659] {strides = array<i32>} : memref<1024xi32, #tpu.memory_space<vmem>>, vector<16xi32>,
      %mul3A_661 = arith.constant 2048 : i32
      %mul3A_662 = vector.broadcast %mul3A_661 : i32 to vector<16xi32>
      %mul3A_663 = arith.muli %get3A_660, %mul3A_662 : vector<16xi32>
      %get3A_664 = arith.constant 816 : index
      %get3A_665 = tpu.vector_load %arg10[%get3A_664] {strides = array<i32>} : memref<1024xi32, #tpu.memory_space<vmem>>, vector<16xi32>,
      %add3A_666 = arith.addi %mul3A_663, %get3A_665 : vector<16xi32>
      %swap3A_667 = arith.constant 6 : i32
      %swap3A_668 = arith.index_cast %swap3A_667 : i32 to index
      %swap3A_669 = arith.constant 48 : index
      %swap3A_670 = tpu.vector_load %arg16[%swap3A_668, %swap3A_669] {strides = array<i32>} : memref<8x128xi32, #tpu.memory_space<vmem>>, vector<16xi32>,
      tpu.vector_store %arg16[%swap3A_668, %swap3A_669], %add3A_666 {strides = array<i32>} : memref<8x128xi32, #tpu.memory_space<vmem>>, vector<16xi32>,
      %get3A_671 = arith.constant 832 : index
      %get3A_672 = tpu.vector_load %arg9[%get3A_671] {strides = array<i32>} : memref<1024xi32, #tpu.memory_space<vmem>>, vector<16xi32>,
      %mul3A_673 = arith.constant 2048 : i32
      %mul3A_674 = vector.broadcast %mul3A_673 : i32 to vector<16xi32>
      %mul3A_675 = arith.muli %get3A_672, %mul3A_674 : vector<16xi32>
      %get3A_676 = arith.constant 832 : index
      %get3A_677 = tpu.vector_load %arg10[%get3A_676] {strides = array<i32>} : memref<1024xi32, #tpu.memory_space<vmem>>, vector<16xi32>,
      %add3A_678 = arith.addi %mul3A_675, %get3A_677 : vector<16xi32>
      %swap3A_679 = arith.constant 6 : i32
      %swap3A_680 = arith.index_cast %swap3A_679 : i32 to index
      %swap3A_681 = arith.constant 64 : index
      %swap3A_682 = tpu.vector_load %arg16[%swap3A_680, %swap3A_681] {strides = array<i32>} : memref<8x128xi32, #tpu.memory_space<vmem>>, vector<16xi32>,
      tpu.vector_store %arg16[%swap3A_680, %swap3A_681], %add3A_678 {strides = array<i32>} : memref<8x128xi32, #tpu.memory_space<vmem>>, vector<16xi32>,
      %get3A_683 = arith.constant 848 : index
      %get3A_684 = tpu.vector_load %arg9[%get3A_683] {strides = array<i32>} : memref<1024xi32, #tpu.memory_space<vmem>>, vector<16xi32>,
      %mul3A_685 = arith.constant 2048 : i32
      %mul3A_686 = vector.broadcast %mul3A_685 : i32 to vector<16xi32>
      %mul3A_687 = arith.muli %get3A_684, %mul3A_686 : vector<16xi32>
      %get3A_688 = arith.constant 848 : index
      %get3A_689 = tpu.vector_load %arg10[%get3A_688] {strides = array<i32>} : memref<1024xi32, #tpu.memory_space<vmem>>, vector<16xi32>,
      %add3A_690 = arith.addi %mul3A_687, %get3A_689 : vector<16xi32>
      %swap3A_691 = arith.constant 6 : i32
      %swap3A_692 = arith.index_cast %swap3A_691 : i32 to index
      %swap3A_693 = arith.constant 80 : index
      %swap3A_694 = tpu.vector_load %arg16[%swap3A_692, %swap3A_693] {strides = array<i32>} : memref<8x128xi32, #tpu.memory_space<vmem>>, vector<16xi32>,
      tpu.vector_store %arg16[%swap3A_692, %swap3A_693], %add3A_690 {strides = array<i32>} : memref<8x128xi32, #tpu.memory_space<vmem>>, vector<16xi32>,
      %get3A_695 = arith.constant 864 : index
      %get3A_696 = tpu.vector_load %arg9[%get3A_695] {strides = array<i32>} : memref<1024xi32, #tpu.memory_space<vmem>>, vector<16xi32>,
      %mul3A_697 = arith.constant 2048 : i32
      %mul3A_698 = vector.broadcast %mul3A_697 : i32 to vector<16xi32>
      %mul3A_699 = arith.muli %get3A_696, %mul3A_698 : vector<16xi32>
      %get3A_700 = arith.constant 864 : index
      %get3A_701 = tpu.vector_load %arg10[%get3A_700] {strides = array<i32>} : memref<1024xi32, #tpu.memory_space<vmem>>, vector<16xi32>,
      %add3A_702 = arith.addi %mul3A_699, %get3A_701 : vector<16xi32>
      %swap3A_703 = arith.constant 6 : i32
      %swap3A_704 = arith.index_cast %swap3A_703 : i32 to index
      %swap3A_705 = arith.constant 96 : index
      %swap3A_706 = tpu.vector_load %arg16[%swap3A_704, %swap3A_705] {strides = array<i32>} : memref<8x128xi32, #tpu.memory_space<vmem>>, vector<16xi32>,
      tpu.vector_store %arg16[%swap3A_704, %swap3A_705], %add3A_702 {strides = array<i32>} : memref<8x128xi32, #tpu.memory_space<vmem>>, vector<16xi32>,
      %get3A_707 = arith.constant 880 : index
      %get3A_708 = tpu.vector_load %arg9[%get3A_707] {strides = array<i32>} : memref<1024xi32, #tpu.memory_space<vmem>>, vector<16xi32>,
      %mul3A_709 = arith.constant 2048 : i32
      %mul3A_710 = vector.broadcast %mul3A_709 : i32 to vector<16xi32>
      %mul3A_711 = arith.muli %get3A_708, %mul3A_710 : vector<16xi32>
      %get3A_712 = arith.constant 880 : index
      %get3A_713 = tpu.vector_load %arg10[%get3A_712] {strides = array<i32>} : memref<1024xi32, #tpu.memory_space<vmem>>, vector<16xi32>,
      %add3A_714 = arith.addi %mul3A_711, %get3A_713 : vector<16xi32>
      %swap3A_715 = arith.constant 6 : i32
      %swap3A_716 = arith.index_cast %swap3A_715 : i32 to index
      %swap3A_717 = arith.constant 112 : index
      %swap3A_718 = tpu.vector_load %arg16[%swap3A_716, %swap3A_717] {strides = array<i32>} : memref<8x128xi32, #tpu.memory_space<vmem>>, vector<16xi32>,
      tpu.vector_store %arg16[%swap3A_716, %swap3A_717], %add3A_714 {strides = array<i32>} : memref<8x128xi32, #tpu.memory_space<vmem>>, vector<16xi32>,
      %get3A_719 = arith.constant 896 : index
      %get3A_720 = tpu.vector_load %arg9[%get3A_719] {strides = array<i32>} : memref<1024xi32, #tpu.memory_space<vmem>>, vector<16xi32>,
      %mul3A_721 = arith.constant 2048 : i32
      %mul3A_722 = vector.broadcast %mul3A_721 : i32 to vector<16xi32>
      %mul3A_723 = arith.muli %get3A_720, %mul3A_722 : vector<16xi32>
      %get3A_724 = arith.constant 896 : index
      %get3A_725 = tpu.vector_load %arg10[%get3A_724] {strides = array<i32>} : memref<1024xi32, #tpu.memory_space<vmem>>, vector<16xi32>,
      %add3A_726 = arith.addi %mul3A_723, %get3A_725 : vector<16xi32>
      %swap3A_727 = arith.constant 7 : i32
      %swap3A_728 = arith.index_cast %swap3A_727 : i32 to index
      %swap3A_729 = arith.constant 0 : index
      %swap3A_730 = tpu.vector_load %arg16[%swap3A_728, %swap3A_729] {strides = array<i32>} : memref<8x128xi32, #tpu.memory_space<vmem>>, vector<16xi32>,
      tpu.vector_store %arg16[%swap3A_728, %swap3A_729], %add3A_726 {strides = array<i32>} : memref<8x128xi32, #tpu.memory_space<vmem>>, vector<16xi32>,
      %get3A_731 = arith.constant 912 : index
      %get3A_732 = tpu.vector_load %arg9[%get3A_731] {strides = array<i32>} : memref<1024xi32, #tpu.memory_space<vmem>>, vector<16xi32>,
      %mul3A_733 = arith.constant 2048 : i32
      %mul3A_734 = vector.broadcast %mul3A_733 : i32 to vector<16xi32>
      %mul3A_735 = arith.muli %get3A_732, %mul3A_734 : vector<16xi32>
      %get3A_736 = arith.constant 912 : index
      %get3A_737 = tpu.vector_load %arg10[%get3A_736] {strides = array<i32>} : memref<1024xi32, #tpu.memory_space<vmem>>, vector<16xi32>,
      %add3A_738 = arith.addi %mul3A_735, %get3A_737 : vector<16xi32>
      %swap3A_739 = arith.constant 7 : i32
      %swap3A_740 = arith.index_cast %swap3A_739 : i32 to index
      %swap3A_741 = arith.constant 16 : index
      %swap3A_742 = tpu.vector_load %arg16[%swap3A_740, %swap3A_741] {strides = array<i32>} : memref<8x128xi32, #tpu.memory_space<vmem>>, vector<16xi32>,
      tpu.vector_store %arg16[%swap3A_740, %swap3A_741], %add3A_738 {strides = array<i32>} : memref<8x128xi32, #tpu.memory_space<vmem>>, vector<16xi32>,
      %get3A_743 = arith.constant 928 : index
      %get3A_744 = tpu.vector_load %arg9[%get3A_743] {strides = array<i32>} : memref<1024xi32, #tpu.memory_space<vmem>>, vector<16xi32>,
      %mul3A_745 = arith.constant 2048 : i32
      %mul3A_746 = vector.broadcast %mul3A_745 : i32 to vector<16xi32>
      %mul3A_747 = arith.muli %get3A_744, %mul3A_746 : vector<16xi32>
      %get3A_748 = arith.constant 928 : index
      %get3A_749 = tpu.vector_load %arg10[%get3A_748] {strides = array<i32>} : memref<1024xi32, #tpu.memory_space<vmem>>, vector<16xi32>,
      %add3A_750 = arith.addi %mul3A_747, %get3A_749 : vector<16xi32>
      %swap3A_751 = arith.constant 7 : i32
      %swap3A_752 = arith.index_cast %swap3A_751 : i32 to index
      %swap3A_753 = arith.constant 32 : index
      %swap3A_754 = tpu.vector_load %arg16[%swap3A_752, %swap3A_753] {strides = array<i32>} : memref<8x128xi32, #tpu.memory_space<vmem>>, vector<16xi32>,
      tpu.vector_store %arg16[%swap3A_752, %swap3A_753], %add3A_750 {strides = array<i32>} : memref<8x128xi32, #tpu.memory_space<vmem>>, vector<16xi32>,
      %get3A_755 = arith.constant 944 : index
      %get3A_756 = tpu.vector_load %arg9[%get3A_755] {strides = array<i32>} : memref<1024xi32, #tpu.memory_space<vmem>>, vector<16xi32>,
      %mul3A_757 = arith.constant 2048 : i32
      %mul3A_758 = vector.broadcast %mul3A_757 : i32 to vector<16xi32>
      %mul3A_759 = arith.muli %get3A_756, %mul3A_758 : vector<16xi32>
      %get3A_760 = arith.constant 944 : index
      %get3A_761 = tpu.vector_load %arg10[%get3A_760] {strides = array<i32>} : memref<1024xi32, #tpu.memory_space<vmem>>, vector<16xi32>,
      %add3A_762 = arith.addi %mul3A_759, %get3A_761 : vector<16xi32>
      %swap3A_763 = arith.constant 7 : i32
      %swap3A_764 = arith.index_cast %swap3A_763 : i32 to index
      %swap3A_765 = arith.constant 48 : index
      %swap3A_766 = tpu.vector_load %arg16[%swap3A_764, %swap3A_765] {strides = array<i32>} : memref<8x128xi32, #tpu.memory_space<vmem>>, vector<16xi32>,
      tpu.vector_store %arg16[%swap3A_764, %swap3A_765], %add3A_762 {strides = array<i32>} : memref<8x128xi32, #tpu.memory_space<vmem>>, vector<16xi32>,
      %get3A_767 = arith.constant 960 : index
      %get3A_768 = tpu.vector_load %arg9[%get3A_767] {strides = array<i32>} : memref<1024xi32, #tpu.memory_space<vmem>>, vector<16xi32>,
      %mul3A_769 = arith.constant 2048 : i32
      %mul3A_770 = vector.broadcast %mul3A_769 : i32 to vector<16xi32>
      %mul3A_771 = arith.muli %get3A_768, %mul3A_770 : vector<16xi32>
      %get3A_772 = arith.constant 960 : index
      %get3A_773 = tpu.vector_load %arg10[%get3A_772] {strides = array<i32>} : memref<1024xi32, #tpu.memory_space<vmem>>, vector<16xi32>,
      %add3A_774 = arith.addi %mul3A_771, %get3A_773 : vector<16xi32>
      %swap3A_775 = arith.constant 7 : i32
      %swap3A_776 = arith.index_cast %swap3A_775 : i32 to index
      %swap3A_777 = arith.constant 64 : index
      %swap3A_778 = tpu.vector_load %arg16[%swap3A_776, %swap3A_777] {strides = array<i32>} : memref<8x128xi32, #tpu.memory_space<vmem>>, vector<16xi32>,
      tpu.vector_store %arg16[%swap3A_776, %swap3A_777], %add3A_774 {strides = array<i32>} : memref<8x128xi32, #tpu.memory_space<vmem>>, vector<16xi32>,
      %get3A_779 = arith.constant 976 : index
      %get3A_780 = tpu.vector_load %arg9[%get3A_779] {strides = array<i32>} : memref<1024xi32, #tpu.memory_space<vmem>>, vector<16xi32>,
      %mul3A_781 = arith.constant 2048 : i32
      %mul3A_782 = vector.broadcast %mul3A_781 : i32 to vector<16xi32>
      %mul3A_783 = arith.muli %get3A_780, %mul3A_782 : vector<16xi32>
      %get3A_784 = arith.constant 976 : index
      %get3A_785 = tpu.vector_load %arg10[%get3A_784] {strides = array<i32>} : memref<1024xi32, #tpu.memory_space<vmem>>, vector<16xi32>,
      %add3A_786 = arith.addi %mul3A_783, %get3A_785 : vector<16xi32>
      %swap3A_787 = arith.constant 7 : i32
      %swap3A_788 = arith.index_cast %swap3A_787 : i32 to index
      %swap3A_789 = arith.constant 80 : index
      %swap3A_790 = tpu.vector_load %arg16[%swap3A_788, %swap3A_789] {strides = array<i32>} : memref<8x128xi32, #tpu.memory_space<vmem>>, vector<16xi32>,
      tpu.vector_store %arg16[%swap3A_788, %swap3A_789], %add3A_786 {strides = array<i32>} : memref<8x128xi32, #tpu.memory_space<vmem>>, vector<16xi32>,
      %get3A_791 = arith.constant 992 : index
      %get3A_792 = tpu.vector_load %arg9[%get3A_791] {strides = array<i32>} : memref<1024xi32, #tpu.memory_space<vmem>>, vector<16xi32>,
      %mul3A_793 = arith.constant 2048 : i32
      %mul3A_794 = vector.broadcast %mul3A_793 : i32 to vector<16xi32>
      %mul3A_795 = arith.muli %get3A_792, %mul3A_794 : vector<16xi32>
      %get3A_796 = arith.constant 992 : index
      %get3A_797 = tpu.vector_load %arg10[%get3A_796] {strides = array<i32>} : memref<1024xi32, #tpu.memory_space<vmem>>, vector<16xi32>,
      %add3A_798 = arith.addi %mul3A_795, %get3A_797 : vector<16xi32>
      %swap3A_799 = arith.constant 7 : i32
      %swap3A_800 = arith.index_cast %swap3A_799 : i32 to index
      %swap3A_801 = arith.constant 96 : index
      %swap3A_802 = tpu.vector_load %arg16[%swap3A_800, %swap3A_801] {strides = array<i32>} : memref<8x128xi32, #tpu.memory_space<vmem>>, vector<16xi32>,
      tpu.vector_store %arg16[%swap3A_800, %swap3A_801], %add3A_798 {strides = array<i32>} : memref<8x128xi32, #tpu.memory_space<vmem>>, vector<16xi32>,
      %get3A_803 = arith.constant 1008 : index
      %get3A_804 = tpu.vector_load %arg9[%get3A_803] {strides = array<i32>} : memref<1024xi32, #tpu.memory_space<vmem>>, vector<16xi32>,
      %mul3A_805 = arith.constant 2048 : i32
      %mul3A_806 = vector.broadcast %mul3A_805 : i32 to vector<16xi32>
      %mul3A_807 = arith.muli %get3A_804, %mul3A_806 : vector<16xi32>
      %get3A_808 = arith.constant 1008 : index
      %get3A_809 = tpu.vector_load %arg10[%get3A_808] {strides = array<i32>} : memref<1024xi32, #tpu.memory_space<vmem>>, vector<16xi32>,
      %add3A_810 = arith.addi %mul3A_807, %get3A_809 : vector<16xi32>
      %swap3A_811 = arith.constant 7 : i32
      %swap3A_812 = arith.index_cast %swap3A_811 : i32 to index
      %swap3A_813 = arith.constant 112 : index
      %swap3A_814 = tpu.vector_load %arg16[%swap3A_812, %swap3A_813] {strides = array<i32>} : memref<8x128xi32, #tpu.memory_space<vmem>>, vector<16xi32>,
      tpu.vector_store %arg16[%swap3A_812, %swap3A_813], %add3A_810 {strides = array<i32>} : memref<8x128xi32, #tpu.memory_space<vmem>>, vector<16xi32>,
      %dma_start3A = arith.constant 0 : i32
      %dma_start3A_815 = arith.constant 0 : i32
      %dma_start3A_816 = tpu.memref_slice %arg16[%dma_start3A, %dma_start3A_815] : memref<8x128xi32, #tpu.memory_space<vmem>> -> memref<1x128xi32, #tpu.memory_space<vmem>>
      %dma_start3A_817 = tpu.memref_squeeze %dma_start3A_816 : memref<1x128xi32, #tpu.memory_space<vmem>> -> memref<128xi32, #tpu.memory_space<vmem>>
      %dma_start3A_818 = arith.constant 0 : i32
      %dma_start3A_819 = tpu.memref_slice %arg7[%dma_start3A_818] : memref<8192xf32, #tpu.memory_space<hbm>> -> memref<8192xf32, #tpu.memory_space<hbm>>
      tpu.enqueue_indirect_dma source(%arg17 : memref<128xf32, #tpu.memory_space<vmem>>) target(%dma_start3A_819 : memref<8192xf32, #tpu.memory_space<hbm>>) offsets(%dma_start3A_817 : memref<128xi32, #tpu.memory_space<vmem>>) semaphore(%arg18 : memref<!tpu.dma_semaphore, #tpu.memory_space<semaphore_mem>>)
      %dma_start3A_820 = arith.constant 1 : i32
      %dma_start3A_821 = arith.constant 0 : i32
      %dma_start3A_822 = tpu.memref_slice %arg16[%dma_start3A_820, %dma_start3A_821] : memref<8x128xi32, #tpu.memory_space<vmem>> -> memref<1x128xi32, #tpu.memory_space<vmem>>
      %dma_start3A_823 = tpu.memref_squeeze %dma_start3A_822 : memref<1x128xi32, #tpu.memory_space<vmem>> -> memref<128xi32, #tpu.memory_space<vmem>>
      %dma_start3A_824 = arith.constant 0 : i32
      %dma_start3A_825 = tpu.memref_slice %arg7[%dma_start3A_824] : memref<8192xf32, #tpu.memory_space<hbm>> -> memref<8192xf32, #tpu.memory_space<hbm>>
      tpu.enqueue_indirect_dma source(%arg17 : memref<128xf32, #tpu.memory_space<vmem>>) target(%dma_start3A_825 : memref<8192xf32, #tpu.memory_space<hbm>>) offsets(%dma_start3A_823 : memref<128xi32, #tpu.memory_space<vmem>>) semaphore(%arg18 : memref<!tpu.dma_semaphore, #tpu.memory_space<semaphore_mem>>)
      %dma_start3A_826 = arith.constant 2 : i32
      %dma_start3A_827 = arith.constant 0 : i32
      %dma_start3A_828 = tpu.memref_slice %arg16[%dma_start3A_826, %dma_start3A_827] : memref<8x128xi32, #tpu.memory_space<vmem>> -> memref<1x128xi32, #tpu.memory_space<vmem>>
      %dma_start3A_829 = tpu.memref_squeeze %dma_start3A_828 : memref<1x128xi32, #tpu.memory_space<vmem>> -> memref<128xi32, #tpu.memory_space<vmem>>
      %dma_start3A_830 = arith.constant 0 : i32
      %dma_start3A_831 = tpu.memref_slice %arg7[%dma_start3A_830] : memref<8192xf32, #tpu.memory_space<hbm>> -> memref<8192xf32, #tpu.memory_space<hbm>>
      tpu.enqueue_indirect_dma source(%arg17 : memref<128xf32, #tpu.memory_space<vmem>>) target(%dma_start3A_831 : memref<8192xf32, #tpu.memory_space<hbm>>) offsets(%dma_start3A_829 : memref<128xi32, #tpu.memory_space<vmem>>) semaphore(%arg18 : memref<!tpu.dma_semaphore, #tpu.memory_space<semaphore_mem>>)
      %dma_start3A_832 = arith.constant 3 : i32
      %dma_start3A_833 = arith.constant 0 : i32
      %dma_start3A_834 = tpu.memref_slice %arg16[%dma_start3A_832, %dma_start3A_833] : memref<8x128xi32, #tpu.memory_space<vmem>> -> memref<1x128xi32, #tpu.memory_space<vmem>>
      %dma_start3A_835 = tpu.memref_squeeze %dma_start3A_834 : memref<1x128xi32, #tpu.memory_space<vmem>> -> memref<128xi32, #tpu.memory_space<vmem>>
      %dma_start3A_836 = arith.constant 0 : i32
      %dma_start3A_837 = tpu.memref_slice %arg7[%dma_start3A_836] : memref<8192xf32, #tpu.memory_space<hbm>> -> memref<8192xf32, #tpu.memory_space<hbm>>
      tpu.enqueue_indirect_dma source(%arg17 : memref<128xf32, #tpu.memory_space<vmem>>) target(%dma_start3A_837 : memref<8192xf32, #tpu.memory_space<hbm>>) offsets(%dma_start3A_835 : memref<128xi32, #tpu.memory_space<vmem>>) semaphore(%arg18 : memref<!tpu.dma_semaphore, #tpu.memory_space<semaphore_mem>>)
      %dma_start3A_838 = arith.constant 4 : i32
      %dma_start3A_839 = arith.constant 0 : i32
      %dma_start3A_840 = tpu.memref_slice %arg16[%dma_start3A_838, %dma_start3A_839] : memref<8x128xi32, #tpu.memory_space<vmem>> -> memref<1x128xi32, #tpu.memory_space<vmem>>
      %dma_start3A_841 = tpu.memref_squeeze %dma_start3A_840 : memref<1x128xi32, #tpu.memory_space<vmem>> -> memref<128xi32, #tpu.memory_space<vmem>>
      %dma_start3A_842 = arith.constant 0 : i32
      %dma_start3A_843 = tpu.memref_slice %arg7[%dma_start3A_842] : memref<8192xf32, #tpu.memory_space<hbm>> -> memref<8192xf32, #tpu.memory_space<hbm>>
      tpu.enqueue_indirect_dma source(%arg17 : memref<128xf32, #tpu.memory_space<vmem>>) target(%dma_start3A_843 : memref<8192xf32, #tpu.memory_space<hbm>>) offsets(%dma_start3A_841 : memref<128xi32, #tpu.memory_space<vmem>>) semaphore(%arg18 : memref<!tpu.dma_semaphore, #tpu.memory_space<semaphore_mem>>)
      %dma_start3A_844 = arith.constant 5 : i32
      %dma_start3A_845 = arith.constant 0 : i32
      %dma_start3A_846 = tpu.memref_slice %arg16[%dma_start3A_844, %dma_start3A_845] : memref<8x128xi32, #tpu.memory_space<vmem>> -> memref<1x128xi32, #tpu.memory_space<vmem>>
      %dma_start3A_847 = tpu.memref_squeeze %dma_start3A_846 : memref<1x128xi32, #tpu.memory_space<vmem>> -> memref<128xi32, #tpu.memory_space<vmem>>
      %dma_start3A_848 = arith.constant 0 : i32
      %dma_start3A_849 = tpu.memref_slice %arg7[%dma_start3A_848] : memref<8192xf32, #tpu.memory_space<hbm>> -> memref<8192xf32, #tpu.memory_space<hbm>>
      tpu.enqueue_indirect_dma source(%arg17 : memref<128xf32, #tpu.memory_space<vmem>>) target(%dma_start3A_849 : memref<8192xf32, #tpu.memory_space<hbm>>) offsets(%dma_start3A_847 : memref<128xi32, #tpu.memory_space<vmem>>) semaphore(%arg18 : memref<!tpu.dma_semaphore, #tpu.memory_space<semaphore_mem>>)
      %dma_start3A_850 = arith.constant 6 : i32
      %dma_start3A_851 = arith.constant 0 : i32
      %dma_start3A_852 = tpu.memref_slice %arg16[%dma_start3A_850, %dma_start3A_851] : memref<8x128xi32, #tpu.memory_space<vmem>> -> memref<1x128xi32, #tpu.memory_space<vmem>>
      %dma_start3A_853 = tpu.memref_squeeze %dma_start3A_852 : memref<1x128xi32, #tpu.memory_space<vmem>> -> memref<128xi32, #tpu.memory_space<vmem>>
      %dma_start3A_854 = arith.constant 0 : i32
      %dma_start3A_855 = tpu.memref_slice %arg7[%dma_start3A_854] : memref<8192xf32, #tpu.memory_space<hbm>> -> memref<8192xf32, #tpu.memory_space<hbm>>
      tpu.enqueue_indirect_dma source(%arg17 : memref<128xf32, #tpu.memory_space<vmem>>) target(%dma_start3A_855 : memref<8192xf32, #tpu.memory_space<hbm>>) offsets(%dma_start3A_853 : memref<128xi32, #tpu.memory_space<vmem>>) semaphore(%arg18 : memref<!tpu.dma_semaphore, #tpu.memory_space<semaphore_mem>>)
      %dma_start3A_856 = arith.constant 7 : i32
      %dma_start3A_857 = arith.constant 0 : i32
      %dma_start3A_858 = tpu.memref_slice %arg16[%dma_start3A_856, %dma_start3A_857] : memref<8x128xi32, #tpu.memory_space<vmem>> -> memref<1x128xi32, #tpu.memory_space<vmem>>
      %dma_start3A_859 = tpu.memref_squeeze %dma_start3A_858 : memref<1x128xi32, #tpu.memory_space<vmem>> -> memref<128xi32, #tpu.memory_space<vmem>>
      %dma_start3A_860 = arith.constant 0 : i32
      %dma_start3A_861 = tpu.memref_slice %arg7[%dma_start3A_860] : memref<8192xf32, #tpu.memory_space<hbm>> -> memref<8192xf32, #tpu.memory_space<hbm>>
      tpu.enqueue_indirect_dma source(%arg17 : memref<128xf32, #tpu.memory_space<vmem>>) target(%dma_start3A_861 : memref<8192xf32, #tpu.memory_space<hbm>>) offsets(%dma_start3A_859 : memref<128xi32, #tpu.memory_space<vmem>>) semaphore(%arg18 : memref<!tpu.dma_semaphore, #tpu.memory_space<semaphore_mem>>)
      %dma_wait3A = arith.constant 0 : i32
      %dma_wait3A_862 = arith.constant 0 : i32
      %dma_wait3A_863 = tpu.memref_slice %arg16[%dma_wait3A, %dma_wait3A_862] : memref<8x128xi32, #tpu.memory_space<vmem>> -> memref<1x128xi32, #tpu.memory_space<vmem>>
      %dma_wait3A_864 = tpu.memref_squeeze %dma_wait3A_863 : memref<1x128xi32, #tpu.memory_space<vmem>> -> memref<128xi32, #tpu.memory_space<vmem>>
      %dma_wait3A_865 = arith.constant 0 : i32
      %dma_wait3A_866 = tpu.memref_slice %arg7[%dma_wait3A_865] : memref<8192xf32, #tpu.memory_space<hbm>> -> memref<8192xf32, #tpu.memory_space<hbm>>
      tpu.wait_indirect_dma semaphore(%arg18 : memref<!tpu.dma_semaphore, #tpu.memory_space<semaphore_mem>>) src(%arg17 : memref<128xf32, #tpu.memory_space<vmem>>) dst(%dma_wait3A_866 : memref<8192xf32, #tpu.memory_space<hbm>>)
      %dma_wait3A_867 = arith.constant 1 : i32
      %dma_wait3A_868 = arith.constant 0 : i32
      %dma_wait3A_869 = tpu.memref_slice %arg16[%dma_wait3A_867, %dma_wait3A_868] : memref<8x128xi32, #tpu.memory_space<vmem>> -> memref<1x128xi32, #tpu.memory_space<vmem>>
      %dma_wait3A_870 = tpu.memref_squeeze %dma_wait3A_869 : memref<1x128xi32, #tpu.memory_space<vmem>> -> memref<128xi32, #tpu.memory_space<vmem>>
      %dma_wait3A_871 = arith.constant 0 : i32
      %dma_wait3A_872 = tpu.memref_slice %arg7[%dma_wait3A_871] : memref<8192xf32, #tpu.memory_space<hbm>> -> memref<8192xf32, #tpu.memory_space<hbm>>
      tpu.wait_indirect_dma semaphore(%arg18 : memref<!tpu.dma_semaphore, #tpu.memory_space<semaphore_mem>>) src(%arg17 : memref<128xf32, #tpu.memory_space<vmem>>) dst(%dma_wait3A_872 : memref<8192xf32, #tpu.memory_space<hbm>>)
      %dma_wait3A_873 = arith.constant 2 : i32
      %dma_wait3A_874 = arith.constant 0 : i32
      %dma_wait3A_875 = tpu.memref_slice %arg16[%dma_wait3A_873, %dma_wait3A_874] : memref<8x128xi32, #tpu.memory_space<vmem>> -> memref<1x128xi32, #tpu.memory_space<vmem>>
      %dma_wait3A_876 = tpu.memref_squeeze %dma_wait3A_875 : memref<1x128xi32, #tpu.memory_space<vmem>> -> memref<128xi32, #tpu.memory_space<vmem>>
      %dma_wait3A_877 = arith.constant 0 : i32
      %dma_wait3A_878 = tpu.memref_slice %arg7[%dma_wait3A_877] : memref<8192xf32, #tpu.memory_space<hbm>> -> memref<8192xf32, #tpu.memory_space<hbm>>
      tpu.wait_indirect_dma semaphore(%arg18 : memref<!tpu.dma_semaphore, #tpu.memory_space<semaphore_mem>>) src(%arg17 : memref<128xf32, #tpu.memory_space<vmem>>) dst(%dma_wait3A_878 : memref<8192xf32, #tpu.memory_space<hbm>>)
      %dma_wait3A_879 = arith.constant 3 : i32
      %dma_wait3A_880 = arith.constant 0 : i32
      %dma_wait3A_881 = tpu.memref_slice %arg16[%dma_wait3A_879, %dma_wait3A_880] : memref<8x128xi32, #tpu.memory_space<vmem>> -> memref<1x128xi32, #tpu.memory_space<vmem>>
      %dma_wait3A_882 = tpu.memref_squeeze %dma_wait3A_881 : memref<1x128xi32, #tpu.memory_space<vmem>> -> memref<128xi32, #tpu.memory_space<vmem>>
      %dma_wait3A_883 = arith.constant 0 : i32
      %dma_wait3A_884 = tpu.memref_slice %arg7[%dma_wait3A_883] : memref<8192xf32, #tpu.memory_space<hbm>> -> memref<8192xf32, #tpu.memory_space<hbm>>
      tpu.wait_indirect_dma semaphore(%arg18 : memref<!tpu.dma_semaphore, #tpu.memory_space<semaphore_mem>>) src(%arg17 : memref<128xf32, #tpu.memory_space<vmem>>) dst(%dma_wait3A_884 : memref<8192xf32, #tpu.memory_space<hbm>>)
      %dma_wait3A_885 = arith.constant 4 : i32
      %dma_wait3A_886 = arith.constant 0 : i32
      %dma_wait3A_887 = tpu.memref_slice %arg16[%dma_wait3A_885, %dma_wait3A_886] : memref<8x128xi32, #tpu.memory_space<vmem>> -> memref<1x128xi32, #tpu.memory_space<vmem>>
      %dma_wait3A_888 = tpu.memref_squeeze %dma_wait3A_887 : memref<1x128xi32, #tpu.memory_space<vmem>> -> memref<128xi32, #tpu.memory_space<vmem>>
      %dma_wait3A_889 = arith.constant 0 : i32
      %dma_wait3A_890 = tpu.memref_slice %arg7[%dma_wait3A_889] : memref<8192xf32, #tpu.memory_space<hbm>> -> memref<8192xf32, #tpu.memory_space<hbm>>
      tpu.wait_indirect_dma semaphore(%arg18 : memref<!tpu.dma_semaphore, #tpu.memory_space<semaphore_mem>>) src(%arg17 : memref<128xf32, #tpu.memory_space<vmem>>) dst(%dma_wait3A_890 : memref<8192xf32, #tpu.memory_space<hbm>>)
      %dma_wait3A_891 = arith.constant 5 : i32
      %dma_wait3A_892 = arith.constant 0 : i32
      %dma_wait3A_893 = tpu.memref_slice %arg16[%dma_wait3A_891, %dma_wait3A_892] : memref<8x128xi32, #tpu.memory_space<vmem>> -> memref<1x128xi32, #tpu.memory_space<vmem>>
      %dma_wait3A_894 = tpu.memref_squeeze %dma_wait3A_893 : memref<1x128xi32, #tpu.memory_space<vmem>> -> memref<128xi32, #tpu.memory_space<vmem>>
      %dma_wait3A_895 = arith.constant 0 : i32
      %dma_wait3A_896 = tpu.memref_slice %arg7[%dma_wait3A_895] : memref<8192xf32, #tpu.memory_space<hbm>> -> memref<8192xf32, #tpu.memory_space<hbm>>
      tpu.wait_indirect_dma semaphore(%arg18 : memref<!tpu.dma_semaphore, #tpu.memory_space<semaphore_mem>>) src(%arg17 : memref<128xf32, #tpu.memory_space<vmem>>) dst(%dma_wait3A_896 : memref<8192xf32, #tpu.memory_space<hbm>>)
      %dma_wait3A_897 = arith.constant 6 : i32
      %dma_wait3A_898 = arith.constant 0 : i32
      %dma_wait3A_899 = tpu.memref_slice %arg16[%dma_wait3A_897, %dma_wait3A_898] : memref<8x128xi32, #tpu.memory_space<vmem>> -> memref<1x128xi32, #tpu.memory_space<vmem>>
      %dma_wait3A_900 = tpu.memref_squeeze %dma_wait3A_899 : memref<1x128xi32, #tpu.memory_space<vmem>> -> memref<128xi32, #tpu.memory_space<vmem>>
      %dma_wait3A_901 = arith.constant 0 : i32
      %dma_wait3A_902 = tpu.memref_slice %arg7[%dma_wait3A_901] : memref<8192xf32, #tpu.memory_space<hbm>> -> memref<8192xf32, #tpu.memory_space<hbm>>
      tpu.wait_indirect_dma semaphore(%arg18 : memref<!tpu.dma_semaphore, #tpu.memory_space<semaphore_mem>>) src(%arg17 : memref<128xf32, #tpu.memory_space<vmem>>) dst(%dma_wait3A_902 : memref<8192xf32, #tpu.memory_space<hbm>>)
      %dma_wait3A_903 = arith.constant 7 : i32
      %dma_wait3A_904 = arith.constant 0 : i32
      %dma_wait3A_905 = tpu.memref_slice %arg16[%dma_wait3A_903, %dma_wait3A_904] : memref<8x128xi32, #tpu.memory_space<vmem>> -> memref<1x128xi32, #tpu.memory_space<vmem>>
      %dma_wait3A_906 = tpu.memref_squeeze %dma_wait3A_905 : memref<1x128xi32, #tpu.memory_space<vmem>> -> memref<128xi32, #tpu.memory_space<vmem>>
      %dma_wait3A_907 = arith.constant 0 : i32
      %dma_wait3A_908 = tpu.memref_slice %arg7[%dma_wait3A_907] : memref<8192xf32, #tpu.memory_space<hbm>> -> memref<8192xf32, #tpu.memory_space<hbm>>
      tpu.wait_indirect_dma semaphore(%arg18 : memref<!tpu.dma_semaphore, #tpu.memory_space<semaphore_mem>>) src(%arg17 : memref<128xf32, #tpu.memory_space<vmem>>) dst(%dma_wait3A_908 : memref<8192xf32, #tpu.memory_space<hbm>>)
    } else {
    }
    %eq3A_7 = arith.constant 17 : i32
    %eq3A_8 = arith.cmpi eq, %add3A, %eq3A_7 : i32
    %convert_element_type3A_9 = arith.extui %eq3A_8 : i1 to i32
    %cond3A_10 = arith.constant 0 : i32
    %cond3A_11 = arith.cmpi ne, %convert_element_type3A_9, %cond3A_10 : i32
    scf.if %cond3A_11 {
      %scan3A = arith.constant 0 : i32
      %scan3A_12 = arith.constant 0 : i32
      %scan3A_13 = arith.constant 128 : i32
      %scan3A_14 = arith.addi %scan3A_12, %scan3A_13 : i32
      %scan3A_15 = arith.constant 8 : i32
      %scan3A_16 = scf.for %scan3A_909 = %scan3A_12 to %scan3A_14 step %scan3A_15 iter_args(%scan3A_910 = %scan3A) -> (i32)  : i32 {
        %broadcast_in_dim3A_911 = arith.constant 0.000000e+00 : f32
        %broadcast_in_dim3A_912 = vector.broadcast %broadcast_in_dim3A_911 : f32 to vector<16xf32>
        %mul3A_913 = arith.constant 16 : i32
        %mul3A_914 = arith.muli %scan3A_909, %mul3A_913 : i32
        %swap3A_915 = arith.index_cast %mul3A_914 : i32 to index
        %swap3A_916 = tpu.vector_load %arg15[%swap3A_915] {strides = array<i32>} : memref<2048xf32, #tpu.memory_space<vmem>>, vector<16xf32>,
        tpu.vector_store %arg15[%swap3A_915], %broadcast_in_dim3A_912 {strides = array<i32>} : memref<2048xf32, #tpu.memory_space<vmem>>, vector<16xf32>,
        %scan3A_917 = arith.constant 0 : i32
        %scan3A_918 = arith.constant 1 : i32
        %scan3A_919 = arith.addi %scan3A_909, %scan3A_918 : i32
        %broadcast_in_dim3A_920 = arith.constant 0.000000e+00 : f32
        %broadcast_in_dim3A_921 = vector.broadcast %broadcast_in_dim3A_920 : f32 to vector<16xf32>
        %mul3A_922 = arith.constant 16 : i32
        %mul3A_923 = arith.muli %scan3A_919, %mul3A_922 : i32
        %swap3A_924 = arith.index_cast %mul3A_923 : i32 to index
        %swap3A_925 = tpu.vector_load %arg15[%swap3A_924] {strides = array<i32>} : memref<2048xf32, #tpu.memory_space<vmem>>, vector<16xf32>,
        tpu.vector_store %arg15[%swap3A_924], %broadcast_in_dim3A_921 {strides = array<i32>} : memref<2048xf32, #tpu.memory_space<vmem>>, vector<16xf32>,
        %scan3A_926 = arith.constant 0 : i32
        %scan3A_927 = arith.constant 2 : i32
        %scan3A_928 = arith.addi %scan3A_909, %scan3A_927 : i32
        %broadcast_in_dim3A_929 = arith.constant 0.000000e+00 : f32
        %broadcast_in_dim3A_930 = vector.broadcast %broadcast_in_dim3A_929 : f32 to vector<16xf32>
        %mul3A_931 = arith.constant 16 : i32
        %mul3A_932 = arith.muli %scan3A_928, %mul3A_931 : i32
        %swap3A_933 = arith.index_cast %mul3A_932 : i32 to index
        %swap3A_934 = tpu.vector_load %arg15[%swap3A_933] {strides = array<i32>} : memref<2048xf32, #tpu.memory_space<vmem>>, vector<16xf32>,
        tpu.vector_store %arg15[%swap3A_933], %broadcast_in_dim3A_930 {strides = array<i32>} : memref<2048xf32, #tpu.memory_space<vmem>>, vector<16xf32>,
        %scan3A_935 = arith.constant 0 : i32
        %scan3A_936 = arith.constant 3 : i32
        %scan3A_937 = arith.addi %scan3A_909, %scan3A_936 : i32
        %broadcast_in_dim3A_938 = arith.constant 0.000000e+00 : f32
        %broadcast_in_dim3A_939 = vector.broadcast %broadcast_in_dim3A_938 : f32 to vector<16xf32>
        %mul3A_940 = arith.constant 16 : i32
        %mul3A_941 = arith.muli %scan3A_937, %mul3A_940 : i32
        %swap3A_942 = arith.index_cast %mul3A_941 : i32 to index
        %swap3A_943 = tpu.vector_load %arg15[%swap3A_942] {strides = array<i32>} : memref<2048xf32, #tpu.memory_space<vmem>>, vector<16xf32>,
        tpu.vector_store %arg15[%swap3A_942], %broadcast_in_dim3A_939 {strides = array<i32>} : memref<2048xf32, #tpu.memory_space<vmem>>, vector<16xf32>,
        %scan3A_944 = arith.constant 0 : i32
        %scan3A_945 = arith.constant 4 : i32
        %scan3A_946 = arith.addi %scan3A_909, %scan3A_945 : i32
        %broadcast_in_dim3A_947 = arith.constant 0.000000e+00 : f32
        %broadcast_in_dim3A_948 = vector.broadcast %broadcast_in_dim3A_947 : f32 to vector<16xf32>
        %mul3A_949 = arith.constant 16 : i32
        %mul3A_950 = arith.muli %scan3A_946, %mul3A_949 : i32
        %swap3A_951 = arith.index_cast %mul3A_950 : i32 to index
        %swap3A_952 = tpu.vector_load %arg15[%swap3A_951] {strides = array<i32>} : memref<2048xf32, #tpu.memory_space<vmem>>, vector<16xf32>,
        tpu.vector_store %arg15[%swap3A_951], %broadcast_in_dim3A_948 {strides = array<i32>} : memref<2048xf32, #tpu.memory_space<vmem>>, vector<16xf32>,
        %scan3A_953 = arith.constant 0 : i32
        %scan3A_954 = arith.constant 5 : i32
        %scan3A_955 = arith.addi %scan3A_909, %scan3A_954 : i32
        %broadcast_in_dim3A_956 = arith.constant 0.000000e+00 : f32
        %broadcast_in_dim3A_957 = vector.broadcast %broadcast_in_dim3A_956 : f32 to vector<16xf32>
        %mul3A_958 = arith.constant 16 : i32
        %mul3A_959 = arith.muli %scan3A_955, %mul3A_958 : i32
        %swap3A_960 = arith.index_cast %mul3A_959 : i32 to index
        %swap3A_961 = tpu.vector_load %arg15[%swap3A_960] {strides = array<i32>} : memref<2048xf32, #tpu.memory_space<vmem>>, vector<16xf32>,
        tpu.vector_store %arg15[%swap3A_960], %broadcast_in_dim3A_957 {strides = array<i32>} : memref<2048xf32, #tpu.memory_space<vmem>>, vector<16xf32>,
        %scan3A_962 = arith.constant 0 : i32
        %scan3A_963 = arith.constant 6 : i32
        %scan3A_964 = arith.addi %scan3A_909, %scan3A_963 : i32
        %broadcast_in_dim3A_965 = arith.constant 0.000000e+00 : f32
        %broadcast_in_dim3A_966 = vector.broadcast %broadcast_in_dim3A_965 : f32 to vector<16xf32>
        %mul3A_967 = arith.constant 16 : i32
        %mul3A_968 = arith.muli %scan3A_964, %mul3A_967 : i32
        %swap3A_969 = arith.index_cast %mul3A_968 : i32 to index
        %swap3A_970 = tpu.vector_load %arg15[%swap3A_969] {strides = array<i32>} : memref<2048xf32, #tpu.memory_space<vmem>>, vector<16xf32>,
        tpu.vector_store %arg15[%swap3A_969], %broadcast_in_dim3A_966 {strides = array<i32>} : memref<2048xf32, #tpu.memory_space<vmem>>, vector<16xf32>,
        %scan3A_971 = arith.constant 0 : i32
        %scan3A_972 = arith.constant 7 : i32
        %scan3A_973 = arith.addi %scan3A_909, %scan3A_972 : i32
        %broadcast_in_dim3A_974 = arith.constant 0.000000e+00 : f32
        %broadcast_in_dim3A_975 = vector.broadcast %broadcast_in_dim3A_974 : f32 to vector<16xf32>
        %mul3A_976 = arith.constant 16 : i32
        %mul3A_977 = arith.muli %scan3A_973, %mul3A_976 : i32
        %swap3A_978 = arith.index_cast %mul3A_977 : i32 to index
        %swap3A_979 = tpu.vector_load %arg15[%swap3A_978] {strides = array<i32>} : memref<2048xf32, #tpu.memory_space<vmem>>, vector<16xf32>,
        tpu.vector_store %arg15[%swap3A_978], %broadcast_in_dim3A_975 {strides = array<i32>} : memref<2048xf32, #tpu.memory_space<vmem>>, vector<16xf32>,
        %scan3A_980 = arith.constant 0 : i32
        scf.yield %scan3A_980 : i32
      }
      %scan3A_17 = arith.constant 128 : i32
      "tpu.region"() ({
        %run_scoped3A = tpu.sem_alloc : memref<!tpu.dma_semaphore, #tpu.memory_space<semaphore_mem>>
        %dma_start3A_909 = arith.constant 0 : i32
        %dma_start3A_910 = tpu.memref_slice %arg8[%dma_start3A_909] : memref<8192xf32, #tpu.memory_space<hbm>> -> memref<2048xf32, #tpu.memory_space<hbm>>
        %dma_start3A_911 = arith.constant 0 : i32
        %dma_start3A_912 = tpu.memref_slice %arg8[%dma_start3A_911] : memref<8192xf32, #tpu.memory_space<hbm>> -> memref<2048xf32, #tpu.memory_space<hbm>>
        tpu.enqueue_dma source(%arg15 : memref<2048xf32, #tpu.memory_space<vmem>>) target(%dma_start3A_912 : memref<2048xf32, #tpu.memory_space<hbm>>) target_semaphore(%run_scoped3A : memref<!tpu.dma_semaphore, #tpu.memory_space<semaphore_mem>>)
        %dma_wait3A_913 = arith.constant 0 : i32
        %dma_wait3A_914 = tpu.memref_slice %arg8[%dma_wait3A_913] : memref<8192xf32, #tpu.memory_space<hbm>> -> memref<2048xf32, #tpu.memory_space<hbm>>
        %dma_wait3A_915 = arith.constant 0 : i32
        %dma_wait3A_916 = tpu.memref_slice %arg8[%dma_wait3A_915] : memref<8192xf32, #tpu.memory_space<hbm>> -> memref<2048xf32, #tpu.memory_space<hbm>>
        tpu.wait_dma2 semaphore(%run_scoped3A : memref<!tpu.dma_semaphore, #tpu.memory_space<semaphore_mem>>) src(%arg15 : memref<2048xf32, #tpu.memory_space<vmem>>) dst(%dma_wait3A_916 : memref<2048xf32, #tpu.memory_space<hbm>>)
        tpu.yield
      }) : () -> ()
      "tpu.region"() ({
        %run_scoped3A = tpu.sem_alloc : memref<!tpu.dma_semaphore, #tpu.memory_space<semaphore_mem>>
        %dma_start3A_909 = arith.constant 2048 : i32
        %dma_start3A_910 = tpu.memref_slice %arg8[%dma_start3A_909] : memref<8192xf32, #tpu.memory_space<hbm>> -> memref<2048xf32, #tpu.memory_space<hbm>>
        %dma_start3A_911 = arith.constant 2048 : i32
        %dma_start3A_912 = tpu.memref_slice %arg8[%dma_start3A_911] : memref<8192xf32, #tpu.memory_space<hbm>> -> memref<2048xf32, #tpu.memory_space<hbm>>
        tpu.enqueue_dma source(%arg15 : memref<2048xf32, #tpu.memory_space<vmem>>) target(%dma_start3A_912 : memref<2048xf32, #tpu.memory_space<hbm>>) target_semaphore(%run_scoped3A : memref<!tpu.dma_semaphore, #tpu.memory_space<semaphore_mem>>)
        %dma_wait3A_913 = arith.constant 2048 : i32
        %dma_wait3A_914 = tpu.memref_slice %arg8[%dma_wait3A_913] : memref<8192xf32, #tpu.memory_space<hbm>> -> memref<2048xf32, #tpu.memory_space<hbm>>
        %dma_wait3A_915 = arith.constant 2048 : i32
        %dma_wait3A_916 = tpu.memref_slice %arg8[%dma_wait3A_915] : memref<8192xf32, #tpu.memory_space<hbm>> -> memref<2048xf32, #tpu.memory_space<hbm>>
        tpu.wait_dma2 semaphore(%run_scoped3A : memref<!tpu.dma_semaphore, #tpu.memory_space<semaphore_mem>>) src(%arg15 : memref<2048xf32, #tpu.memory_space<vmem>>) dst(%dma_wait3A_916 : memref<2048xf32, #tpu.memory_space<hbm>>)
        tpu.yield
      }) : () -> ()
      "tpu.region"() ({
        %run_scoped3A = tpu.sem_alloc : memref<!tpu.dma_semaphore, #tpu.memory_space<semaphore_mem>>
        %dma_start3A_909 = arith.constant 4096 : i32
        %dma_start3A_910 = tpu.memref_slice %arg8[%dma_start3A_909] : memref<8192xf32, #tpu.memory_space<hbm>> -> memref<2048xf32, #tpu.memory_space<hbm>>
        %dma_start3A_911 = arith.constant 4096 : i32
        %dma_start3A_912 = tpu.memref_slice %arg8[%dma_start3A_911] : memref<8192xf32, #tpu.memory_space<hbm>> -> memref<2048xf32, #tpu.memory_space<hbm>>
        tpu.enqueue_dma source(%arg15 : memref<2048xf32, #tpu.memory_space<vmem>>) target(%dma_start3A_912 : memref<2048xf32, #tpu.memory_space<hbm>>) target_semaphore(%run_scoped3A : memref<!tpu.dma_semaphore, #tpu.memory_space<semaphore_mem>>)
        %dma_wait3A_913 = arith.constant 4096 : i32
        %dma_wait3A_914 = tpu.memref_slice %arg8[%dma_wait3A_913] : memref<8192xf32, #tpu.memory_space<hbm>> -> memref<2048xf32, #tpu.memory_space<hbm>>
        %dma_wait3A_915 = arith.constant 4096 : i32
        %dma_wait3A_916 = tpu.memref_slice %arg8[%dma_wait3A_915] : memref<8192xf32, #tpu.memory_space<hbm>> -> memref<2048xf32, #tpu.memory_space<hbm>>
        tpu.wait_dma2 semaphore(%run_scoped3A : memref<!tpu.dma_semaphore, #tpu.memory_space<semaphore_mem>>) src(%arg15 : memref<2048xf32, #tpu.memory_space<vmem>>) dst(%dma_wait3A_916 : memref<2048xf32, #tpu.memory_space<hbm>>)
        tpu.yield
      }) : () -> ()
      "tpu.region"() ({
        %run_scoped3A = tpu.sem_alloc : memref<!tpu.dma_semaphore, #tpu.memory_space<semaphore_mem>>
        %dma_start3A_909 = arith.constant 6144 : i32
        %dma_start3A_910 = tpu.memref_slice %arg8[%dma_start3A_909] : memref<8192xf32, #tpu.memory_space<hbm>> -> memref<2048xf32, #tpu.memory_space<hbm>>
        %dma_start3A_911 = arith.constant 6144 : i32
        %dma_start3A_912 = tpu.memref_slice %arg8[%dma_start3A_911] : memref<8192xf32, #tpu.memory_space<hbm>> -> memref<2048xf32, #tpu.memory_space<hbm>>
        tpu.enqueue_dma source(%arg15 : memref<2048xf32, #tpu.memory_space<vmem>>) target(%dma_start3A_912 : memref<2048xf32, #tpu.memory_space<hbm>>) target_semaphore(%run_scoped3A : memref<!tpu.dma_semaphore, #tpu.memory_space<semaphore_mem>>)
        %dma_wait3A_913 = arith.constant 6144 : i32
        %dma_wait3A_914 = tpu.memref_slice %arg8[%dma_wait3A_913] : memref<8192xf32, #tpu.memory_space<hbm>> -> memref<2048xf32, #tpu.memory_space<hbm>>
        %dma_wait3A_915 = arith.constant 6144 : i32
        %dma_wait3A_916 = tpu.memref_slice %arg8[%dma_wait3A_915] : memref<8192xf32, #tpu.memory_space<hbm>> -> memref<2048xf32, #tpu.memory_space<hbm>>
        tpu.wait_dma2 semaphore(%run_scoped3A : memref<!tpu.dma_semaphore, #tpu.memory_space<semaphore_mem>>) src(%arg15 : memref<2048xf32, #tpu.memory_space<vmem>>) dst(%dma_wait3A_916 : memref<2048xf32, #tpu.memory_space<hbm>>)
        tpu.yield
      }) : () -> ()
      %broadcast_in_dim3A = arith.constant 1.000000e+00 : f32
      %broadcast_in_dim3A_18 = vector.broadcast %broadcast_in_dim3A : f32 to vector<16xf32>
      %swap3A = arith.constant 0 : index
      %swap3A_19 = tpu.vector_load %arg17[%swap3A] {strides = array<i32>} : memref<128xf32, #tpu.memory_space<vmem>>, vector<16xf32>,
      tpu.vector_store %arg17[%swap3A], %broadcast_in_dim3A_18 {strides = array<i32>} : memref<128xf32, #tpu.memory_space<vmem>>, vector<16xf32>,
      %broadcast_in_dim3A_20 = arith.constant 1.000000e+00 : f32
      %broadcast_in_dim3A_21 = vector.broadcast %broadcast_in_dim3A_20 : f32 to vector<16xf32>
      %swap3A_22 = arith.constant 16 : index
      %swap3A_23 = tpu.vector_load %arg17[%swap3A_22] {strides = array<i32>} : memref<128xf32, #tpu.memory_space<vmem>>, vector<16xf32>,
      tpu.vector_store %arg17[%swap3A_22], %broadcast_in_dim3A_21 {strides = array<i32>} : memref<128xf32, #tpu.memory_space<vmem>>, vector<16xf32>,
      %broadcast_in_dim3A_24 = arith.constant 1.000000e+00 : f32
      %broadcast_in_dim3A_25 = vector.broadcast %broadcast_in_dim3A_24 : f32 to vector<16xf32>
      %swap3A_26 = arith.constant 32 : index
      %swap3A_27 = tpu.vector_load %arg17[%swap3A_26] {strides = array<i32>} : memref<128xf32, #tpu.memory_space<vmem>>, vector<16xf32>,
      tpu.vector_store %arg17[%swap3A_26], %broadcast_in_dim3A_25 {strides = array<i32>} : memref<128xf32, #tpu.memory_space<vmem>>, vector<16xf32>,
      %broadcast_in_dim3A_28 = arith.constant 1.000000e+00 : f32
      %broadcast_in_dim3A_29 = vector.broadcast %broadcast_in_dim3A_28 : f32 to vector<16xf32>
      %swap3A_30 = arith.constant 48 : index
      %swap3A_31 = tpu.vector_load %arg17[%swap3A_30] {strides = array<i32>} : memref<128xf32, #tpu.memory_space<vmem>>, vector<16xf32>,
      tpu.vector_store %arg17[%swap3A_30], %broadcast_in_dim3A_29 {strides = array<i32>} : memref<128xf32, #tpu.memory_space<vmem>>, vector<16xf32>,
      %broadcast_in_dim3A_32 = arith.constant 1.000000e+00 : f32
      %broadcast_in_dim3A_33 = vector.broadcast %broadcast_in_dim3A_32 : f32 to vector<16xf32>
      %swap3A_34 = arith.constant 64 : index
      %swap3A_35 = tpu.vector_load %arg17[%swap3A_34] {strides = array<i32>} : memref<128xf32, #tpu.memory_space<vmem>>, vector<16xf32>,
      tpu.vector_store %arg17[%swap3A_34], %broadcast_in_dim3A_33 {strides = array<i32>} : memref<128xf32, #tpu.memory_space<vmem>>, vector<16xf32>,
      %broadcast_in_dim3A_36 = arith.constant 1.000000e+00 : f32
      %broadcast_in_dim3A_37 = vector.broadcast %broadcast_in_dim3A_36 : f32 to vector<16xf32>
      %swap3A_38 = arith.constant 80 : index
      %swap3A_39 = tpu.vector_load %arg17[%swap3A_38] {strides = array<i32>} : memref<128xf32, #tpu.memory_space<vmem>>, vector<16xf32>,
      tpu.vector_store %arg17[%swap3A_38], %broadcast_in_dim3A_37 {strides = array<i32>} : memref<128xf32, #tpu.memory_space<vmem>>, vector<16xf32>,
      %broadcast_in_dim3A_40 = arith.constant 1.000000e+00 : f32
      %broadcast_in_dim3A_41 = vector.broadcast %broadcast_in_dim3A_40 : f32 to vector<16xf32>
      %swap3A_42 = arith.constant 96 : index
      %swap3A_43 = tpu.vector_load %arg17[%swap3A_42] {strides = array<i32>} : memref<128xf32, #tpu.memory_space<vmem>>, vector<16xf32>,
      tpu.vector_store %arg17[%swap3A_42], %broadcast_in_dim3A_41 {strides = array<i32>} : memref<128xf32, #tpu.memory_space<vmem>>, vector<16xf32>,
      %broadcast_in_dim3A_44 = arith.constant 1.000000e+00 : f32
      %broadcast_in_dim3A_45 = vector.broadcast %broadcast_in_dim3A_44 : f32 to vector<16xf32>
      %swap3A_46 = arith.constant 112 : index
      %swap3A_47 = tpu.vector_load %arg17[%swap3A_46] {strides = array<i32>} : memref<128xf32, #tpu.memory_space<vmem>>, vector<16xf32>,
      tpu.vector_store %arg17[%swap3A_46], %broadcast_in_dim3A_45 {strides = array<i32>} : memref<128xf32, #tpu.memory_space<vmem>>, vector<16xf32>,
      "tpu.region"() ({
        %run_scoped3A = tpu.sem_alloc : memref<!tpu.dma_semaphore, #tpu.memory_space<semaphore_mem>>
        tpu.enqueue_dma source(%arg3 : memref<1024xi32, #tpu.memory_space<hbm>>) target(%arg9 : memref<1024xi32, #tpu.memory_space<vmem>>) target_semaphore(%run_scoped3A : memref<!tpu.dma_semaphore, #tpu.memory_space<semaphore_mem>>)
        tpu.wait_dma2 semaphore(%run_scoped3A : memref<!tpu.dma_semaphore, #tpu.memory_space<semaphore_mem>>) src(%arg3 : memref<1024xi32, #tpu.memory_space<hbm>>) dst(%arg9 : memref<1024xi32, #tpu.memory_space<vmem>>)
        tpu.yield
      }) : () -> ()
      "tpu.region"() ({
        %run_scoped3A = tpu.sem_alloc : memref<!tpu.dma_semaphore, #tpu.memory_space<semaphore_mem>>
        tpu.enqueue_dma source(%arg5 : memref<1024xi32, #tpu.memory_space<hbm>>) target(%arg10 : memref<1024xi32, #tpu.memory_space<vmem>>) target_semaphore(%run_scoped3A : memref<!tpu.dma_semaphore, #tpu.memory_space<semaphore_mem>>)
        tpu.wait_dma2 semaphore(%run_scoped3A : memref<!tpu.dma_semaphore, #tpu.memory_space<semaphore_mem>>) src(%arg5 : memref<1024xi32, #tpu.memory_space<hbm>>) dst(%arg10 : memref<1024xi32, #tpu.memory_space<vmem>>)
        tpu.yield
      }) : () -> ()
      %get3A = arith.constant 0 : index
      %get3A_48 = tpu.vector_load %arg9[%get3A] {strides = array<i32>} : memref<1024xi32, #tpu.memory_space<vmem>>, vector<16xi32>,
      %mul3A_49 = arith.constant 2048 : i32
      %mul3A_50 = vector.broadcast %mul3A_49 : i32 to vector<16xi32>
      %mul3A_51 = arith.muli %get3A_48, %mul3A_50 : vector<16xi32>
      %get3A_52 = arith.constant 0 : index
      %get3A_53 = tpu.vector_load %arg10[%get3A_52] {strides = array<i32>} : memref<1024xi32, #tpu.memory_space<vmem>>, vector<16xi32>,
      %add3A_54 = arith.addi %mul3A_51, %get3A_53 : vector<16xi32>
      %swap3A_55 = arith.constant 0 : i32
      %swap3A_56 = arith.index_cast %swap3A_55 : i32 to index
      %swap3A_57 = arith.constant 0 : index
      %swap3A_58 = tpu.vector_load %arg16[%swap3A_56, %swap3A_57] {strides = array<i32>} : memref<8x128xi32, #tpu.memory_space<vmem>>, vector<16xi32>,
      tpu.vector_store %arg16[%swap3A_56, %swap3A_57], %add3A_54 {strides = array<i32>} : memref<8x128xi32, #tpu.memory_space<vmem>>, vector<16xi32>,
      %get3A_59 = arith.constant 16 : index
      %get3A_60 = tpu.vector_load %arg9[%get3A_59] {strides = array<i32>} : memref<1024xi32, #tpu.memory_space<vmem>>, vector<16xi32>,
      %mul3A_61 = arith.constant 2048 : i32
      %mul3A_62 = vector.broadcast %mul3A_61 : i32 to vector<16xi32>
      %mul3A_63 = arith.muli %get3A_60, %mul3A_62 : vector<16xi32>
      %get3A_64 = arith.constant 16 : index
      %get3A_65 = tpu.vector_load %arg10[%get3A_64] {strides = array<i32>} : memref<1024xi32, #tpu.memory_space<vmem>>, vector<16xi32>,
      %add3A_66 = arith.addi %mul3A_63, %get3A_65 : vector<16xi32>
      %swap3A_67 = arith.constant 0 : i32
      %swap3A_68 = arith.index_cast %swap3A_67 : i32 to index
      %swap3A_69 = arith.constant 16 : index
      %swap3A_70 = tpu.vector_load %arg16[%swap3A_68, %swap3A_69] {strides = array<i32>} : memref<8x128xi32, #tpu.memory_space<vmem>>, vector<16xi32>,
      tpu.vector_store %arg16[%swap3A_68, %swap3A_69], %add3A_66 {strides = array<i32>} : memref<8x128xi32, #tpu.memory_space<vmem>>, vector<16xi32>,
      %get3A_71 = arith.constant 32 : index
      %get3A_72 = tpu.vector_load %arg9[%get3A_71] {strides = array<i32>} : memref<1024xi32, #tpu.memory_space<vmem>>, vector<16xi32>,
      %mul3A_73 = arith.constant 2048 : i32
      %mul3A_74 = vector.broadcast %mul3A_73 : i32 to vector<16xi32>
      %mul3A_75 = arith.muli %get3A_72, %mul3A_74 : vector<16xi32>
      %get3A_76 = arith.constant 32 : index
      %get3A_77 = tpu.vector_load %arg10[%get3A_76] {strides = array<i32>} : memref<1024xi32, #tpu.memory_space<vmem>>, vector<16xi32>,
      %add3A_78 = arith.addi %mul3A_75, %get3A_77 : vector<16xi32>
      %swap3A_79 = arith.constant 0 : i32
      %swap3A_80 = arith.index_cast %swap3A_79 : i32 to index
      %swap3A_81 = arith.constant 32 : index
      %swap3A_82 = tpu.vector_load %arg16[%swap3A_80, %swap3A_81] {strides = array<i32>} : memref<8x128xi32, #tpu.memory_space<vmem>>, vector<16xi32>,
      tpu.vector_store %arg16[%swap3A_80, %swap3A_81], %add3A_78 {strides = array<i32>} : memref<8x128xi32, #tpu.memory_space<vmem>>, vector<16xi32>,
      %get3A_83 = arith.constant 48 : index
      %get3A_84 = tpu.vector_load %arg9[%get3A_83] {strides = array<i32>} : memref<1024xi32, #tpu.memory_space<vmem>>, vector<16xi32>,
      %mul3A_85 = arith.constant 2048 : i32
      %mul3A_86 = vector.broadcast %mul3A_85 : i32 to vector<16xi32>
      %mul3A_87 = arith.muli %get3A_84, %mul3A_86 : vector<16xi32>
      %get3A_88 = arith.constant 48 : index
      %get3A_89 = tpu.vector_load %arg10[%get3A_88] {strides = array<i32>} : memref<1024xi32, #tpu.memory_space<vmem>>, vector<16xi32>,
      %add3A_90 = arith.addi %mul3A_87, %get3A_89 : vector<16xi32>
      %swap3A_91 = arith.constant 0 : i32
      %swap3A_92 = arith.index_cast %swap3A_91 : i32 to index
      %swap3A_93 = arith.constant 48 : index
      %swap3A_94 = tpu.vector_load %arg16[%swap3A_92, %swap3A_93] {strides = array<i32>} : memref<8x128xi32, #tpu.memory_space<vmem>>, vector<16xi32>,
      tpu.vector_store %arg16[%swap3A_92, %swap3A_93], %add3A_90 {strides = array<i32>} : memref<8x128xi32, #tpu.memory_space<vmem>>, vector<16xi32>,
      %get3A_95 = arith.constant 64 : index
      %get3A_96 = tpu.vector_load %arg9[%get3A_95] {strides = array<i32>} : memref<1024xi32, #tpu.memory_space<vmem>>, vector<16xi32>,
      %mul3A_97 = arith.constant 2048 : i32
      %mul3A_98 = vector.broadcast %mul3A_97 : i32 to vector<16xi32>
      %mul3A_99 = arith.muli %get3A_96, %mul3A_98 : vector<16xi32>
      %get3A_100 = arith.constant 64 : index
      %get3A_101 = tpu.vector_load %arg10[%get3A_100] {strides = array<i32>} : memref<1024xi32, #tpu.memory_space<vmem>>, vector<16xi32>,
      %add3A_102 = arith.addi %mul3A_99, %get3A_101 : vector<16xi32>
      %swap3A_103 = arith.constant 0 : i32
      %swap3A_104 = arith.index_cast %swap3A_103 : i32 to index
      %swap3A_105 = arith.constant 64 : index
      %swap3A_106 = tpu.vector_load %arg16[%swap3A_104, %swap3A_105] {strides = array<i32>} : memref<8x128xi32, #tpu.memory_space<vmem>>, vector<16xi32>,
      tpu.vector_store %arg16[%swap3A_104, %swap3A_105], %add3A_102 {strides = array<i32>} : memref<8x128xi32, #tpu.memory_space<vmem>>, vector<16xi32>,
      %get3A_107 = arith.constant 80 : index
      %get3A_108 = tpu.vector_load %arg9[%get3A_107] {strides = array<i32>} : memref<1024xi32, #tpu.memory_space<vmem>>, vector<16xi32>,
      %mul3A_109 = arith.constant 2048 : i32
      %mul3A_110 = vector.broadcast %mul3A_109 : i32 to vector<16xi32>
      %mul3A_111 = arith.muli %get3A_108, %mul3A_110 : vector<16xi32>
      %get3A_112 = arith.constant 80 : index
      %get3A_113 = tpu.vector_load %arg10[%get3A_112] {strides = array<i32>} : memref<1024xi32, #tpu.memory_space<vmem>>, vector<16xi32>,
      %add3A_114 = arith.addi %mul3A_111, %get3A_113 : vector<16xi32>
      %swap3A_115 = arith.constant 0 : i32
      %swap3A_116 = arith.index_cast %swap3A_115 : i32 to index
      %swap3A_117 = arith.constant 80 : index
      %swap3A_118 = tpu.vector_load %arg16[%swap3A_116, %swap3A_117] {strides = array<i32>} : memref<8x128xi32, #tpu.memory_space<vmem>>, vector<16xi32>,
      tpu.vector_store %arg16[%swap3A_116, %swap3A_117], %add3A_114 {strides = array<i32>} : memref<8x128xi32, #tpu.memory_space<vmem>>, vector<16xi32>,
      %get3A_119 = arith.constant 96 : index
      %get3A_120 = tpu.vector_load %arg9[%get3A_119] {strides = array<i32>} : memref<1024xi32, #tpu.memory_space<vmem>>, vector<16xi32>,
      %mul3A_121 = arith.constant 2048 : i32
      %mul3A_122 = vector.broadcast %mul3A_121 : i32 to vector<16xi32>
      %mul3A_123 = arith.muli %get3A_120, %mul3A_122 : vector<16xi32>
      %get3A_124 = arith.constant 96 : index
      %get3A_125 = tpu.vector_load %arg10[%get3A_124] {strides = array<i32>} : memref<1024xi32, #tpu.memory_space<vmem>>, vector<16xi32>,
      %add3A_126 = arith.addi %mul3A_123, %get3A_125 : vector<16xi32>
      %swap3A_127 = arith.constant 0 : i32
      %swap3A_128 = arith.index_cast %swap3A_127 : i32 to index
      %swap3A_129 = arith.constant 96 : index
      %swap3A_130 = tpu.vector_load %arg16[%swap3A_128, %swap3A_129] {strides = array<i32>} : memref<8x128xi32, #tpu.memory_space<vmem>>, vector<16xi32>,
      tpu.vector_store %arg16[%swap3A_128, %swap3A_129], %add3A_126 {strides = array<i32>} : memref<8x128xi32, #tpu.memory_space<vmem>>, vector<16xi32>,
      %get3A_131 = arith.constant 112 : index
      %get3A_132 = tpu.vector_load %arg9[%get3A_131] {strides = array<i32>} : memref<1024xi32, #tpu.memory_space<vmem>>, vector<16xi32>,
      %mul3A_133 = arith.constant 2048 : i32
      %mul3A_134 = vector.broadcast %mul3A_133 : i32 to vector<16xi32>
      %mul3A_135 = arith.muli %get3A_132, %mul3A_134 : vector<16xi32>
      %get3A_136 = arith.constant 112 : index
      %get3A_137 = tpu.vector_load %arg10[%get3A_136] {strides = array<i32>} : memref<1024xi32, #tpu.memory_space<vmem>>, vector<16xi32>,
      %add3A_138 = arith.addi %mul3A_135, %get3A_137 : vector<16xi32>
      %swap3A_139 = arith.constant 0 : i32
      %swap3A_140 = arith.index_cast %swap3A_139 : i32 to index
      %swap3A_141 = arith.constant 112 : index
      %swap3A_142 = tpu.vector_load %arg16[%swap3A_140, %swap3A_141] {strides = array<i32>} : memref<8x128xi32, #tpu.memory_space<vmem>>, vector<16xi32>,
      tpu.vector_store %arg16[%swap3A_140, %swap3A_141], %add3A_138 {strides = array<i32>} : memref<8x128xi32, #tpu.memory_space<vmem>>, vector<16xi32>,
      %get3A_143 = arith.constant 128 : index
      %get3A_144 = tpu.vector_load %arg9[%get3A_143] {strides = array<i32>} : memref<1024xi32, #tpu.memory_space<vmem>>, vector<16xi32>,
      %mul3A_145 = arith.constant 2048 : i32
      %mul3A_146 = vector.broadcast %mul3A_145 : i32 to vector<16xi32>
      %mul3A_147 = arith.muli %get3A_144, %mul3A_146 : vector<16xi32>
      %get3A_148 = arith.constant 128 : index
      %get3A_149 = tpu.vector_load %arg10[%get3A_148] {strides = array<i32>} : memref<1024xi32, #tpu.memory_space<vmem>>, vector<16xi32>,
      %add3A_150 = arith.addi %mul3A_147, %get3A_149 : vector<16xi32>
      %swap3A_151 = arith.constant 1 : i32
      %swap3A_152 = arith.index_cast %swap3A_151 : i32 to index
      %swap3A_153 = arith.constant 0 : index
      %swap3A_154 = tpu.vector_load %arg16[%swap3A_152, %swap3A_153] {strides = array<i32>} : memref<8x128xi32, #tpu.memory_space<vmem>>, vector<16xi32>,
      tpu.vector_store %arg16[%swap3A_152, %swap3A_153], %add3A_150 {strides = array<i32>} : memref<8x128xi32, #tpu.memory_space<vmem>>, vector<16xi32>,
      %get3A_155 = arith.constant 144 : index
      %get3A_156 = tpu.vector_load %arg9[%get3A_155] {strides = array<i32>} : memref<1024xi32, #tpu.memory_space<vmem>>, vector<16xi32>,
      %mul3A_157 = arith.constant 2048 : i32
      %mul3A_158 = vector.broadcast %mul3A_157 : i32 to vector<16xi32>
      %mul3A_159 = arith.muli %get3A_156, %mul3A_158 : vector<16xi32>
      %get3A_160 = arith.constant 144 : index
      %get3A_161 = tpu.vector_load %arg10[%get3A_160] {strides = array<i32>} : memref<1024xi32, #tpu.memory_space<vmem>>, vector<16xi32>,
      %add3A_162 = arith.addi %mul3A_159, %get3A_161 : vector<16xi32>
      %swap3A_163 = arith.constant 1 : i32
      %swap3A_164 = arith.index_cast %swap3A_163 : i32 to index
      %swap3A_165 = arith.constant 16 : index
      %swap3A_166 = tpu.vector_load %arg16[%swap3A_164, %swap3A_165] {strides = array<i32>} : memref<8x128xi32, #tpu.memory_space<vmem>>, vector<16xi32>,
      tpu.vector_store %arg16[%swap3A_164, %swap3A_165], %add3A_162 {strides = array<i32>} : memref<8x128xi32, #tpu.memory_space<vmem>>, vector<16xi32>,
      %get3A_167 = arith.constant 160 : index
      %get3A_168 = tpu.vector_load %arg9[%get3A_167] {strides = array<i32>} : memref<1024xi32, #tpu.memory_space<vmem>>, vector<16xi32>,
      %mul3A_169 = arith.constant 2048 : i32
      %mul3A_170 = vector.broadcast %mul3A_169 : i32 to vector<16xi32>
      %mul3A_171 = arith.muli %get3A_168, %mul3A_170 : vector<16xi32>
      %get3A_172 = arith.constant 160 : index
      %get3A_173 = tpu.vector_load %arg10[%get3A_172] {strides = array<i32>} : memref<1024xi32, #tpu.memory_space<vmem>>, vector<16xi32>,
      %add3A_174 = arith.addi %mul3A_171, %get3A_173 : vector<16xi32>
      %swap3A_175 = arith.constant 1 : i32
      %swap3A_176 = arith.index_cast %swap3A_175 : i32 to index
      %swap3A_177 = arith.constant 32 : index
      %swap3A_178 = tpu.vector_load %arg16[%swap3A_176, %swap3A_177] {strides = array<i32>} : memref<8x128xi32, #tpu.memory_space<vmem>>, vector<16xi32>,
      tpu.vector_store %arg16[%swap3A_176, %swap3A_177], %add3A_174 {strides = array<i32>} : memref<8x128xi32, #tpu.memory_space<vmem>>, vector<16xi32>,
      %get3A_179 = arith.constant 176 : index
      %get3A_180 = tpu.vector_load %arg9[%get3A_179] {strides = array<i32>} : memref<1024xi32, #tpu.memory_space<vmem>>, vector<16xi32>,
      %mul3A_181 = arith.constant 2048 : i32
      %mul3A_182 = vector.broadcast %mul3A_181 : i32 to vector<16xi32>
      %mul3A_183 = arith.muli %get3A_180, %mul3A_182 : vector<16xi32>
      %get3A_184 = arith.constant 176 : index
      %get3A_185 = tpu.vector_load %arg10[%get3A_184] {strides = array<i32>} : memref<1024xi32, #tpu.memory_space<vmem>>, vector<16xi32>,
      %add3A_186 = arith.addi %mul3A_183, %get3A_185 : vector<16xi32>
      %swap3A_187 = arith.constant 1 : i32
      %swap3A_188 = arith.index_cast %swap3A_187 : i32 to index
      %swap3A_189 = arith.constant 48 : index
      %swap3A_190 = tpu.vector_load %arg16[%swap3A_188, %swap3A_189] {strides = array<i32>} : memref<8x128xi32, #tpu.memory_space<vmem>>, vector<16xi32>,
      tpu.vector_store %arg16[%swap3A_188, %swap3A_189], %add3A_186 {strides = array<i32>} : memref<8x128xi32, #tpu.memory_space<vmem>>, vector<16xi32>,
      %get3A_191 = arith.constant 192 : index
      %get3A_192 = tpu.vector_load %arg9[%get3A_191] {strides = array<i32>} : memref<1024xi32, #tpu.memory_space<vmem>>, vector<16xi32>,
      %mul3A_193 = arith.constant 2048 : i32
      %mul3A_194 = vector.broadcast %mul3A_193 : i32 to vector<16xi32>
      %mul3A_195 = arith.muli %get3A_192, %mul3A_194 : vector<16xi32>
      %get3A_196 = arith.constant 192 : index
      %get3A_197 = tpu.vector_load %arg10[%get3A_196] {strides = array<i32>} : memref<1024xi32, #tpu.memory_space<vmem>>, vector<16xi32>,
      %add3A_198 = arith.addi %mul3A_195, %get3A_197 : vector<16xi32>
      %swap3A_199 = arith.constant 1 : i32
      %swap3A_200 = arith.index_cast %swap3A_199 : i32 to index
      %swap3A_201 = arith.constant 64 : index
      %swap3A_202 = tpu.vector_load %arg16[%swap3A_200, %swap3A_201] {strides = array<i32>} : memref<8x128xi32, #tpu.memory_space<vmem>>, vector<16xi32>,
      tpu.vector_store %arg16[%swap3A_200, %swap3A_201], %add3A_198 {strides = array<i32>} : memref<8x128xi32, #tpu.memory_space<vmem>>, vector<16xi32>,
      %get3A_203 = arith.constant 208 : index
      %get3A_204 = tpu.vector_load %arg9[%get3A_203] {strides = array<i32>} : memref<1024xi32, #tpu.memory_space<vmem>>, vector<16xi32>,
      %mul3A_205 = arith.constant 2048 : i32
      %mul3A_206 = vector.broadcast %mul3A_205 : i32 to vector<16xi32>
      %mul3A_207 = arith.muli %get3A_204, %mul3A_206 : vector<16xi32>
      %get3A_208 = arith.constant 208 : index
      %get3A_209 = tpu.vector_load %arg10[%get3A_208] {strides = array<i32>} : memref<1024xi32, #tpu.memory_space<vmem>>, vector<16xi32>,
      %add3A_210 = arith.addi %mul3A_207, %get3A_209 : vector<16xi32>
      %swap3A_211 = arith.constant 1 : i32
      %swap3A_212 = arith.index_cast %swap3A_211 : i32 to index
      %swap3A_213 = arith.constant 80 : index
      %swap3A_214 = tpu.vector_load %arg16[%swap3A_212, %swap3A_213] {strides = array<i32>} : memref<8x128xi32, #tpu.memory_space<vmem>>, vector<16xi32>,
      tpu.vector_store %arg16[%swap3A_212, %swap3A_213], %add3A_210 {strides = array<i32>} : memref<8x128xi32, #tpu.memory_space<vmem>>, vector<16xi32>,
      %get3A_215 = arith.constant 224 : index
      %get3A_216 = tpu.vector_load %arg9[%get3A_215] {strides = array<i32>} : memref<1024xi32, #tpu.memory_space<vmem>>, vector<16xi32>,
      %mul3A_217 = arith.constant 2048 : i32
      %mul3A_218 = vector.broadcast %mul3A_217 : i32 to vector<16xi32>
      %mul3A_219 = arith.muli %get3A_216, %mul3A_218 : vector<16xi32>
      %get3A_220 = arith.constant 224 : index
      %get3A_221 = tpu.vector_load %arg10[%get3A_220] {strides = array<i32>} : memref<1024xi32, #tpu.memory_space<vmem>>, vector<16xi32>,
      %add3A_222 = arith.addi %mul3A_219, %get3A_221 : vector<16xi32>
      %swap3A_223 = arith.constant 1 : i32
      %swap3A_224 = arith.index_cast %swap3A_223 : i32 to index
      %swap3A_225 = arith.constant 96 : index
      %swap3A_226 = tpu.vector_load %arg16[%swap3A_224, %swap3A_225] {strides = array<i32>} : memref<8x128xi32, #tpu.memory_space<vmem>>, vector<16xi32>,
      tpu.vector_store %arg16[%swap3A_224, %swap3A_225], %add3A_222 {strides = array<i32>} : memref<8x128xi32, #tpu.memory_space<vmem>>, vector<16xi32>,
      %get3A_227 = arith.constant 240 : index
      %get3A_228 = tpu.vector_load %arg9[%get3A_227] {strides = array<i32>} : memref<1024xi32, #tpu.memory_space<vmem>>, vector<16xi32>,
      %mul3A_229 = arith.constant 2048 : i32
      %mul3A_230 = vector.broadcast %mul3A_229 : i32 to vector<16xi32>
      %mul3A_231 = arith.muli %get3A_228, %mul3A_230 : vector<16xi32>
      %get3A_232 = arith.constant 240 : index
      %get3A_233 = tpu.vector_load %arg10[%get3A_232] {strides = array<i32>} : memref<1024xi32, #tpu.memory_space<vmem>>, vector<16xi32>,
      %add3A_234 = arith.addi %mul3A_231, %get3A_233 : vector<16xi32>
      %swap3A_235 = arith.constant 1 : i32
      %swap3A_236 = arith.index_cast %swap3A_235 : i32 to index
      %swap3A_237 = arith.constant 112 : index
      %swap3A_238 = tpu.vector_load %arg16[%swap3A_236, %swap3A_237] {strides = array<i32>} : memref<8x128xi32, #tpu.memory_space<vmem>>, vector<16xi32>,
      tpu.vector_store %arg16[%swap3A_236, %swap3A_237], %add3A_234 {strides = array<i32>} : memref<8x128xi32, #tpu.memory_space<vmem>>, vector<16xi32>,
      %get3A_239 = arith.constant 256 : index
      %get3A_240 = tpu.vector_load %arg9[%get3A_239] {strides = array<i32>} : memref<1024xi32, #tpu.memory_space<vmem>>, vector<16xi32>,
      %mul3A_241 = arith.constant 2048 : i32
      %mul3A_242 = vector.broadcast %mul3A_241 : i32 to vector<16xi32>
      %mul3A_243 = arith.muli %get3A_240, %mul3A_242 : vector<16xi32>
      %get3A_244 = arith.constant 256 : index
      %get3A_245 = tpu.vector_load %arg10[%get3A_244] {strides = array<i32>} : memref<1024xi32, #tpu.memory_space<vmem>>, vector<16xi32>,
      %add3A_246 = arith.addi %mul3A_243, %get3A_245 : vector<16xi32>
      %swap3A_247 = arith.constant 2 : i32
      %swap3A_248 = arith.index_cast %swap3A_247 : i32 to index
      %swap3A_249 = arith.constant 0 : index
      %swap3A_250 = tpu.vector_load %arg16[%swap3A_248, %swap3A_249] {strides = array<i32>} : memref<8x128xi32, #tpu.memory_space<vmem>>, vector<16xi32>,
      tpu.vector_store %arg16[%swap3A_248, %swap3A_249], %add3A_246 {strides = array<i32>} : memref<8x128xi32, #tpu.memory_space<vmem>>, vector<16xi32>,
      %get3A_251 = arith.constant 272 : index
      %get3A_252 = tpu.vector_load %arg9[%get3A_251] {strides = array<i32>} : memref<1024xi32, #tpu.memory_space<vmem>>, vector<16xi32>,
      %mul3A_253 = arith.constant 2048 : i32
      %mul3A_254 = vector.broadcast %mul3A_253 : i32 to vector<16xi32>
      %mul3A_255 = arith.muli %get3A_252, %mul3A_254 : vector<16xi32>
      %get3A_256 = arith.constant 272 : index
      %get3A_257 = tpu.vector_load %arg10[%get3A_256] {strides = array<i32>} : memref<1024xi32, #tpu.memory_space<vmem>>, vector<16xi32>,
      %add3A_258 = arith.addi %mul3A_255, %get3A_257 : vector<16xi32>
      %swap3A_259 = arith.constant 2 : i32
      %swap3A_260 = arith.index_cast %swap3A_259 : i32 to index
      %swap3A_261 = arith.constant 16 : index
      %swap3A_262 = tpu.vector_load %arg16[%swap3A_260, %swap3A_261] {strides = array<i32>} : memref<8x128xi32, #tpu.memory_space<vmem>>, vector<16xi32>,
      tpu.vector_store %arg16[%swap3A_260, %swap3A_261], %add3A_258 {strides = array<i32>} : memref<8x128xi32, #tpu.memory_space<vmem>>, vector<16xi32>,
      %get3A_263 = arith.constant 288 : index
      %get3A_264 = tpu.vector_load %arg9[%get3A_263] {strides = array<i32>} : memref<1024xi32, #tpu.memory_space<vmem>>, vector<16xi32>,
      %mul3A_265 = arith.constant 2048 : i32
      %mul3A_266 = vector.broadcast %mul3A_265 : i32 to vector<16xi32>
      %mul3A_267 = arith.muli %get3A_264, %mul3A_266 : vector<16xi32>
      %get3A_268 = arith.constant 288 : index
      %get3A_269 = tpu.vector_load %arg10[%get3A_268] {strides = array<i32>} : memref<1024xi32, #tpu.memory_space<vmem>>, vector<16xi32>,
      %add3A_270 = arith.addi %mul3A_267, %get3A_269 : vector<16xi32>
      %swap3A_271 = arith.constant 2 : i32
      %swap3A_272 = arith.index_cast %swap3A_271 : i32 to index
      %swap3A_273 = arith.constant 32 : index
      %swap3A_274 = tpu.vector_load %arg16[%swap3A_272, %swap3A_273] {strides = array<i32>} : memref<8x128xi32, #tpu.memory_space<vmem>>, vector<16xi32>,
      tpu.vector_store %arg16[%swap3A_272, %swap3A_273], %add3A_270 {strides = array<i32>} : memref<8x128xi32, #tpu.memory_space<vmem>>, vector<16xi32>,
      %get3A_275 = arith.constant 304 : index
      %get3A_276 = tpu.vector_load %arg9[%get3A_275] {strides = array<i32>} : memref<1024xi32, #tpu.memory_space<vmem>>, vector<16xi32>,
      %mul3A_277 = arith.constant 2048 : i32
      %mul3A_278 = vector.broadcast %mul3A_277 : i32 to vector<16xi32>
      %mul3A_279 = arith.muli %get3A_276, %mul3A_278 : vector<16xi32>
      %get3A_280 = arith.constant 304 : index
      %get3A_281 = tpu.vector_load %arg10[%get3A_280] {strides = array<i32>} : memref<1024xi32, #tpu.memory_space<vmem>>, vector<16xi32>,
      %add3A_282 = arith.addi %mul3A_279, %get3A_281 : vector<16xi32>
      %swap3A_283 = arith.constant 2 : i32
      %swap3A_284 = arith.index_cast %swap3A_283 : i32 to index
      %swap3A_285 = arith.constant 48 : index
      %swap3A_286 = tpu.vector_load %arg16[%swap3A_284, %swap3A_285] {strides = array<i32>} : memref<8x128xi32, #tpu.memory_space<vmem>>, vector<16xi32>,
      tpu.vector_store %arg16[%swap3A_284, %swap3A_285], %add3A_282 {strides = array<i32>} : memref<8x128xi32, #tpu.memory_space<vmem>>, vector<16xi32>,
      %get3A_287 = arith.constant 320 : index
      %get3A_288 = tpu.vector_load %arg9[%get3A_287] {strides = array<i32>} : memref<1024xi32, #tpu.memory_space<vmem>>, vector<16xi32>,
      %mul3A_289 = arith.constant 2048 : i32
      %mul3A_290 = vector.broadcast %mul3A_289 : i32 to vector<16xi32>
      %mul3A_291 = arith.muli %get3A_288, %mul3A_290 : vector<16xi32>
      %get3A_292 = arith.constant 320 : index
      %get3A_293 = tpu.vector_load %arg10[%get3A_292] {strides = array<i32>} : memref<1024xi32, #tpu.memory_space<vmem>>, vector<16xi32>,
      %add3A_294 = arith.addi %mul3A_291, %get3A_293 : vector<16xi32>
      %swap3A_295 = arith.constant 2 : i32
      %swap3A_296 = arith.index_cast %swap3A_295 : i32 to index
      %swap3A_297 = arith.constant 64 : index
      %swap3A_298 = tpu.vector_load %arg16[%swap3A_296, %swap3A_297] {strides = array<i32>} : memref<8x128xi32, #tpu.memory_space<vmem>>, vector<16xi32>,
      tpu.vector_store %arg16[%swap3A_296, %swap3A_297], %add3A_294 {strides = array<i32>} : memref<8x128xi32, #tpu.memory_space<vmem>>, vector<16xi32>,
      %get3A_299 = arith.constant 336 : index
      %get3A_300 = tpu.vector_load %arg9[%get3A_299] {strides = array<i32>} : memref<1024xi32, #tpu.memory_space<vmem>>, vector<16xi32>,
      %mul3A_301 = arith.constant 2048 : i32
      %mul3A_302 = vector.broadcast %mul3A_301 : i32 to vector<16xi32>
      %mul3A_303 = arith.muli %get3A_300, %mul3A_302 : vector<16xi32>
      %get3A_304 = arith.constant 336 : index
      %get3A_305 = tpu.vector_load %arg10[%get3A_304] {strides = array<i32>} : memref<1024xi32, #tpu.memory_space<vmem>>, vector<16xi32>,
      %add3A_306 = arith.addi %mul3A_303, %get3A_305 : vector<16xi32>
      %swap3A_307 = arith.constant 2 : i32
      %swap3A_308 = arith.index_cast %swap3A_307 : i32 to index
      %swap3A_309 = arith.constant 80 : index
      %swap3A_310 = tpu.vector_load %arg16[%swap3A_308, %swap3A_309] {strides = array<i32>} : memref<8x128xi32, #tpu.memory_space<vmem>>, vector<16xi32>,
      tpu.vector_store %arg16[%swap3A_308, %swap3A_309], %add3A_306 {strides = array<i32>} : memref<8x128xi32, #tpu.memory_space<vmem>>, vector<16xi32>,
      %get3A_311 = arith.constant 352 : index
      %get3A_312 = tpu.vector_load %arg9[%get3A_311] {strides = array<i32>} : memref<1024xi32, #tpu.memory_space<vmem>>, vector<16xi32>,
      %mul3A_313 = arith.constant 2048 : i32
      %mul3A_314 = vector.broadcast %mul3A_313 : i32 to vector<16xi32>
      %mul3A_315 = arith.muli %get3A_312, %mul3A_314 : vector<16xi32>
      %get3A_316 = arith.constant 352 : index
      %get3A_317 = tpu.vector_load %arg10[%get3A_316] {strides = array<i32>} : memref<1024xi32, #tpu.memory_space<vmem>>, vector<16xi32>,
      %add3A_318 = arith.addi %mul3A_315, %get3A_317 : vector<16xi32>
      %swap3A_319 = arith.constant 2 : i32
      %swap3A_320 = arith.index_cast %swap3A_319 : i32 to index
      %swap3A_321 = arith.constant 96 : index
      %swap3A_322 = tpu.vector_load %arg16[%swap3A_320, %swap3A_321] {strides = array<i32>} : memref<8x128xi32, #tpu.memory_space<vmem>>, vector<16xi32>,
      tpu.vector_store %arg16[%swap3A_320, %swap3A_321], %add3A_318 {strides = array<i32>} : memref<8x128xi32, #tpu.memory_space<vmem>>, vector<16xi32>,
      %get3A_323 = arith.constant 368 : index
      %get3A_324 = tpu.vector_load %arg9[%get3A_323] {strides = array<i32>} : memref<1024xi32, #tpu.memory_space<vmem>>, vector<16xi32>,
      %mul3A_325 = arith.constant 2048 : i32
      %mul3A_326 = vector.broadcast %mul3A_325 : i32 to vector<16xi32>
      %mul3A_327 = arith.muli %get3A_324, %mul3A_326 : vector<16xi32>
      %get3A_328 = arith.constant 368 : index
      %get3A_329 = tpu.vector_load %arg10[%get3A_328] {strides = array<i32>} : memref<1024xi32, #tpu.memory_space<vmem>>, vector<16xi32>,
      %add3A_330 = arith.addi %mul3A_327, %get3A_329 : vector<16xi32>
      %swap3A_331 = arith.constant 2 : i32
      %swap3A_332 = arith.index_cast %swap3A_331 : i32 to index
      %swap3A_333 = arith.constant 112 : index
      %swap3A_334 = tpu.vector_load %arg16[%swap3A_332, %swap3A_333] {strides = array<i32>} : memref<8x128xi32, #tpu.memory_space<vmem>>, vector<16xi32>,
      tpu.vector_store %arg16[%swap3A_332, %swap3A_333], %add3A_330 {strides = array<i32>} : memref<8x128xi32, #tpu.memory_space<vmem>>, vector<16xi32>,
      %get3A_335 = arith.constant 384 : index
      %get3A_336 = tpu.vector_load %arg9[%get3A_335] {strides = array<i32>} : memref<1024xi32, #tpu.memory_space<vmem>>, vector<16xi32>,
      %mul3A_337 = arith.constant 2048 : i32
      %mul3A_338 = vector.broadcast %mul3A_337 : i32 to vector<16xi32>
      %mul3A_339 = arith.muli %get3A_336, %mul3A_338 : vector<16xi32>
      %get3A_340 = arith.constant 384 : index
      %get3A_341 = tpu.vector_load %arg10[%get3A_340] {strides = array<i32>} : memref<1024xi32, #tpu.memory_space<vmem>>, vector<16xi32>,
      %add3A_342 = arith.addi %mul3A_339, %get3A_341 : vector<16xi32>
      %swap3A_343 = arith.constant 3 : i32
      %swap3A_344 = arith.index_cast %swap3A_343 : i32 to index
      %swap3A_345 = arith.constant 0 : index
      %swap3A_346 = tpu.vector_load %arg16[%swap3A_344, %swap3A_345] {strides = array<i32>} : memref<8x128xi32, #tpu.memory_space<vmem>>, vector<16xi32>,
      tpu.vector_store %arg16[%swap3A_344, %swap3A_345], %add3A_342 {strides = array<i32>} : memref<8x128xi32, #tpu.memory_space<vmem>>, vector<16xi32>,
      %get3A_347 = arith.constant 400 : index
      %get3A_348 = tpu.vector_load %arg9[%get3A_347] {strides = array<i32>} : memref<1024xi32, #tpu.memory_space<vmem>>, vector<16xi32>,
      %mul3A_349 = arith.constant 2048 : i32
      %mul3A_350 = vector.broadcast %mul3A_349 : i32 to vector<16xi32>
      %mul3A_351 = arith.muli %get3A_348, %mul3A_350 : vector<16xi32>
      %get3A_352 = arith.constant 400 : index
      %get3A_353 = tpu.vector_load %arg10[%get3A_352] {strides = array<i32>} : memref<1024xi32, #tpu.memory_space<vmem>>, vector<16xi32>,
      %add3A_354 = arith.addi %mul3A_351, %get3A_353 : vector<16xi32>
      %swap3A_355 = arith.constant 3 : i32
      %swap3A_356 = arith.index_cast %swap3A_355 : i32 to index
      %swap3A_357 = arith.constant 16 : index
      %swap3A_358 = tpu.vector_load %arg16[%swap3A_356, %swap3A_357] {strides = array<i32>} : memref<8x128xi32, #tpu.memory_space<vmem>>, vector<16xi32>,
      tpu.vector_store %arg16[%swap3A_356, %swap3A_357], %add3A_354 {strides = array<i32>} : memref<8x128xi32, #tpu.memory_space<vmem>>, vector<16xi32>,
      %get3A_359 = arith.constant 416 : index
      %get3A_360 = tpu.vector_load %arg9[%get3A_359] {strides = array<i32>} : memref<1024xi32, #tpu.memory_space<vmem>>, vector<16xi32>,
      %mul3A_361 = arith.constant 2048 : i32
      %mul3A_362 = vector.broadcast %mul3A_361 : i32 to vector<16xi32>
      %mul3A_363 = arith.muli %get3A_360, %mul3A_362 : vector<16xi32>
      %get3A_364 = arith.constant 416 : index
      %get3A_365 = tpu.vector_load %arg10[%get3A_364] {strides = array<i32>} : memref<1024xi32, #tpu.memory_space<vmem>>, vector<16xi32>,
      %add3A_366 = arith.addi %mul3A_363, %get3A_365 : vector<16xi32>
      %swap3A_367 = arith.constant 3 : i32
      %swap3A_368 = arith.index_cast %swap3A_367 : i32 to index
      %swap3A_369 = arith.constant 32 : index
      %swap3A_370 = tpu.vector_load %arg16[%swap3A_368, %swap3A_369] {strides = array<i32>} : memref<8x128xi32, #tpu.memory_space<vmem>>, vector<16xi32>,
      tpu.vector_store %arg16[%swap3A_368, %swap3A_369], %add3A_366 {strides = array<i32>} : memref<8x128xi32, #tpu.memory_space<vmem>>, vector<16xi32>,
      %get3A_371 = arith.constant 432 : index
      %get3A_372 = tpu.vector_load %arg9[%get3A_371] {strides = array<i32>} : memref<1024xi32, #tpu.memory_space<vmem>>, vector<16xi32>,
      %mul3A_373 = arith.constant 2048 : i32
      %mul3A_374 = vector.broadcast %mul3A_373 : i32 to vector<16xi32>
      %mul3A_375 = arith.muli %get3A_372, %mul3A_374 : vector<16xi32>
      %get3A_376 = arith.constant 432 : index
      %get3A_377 = tpu.vector_load %arg10[%get3A_376] {strides = array<i32>} : memref<1024xi32, #tpu.memory_space<vmem>>, vector<16xi32>,
      %add3A_378 = arith.addi %mul3A_375, %get3A_377 : vector<16xi32>
      %swap3A_379 = arith.constant 3 : i32
      %swap3A_380 = arith.index_cast %swap3A_379 : i32 to index
      %swap3A_381 = arith.constant 48 : index
      %swap3A_382 = tpu.vector_load %arg16[%swap3A_380, %swap3A_381] {strides = array<i32>} : memref<8x128xi32, #tpu.memory_space<vmem>>, vector<16xi32>,
      tpu.vector_store %arg16[%swap3A_380, %swap3A_381], %add3A_378 {strides = array<i32>} : memref<8x128xi32, #tpu.memory_space<vmem>>, vector<16xi32>,
      %get3A_383 = arith.constant 448 : index
      %get3A_384 = tpu.vector_load %arg9[%get3A_383] {strides = array<i32>} : memref<1024xi32, #tpu.memory_space<vmem>>, vector<16xi32>,
      %mul3A_385 = arith.constant 2048 : i32
      %mul3A_386 = vector.broadcast %mul3A_385 : i32 to vector<16xi32>
      %mul3A_387 = arith.muli %get3A_384, %mul3A_386 : vector<16xi32>
      %get3A_388 = arith.constant 448 : index
      %get3A_389 = tpu.vector_load %arg10[%get3A_388] {strides = array<i32>} : memref<1024xi32, #tpu.memory_space<vmem>>, vector<16xi32>,
      %add3A_390 = arith.addi %mul3A_387, %get3A_389 : vector<16xi32>
      %swap3A_391 = arith.constant 3 : i32
      %swap3A_392 = arith.index_cast %swap3A_391 : i32 to index
      %swap3A_393 = arith.constant 64 : index
      %swap3A_394 = tpu.vector_load %arg16[%swap3A_392, %swap3A_393] {strides = array<i32>} : memref<8x128xi32, #tpu.memory_space<vmem>>, vector<16xi32>,
      tpu.vector_store %arg16[%swap3A_392, %swap3A_393], %add3A_390 {strides = array<i32>} : memref<8x128xi32, #tpu.memory_space<vmem>>, vector<16xi32>,
      %get3A_395 = arith.constant 464 : index
      %get3A_396 = tpu.vector_load %arg9[%get3A_395] {strides = array<i32>} : memref<1024xi32, #tpu.memory_space<vmem>>, vector<16xi32>,
      %mul3A_397 = arith.constant 2048 : i32
      %mul3A_398 = vector.broadcast %mul3A_397 : i32 to vector<16xi32>
      %mul3A_399 = arith.muli %get3A_396, %mul3A_398 : vector<16xi32>
      %get3A_400 = arith.constant 464 : index
      %get3A_401 = tpu.vector_load %arg10[%get3A_400] {strides = array<i32>} : memref<1024xi32, #tpu.memory_space<vmem>>, vector<16xi32>,
      %add3A_402 = arith.addi %mul3A_399, %get3A_401 : vector<16xi32>
      %swap3A_403 = arith.constant 3 : i32
      %swap3A_404 = arith.index_cast %swap3A_403 : i32 to index
      %swap3A_405 = arith.constant 80 : index
      %swap3A_406 = tpu.vector_load %arg16[%swap3A_404, %swap3A_405] {strides = array<i32>} : memref<8x128xi32, #tpu.memory_space<vmem>>, vector<16xi32>,
      tpu.vector_store %arg16[%swap3A_404, %swap3A_405], %add3A_402 {strides = array<i32>} : memref<8x128xi32, #tpu.memory_space<vmem>>, vector<16xi32>,
      %get3A_407 = arith.constant 480 : index
      %get3A_408 = tpu.vector_load %arg9[%get3A_407] {strides = array<i32>} : memref<1024xi32, #tpu.memory_space<vmem>>, vector<16xi32>,
      %mul3A_409 = arith.constant 2048 : i32
      %mul3A_410 = vector.broadcast %mul3A_409 : i32 to vector<16xi32>
      %mul3A_411 = arith.muli %get3A_408, %mul3A_410 : vector<16xi32>
      %get3A_412 = arith.constant 480 : index
      %get3A_413 = tpu.vector_load %arg10[%get3A_412] {strides = array<i32>} : memref<1024xi32, #tpu.memory_space<vmem>>, vector<16xi32>,
      %add3A_414 = arith.addi %mul3A_411, %get3A_413 : vector<16xi32>
      %swap3A_415 = arith.constant 3 : i32
      %swap3A_416 = arith.index_cast %swap3A_415 : i32 to index
      %swap3A_417 = arith.constant 96 : index
      %swap3A_418 = tpu.vector_load %arg16[%swap3A_416, %swap3A_417] {strides = array<i32>} : memref<8x128xi32, #tpu.memory_space<vmem>>, vector<16xi32>,
      tpu.vector_store %arg16[%swap3A_416, %swap3A_417], %add3A_414 {strides = array<i32>} : memref<8x128xi32, #tpu.memory_space<vmem>>, vector<16xi32>,
      %get3A_419 = arith.constant 496 : index
      %get3A_420 = tpu.vector_load %arg9[%get3A_419] {strides = array<i32>} : memref<1024xi32, #tpu.memory_space<vmem>>, vector<16xi32>,
      %mul3A_421 = arith.constant 2048 : i32
      %mul3A_422 = vector.broadcast %mul3A_421 : i32 to vector<16xi32>
      %mul3A_423 = arith.muli %get3A_420, %mul3A_422 : vector<16xi32>
      %get3A_424 = arith.constant 496 : index
      %get3A_425 = tpu.vector_load %arg10[%get3A_424] {strides = array<i32>} : memref<1024xi32, #tpu.memory_space<vmem>>, vector<16xi32>,
      %add3A_426 = arith.addi %mul3A_423, %get3A_425 : vector<16xi32>
      %swap3A_427 = arith.constant 3 : i32
      %swap3A_428 = arith.index_cast %swap3A_427 : i32 to index
      %swap3A_429 = arith.constant 112 : index
      %swap3A_430 = tpu.vector_load %arg16[%swap3A_428, %swap3A_429] {strides = array<i32>} : memref<8x128xi32, #tpu.memory_space<vmem>>, vector<16xi32>,
      tpu.vector_store %arg16[%swap3A_428, %swap3A_429], %add3A_426 {strides = array<i32>} : memref<8x128xi32, #tpu.memory_space<vmem>>, vector<16xi32>,
      %get3A_431 = arith.constant 512 : index
      %get3A_432 = tpu.vector_load %arg9[%get3A_431] {strides = array<i32>} : memref<1024xi32, #tpu.memory_space<vmem>>, vector<16xi32>,
      %mul3A_433 = arith.constant 2048 : i32
      %mul3A_434 = vector.broadcast %mul3A_433 : i32 to vector<16xi32>
      %mul3A_435 = arith.muli %get3A_432, %mul3A_434 : vector<16xi32>
      %get3A_436 = arith.constant 512 : index
      %get3A_437 = tpu.vector_load %arg10[%get3A_436] {strides = array<i32>} : memref<1024xi32, #tpu.memory_space<vmem>>, vector<16xi32>,
      %add3A_438 = arith.addi %mul3A_435, %get3A_437 : vector<16xi32>
      %swap3A_439 = arith.constant 4 : i32
      %swap3A_440 = arith.index_cast %swap3A_439 : i32 to index
      %swap3A_441 = arith.constant 0 : index
      %swap3A_442 = tpu.vector_load %arg16[%swap3A_440, %swap3A_441] {strides = array<i32>} : memref<8x128xi32, #tpu.memory_space<vmem>>, vector<16xi32>,
      tpu.vector_store %arg16[%swap3A_440, %swap3A_441], %add3A_438 {strides = array<i32>} : memref<8x128xi32, #tpu.memory_space<vmem>>, vector<16xi32>,
      %get3A_443 = arith.constant 528 : index
      %get3A_444 = tpu.vector_load %arg9[%get3A_443] {strides = array<i32>} : memref<1024xi32, #tpu.memory_space<vmem>>, vector<16xi32>,
      %mul3A_445 = arith.constant 2048 : i32
      %mul3A_446 = vector.broadcast %mul3A_445 : i32 to vector<16xi32>
      %mul3A_447 = arith.muli %get3A_444, %mul3A_446 : vector<16xi32>
      %get3A_448 = arith.constant 528 : index
      %get3A_449 = tpu.vector_load %arg10[%get3A_448] {strides = array<i32>} : memref<1024xi32, #tpu.memory_space<vmem>>, vector<16xi32>,
      %add3A_450 = arith.addi %mul3A_447, %get3A_449 : vector<16xi32>
      %swap3A_451 = arith.constant 4 : i32
      %swap3A_452 = arith.index_cast %swap3A_451 : i32 to index
      %swap3A_453 = arith.constant 16 : index
      %swap3A_454 = tpu.vector_load %arg16[%swap3A_452, %swap3A_453] {strides = array<i32>} : memref<8x128xi32, #tpu.memory_space<vmem>>, vector<16xi32>,
      tpu.vector_store %arg16[%swap3A_452, %swap3A_453], %add3A_450 {strides = array<i32>} : memref<8x128xi32, #tpu.memory_space<vmem>>, vector<16xi32>,
      %get3A_455 = arith.constant 544 : index
      %get3A_456 = tpu.vector_load %arg9[%get3A_455] {strides = array<i32>} : memref<1024xi32, #tpu.memory_space<vmem>>, vector<16xi32>,
      %mul3A_457 = arith.constant 2048 : i32
      %mul3A_458 = vector.broadcast %mul3A_457 : i32 to vector<16xi32>
      %mul3A_459 = arith.muli %get3A_456, %mul3A_458 : vector<16xi32>
      %get3A_460 = arith.constant 544 : index
      %get3A_461 = tpu.vector_load %arg10[%get3A_460] {strides = array<i32>} : memref<1024xi32, #tpu.memory_space<vmem>>, vector<16xi32>,
      %add3A_462 = arith.addi %mul3A_459, %get3A_461 : vector<16xi32>
      %swap3A_463 = arith.constant 4 : i32
      %swap3A_464 = arith.index_cast %swap3A_463 : i32 to index
      %swap3A_465 = arith.constant 32 : index
      %swap3A_466 = tpu.vector_load %arg16[%swap3A_464, %swap3A_465] {strides = array<i32>} : memref<8x128xi32, #tpu.memory_space<vmem>>, vector<16xi32>,
      tpu.vector_store %arg16[%swap3A_464, %swap3A_465], %add3A_462 {strides = array<i32>} : memref<8x128xi32, #tpu.memory_space<vmem>>, vector<16xi32>,
      %get3A_467 = arith.constant 560 : index
      %get3A_468 = tpu.vector_load %arg9[%get3A_467] {strides = array<i32>} : memref<1024xi32, #tpu.memory_space<vmem>>, vector<16xi32>,
      %mul3A_469 = arith.constant 2048 : i32
      %mul3A_470 = vector.broadcast %mul3A_469 : i32 to vector<16xi32>
      %mul3A_471 = arith.muli %get3A_468, %mul3A_470 : vector<16xi32>
      %get3A_472 = arith.constant 560 : index
      %get3A_473 = tpu.vector_load %arg10[%get3A_472] {strides = array<i32>} : memref<1024xi32, #tpu.memory_space<vmem>>, vector<16xi32>,
      %add3A_474 = arith.addi %mul3A_471, %get3A_473 : vector<16xi32>
      %swap3A_475 = arith.constant 4 : i32
      %swap3A_476 = arith.index_cast %swap3A_475 : i32 to index
      %swap3A_477 = arith.constant 48 : index
      %swap3A_478 = tpu.vector_load %arg16[%swap3A_476, %swap3A_477] {strides = array<i32>} : memref<8x128xi32, #tpu.memory_space<vmem>>, vector<16xi32>,
      tpu.vector_store %arg16[%swap3A_476, %swap3A_477], %add3A_474 {strides = array<i32>} : memref<8x128xi32, #tpu.memory_space<vmem>>, vector<16xi32>,
      %get3A_479 = arith.constant 576 : index
      %get3A_480 = tpu.vector_load %arg9[%get3A_479] {strides = array<i32>} : memref<1024xi32, #tpu.memory_space<vmem>>, vector<16xi32>,
      %mul3A_481 = arith.constant 2048 : i32
      %mul3A_482 = vector.broadcast %mul3A_481 : i32 to vector<16xi32>
      %mul3A_483 = arith.muli %get3A_480, %mul3A_482 : vector<16xi32>
      %get3A_484 = arith.constant 576 : index
      %get3A_485 = tpu.vector_load %arg10[%get3A_484] {strides = array<i32>} : memref<1024xi32, #tpu.memory_space<vmem>>, vector<16xi32>,
      %add3A_486 = arith.addi %mul3A_483, %get3A_485 : vector<16xi32>
      %swap3A_487 = arith.constant 4 : i32
      %swap3A_488 = arith.index_cast %swap3A_487 : i32 to index
      %swap3A_489 = arith.constant 64 : index
      %swap3A_490 = tpu.vector_load %arg16[%swap3A_488, %swap3A_489] {strides = array<i32>} : memref<8x128xi32, #tpu.memory_space<vmem>>, vector<16xi32>,
      tpu.vector_store %arg16[%swap3A_488, %swap3A_489], %add3A_486 {strides = array<i32>} : memref<8x128xi32, #tpu.memory_space<vmem>>, vector<16xi32>,
      %get3A_491 = arith.constant 592 : index
      %get3A_492 = tpu.vector_load %arg9[%get3A_491] {strides = array<i32>} : memref<1024xi32, #tpu.memory_space<vmem>>, vector<16xi32>,
      %mul3A_493 = arith.constant 2048 : i32
      %mul3A_494 = vector.broadcast %mul3A_493 : i32 to vector<16xi32>
      %mul3A_495 = arith.muli %get3A_492, %mul3A_494 : vector<16xi32>
      %get3A_496 = arith.constant 592 : index
      %get3A_497 = tpu.vector_load %arg10[%get3A_496] {strides = array<i32>} : memref<1024xi32, #tpu.memory_space<vmem>>, vector<16xi32>,
      %add3A_498 = arith.addi %mul3A_495, %get3A_497 : vector<16xi32>
      %swap3A_499 = arith.constant 4 : i32
      %swap3A_500 = arith.index_cast %swap3A_499 : i32 to index
      %swap3A_501 = arith.constant 80 : index
      %swap3A_502 = tpu.vector_load %arg16[%swap3A_500, %swap3A_501] {strides = array<i32>} : memref<8x128xi32, #tpu.memory_space<vmem>>, vector<16xi32>,
      tpu.vector_store %arg16[%swap3A_500, %swap3A_501], %add3A_498 {strides = array<i32>} : memref<8x128xi32, #tpu.memory_space<vmem>>, vector<16xi32>,
      %get3A_503 = arith.constant 608 : index
      %get3A_504 = tpu.vector_load %arg9[%get3A_503] {strides = array<i32>} : memref<1024xi32, #tpu.memory_space<vmem>>, vector<16xi32>,
      %mul3A_505 = arith.constant 2048 : i32
      %mul3A_506 = vector.broadcast %mul3A_505 : i32 to vector<16xi32>
      %mul3A_507 = arith.muli %get3A_504, %mul3A_506 : vector<16xi32>
      %get3A_508 = arith.constant 608 : index
      %get3A_509 = tpu.vector_load %arg10[%get3A_508] {strides = array<i32>} : memref<1024xi32, #tpu.memory_space<vmem>>, vector<16xi32>,
      %add3A_510 = arith.addi %mul3A_507, %get3A_509 : vector<16xi32>
      %swap3A_511 = arith.constant 4 : i32
      %swap3A_512 = arith.index_cast %swap3A_511 : i32 to index
      %swap3A_513 = arith.constant 96 : index
      %swap3A_514 = tpu.vector_load %arg16[%swap3A_512, %swap3A_513] {strides = array<i32>} : memref<8x128xi32, #tpu.memory_space<vmem>>, vector<16xi32>,
      tpu.vector_store %arg16[%swap3A_512, %swap3A_513], %add3A_510 {strides = array<i32>} : memref<8x128xi32, #tpu.memory_space<vmem>>, vector<16xi32>,
      %get3A_515 = arith.constant 624 : index
      %get3A_516 = tpu.vector_load %arg9[%get3A_515] {strides = array<i32>} : memref<1024xi32, #tpu.memory_space<vmem>>, vector<16xi32>,
      %mul3A_517 = arith.constant 2048 : i32
      %mul3A_518 = vector.broadcast %mul3A_517 : i32 to vector<16xi32>
      %mul3A_519 = arith.muli %get3A_516, %mul3A_518 : vector<16xi32>
      %get3A_520 = arith.constant 624 : index
      %get3A_521 = tpu.vector_load %arg10[%get3A_520] {strides = array<i32>} : memref<1024xi32, #tpu.memory_space<vmem>>, vector<16xi32>,
      %add3A_522 = arith.addi %mul3A_519, %get3A_521 : vector<16xi32>
      %swap3A_523 = arith.constant 4 : i32
      %swap3A_524 = arith.index_cast %swap3A_523 : i32 to index
      %swap3A_525 = arith.constant 112 : index
      %swap3A_526 = tpu.vector_load %arg16[%swap3A_524, %swap3A_525] {strides = array<i32>} : memref<8x128xi32, #tpu.memory_space<vmem>>, vector<16xi32>,
      tpu.vector_store %arg16[%swap3A_524, %swap3A_525], %add3A_522 {strides = array<i32>} : memref<8x128xi32, #tpu.memory_space<vmem>>, vector<16xi32>,
      %get3A_527 = arith.constant 640 : index
      %get3A_528 = tpu.vector_load %arg9[%get3A_527] {strides = array<i32>} : memref<1024xi32, #tpu.memory_space<vmem>>, vector<16xi32>,
      %mul3A_529 = arith.constant 2048 : i32
      %mul3A_530 = vector.broadcast %mul3A_529 : i32 to vector<16xi32>
      %mul3A_531 = arith.muli %get3A_528, %mul3A_530 : vector<16xi32>
      %get3A_532 = arith.constant 640 : index
      %get3A_533 = tpu.vector_load %arg10[%get3A_532] {strides = array<i32>} : memref<1024xi32, #tpu.memory_space<vmem>>, vector<16xi32>,
      %add3A_534 = arith.addi %mul3A_531, %get3A_533 : vector<16xi32>
      %swap3A_535 = arith.constant 5 : i32
      %swap3A_536 = arith.index_cast %swap3A_535 : i32 to index
      %swap3A_537 = arith.constant 0 : index
      %swap3A_538 = tpu.vector_load %arg16[%swap3A_536, %swap3A_537] {strides = array<i32>} : memref<8x128xi32, #tpu.memory_space<vmem>>, vector<16xi32>,
      tpu.vector_store %arg16[%swap3A_536, %swap3A_537], %add3A_534 {strides = array<i32>} : memref<8x128xi32, #tpu.memory_space<vmem>>, vector<16xi32>,
      %get3A_539 = arith.constant 656 : index
      %get3A_540 = tpu.vector_load %arg9[%get3A_539] {strides = array<i32>} : memref<1024xi32, #tpu.memory_space<vmem>>, vector<16xi32>,
      %mul3A_541 = arith.constant 2048 : i32
      %mul3A_542 = vector.broadcast %mul3A_541 : i32 to vector<16xi32>
      %mul3A_543 = arith.muli %get3A_540, %mul3A_542 : vector<16xi32>
      %get3A_544 = arith.constant 656 : index
      %get3A_545 = tpu.vector_load %arg10[%get3A_544] {strides = array<i32>} : memref<1024xi32, #tpu.memory_space<vmem>>, vector<16xi32>,
      %add3A_546 = arith.addi %mul3A_543, %get3A_545 : vector<16xi32>
      %swap3A_547 = arith.constant 5 : i32
      %swap3A_548 = arith.index_cast %swap3A_547 : i32 to index
      %swap3A_549 = arith.constant 16 : index
      %swap3A_550 = tpu.vector_load %arg16[%swap3A_548, %swap3A_549] {strides = array<i32>} : memref<8x128xi32, #tpu.memory_space<vmem>>, vector<16xi32>,
      tpu.vector_store %arg16[%swap3A_548, %swap3A_549], %add3A_546 {strides = array<i32>} : memref<8x128xi32, #tpu.memory_space<vmem>>, vector<16xi32>,
      %get3A_551 = arith.constant 672 : index
      %get3A_552 = tpu.vector_load %arg9[%get3A_551] {strides = array<i32>} : memref<1024xi32, #tpu.memory_space<vmem>>, vector<16xi32>,
      %mul3A_553 = arith.constant 2048 : i32
      %mul3A_554 = vector.broadcast %mul3A_553 : i32 to vector<16xi32>
      %mul3A_555 = arith.muli %get3A_552, %mul3A_554 : vector<16xi32>
      %get3A_556 = arith.constant 672 : index
      %get3A_557 = tpu.vector_load %arg10[%get3A_556] {strides = array<i32>} : memref<1024xi32, #tpu.memory_space<vmem>>, vector<16xi32>,
      %add3A_558 = arith.addi %mul3A_555, %get3A_557 : vector<16xi32>
      %swap3A_559 = arith.constant 5 : i32
      %swap3A_560 = arith.index_cast %swap3A_559 : i32 to index
      %swap3A_561 = arith.constant 32 : index
      %swap3A_562 = tpu.vector_load %arg16[%swap3A_560, %swap3A_561] {strides = array<i32>} : memref<8x128xi32, #tpu.memory_space<vmem>>, vector<16xi32>,
      tpu.vector_store %arg16[%swap3A_560, %swap3A_561], %add3A_558 {strides = array<i32>} : memref<8x128xi32, #tpu.memory_space<vmem>>, vector<16xi32>,
      %get3A_563 = arith.constant 688 : index
      %get3A_564 = tpu.vector_load %arg9[%get3A_563] {strides = array<i32>} : memref<1024xi32, #tpu.memory_space<vmem>>, vector<16xi32>,
      %mul3A_565 = arith.constant 2048 : i32
      %mul3A_566 = vector.broadcast %mul3A_565 : i32 to vector<16xi32>
      %mul3A_567 = arith.muli %get3A_564, %mul3A_566 : vector<16xi32>
      %get3A_568 = arith.constant 688 : index
      %get3A_569 = tpu.vector_load %arg10[%get3A_568] {strides = array<i32>} : memref<1024xi32, #tpu.memory_space<vmem>>, vector<16xi32>,
      %add3A_570 = arith.addi %mul3A_567, %get3A_569 : vector<16xi32>
      %swap3A_571 = arith.constant 5 : i32
      %swap3A_572 = arith.index_cast %swap3A_571 : i32 to index
      %swap3A_573 = arith.constant 48 : index
      %swap3A_574 = tpu.vector_load %arg16[%swap3A_572, %swap3A_573] {strides = array<i32>} : memref<8x128xi32, #tpu.memory_space<vmem>>, vector<16xi32>,
      tpu.vector_store %arg16[%swap3A_572, %swap3A_573], %add3A_570 {strides = array<i32>} : memref<8x128xi32, #tpu.memory_space<vmem>>, vector<16xi32>,
      %get3A_575 = arith.constant 704 : index
      %get3A_576 = tpu.vector_load %arg9[%get3A_575] {strides = array<i32>} : memref<1024xi32, #tpu.memory_space<vmem>>, vector<16xi32>,
      %mul3A_577 = arith.constant 2048 : i32
      %mul3A_578 = vector.broadcast %mul3A_577 : i32 to vector<16xi32>
      %mul3A_579 = arith.muli %get3A_576, %mul3A_578 : vector<16xi32>
      %get3A_580 = arith.constant 704 : index
      %get3A_581 = tpu.vector_load %arg10[%get3A_580] {strides = array<i32>} : memref<1024xi32, #tpu.memory_space<vmem>>, vector<16xi32>,
      %add3A_582 = arith.addi %mul3A_579, %get3A_581 : vector<16xi32>
      %swap3A_583 = arith.constant 5 : i32
      %swap3A_584 = arith.index_cast %swap3A_583 : i32 to index
      %swap3A_585 = arith.constant 64 : index
      %swap3A_586 = tpu.vector_load %arg16[%swap3A_584, %swap3A_585] {strides = array<i32>} : memref<8x128xi32, #tpu.memory_space<vmem>>, vector<16xi32>,
      tpu.vector_store %arg16[%swap3A_584, %swap3A_585], %add3A_582 {strides = array<i32>} : memref<8x128xi32, #tpu.memory_space<vmem>>, vector<16xi32>,
      %get3A_587 = arith.constant 720 : index
      %get3A_588 = tpu.vector_load %arg9[%get3A_587] {strides = array<i32>} : memref<1024xi32, #tpu.memory_space<vmem>>, vector<16xi32>,
      %mul3A_589 = arith.constant 2048 : i32
      %mul3A_590 = vector.broadcast %mul3A_589 : i32 to vector<16xi32>
      %mul3A_591 = arith.muli %get3A_588, %mul3A_590 : vector<16xi32>
      %get3A_592 = arith.constant 720 : index
      %get3A_593 = tpu.vector_load %arg10[%get3A_592] {strides = array<i32>} : memref<1024xi32, #tpu.memory_space<vmem>>, vector<16xi32>,
      %add3A_594 = arith.addi %mul3A_591, %get3A_593 : vector<16xi32>
      %swap3A_595 = arith.constant 5 : i32
      %swap3A_596 = arith.index_cast %swap3A_595 : i32 to index
      %swap3A_597 = arith.constant 80 : index
      %swap3A_598 = tpu.vector_load %arg16[%swap3A_596, %swap3A_597] {strides = array<i32>} : memref<8x128xi32, #tpu.memory_space<vmem>>, vector<16xi32>,
      tpu.vector_store %arg16[%swap3A_596, %swap3A_597], %add3A_594 {strides = array<i32>} : memref<8x128xi32, #tpu.memory_space<vmem>>, vector<16xi32>,
      %get3A_599 = arith.constant 736 : index
      %get3A_600 = tpu.vector_load %arg9[%get3A_599] {strides = array<i32>} : memref<1024xi32, #tpu.memory_space<vmem>>, vector<16xi32>,
      %mul3A_601 = arith.constant 2048 : i32
      %mul3A_602 = vector.broadcast %mul3A_601 : i32 to vector<16xi32>
      %mul3A_603 = arith.muli %get3A_600, %mul3A_602 : vector<16xi32>
      %get3A_604 = arith.constant 736 : index
      %get3A_605 = tpu.vector_load %arg10[%get3A_604] {strides = array<i32>} : memref<1024xi32, #tpu.memory_space<vmem>>, vector<16xi32>,
      %add3A_606 = arith.addi %mul3A_603, %get3A_605 : vector<16xi32>
      %swap3A_607 = arith.constant 5 : i32
      %swap3A_608 = arith.index_cast %swap3A_607 : i32 to index
      %swap3A_609 = arith.constant 96 : index
      %swap3A_610 = tpu.vector_load %arg16[%swap3A_608, %swap3A_609] {strides = array<i32>} : memref<8x128xi32, #tpu.memory_space<vmem>>, vector<16xi32>,
      tpu.vector_store %arg16[%swap3A_608, %swap3A_609], %add3A_606 {strides = array<i32>} : memref<8x128xi32, #tpu.memory_space<vmem>>, vector<16xi32>,
      %get3A_611 = arith.constant 752 : index
      %get3A_612 = tpu.vector_load %arg9[%get3A_611] {strides = array<i32>} : memref<1024xi32, #tpu.memory_space<vmem>>, vector<16xi32>,
      %mul3A_613 = arith.constant 2048 : i32
      %mul3A_614 = vector.broadcast %mul3A_613 : i32 to vector<16xi32>
      %mul3A_615 = arith.muli %get3A_612, %mul3A_614 : vector<16xi32>
      %get3A_616 = arith.constant 752 : index
      %get3A_617 = tpu.vector_load %arg10[%get3A_616] {strides = array<i32>} : memref<1024xi32, #tpu.memory_space<vmem>>, vector<16xi32>,
      %add3A_618 = arith.addi %mul3A_615, %get3A_617 : vector<16xi32>
      %swap3A_619 = arith.constant 5 : i32
      %swap3A_620 = arith.index_cast %swap3A_619 : i32 to index
      %swap3A_621 = arith.constant 112 : index
      %swap3A_622 = tpu.vector_load %arg16[%swap3A_620, %swap3A_621] {strides = array<i32>} : memref<8x128xi32, #tpu.memory_space<vmem>>, vector<16xi32>,
      tpu.vector_store %arg16[%swap3A_620, %swap3A_621], %add3A_618 {strides = array<i32>} : memref<8x128xi32, #tpu.memory_space<vmem>>, vector<16xi32>,
      %get3A_623 = arith.constant 768 : index
      %get3A_624 = tpu.vector_load %arg9[%get3A_623] {strides = array<i32>} : memref<1024xi32, #tpu.memory_space<vmem>>, vector<16xi32>,
      %mul3A_625 = arith.constant 2048 : i32
      %mul3A_626 = vector.broadcast %mul3A_625 : i32 to vector<16xi32>
      %mul3A_627 = arith.muli %get3A_624, %mul3A_626 : vector<16xi32>
      %get3A_628 = arith.constant 768 : index
      %get3A_629 = tpu.vector_load %arg10[%get3A_628] {strides = array<i32>} : memref<1024xi32, #tpu.memory_space<vmem>>, vector<16xi32>,
      %add3A_630 = arith.addi %mul3A_627, %get3A_629 : vector<16xi32>
      %swap3A_631 = arith.constant 6 : i32
      %swap3A_632 = arith.index_cast %swap3A_631 : i32 to index
      %swap3A_633 = arith.constant 0 : index
      %swap3A_634 = tpu.vector_load %arg16[%swap3A_632, %swap3A_633] {strides = array<i32>} : memref<8x128xi32, #tpu.memory_space<vmem>>, vector<16xi32>,
      tpu.vector_store %arg16[%swap3A_632, %swap3A_633], %add3A_630 {strides = array<i32>} : memref<8x128xi32, #tpu.memory_space<vmem>>, vector<16xi32>,
      %get3A_635 = arith.constant 784 : index
      %get3A_636 = tpu.vector_load %arg9[%get3A_635] {strides = array<i32>} : memref<1024xi32, #tpu.memory_space<vmem>>, vector<16xi32>,
      %mul3A_637 = arith.constant 2048 : i32
      %mul3A_638 = vector.broadcast %mul3A_637 : i32 to vector<16xi32>
      %mul3A_639 = arith.muli %get3A_636, %mul3A_638 : vector<16xi32>
      %get3A_640 = arith.constant 784 : index
      %get3A_641 = tpu.vector_load %arg10[%get3A_640] {strides = array<i32>} : memref<1024xi32, #tpu.memory_space<vmem>>, vector<16xi32>,
      %add3A_642 = arith.addi %mul3A_639, %get3A_641 : vector<16xi32>
      %swap3A_643 = arith.constant 6 : i32
      %swap3A_644 = arith.index_cast %swap3A_643 : i32 to index
      %swap3A_645 = arith.constant 16 : index
      %swap3A_646 = tpu.vector_load %arg16[%swap3A_644, %swap3A_645] {strides = array<i32>} : memref<8x128xi32, #tpu.memory_space<vmem>>, vector<16xi32>,
      tpu.vector_store %arg16[%swap3A_644, %swap3A_645], %add3A_642 {strides = array<i32>} : memref<8x128xi32, #tpu.memory_space<vmem>>, vector<16xi32>,
      %get3A_647 = arith.constant 800 : index
      %get3A_648 = tpu.vector_load %arg9[%get3A_647] {strides = array<i32>} : memref<1024xi32, #tpu.memory_space<vmem>>, vector<16xi32>,
      %mul3A_649 = arith.constant 2048 : i32
      %mul3A_650 = vector.broadcast %mul3A_649 : i32 to vector<16xi32>
      %mul3A_651 = arith.muli %get3A_648, %mul3A_650 : vector<16xi32>
      %get3A_652 = arith.constant 800 : index
      %get3A_653 = tpu.vector_load %arg10[%get3A_652] {strides = array<i32>} : memref<1024xi32, #tpu.memory_space<vmem>>, vector<16xi32>,
      %add3A_654 = arith.addi %mul3A_651, %get3A_653 : vector<16xi32>
      %swap3A_655 = arith.constant 6 : i32
      %swap3A_656 = arith.index_cast %swap3A_655 : i32 to index
      %swap3A_657 = arith.constant 32 : index
      %swap3A_658 = tpu.vector_load %arg16[%swap3A_656, %swap3A_657] {strides = array<i32>} : memref<8x128xi32, #tpu.memory_space<vmem>>, vector<16xi32>,
      tpu.vector_store %arg16[%swap3A_656, %swap3A_657], %add3A_654 {strides = array<i32>} : memref<8x128xi32, #tpu.memory_space<vmem>>, vector<16xi32>,
      %get3A_659 = arith.constant 816 : index
      %get3A_660 = tpu.vector_load %arg9[%get3A_659] {strides = array<i32>} : memref<1024xi32, #tpu.memory_space<vmem>>, vector<16xi32>,
      %mul3A_661 = arith.constant 2048 : i32
      %mul3A_662 = vector.broadcast %mul3A_661 : i32 to vector<16xi32>
      %mul3A_663 = arith.muli %get3A_660, %mul3A_662 : vector<16xi32>
      %get3A_664 = arith.constant 816 : index
      %get3A_665 = tpu.vector_load %arg10[%get3A_664] {strides = array<i32>} : memref<1024xi32, #tpu.memory_space<vmem>>, vector<16xi32>,
      %add3A_666 = arith.addi %mul3A_663, %get3A_665 : vector<16xi32>
      %swap3A_667 = arith.constant 6 : i32
      %swap3A_668 = arith.index_cast %swap3A_667 : i32 to index
      %swap3A_669 = arith.constant 48 : index
      %swap3A_670 = tpu.vector_load %arg16[%swap3A_668, %swap3A_669] {strides = array<i32>} : memref<8x128xi32, #tpu.memory_space<vmem>>, vector<16xi32>,
      tpu.vector_store %arg16[%swap3A_668, %swap3A_669], %add3A_666 {strides = array<i32>} : memref<8x128xi32, #tpu.memory_space<vmem>>, vector<16xi32>,
      %get3A_671 = arith.constant 832 : index
      %get3A_672 = tpu.vector_load %arg9[%get3A_671] {strides = array<i32>} : memref<1024xi32, #tpu.memory_space<vmem>>, vector<16xi32>,
      %mul3A_673 = arith.constant 2048 : i32
      %mul3A_674 = vector.broadcast %mul3A_673 : i32 to vector<16xi32>
      %mul3A_675 = arith.muli %get3A_672, %mul3A_674 : vector<16xi32>
      %get3A_676 = arith.constant 832 : index
      %get3A_677 = tpu.vector_load %arg10[%get3A_676] {strides = array<i32>} : memref<1024xi32, #tpu.memory_space<vmem>>, vector<16xi32>,
      %add3A_678 = arith.addi %mul3A_675, %get3A_677 : vector<16xi32>
      %swap3A_679 = arith.constant 6 : i32
      %swap3A_680 = arith.index_cast %swap3A_679 : i32 to index
      %swap3A_681 = arith.constant 64 : index
      %swap3A_682 = tpu.vector_load %arg16[%swap3A_680, %swap3A_681] {strides = array<i32>} : memref<8x128xi32, #tpu.memory_space<vmem>>, vector<16xi32>,
      tpu.vector_store %arg16[%swap3A_680, %swap3A_681], %add3A_678 {strides = array<i32>} : memref<8x128xi32, #tpu.memory_space<vmem>>, vector<16xi32>,
      %get3A_683 = arith.constant 848 : index
      %get3A_684 = tpu.vector_load %arg9[%get3A_683] {strides = array<i32>} : memref<1024xi32, #tpu.memory_space<vmem>>, vector<16xi32>,
      %mul3A_685 = arith.constant 2048 : i32
      %mul3A_686 = vector.broadcast %mul3A_685 : i32 to vector<16xi32>
      %mul3A_687 = arith.muli %get3A_684, %mul3A_686 : vector<16xi32>
      %get3A_688 = arith.constant 848 : index
      %get3A_689 = tpu.vector_load %arg10[%get3A_688] {strides = array<i32>} : memref<1024xi32, #tpu.memory_space<vmem>>, vector<16xi32>,
      %add3A_690 = arith.addi %mul3A_687, %get3A_689 : vector<16xi32>
      %swap3A_691 = arith.constant 6 : i32
      %swap3A_692 = arith.index_cast %swap3A_691 : i32 to index
      %swap3A_693 = arith.constant 80 : index
      %swap3A_694 = tpu.vector_load %arg16[%swap3A_692, %swap3A_693] {strides = array<i32>} : memref<8x128xi32, #tpu.memory_space<vmem>>, vector<16xi32>,
      tpu.vector_store %arg16[%swap3A_692, %swap3A_693], %add3A_690 {strides = array<i32>} : memref<8x128xi32, #tpu.memory_space<vmem>>, vector<16xi32>,
      %get3A_695 = arith.constant 864 : index
      %get3A_696 = tpu.vector_load %arg9[%get3A_695] {strides = array<i32>} : memref<1024xi32, #tpu.memory_space<vmem>>, vector<16xi32>,
      %mul3A_697 = arith.constant 2048 : i32
      %mul3A_698 = vector.broadcast %mul3A_697 : i32 to vector<16xi32>
      %mul3A_699 = arith.muli %get3A_696, %mul3A_698 : vector<16xi32>
      %get3A_700 = arith.constant 864 : index
      %get3A_701 = tpu.vector_load %arg10[%get3A_700] {strides = array<i32>} : memref<1024xi32, #tpu.memory_space<vmem>>, vector<16xi32>,
      %add3A_702 = arith.addi %mul3A_699, %get3A_701 : vector<16xi32>
      %swap3A_703 = arith.constant 6 : i32
      %swap3A_704 = arith.index_cast %swap3A_703 : i32 to index
      %swap3A_705 = arith.constant 96 : index
      %swap3A_706 = tpu.vector_load %arg16[%swap3A_704, %swap3A_705] {strides = array<i32>} : memref<8x128xi32, #tpu.memory_space<vmem>>, vector<16xi32>,
      tpu.vector_store %arg16[%swap3A_704, %swap3A_705], %add3A_702 {strides = array<i32>} : memref<8x128xi32, #tpu.memory_space<vmem>>, vector<16xi32>,
      %get3A_707 = arith.constant 880 : index
      %get3A_708 = tpu.vector_load %arg9[%get3A_707] {strides = array<i32>} : memref<1024xi32, #tpu.memory_space<vmem>>, vector<16xi32>,
      %mul3A_709 = arith.constant 2048 : i32
      %mul3A_710 = vector.broadcast %mul3A_709 : i32 to vector<16xi32>
      %mul3A_711 = arith.muli %get3A_708, %mul3A_710 : vector<16xi32>
      %get3A_712 = arith.constant 880 : index
      %get3A_713 = tpu.vector_load %arg10[%get3A_712] {strides = array<i32>} : memref<1024xi32, #tpu.memory_space<vmem>>, vector<16xi32>,
      %add3A_714 = arith.addi %mul3A_711, %get3A_713 : vector<16xi32>
      %swap3A_715 = arith.constant 6 : i32
      %swap3A_716 = arith.index_cast %swap3A_715 : i32 to index
      %swap3A_717 = arith.constant 112 : index
      %swap3A_718 = tpu.vector_load %arg16[%swap3A_716, %swap3A_717] {strides = array<i32>} : memref<8x128xi32, #tpu.memory_space<vmem>>, vector<16xi32>,
      tpu.vector_store %arg16[%swap3A_716, %swap3A_717], %add3A_714 {strides = array<i32>} : memref<8x128xi32, #tpu.memory_space<vmem>>, vector<16xi32>,
      %get3A_719 = arith.constant 896 : index
      %get3A_720 = tpu.vector_load %arg9[%get3A_719] {strides = array<i32>} : memref<1024xi32, #tpu.memory_space<vmem>>, vector<16xi32>,
      %mul3A_721 = arith.constant 2048 : i32
      %mul3A_722 = vector.broadcast %mul3A_721 : i32 to vector<16xi32>
      %mul3A_723 = arith.muli %get3A_720, %mul3A_722 : vector<16xi32>
      %get3A_724 = arith.constant 896 : index
      %get3A_725 = tpu.vector_load %arg10[%get3A_724] {strides = array<i32>} : memref<1024xi32, #tpu.memory_space<vmem>>, vector<16xi32>,
      %add3A_726 = arith.addi %mul3A_723, %get3A_725 : vector<16xi32>
      %swap3A_727 = arith.constant 7 : i32
      %swap3A_728 = arith.index_cast %swap3A_727 : i32 to index
      %swap3A_729 = arith.constant 0 : index
      %swap3A_730 = tpu.vector_load %arg16[%swap3A_728, %swap3A_729] {strides = array<i32>} : memref<8x128xi32, #tpu.memory_space<vmem>>, vector<16xi32>,
      tpu.vector_store %arg16[%swap3A_728, %swap3A_729], %add3A_726 {strides = array<i32>} : memref<8x128xi32, #tpu.memory_space<vmem>>, vector<16xi32>,
      %get3A_731 = arith.constant 912 : index
      %get3A_732 = tpu.vector_load %arg9[%get3A_731] {strides = array<i32>} : memref<1024xi32, #tpu.memory_space<vmem>>, vector<16xi32>,
      %mul3A_733 = arith.constant 2048 : i32
      %mul3A_734 = vector.broadcast %mul3A_733 : i32 to vector<16xi32>
      %mul3A_735 = arith.muli %get3A_732, %mul3A_734 : vector<16xi32>
      %get3A_736 = arith.constant 912 : index
      %get3A_737 = tpu.vector_load %arg10[%get3A_736] {strides = array<i32>} : memref<1024xi32, #tpu.memory_space<vmem>>, vector<16xi32>,
      %add3A_738 = arith.addi %mul3A_735, %get3A_737 : vector<16xi32>
      %swap3A_739 = arith.constant 7 : i32
      %swap3A_740 = arith.index_cast %swap3A_739 : i32 to index
      %swap3A_741 = arith.constant 16 : index
      %swap3A_742 = tpu.vector_load %arg16[%swap3A_740, %swap3A_741] {strides = array<i32>} : memref<8x128xi32, #tpu.memory_space<vmem>>, vector<16xi32>,
      tpu.vector_store %arg16[%swap3A_740, %swap3A_741], %add3A_738 {strides = array<i32>} : memref<8x128xi32, #tpu.memory_space<vmem>>, vector<16xi32>,
      %get3A_743 = arith.constant 928 : index
      %get3A_744 = tpu.vector_load %arg9[%get3A_743] {strides = array<i32>} : memref<1024xi32, #tpu.memory_space<vmem>>, vector<16xi32>,
      %mul3A_745 = arith.constant 2048 : i32
      %mul3A_746 = vector.broadcast %mul3A_745 : i32 to vector<16xi32>
      %mul3A_747 = arith.muli %get3A_744, %mul3A_746 : vector<16xi32>
      %get3A_748 = arith.constant 928 : index
      %get3A_749 = tpu.vector_load %arg10[%get3A_748] {strides = array<i32>} : memref<1024xi32, #tpu.memory_space<vmem>>, vector<16xi32>,
      %add3A_750 = arith.addi %mul3A_747, %get3A_749 : vector<16xi32>
      %swap3A_751 = arith.constant 7 : i32
      %swap3A_752 = arith.index_cast %swap3A_751 : i32 to index
      %swap3A_753 = arith.constant 32 : index
      %swap3A_754 = tpu.vector_load %arg16[%swap3A_752, %swap3A_753] {strides = array<i32>} : memref<8x128xi32, #tpu.memory_space<vmem>>, vector<16xi32>,
      tpu.vector_store %arg16[%swap3A_752, %swap3A_753], %add3A_750 {strides = array<i32>} : memref<8x128xi32, #tpu.memory_space<vmem>>, vector<16xi32>,
      %get3A_755 = arith.constant 944 : index
      %get3A_756 = tpu.vector_load %arg9[%get3A_755] {strides = array<i32>} : memref<1024xi32, #tpu.memory_space<vmem>>, vector<16xi32>,
      %mul3A_757 = arith.constant 2048 : i32
      %mul3A_758 = vector.broadcast %mul3A_757 : i32 to vector<16xi32>
      %mul3A_759 = arith.muli %get3A_756, %mul3A_758 : vector<16xi32>
      %get3A_760 = arith.constant 944 : index
      %get3A_761 = tpu.vector_load %arg10[%get3A_760] {strides = array<i32>} : memref<1024xi32, #tpu.memory_space<vmem>>, vector<16xi32>,
      %add3A_762 = arith.addi %mul3A_759, %get3A_761 : vector<16xi32>
      %swap3A_763 = arith.constant 7 : i32
      %swap3A_764 = arith.index_cast %swap3A_763 : i32 to index
      %swap3A_765 = arith.constant 48 : index
      %swap3A_766 = tpu.vector_load %arg16[%swap3A_764, %swap3A_765] {strides = array<i32>} : memref<8x128xi32, #tpu.memory_space<vmem>>, vector<16xi32>,
      tpu.vector_store %arg16[%swap3A_764, %swap3A_765], %add3A_762 {strides = array<i32>} : memref<8x128xi32, #tpu.memory_space<vmem>>, vector<16xi32>,
      %get3A_767 = arith.constant 960 : index
      %get3A_768 = tpu.vector_load %arg9[%get3A_767] {strides = array<i32>} : memref<1024xi32, #tpu.memory_space<vmem>>, vector<16xi32>,
      %mul3A_769 = arith.constant 2048 : i32
      %mul3A_770 = vector.broadcast %mul3A_769 : i32 to vector<16xi32>
      %mul3A_771 = arith.muli %get3A_768, %mul3A_770 : vector<16xi32>
      %get3A_772 = arith.constant 960 : index
      %get3A_773 = tpu.vector_load %arg10[%get3A_772] {strides = array<i32>} : memref<1024xi32, #tpu.memory_space<vmem>>, vector<16xi32>,
      %add3A_774 = arith.addi %mul3A_771, %get3A_773 : vector<16xi32>
      %swap3A_775 = arith.constant 7 : i32
      %swap3A_776 = arith.index_cast %swap3A_775 : i32 to index
      %swap3A_777 = arith.constant 64 : index
      %swap3A_778 = tpu.vector_load %arg16[%swap3A_776, %swap3A_777] {strides = array<i32>} : memref<8x128xi32, #tpu.memory_space<vmem>>, vector<16xi32>,
      tpu.vector_store %arg16[%swap3A_776, %swap3A_777], %add3A_774 {strides = array<i32>} : memref<8x128xi32, #tpu.memory_space<vmem>>, vector<16xi32>,
      %get3A_779 = arith.constant 976 : index
      %get3A_780 = tpu.vector_load %arg9[%get3A_779] {strides = array<i32>} : memref<1024xi32, #tpu.memory_space<vmem>>, vector<16xi32>,
      %mul3A_781 = arith.constant 2048 : i32
      %mul3A_782 = vector.broadcast %mul3A_781 : i32 to vector<16xi32>
      %mul3A_783 = arith.muli %get3A_780, %mul3A_782 : vector<16xi32>
      %get3A_784 = arith.constant 976 : index
      %get3A_785 = tpu.vector_load %arg10[%get3A_784] {strides = array<i32>} : memref<1024xi32, #tpu.memory_space<vmem>>, vector<16xi32>,
      %add3A_786 = arith.addi %mul3A_783, %get3A_785 : vector<16xi32>
      %swap3A_787 = arith.constant 7 : i32
      %swap3A_788 = arith.index_cast %swap3A_787 : i32 to index
      %swap3A_789 = arith.constant 80 : index
      %swap3A_790 = tpu.vector_load %arg16[%swap3A_788, %swap3A_789] {strides = array<i32>} : memref<8x128xi32, #tpu.memory_space<vmem>>, vector<16xi32>,
      tpu.vector_store %arg16[%swap3A_788, %swap3A_789], %add3A_786 {strides = array<i32>} : memref<8x128xi32, #tpu.memory_space<vmem>>, vector<16xi32>,
      %get3A_791 = arith.constant 992 : index
      %get3A_792 = tpu.vector_load %arg9[%get3A_791] {strides = array<i32>} : memref<1024xi32, #tpu.memory_space<vmem>>, vector<16xi32>,
      %mul3A_793 = arith.constant 2048 : i32
      %mul3A_794 = vector.broadcast %mul3A_793 : i32 to vector<16xi32>
      %mul3A_795 = arith.muli %get3A_792, %mul3A_794 : vector<16xi32>
      %get3A_796 = arith.constant 992 : index
      %get3A_797 = tpu.vector_load %arg10[%get3A_796] {strides = array<i32>} : memref<1024xi32, #tpu.memory_space<vmem>>, vector<16xi32>,
      %add3A_798 = arith.addi %mul3A_795, %get3A_797 : vector<16xi32>
      %swap3A_799 = arith.constant 7 : i32
      %swap3A_800 = arith.index_cast %swap3A_799 : i32 to index
      %swap3A_801 = arith.constant 96 : index
      %swap3A_802 = tpu.vector_load %arg16[%swap3A_800, %swap3A_801] {strides = array<i32>} : memref<8x128xi32, #tpu.memory_space<vmem>>, vector<16xi32>,
      tpu.vector_store %arg16[%swap3A_800, %swap3A_801], %add3A_798 {strides = array<i32>} : memref<8x128xi32, #tpu.memory_space<vmem>>, vector<16xi32>,
      %get3A_803 = arith.constant 1008 : index
      %get3A_804 = tpu.vector_load %arg9[%get3A_803] {strides = array<i32>} : memref<1024xi32, #tpu.memory_space<vmem>>, vector<16xi32>,
      %mul3A_805 = arith.constant 2048 : i32
      %mul3A_806 = vector.broadcast %mul3A_805 : i32 to vector<16xi32>
      %mul3A_807 = arith.muli %get3A_804, %mul3A_806 : vector<16xi32>
      %get3A_808 = arith.constant 1008 : index
      %get3A_809 = tpu.vector_load %arg10[%get3A_808] {strides = array<i32>} : memref<1024xi32, #tpu.memory_space<vmem>>, vector<16xi32>,
      %add3A_810 = arith.addi %mul3A_807, %get3A_809 : vector<16xi32>
      %swap3A_811 = arith.constant 7 : i32
      %swap3A_812 = arith.index_cast %swap3A_811 : i32 to index
      %swap3A_813 = arith.constant 112 : index
      %swap3A_814 = tpu.vector_load %arg16[%swap3A_812, %swap3A_813] {strides = array<i32>} : memref<8x128xi32, #tpu.memory_space<vmem>>, vector<16xi32>,
      tpu.vector_store %arg16[%swap3A_812, %swap3A_813], %add3A_810 {strides = array<i32>} : memref<8x128xi32, #tpu.memory_space<vmem>>, vector<16xi32>,
      %dma_start3A = arith.constant 0 : i32
      %dma_start3A_815 = arith.constant 0 : i32
      %dma_start3A_816 = tpu.memref_slice %arg16[%dma_start3A, %dma_start3A_815] : memref<8x128xi32, #tpu.memory_space<vmem>> -> memref<1x128xi32, #tpu.memory_space<vmem>>
      %dma_start3A_817 = tpu.memref_squeeze %dma_start3A_816 : memref<1x128xi32, #tpu.memory_space<vmem>> -> memref<128xi32, #tpu.memory_space<vmem>>
      %dma_start3A_818 = arith.constant 0 : i32
      %dma_start3A_819 = tpu.memref_slice %arg8[%dma_start3A_818] : memref<8192xf32, #tpu.memory_space<hbm>> -> memref<8192xf32, #tpu.memory_space<hbm>>
      tpu.enqueue_indirect_dma source(%arg17 : memref<128xf32, #tpu.memory_space<vmem>>) target(%dma_start3A_819 : memref<8192xf32, #tpu.memory_space<hbm>>) offsets(%dma_start3A_817 : memref<128xi32, #tpu.memory_space<vmem>>) semaphore(%arg18 : memref<!tpu.dma_semaphore, #tpu.memory_space<semaphore_mem>>)
      %dma_start3A_820 = arith.constant 1 : i32
      %dma_start3A_821 = arith.constant 0 : i32
      %dma_start3A_822 = tpu.memref_slice %arg16[%dma_start3A_820, %dma_start3A_821] : memref<8x128xi32, #tpu.memory_space<vmem>> -> memref<1x128xi32, #tpu.memory_space<vmem>>
      %dma_start3A_823 = tpu.memref_squeeze %dma_start3A_822 : memref<1x128xi32, #tpu.memory_space<vmem>> -> memref<128xi32, #tpu.memory_space<vmem>>
      %dma_start3A_824 = arith.constant 0 : i32
      %dma_start3A_825 = tpu.memref_slice %arg8[%dma_start3A_824] : memref<8192xf32, #tpu.memory_space<hbm>> -> memref<8192xf32, #tpu.memory_space<hbm>>
      tpu.enqueue_indirect_dma source(%arg17 : memref<128xf32, #tpu.memory_space<vmem>>) target(%dma_start3A_825 : memref<8192xf32, #tpu.memory_space<hbm>>) offsets(%dma_start3A_823 : memref<128xi32, #tpu.memory_space<vmem>>) semaphore(%arg18 : memref<!tpu.dma_semaphore, #tpu.memory_space<semaphore_mem>>)
      %dma_start3A_826 = arith.constant 2 : i32
      %dma_start3A_827 = arith.constant 0 : i32
      %dma_start3A_828 = tpu.memref_slice %arg16[%dma_start3A_826, %dma_start3A_827] : memref<8x128xi32, #tpu.memory_space<vmem>> -> memref<1x128xi32, #tpu.memory_space<vmem>>
      %dma_start3A_829 = tpu.memref_squeeze %dma_start3A_828 : memref<1x128xi32, #tpu.memory_space<vmem>> -> memref<128xi32, #tpu.memory_space<vmem>>
      %dma_start3A_830 = arith.constant 0 : i32
      %dma_start3A_831 = tpu.memref_slice %arg8[%dma_start3A_830] : memref<8192xf32, #tpu.memory_space<hbm>> -> memref<8192xf32, #tpu.memory_space<hbm>>
      tpu.enqueue_indirect_dma source(%arg17 : memref<128xf32, #tpu.memory_space<vmem>>) target(%dma_start3A_831 : memref<8192xf32, #tpu.memory_space<hbm>>) offsets(%dma_start3A_829 : memref<128xi32, #tpu.memory_space<vmem>>) semaphore(%arg18 : memref<!tpu.dma_semaphore, #tpu.memory_space<semaphore_mem>>)
      %dma_start3A_832 = arith.constant 3 : i32
      %dma_start3A_833 = arith.constant 0 : i32
      %dma_start3A_834 = tpu.memref_slice %arg16[%dma_start3A_832, %dma_start3A_833] : memref<8x128xi32, #tpu.memory_space<vmem>> -> memref<1x128xi32, #tpu.memory_space<vmem>>
      %dma_start3A_835 = tpu.memref_squeeze %dma_start3A_834 : memref<1x128xi32, #tpu.memory_space<vmem>> -> memref<128xi32, #tpu.memory_space<vmem>>
      %dma_start3A_836 = arith.constant 0 : i32
      %dma_start3A_837 = tpu.memref_slice %arg8[%dma_start3A_836] : memref<8192xf32, #tpu.memory_space<hbm>> -> memref<8192xf32, #tpu.memory_space<hbm>>
      tpu.enqueue_indirect_dma source(%arg17 : memref<128xf32, #tpu.memory_space<vmem>>) target(%dma_start3A_837 : memref<8192xf32, #tpu.memory_space<hbm>>) offsets(%dma_start3A_835 : memref<128xi32, #tpu.memory_space<vmem>>) semaphore(%arg18 : memref<!tpu.dma_semaphore, #tpu.memory_space<semaphore_mem>>)
      %dma_start3A_838 = arith.constant 4 : i32
      %dma_start3A_839 = arith.constant 0 : i32
      %dma_start3A_840 = tpu.memref_slice %arg16[%dma_start3A_838, %dma_start3A_839] : memref<8x128xi32, #tpu.memory_space<vmem>> -> memref<1x128xi32, #tpu.memory_space<vmem>>
      %dma_start3A_841 = tpu.memref_squeeze %dma_start3A_840 : memref<1x128xi32, #tpu.memory_space<vmem>> -> memref<128xi32, #tpu.memory_space<vmem>>
      %dma_start3A_842 = arith.constant 0 : i32
      %dma_start3A_843 = tpu.memref_slice %arg8[%dma_start3A_842] : memref<8192xf32, #tpu.memory_space<hbm>> -> memref<8192xf32, #tpu.memory_space<hbm>>
      tpu.enqueue_indirect_dma source(%arg17 : memref<128xf32, #tpu.memory_space<vmem>>) target(%dma_start3A_843 : memref<8192xf32, #tpu.memory_space<hbm>>) offsets(%dma_start3A_841 : memref<128xi32, #tpu.memory_space<vmem>>) semaphore(%arg18 : memref<!tpu.dma_semaphore, #tpu.memory_space<semaphore_mem>>)
      %dma_start3A_844 = arith.constant 5 : i32
      %dma_start3A_845 = arith.constant 0 : i32
      %dma_start3A_846 = tpu.memref_slice %arg16[%dma_start3A_844, %dma_start3A_845] : memref<8x128xi32, #tpu.memory_space<vmem>> -> memref<1x128xi32, #tpu.memory_space<vmem>>
      %dma_start3A_847 = tpu.memref_squeeze %dma_start3A_846 : memref<1x128xi32, #tpu.memory_space<vmem>> -> memref<128xi32, #tpu.memory_space<vmem>>
      %dma_start3A_848 = arith.constant 0 : i32
      %dma_start3A_849 = tpu.memref_slice %arg8[%dma_start3A_848] : memref<8192xf32, #tpu.memory_space<hbm>> -> memref<8192xf32, #tpu.memory_space<hbm>>
      tpu.enqueue_indirect_dma source(%arg17 : memref<128xf32, #tpu.memory_space<vmem>>) target(%dma_start3A_849 : memref<8192xf32, #tpu.memory_space<hbm>>) offsets(%dma_start3A_847 : memref<128xi32, #tpu.memory_space<vmem>>) semaphore(%arg18 : memref<!tpu.dma_semaphore, #tpu.memory_space<semaphore_mem>>)
      %dma_start3A_850 = arith.constant 6 : i32
      %dma_start3A_851 = arith.constant 0 : i32
      %dma_start3A_852 = tpu.memref_slice %arg16[%dma_start3A_850, %dma_start3A_851] : memref<8x128xi32, #tpu.memory_space<vmem>> -> memref<1x128xi32, #tpu.memory_space<vmem>>
      %dma_start3A_853 = tpu.memref_squeeze %dma_start3A_852 : memref<1x128xi32, #tpu.memory_space<vmem>> -> memref<128xi32, #tpu.memory_space<vmem>>
      %dma_start3A_854 = arith.constant 0 : i32
      %dma_start3A_855 = tpu.memref_slice %arg8[%dma_start3A_854] : memref<8192xf32, #tpu.memory_space<hbm>> -> memref<8192xf32, #tpu.memory_space<hbm>>
      tpu.enqueue_indirect_dma source(%arg17 : memref<128xf32, #tpu.memory_space<vmem>>) target(%dma_start3A_855 : memref<8192xf32, #tpu.memory_space<hbm>>) offsets(%dma_start3A_853 : memref<128xi32, #tpu.memory_space<vmem>>) semaphore(%arg18 : memref<!tpu.dma_semaphore, #tpu.memory_space<semaphore_mem>>)
      %dma_start3A_856 = arith.constant 7 : i32
      %dma_start3A_857 = arith.constant 0 : i32
      %dma_start3A_858 = tpu.memref_slice %arg16[%dma_start3A_856, %dma_start3A_857] : memref<8x128xi32, #tpu.memory_space<vmem>> -> memref<1x128xi32, #tpu.memory_space<vmem>>
      %dma_start3A_859 = tpu.memref_squeeze %dma_start3A_858 : memref<1x128xi32, #tpu.memory_space<vmem>> -> memref<128xi32, #tpu.memory_space<vmem>>
      %dma_start3A_860 = arith.constant 0 : i32
      %dma_start3A_861 = tpu.memref_slice %arg8[%dma_start3A_860] : memref<8192xf32, #tpu.memory_space<hbm>> -> memref<8192xf32, #tpu.memory_space<hbm>>
      tpu.enqueue_indirect_dma source(%arg17 : memref<128xf32, #tpu.memory_space<vmem>>) target(%dma_start3A_861 : memref<8192xf32, #tpu.memory_space<hbm>>) offsets(%dma_start3A_859 : memref<128xi32, #tpu.memory_space<vmem>>) semaphore(%arg18 : memref<!tpu.dma_semaphore, #tpu.memory_space<semaphore_mem>>)
      %dma_wait3A = arith.constant 0 : i32
      %dma_wait3A_862 = arith.constant 0 : i32
      %dma_wait3A_863 = tpu.memref_slice %arg16[%dma_wait3A, %dma_wait3A_862] : memref<8x128xi32, #tpu.memory_space<vmem>> -> memref<1x128xi32, #tpu.memory_space<vmem>>
      %dma_wait3A_864 = tpu.memref_squeeze %dma_wait3A_863 : memref<1x128xi32, #tpu.memory_space<vmem>> -> memref<128xi32, #tpu.memory_space<vmem>>
      %dma_wait3A_865 = arith.constant 0 : i32
      %dma_wait3A_866 = tpu.memref_slice %arg8[%dma_wait3A_865] : memref<8192xf32, #tpu.memory_space<hbm>> -> memref<8192xf32, #tpu.memory_space<hbm>>
      tpu.wait_indirect_dma semaphore(%arg18 : memref<!tpu.dma_semaphore, #tpu.memory_space<semaphore_mem>>) src(%arg17 : memref<128xf32, #tpu.memory_space<vmem>>) dst(%dma_wait3A_866 : memref<8192xf32, #tpu.memory_space<hbm>>)
      %dma_wait3A_867 = arith.constant 1 : i32
      %dma_wait3A_868 = arith.constant 0 : i32
      %dma_wait3A_869 = tpu.memref_slice %arg16[%dma_wait3A_867, %dma_wait3A_868] : memref<8x128xi32, #tpu.memory_space<vmem>> -> memref<1x128xi32, #tpu.memory_space<vmem>>
      %dma_wait3A_870 = tpu.memref_squeeze %dma_wait3A_869 : memref<1x128xi32, #tpu.memory_space<vmem>> -> memref<128xi32, #tpu.memory_space<vmem>>
      %dma_wait3A_871 = arith.constant 0 : i32
      %dma_wait3A_872 = tpu.memref_slice %arg8[%dma_wait3A_871] : memref<8192xf32, #tpu.memory_space<hbm>> -> memref<8192xf32, #tpu.memory_space<hbm>>
      tpu.wait_indirect_dma semaphore(%arg18 : memref<!tpu.dma_semaphore, #tpu.memory_space<semaphore_mem>>) src(%arg17 : memref<128xf32, #tpu.memory_space<vmem>>) dst(%dma_wait3A_872 : memref<8192xf32, #tpu.memory_space<hbm>>)
      %dma_wait3A_873 = arith.constant 2 : i32
      %dma_wait3A_874 = arith.constant 0 : i32
      %dma_wait3A_875 = tpu.memref_slice %arg16[%dma_wait3A_873, %dma_wait3A_874] : memref<8x128xi32, #tpu.memory_space<vmem>> -> memref<1x128xi32, #tpu.memory_space<vmem>>
      %dma_wait3A_876 = tpu.memref_squeeze %dma_wait3A_875 : memref<1x128xi32, #tpu.memory_space<vmem>> -> memref<128xi32, #tpu.memory_space<vmem>>
      %dma_wait3A_877 = arith.constant 0 : i32
      %dma_wait3A_878 = tpu.memref_slice %arg8[%dma_wait3A_877] : memref<8192xf32, #tpu.memory_space<hbm>> -> memref<8192xf32, #tpu.memory_space<hbm>>
      tpu.wait_indirect_dma semaphore(%arg18 : memref<!tpu.dma_semaphore, #tpu.memory_space<semaphore_mem>>) src(%arg17 : memref<128xf32, #tpu.memory_space<vmem>>) dst(%dma_wait3A_878 : memref<8192xf32, #tpu.memory_space<hbm>>)
      %dma_wait3A_879 = arith.constant 3 : i32
      %dma_wait3A_880 = arith.constant 0 : i32
      %dma_wait3A_881 = tpu.memref_slice %arg16[%dma_wait3A_879, %dma_wait3A_880] : memref<8x128xi32, #tpu.memory_space<vmem>> -> memref<1x128xi32, #tpu.memory_space<vmem>>
      %dma_wait3A_882 = tpu.memref_squeeze %dma_wait3A_881 : memref<1x128xi32, #tpu.memory_space<vmem>> -> memref<128xi32, #tpu.memory_space<vmem>>
      %dma_wait3A_883 = arith.constant 0 : i32
      %dma_wait3A_884 = tpu.memref_slice %arg8[%dma_wait3A_883] : memref<8192xf32, #tpu.memory_space<hbm>> -> memref<8192xf32, #tpu.memory_space<hbm>>
      tpu.wait_indirect_dma semaphore(%arg18 : memref<!tpu.dma_semaphore, #tpu.memory_space<semaphore_mem>>) src(%arg17 : memref<128xf32, #tpu.memory_space<vmem>>) dst(%dma_wait3A_884 : memref<8192xf32, #tpu.memory_space<hbm>>)
      %dma_wait3A_885 = arith.constant 4 : i32
      %dma_wait3A_886 = arith.constant 0 : i32
      %dma_wait3A_887 = tpu.memref_slice %arg16[%dma_wait3A_885, %dma_wait3A_886] : memref<8x128xi32, #tpu.memory_space<vmem>> -> memref<1x128xi32, #tpu.memory_space<vmem>>
      %dma_wait3A_888 = tpu.memref_squeeze %dma_wait3A_887 : memref<1x128xi32, #tpu.memory_space<vmem>> -> memref<128xi32, #tpu.memory_space<vmem>>
      %dma_wait3A_889 = arith.constant 0 : i32
      %dma_wait3A_890 = tpu.memref_slice %arg8[%dma_wait3A_889] : memref<8192xf32, #tpu.memory_space<hbm>> -> memref<8192xf32, #tpu.memory_space<hbm>>
      tpu.wait_indirect_dma semaphore(%arg18 : memref<!tpu.dma_semaphore, #tpu.memory_space<semaphore_mem>>) src(%arg17 : memref<128xf32, #tpu.memory_space<vmem>>) dst(%dma_wait3A_890 : memref<8192xf32, #tpu.memory_space<hbm>>)
      %dma_wait3A_891 = arith.constant 5 : i32
      %dma_wait3A_892 = arith.constant 0 : i32
      %dma_wait3A_893 = tpu.memref_slice %arg16[%dma_wait3A_891, %dma_wait3A_892] : memref<8x128xi32, #tpu.memory_space<vmem>> -> memref<1x128xi32, #tpu.memory_space<vmem>>
      %dma_wait3A_894 = tpu.memref_squeeze %dma_wait3A_893 : memref<1x128xi32, #tpu.memory_space<vmem>> -> memref<128xi32, #tpu.memory_space<vmem>>
      %dma_wait3A_895 = arith.constant 0 : i32
      %dma_wait3A_896 = tpu.memref_slice %arg8[%dma_wait3A_895] : memref<8192xf32, #tpu.memory_space<hbm>> -> memref<8192xf32, #tpu.memory_space<hbm>>
      tpu.wait_indirect_dma semaphore(%arg18 : memref<!tpu.dma_semaphore, #tpu.memory_space<semaphore_mem>>) src(%arg17 : memref<128xf32, #tpu.memory_space<vmem>>) dst(%dma_wait3A_896 : memref<8192xf32, #tpu.memory_space<hbm>>)
      %dma_wait3A_897 = arith.constant 6 : i32
      %dma_wait3A_898 = arith.constant 0 : i32
      %dma_wait3A_899 = tpu.memref_slice %arg16[%dma_wait3A_897, %dma_wait3A_898] : memref<8x128xi32, #tpu.memory_space<vmem>> -> memref<1x128xi32, #tpu.memory_space<vmem>>
      %dma_wait3A_900 = tpu.memref_squeeze %dma_wait3A_899 : memref<1x128xi32, #tpu.memory_space<vmem>> -> memref<128xi32, #tpu.memory_space<vmem>>
      %dma_wait3A_901 = arith.constant 0 : i32
      %dma_wait3A_902 = tpu.memref_slice %arg8[%dma_wait3A_901] : memref<8192xf32, #tpu.memory_space<hbm>> -> memref<8192xf32, #tpu.memory_space<hbm>>
      tpu.wait_indirect_dma semaphore(%arg18 : memref<!tpu.dma_semaphore, #tpu.memory_space<semaphore_mem>>) src(%arg17 : memref<128xf32, #tpu.memory_space<vmem>>) dst(%dma_wait3A_902 : memref<8192xf32, #tpu.memory_space<hbm>>)
      %dma_wait3A_903 = arith.constant 7 : i32
      %dma_wait3A_904 = arith.constant 0 : i32
      %dma_wait3A_905 = tpu.memref_slice %arg16[%dma_wait3A_903, %dma_wait3A_904] : memref<8x128xi32, #tpu.memory_space<vmem>> -> memref<1x128xi32, #tpu.memory_space<vmem>>
      %dma_wait3A_906 = tpu.memref_squeeze %dma_wait3A_905 : memref<1x128xi32, #tpu.memory_space<vmem>> -> memref<128xi32, #tpu.memory_space<vmem>>
      %dma_wait3A_907 = arith.constant 0 : i32
      %dma_wait3A_908 = tpu.memref_slice %arg8[%dma_wait3A_907] : memref<8192xf32, #tpu.memory_space<hbm>> -> memref<8192xf32, #tpu.memory_space<hbm>>
      tpu.wait_indirect_dma semaphore(%arg18 : memref<!tpu.dma_semaphore, #tpu.memory_space<semaphore_mem>>) src(%arg17 : memref<128xf32, #tpu.memory_space<vmem>>) dst(%dma_wait3A_908 : memref<8192xf32, #tpu.memory_space<hbm>>)
    } else {
    }
    return
  }
}

module attributes {stable_mosaic.version = 14 : i64} {
  func.func @body(%arg0: i32, %arg1: memref<1x1x2048x128xf32, #tpu.memory_space<vmem>>, %arg2: memref<1x1x8x2048xf32, #tpu.memory_space<vmem>>, %arg3: memref<256x128xf32, #tpu.memory_space<vmem>>, %arg4: memref<1024x1xi32, #tpu.memory_space<vmem>>, %arg5: memref<4x2048xf32, #tpu.memory_space<vmem>>, %arg6: memref<4x2048xf32, #tpu.memory_space<vmem>>, %arg7: memref<1x1xf32, #tpu.memory_space<vmem>>) attributes {dimension_semantics = [#tpu.dimension_semantics<arbitrary>], iteration_bounds = array<i64: 16>, scalar_prefetch = 0 : i64, scratch_operands = 0 : i64, tpu.core_type = #tpu.core_type<tc>, window_params = [{transform_indices = @transform_0, window_bounds = array<i64: 1, 1, 2048, 128>}, {transform_indices = @transform_1, window_bounds = array<i64: 1, 1, 8, 2048>}, {transform_indices = @transform_2, window_bounds = array<i64: 256, 128>}, {pipeline_mode = #tpu.pipeline_mode<synchronous>, transform_indices = @transform_3, window_bounds = array<i64: 1024, 1>}, {pipeline_mode = #tpu.pipeline_mode<synchronous>, transform_indices = @transform_4, window_bounds = array<i64: 4, 2048>}, {pipeline_mode = #tpu.pipeline_mode<synchronous>, transform_indices = @transform_5, window_bounds = array<i64: 4, 2048>}, {pipeline_mode = #tpu.pipeline_mode<synchronous>, transform_indices = @transform_6, window_bounds = array<i64: 1, 1>}]} {
    %jit3A = arith.constant 4 : i32
    %eq3A = arith.constant 0 : i32
    %eq3A_0 = arith.cmpi eq, %jit3A, %eq3A : i32
    %jit3A_1 = arith.constant 1 : i32
    %select_n3A = arith.select %eq3A_0, %jit3A_1, %jit3A : i32
    %rem3A = arith.remsi %arg0, %select_n3A : i32
    %ne3A = arith.constant 0 : i32
    %ne3A_2 = arith.cmpi ne, %rem3A, %ne3A : i32
    %lt3A = arith.constant 0 : i32
    %lt3A_3 = arith.cmpi slt, %rem3A, %lt3A : i32
    %lt3A_4 = arith.constant 0 : i32
    %lt3A_5 = arith.cmpi slt, %select_n3A, %lt3A_4 : i32
    %ne3A_6 = arith.xori %lt3A_3, %lt3A_5 : i1
    %and3A = arith.andi %ne3A_6, %ne3A_2 : i1
    %add3A = arith.addi %rem3A, %select_n3A : i32
    %select_n3A_7 = arith.select %and3A, %add3A, %rem3A : i32
    %get3A = arith.constant 0 : index
    %get3A_8 = arith.constant 0 : index
    %get3A_9 = arith.constant 0 : index
    %get3A_10 = arith.constant 0 : index
    %get3A_11 = vector.load %arg1[%get3A, %get3A_8, %get3A_9, %get3A_10] : memref<1x1x2048x128xf32, #tpu.memory_space<vmem>>, vector<1x1x2048x1xf32>
    %get3A_12 = vector.shape_cast %get3A_11 : vector<1x1x2048x1xf32> to vector<2048x1xf32>
    %get3A_13 = arith.constant 0 : index
    %get3A_14 = arith.constant 0 : index
    %get3A_15 = arith.constant 0 : index
    %get3A_16 = arith.constant 0 : index
    %get3A_17 = vector.load %arg2[%get3A_13, %get3A_14, %get3A_15, %get3A_16] : memref<1x1x8x2048xf32, #tpu.memory_space<vmem>>, vector<1x1x1x2048xf32>
    %get3A_18 = vector.shape_cast %get3A_17 : vector<1x1x1x2048xf32> to vector<1x2048xf32>
    %get3A_19 = arith.constant 0 : index
    %get3A_20 = arith.constant 0 : index
    %get3A_21 = vector.load %arg3[%get3A_19, %get3A_20] : memref<256x128xf32, #tpu.memory_space<vmem>>, vector<256x128xf32>
    %mul3A = arith.constant 256 : i32
    %mul3A_22 = arith.muli %select_n3A_7, %mul3A : i32
    %get3A_23 = arith.index_cast %mul3A_22 : i32 to index
    %get3A_24 = arith.constant 0 : index
    %get3A_25 = vector.load %arg4[%get3A_23, %get3A_24] : memref<1024x1xi32, #tpu.memory_space<vmem>>, vector<256x1xi32>
    %get3A_26 = arith.index_cast %select_n3A_7 : i32 to index
    %get3A_27 = arith.constant 0 : index
    %get3A_28 = vector.load %arg5[%get3A_26, %get3A_27] : memref<4x2048xf32, #tpu.memory_space<vmem>>, vector<1x2048xf32>
    %get3A_29 = arith.index_cast %select_n3A_7 : i32 to index
    %get3A_30 = arith.constant 0 : index
    %get3A_31 = vector.load %arg6[%get3A_29, %get3A_30] : memref<4x2048xf32, #tpu.memory_space<vmem>>, vector<1x2048xf32>
    %iota3A = tpu.iota {dimensions = array<i32: 1>} : vector<1x128xi32>
    %eq3A_32 = vector.broadcast %get3A_25 : vector<256x1xi32> to vector<256x128xi32>
    %eq3A_33 = vector.broadcast %iota3A : vector<1x128xi32> to vector<256x128xi32>
    %eq3A_34 = arith.cmpi eq, %eq3A_32, %eq3A_33 : vector<256x128xi32>
    %convert_element_type3A = arith.extui %eq3A_34 : vector<256x128xi1> to vector<256x128xi32>
    %convert_element_type3A_35 = arith.sitofp %convert_element_type3A : vector<256x128xi32> to vector<256x128xf32>
    %transpose3A = tpu.transpose %get3A_28, [1, 0] : vector<1x2048xf32> -> vector<2048x1xf32>
    %max3A = arith.constant 0.000000e+00 : f32
    %max3A_36 = vector.broadcast %max3A : f32 to vector<2048x1xf32>
    %max3A_37 = arith.maximumf %get3A_12, %max3A_36 : vector<2048x1xf32>
    %abs3A = math.absf %get3A_12 : vector<2048x1xf32>
    %neg3A = arith.constant 0.000000e+00 : f32
    %neg3A_38 = vector.broadcast %neg3A : f32 to vector<2048x1xf32>
    %neg3A_39 = arith.subf %neg3A_38, %abs3A : vector<2048x1xf32>
    %exp3A = math.exp %neg3A_39 : vector<2048x1xf32>
    %log1p3A = math.log1p %exp3A : vector<2048x1xf32>
    %add3A_40 = arith.addf %max3A_37, %log1p3A : vector<2048x1xf32>
    %reduce_sum3A = vector.shape_cast %add3A_40 : vector<2048x1xf32> to vector<1x2048x1xf32>
    %reduce_sum3A_41 = arith.constant dense<0.000000e+00> : vector<1xf32>
    %reduce_sum3A_42 = vector.multi_reduction <add>, %reduce_sum3A, %reduce_sum3A_41 [1, 2] : vector<1x2048x1xf32> to vector<1xf32>
    %reduce_sum3A_43 = vector.shape_cast %reduce_sum3A_42 : vector<1xf32> to vector<1x1x1xf32>
    %reduce_sum3A_44 = vector.extract %reduce_sum3A_43[0, 0, 0] : f32 from vector<1x1x1xf32>
    %mul3A_45 = arith.mulf %get3A_12, %transpose3A : vector<2048x1xf32>
    %reduce_sum3A_46 = vector.shape_cast %mul3A_45 : vector<2048x1xf32> to vector<1x2048x1xf32>
    %reduce_sum3A_47 = arith.constant dense<0.000000e+00> : vector<1xf32>
    %reduce_sum3A_48 = vector.multi_reduction <add>, %reduce_sum3A_46, %reduce_sum3A_47 [1, 2] : vector<1x2048x1xf32> to vector<1xf32>
    %reduce_sum3A_49 = vector.shape_cast %reduce_sum3A_48 : vector<1xf32> to vector<1x1x1xf32>
    %reduce_sum3A_50 = vector.extract %reduce_sum3A_49[0, 0, 0] : f32 from vector<1x1x1xf32>
    %sub3A = arith.subf %reduce_sum3A_44, %reduce_sum3A_50 : f32
    %max3A_51 = arith.constant 0.000000e+00 : f32
    %max3A_52 = vector.broadcast %max3A_51 : f32 to vector<1x2048xf32>
    %max3A_53 = arith.maximumf %get3A_18, %max3A_52 : vector<1x2048xf32>
    %abs3A_54 = math.absf %get3A_18 : vector<1x2048xf32>
    %neg3A_55 = arith.constant 0.000000e+00 : f32
    %neg3A_56 = vector.broadcast %neg3A_55 : f32 to vector<1x2048xf32>
    %neg3A_57 = arith.subf %neg3A_56, %abs3A_54 : vector<1x2048xf32>
    %exp3A_58 = math.exp %neg3A_57 : vector<1x2048xf32>
    %log1p3A_59 = math.log1p %exp3A_58 : vector<1x2048xf32>
    %add3A_60 = arith.addf %max3A_53, %log1p3A_59 : vector<1x2048xf32>
    %reduce_sum3A_61 = vector.shape_cast %add3A_60 : vector<1x2048xf32> to vector<1x1x2048xf32>
    %reduce_sum3A_62 = arith.constant dense<0.000000e+00> : vector<1xf32>
    %reduce_sum3A_63 = vector.multi_reduction <add>, %reduce_sum3A_61, %reduce_sum3A_62 [1, 2] : vector<1x1x2048xf32> to vector<1xf32>
    %reduce_sum3A_64 = vector.shape_cast %reduce_sum3A_63 : vector<1xf32> to vector<1x1x1xf32>
    %reduce_sum3A_65 = vector.extract %reduce_sum3A_64[0, 0, 0] : f32 from vector<1x1x1xf32>
    %add3A_66 = arith.addf %sub3A, %reduce_sum3A_65 : f32
    %mul3A_67 = arith.mulf %get3A_18, %get3A_31 : vector<1x2048xf32>
    %reduce_sum3A_68 = vector.shape_cast %mul3A_67 : vector<1x2048xf32> to vector<1x1x2048xf32>
    %reduce_sum3A_69 = arith.constant dense<0.000000e+00> : vector<1xf32>
    %reduce_sum3A_70 = vector.multi_reduction <add>, %reduce_sum3A_68, %reduce_sum3A_69 [1, 2] : vector<1x1x2048xf32> to vector<1xf32>
    %reduce_sum3A_71 = vector.shape_cast %reduce_sum3A_70 : vector<1xf32> to vector<1x1x1xf32>
    %reduce_sum3A_72 = vector.extract %reduce_sum3A_71[0, 0, 0] : f32 from vector<1x1x1xf32>
    %sub3A_73 = arith.subf %add3A_66, %reduce_sum3A_72 : f32
    %div3A = arith.constant 3.276800e+04 : f32
    %div3A_74 = arith.divf %sub3A_73, %div3A : f32
    %mul3A_75 = arith.mulf %get3A_21, %convert_element_type3A_35 : vector<256x128xf32>
    %reduce_sum3A_76 = vector.shape_cast %mul3A_75 : vector<256x128xf32> to vector<1x256x128xf32>
    %reduce_sum3A_77 = arith.constant dense<0.000000e+00> : vector<1xf32>
    %reduce_sum3A_78 = vector.multi_reduction <add>, %reduce_sum3A_76, %reduce_sum3A_77 [1, 2] : vector<1x256x128xf32> to vector<1xf32>
    %reduce_sum3A_79 = vector.shape_cast %reduce_sum3A_78 : vector<1xf32> to vector<1x1x1xf32>
    %reduce_sum3A_80 = vector.extract %reduce_sum3A_79[0, 0, 0] : f32 from vector<1x1x1xf32>
    %div3A_81 = arith.constant 4.096000e+03 : f32
    %div3A_82 = arith.divf %reduce_sum3A_80, %div3A_81 : f32
    %sub3A_83 = arith.subf %div3A_74, %div3A_82 : f32
    %eq3A_84 = arith.constant 0 : i32
    %eq3A_85 = arith.cmpi eq, %arg0, %eq3A_84 : i32
    %convert_element_type3A_86 = arith.extui %eq3A_85 : i1 to i32
    %cond3A = arith.constant 0 : i32
    %cond3A_87 = arith.cmpi ne, %convert_element_type3A_86, %cond3A : i32
    scf.if %cond3A_87 {
      %broadcast_in_dim3A_94 = arith.constant 0.000000e+00 : f32
      %broadcast_in_dim3A_95 = vector.broadcast %broadcast_in_dim3A_94 : f32 to vector<1x1xf32>
      %swap3A_96 = arith.constant 0 : index
      %swap3A_97 = arith.constant 0 : index
      %swap3A_98 = vector.load %arg7[%swap3A_96, %swap3A_97] : memref<1x1xf32, #tpu.memory_space<vmem>>, vector<1x1xf32>
      tpu.vector_store %arg7[%swap3A_96, %swap3A_97], %broadcast_in_dim3A_95 {strides = array<i32>} : memref<1x1xf32, #tpu.memory_space<vmem>>, vector<1x1xf32>,
    } else {
    }
    %get3A_88 = arith.constant 0 : index
    %get3A_89 = arith.constant 0 : index
    %get3A_90 = vector.load %arg7[%get3A_88, %get3A_89] : memref<1x1xf32, #tpu.memory_space<vmem>>, vector<1x1xf32>
    %broadcast_in_dim3A = vector.broadcast %sub3A_83 : f32 to vector<1x1xf32>
    %add3A_91 = arith.addf %get3A_90, %broadcast_in_dim3A : vector<1x1xf32>
    %swap3A = arith.constant 0 : index
    %swap3A_92 = arith.constant 0 : index
    %swap3A_93 = vector.load %arg7[%swap3A, %swap3A_92] : memref<1x1xf32, #tpu.memory_space<vmem>>, vector<1x1xf32>
    tpu.vector_store %arg7[%swap3A, %swap3A_92], %add3A_91 {strides = array<i32>} : memref<1x1xf32, #tpu.memory_space<vmem>>, vector<1x1xf32>,
    return
  }
  func.func @transform_0(%arg0: i32) -> (i32, i32, i32, i32) {
    %jit3A = arith.constant 4 : i32
    %div3A = arith.divsi %arg0, %jit3A : i32
    %sign3A = arith.constant 0 : i32
    %sign3A_0 = arith.cmpi sgt, %arg0, %sign3A : i32
    %sign3A_1 = arith.extui %sign3A_0 : i1 to i32
    %sign3A_2 = arith.constant 0 : i32
    %sign3A_3 = arith.cmpi slt, %arg0, %sign3A_2 : i32
    %sign3A_4 = arith.extui %sign3A_3 : i1 to i32
    %sign3A_5 = arith.subi %sign3A_1, %sign3A_4 : i32
    %sign3A_6 = arith.constant 0 : i32
    %sign3A_7 = arith.cmpi sgt, %jit3A, %sign3A_6 : i32
    %sign3A_8 = arith.extui %sign3A_7 : i1 to i32
    %sign3A_9 = arith.constant 0 : i32
    %sign3A_10 = arith.cmpi slt, %jit3A, %sign3A_9 : i32
    %sign3A_11 = arith.extui %sign3A_10 : i1 to i32
    %sign3A_12 = arith.subi %sign3A_8, %sign3A_11 : i32
    %ne3A = arith.cmpi ne, %sign3A_5, %sign3A_12 : i32
    %rem3A = arith.remsi %arg0, %jit3A : i32
    %ne3A_13 = arith.constant 0 : i32
    %ne3A_14 = arith.cmpi ne, %rem3A, %ne3A_13 : i32
    %and3A = arith.andi %ne3A, %ne3A_14 : i1
    %sub3A = arith.constant 1 : i32
    %sub3A_15 = arith.subi %div3A, %sub3A : i32
    %select_n3A = arith.select %and3A, %sub3A_15, %div3A : i32
    %jit3A_16 = arith.constant 4 : i32
    %eq3A = arith.constant 0 : i32
    %eq3A_17 = arith.cmpi eq, %jit3A_16, %eq3A : i32
    %jit3A_18 = arith.constant 1 : i32
    %select_n3A_19 = arith.select %eq3A_17, %jit3A_18, %jit3A_16 : i32
    %rem3A_20 = arith.remsi %arg0, %select_n3A_19 : i32
    %ne3A_21 = arith.constant 0 : i32
    %ne3A_22 = arith.cmpi ne, %rem3A_20, %ne3A_21 : i32
    %lt3A = arith.constant 0 : i32
    %lt3A_23 = arith.cmpi slt, %rem3A_20, %lt3A : i32
    %lt3A_24 = arith.constant 0 : i32
    %lt3A_25 = arith.cmpi slt, %select_n3A_19, %lt3A_24 : i32
    %ne3A_26 = arith.xori %lt3A_23, %lt3A_25 : i1
    %and3A_27 = arith.andi %ne3A_26, %ne3A_22 : i1
    %add3A = arith.addi %rem3A_20, %select_n3A_19 : i32
    %select_n3A_28 = arith.select %and3A_27, %add3A, %rem3A_20 : i32
    %c0_i32 = arith.constant 0 : i32
    %c16_i32 = arith.constant 16 : i32
    %c0_i32_29 = arith.constant 0 : i32
    return %select_n3A, %select_n3A_28, %c0_i32, %c16_i32 : i32, i32, i32, i32
  }
  func.func @transform_1(%arg0: i32) -> (i32, i32, i32, i32) {
    %jit3A = arith.constant 4 : i32
    %div3A = arith.divsi %arg0, %jit3A : i32
    %sign3A = arith.constant 0 : i32
    %sign3A_0 = arith.cmpi sgt, %arg0, %sign3A : i32
    %sign3A_1 = arith.extui %sign3A_0 : i1 to i32
    %sign3A_2 = arith.constant 0 : i32
    %sign3A_3 = arith.cmpi slt, %arg0, %sign3A_2 : i32
    %sign3A_4 = arith.extui %sign3A_3 : i1 to i32
    %sign3A_5 = arith.subi %sign3A_1, %sign3A_4 : i32
    %sign3A_6 = arith.constant 0 : i32
    %sign3A_7 = arith.cmpi sgt, %jit3A, %sign3A_6 : i32
    %sign3A_8 = arith.extui %sign3A_7 : i1 to i32
    %sign3A_9 = arith.constant 0 : i32
    %sign3A_10 = arith.cmpi slt, %jit3A, %sign3A_9 : i32
    %sign3A_11 = arith.extui %sign3A_10 : i1 to i32
    %sign3A_12 = arith.subi %sign3A_8, %sign3A_11 : i32
    %ne3A = arith.cmpi ne, %sign3A_5, %sign3A_12 : i32
    %rem3A = arith.remsi %arg0, %jit3A : i32
    %ne3A_13 = arith.constant 0 : i32
    %ne3A_14 = arith.cmpi ne, %rem3A, %ne3A_13 : i32
    %and3A = arith.andi %ne3A, %ne3A_14 : i1
    %sub3A = arith.constant 1 : i32
    %sub3A_15 = arith.subi %div3A, %sub3A : i32
    %select_n3A = arith.select %and3A, %sub3A_15, %div3A : i32
    %jit3A_16 = arith.constant 4 : i32
    %eq3A = arith.constant 0 : i32
    %eq3A_17 = arith.cmpi eq, %jit3A_16, %eq3A : i32
    %jit3A_18 = arith.constant 1 : i32
    %select_n3A_19 = arith.select %eq3A_17, %jit3A_18, %jit3A_16 : i32
    %rem3A_20 = arith.remsi %arg0, %select_n3A_19 : i32
    %ne3A_21 = arith.constant 0 : i32
    %ne3A_22 = arith.cmpi ne, %rem3A_20, %ne3A_21 : i32
    %lt3A = arith.constant 0 : i32
    %lt3A_23 = arith.cmpi slt, %rem3A_20, %lt3A : i32
    %lt3A_24 = arith.constant 0 : i32
    %lt3A_25 = arith.cmpi slt, %select_n3A_19, %lt3A_24 : i32
    %ne3A_26 = arith.xori %lt3A_23, %lt3A_25 : i1
    %and3A_27 = arith.andi %ne3A_26, %ne3A_22 : i1
    %add3A = arith.addi %rem3A_20, %select_n3A_19 : i32
    %select_n3A_28 = arith.select %and3A_27, %add3A, %rem3A_20 : i32
    %c256_i32 = arith.constant 256 : i32
    %c0_i32 = arith.constant 0 : i32
    %c0_i32_29 = arith.constant 0 : i32
    return %select_n3A, %select_n3A_28, %c256_i32, %c0_i32 : i32, i32, i32, i32
  }
  func.func @transform_2(%arg0: i32) -> (i32, i32) {
    %c0_i32 = arith.constant 0 : i32
    %c0_i32_0 = arith.constant 0 : i32
    return %arg0, %c0_i32 : i32, i32
  }
  func.func @transform_3(%arg0: i32) -> (i32, i32) {
    %c0_i32 = arith.constant 0 : i32
    %c0_i32_0 = arith.constant 0 : i32
    %c0_i32_1 = arith.constant 0 : i32
    return %c0_i32, %c0_i32_0 : i32, i32
  }
  func.func @transform_4(%arg0: i32) -> (i32, i32) {
    %c0_i32 = arith.constant 0 : i32
    %c0_i32_0 = arith.constant 0 : i32
    %c0_i32_1 = arith.constant 0 : i32
    return %c0_i32, %c0_i32_0 : i32, i32
  }
  func.func @transform_5(%arg0: i32) -> (i32, i32) {
    %c0_i32 = arith.constant 0 : i32
    %c0_i32_0 = arith.constant 0 : i32
    %c0_i32_1 = arith.constant 0 : i32
    return %c0_i32, %c0_i32_0 : i32, i32
  }
  func.func @transform_6(%arg0: i32) -> (i32, i32) {
    %c0_i32 = arith.constant 0 : i32
    %c0_i32_0 = arith.constant 0 : i32
    %c0_i32_1 = arith.constant 0 : i32
    return %c0_i32, %c0_i32_0 : i32, i32
  }
}

</mosaic_0001>

<sc_bundles>
// kernel: kernel.4.cloned.1.call-start
scs
__scs_entry_jumppad:
0x0: {  	(pc) =	sbr.rel $0x88, $3  }
0x1: {  	(tag) =	ssettag $0x0;
	lr =	simm.s32 $0x1  }
0x2: {  	[smem:$0x3F9D] =	sst lr;
	_ =	strace $0xD0000000  }
0x3: {  	_ = 	snop  }
0x4: {  	_ = 	snop  }
0x5: {  	_ = 	snop  }
0x6: {  	_ = 	snop  }
0x7: {  	_ = 	snop  }
__scs_overlays_trampoline_lowered:
0x8: {  	[smem:$0x3FAC] =	sst s0  }
0x9: {  	[smem:$0x3FAD] =	sst s1  }
0xa: {  	[smem:$0x3FAE] =	sst s2  }
0xb: {  	[smem:$0x3FAF] =	sst s3  }
0xc: {  	[smem:$0x3FB0] =	sst s4  }
0xd: {  	[smem:$0x3FB1] =	sst s5  }
0xe: {  	[smem:$0x3FB2] =	sst s6  }
0xf: {  	[smem:$0x3FB3] =	sst s7  }
0x10: {  	[smem:$0x3FB4] =	sst s8  }
0x11: {  	[smem:$0x3FB5] =	sst s9;
	s0 =	simm.s32 @!p0 $0x0  }
0x12: {  	s1 =	sld [smem:$0x3F9B];
	s0 =	simm.s32 @p0 $0x1  }
0x13: {  	[smem:$0x3FB6] =	sst s0;
	s0 =	simm.s32 @!p1 $0x0  }
0x14: {  	s2 =	sld [smem:$0x3F9A];
	s0 =	simm.s32 @p1 $0x1  }
0x15: {  	[smem:$0x3FB7] =	sst s0;
	s0 =	simm.s32 @!p2 $0x0  }
0x16: {  	s3 =	sld [smem:$0x3FDB];
	s0 =	simm.s32 @p2 $0x1  }
0x17: {  	s4 =	simm.s32 $0x1BF5;
	[smem:$0x3FB9] =	sst s0  }
0x18: {  	s0 =	sld [smem:$0x3F9C];
	_ =	swait.ge [sflag:s4], $0x0  }
0x19: {  	s7 =	sld [smem:$0x3F9D]  }
0x1a: {  	s8 =	sadd.s32 $0xFFFFE003, lr  }
0x1b: {  	s9 =	sadd.s32 $0xFFFFFEF7, lr;
	s5 =	simm.s32 $0xFFFFFFFF;
	p2 =	slt.u32 s8, $0xFFFFF086  }
0x1c: {  	p1 =	slt.u32 s9, $0xF7A;
	s5 =	simm.s32 @!p2 $0x0  }
0x1d: {  	s5 =	simm.s32 @p1 $0x1;
	p0 =	seq.s32 s7, s2  }
0x1e: {  	s7 =	smul.u32 @!p0 $0xF7A, s2;
	p2 =	seq.s32 @!p0 s5, $0x0  }
0x1f: {  	s9 =	smul.u32 $0xF7A, s1;
	s8 =	simm.s32 @!p0 $0x1BF5;
	p2 =	por !p2, p0  }
0x20: {  	[sflag:s8] =	ssyncset.s32 @!p0 $0xFFFFF086;
	s6 =	sadd.s32 @!p0 s3, s7;
	s7 =	simm.s32 @!p0 $0x108  }
0x21: {  	s3 =	sadd.s32 s3, s9;
	s6 =	sadd.s32 @!p0 $0x88, s6;
	s7 =	simm.s32 @p2 $0x1082  }
0x22: {  	[simem:s7], [sflag:s8] =	dma.local @!p0 [hbm:s6], $0xF7A  }
0x23: {  	s9 =	sor.u32 $0xD0000000, s2;
	s6 =	simm.s32 $0x108;
	_ =	swait.ge @!p0 [sflag:s8], $0x0  }
0x24: {  	s3 =	sadd.s32 $0x88, s3;
	s6 =	simm.s32 @!p1 $0x1082;
	[sflag:s4] =	ssyncset.s32 $0xFFFFF086  }
0x25: {  	[simem:s6], [sflag:s4] =	dma.local [hbm:s3], $0xF7A  }
0x26: {  	[smem:$0x3F9D] =	sst s1;
	(tag) =	ssettag s2;
	_ =	strace s9  }
0x27: {  	s1 =	sld [smem:$0x3FAD]  }
0x28: {  	s2 =	sld [smem:$0x3FAE]  }
0x29: {  	s4 =	sld [smem:$0x3FB0]  }
0x2a: {  	p0 =	seq.s32 s5, $0x0;
	s5 =	sld [smem:$0x3FB1]  }
0x2b: {  	s6 =	sld [smem:$0x3FB2]  }
0x2c: {  	s7 =	sld [smem:$0x3FB3]  }
0x2d: {  	s3 =	simm.s32 $0x108;
	s8 =	sld [smem:$0x3FB4]  }
0x2e: {  	s3 =	simm.s32 @!p0 $0x1082;
	s9 =	sld [smem:$0x3FB5]  }
0x2f: {  	lr =	sadd.s32 s0, s3;
	s0 =	sld [smem:$0x3FAC]  }
0x30: {  	s3 =	sld [smem:$0x3FAF]  }
0x31: {  	[smem:$0x3FB8] =	sst s10  }
0x32: {  	s10 =	sld [smem:$0x3FB6];
	_ =	sdelay $0x3  }
0x33: {  	p0 =	seq.s32 s10, $0x1;
	s10 =	sld [smem:$0x3FB8];
	_ =	sdelay $0x3  }
0x34: {  	[smem:$0x3FB8] =	sst s10  }
0x35: {  	s10 =	sld [smem:$0x3FB7];
	_ =	sdelay $0x3  }
0x36: {  	p1 =	seq.s32 s10, $0x1;
	s10 =	sld [smem:$0x3FB8];
	_ =	sdelay $0x3  }
0x37: {  	[smem:$0x3FB8] =	sst s10  }
0x38: {  	s10 =	sld [smem:$0x3FB9]  }
0x39: {  	_ = 	snop;
	(pc) =	sbr.ind lr, $3  }
0x3a: {  	_ = 	snop  }
0x3b: {  	_ = 	snop  }
0x3c: {  	p2 =	seq.s32 s10, $0x1;
	s10 =	sld [smem:$0x3FB8]  }
0x3d: {  	_ =	shalt  }
0x3e: {  	_ =	shalt  }
0x3f: {  	_ =	shalt  }
0x40: {  	_ =	shalt  }
0x41: {  	_ =	shalt  }
0x42: {  	_ =	shalt  }
0x43: {  	_ =	shalt  }
0x44: {  	_ =	shalt  }
0x45: {  	_ =	shalt  }
0x46: {  	_ =	shalt  }
0x47: {  	_ =	shalt  }
0x48: {  	_ =	shalt  }
0x49: {  	_ =	shalt  }
0x4a: {  	_ =	shalt  }
0x4b: {  	_ =	shalt  }
0x4c: {  	_ =	shalt  }
0x4d: {  	_ =	shalt  }
0x4e: {  	_ =	shalt  }
0x4f: {  	_ =	shalt  }
0x50: {  	_ =	shalt  }
0x51: {  	_ =	shalt  }
0x52: {  	_ =	shalt  }
0x53: {  	_ =	shalt  }
0x54: {  	_ =	shalt  }
0x55: {  	_ =	shalt  }
0x56: {  	_ =	shalt  }
0x57: {  	_ =	shalt  }
0x58: {  	_ =	shalt  }
0x59: {  	_ =	shalt  }
0x5a: {  	_ =	shalt  }
0x5b: {  	_ =	shalt  }
0x5c: {  	_ =	shalt  }
0x5d: {  	_ =	shalt  }
0x5e: {  	_ =	shalt  }
0x5f: {  	_ =	shalt  }
0x60: {  	_ =	shalt  }
0x61: {  	_ =	shalt  }
0x62: {  	_ =	shalt  }
0x63: {  	_ =	shalt  }
0x64: {  	_ =	shalt  }
0x65: {  	_ =	shalt  }
0x66: {  	_ =	shalt  }
0x67: {  	_ =	shalt  }
0x68: {  	_ =	shalt  }
0x69: {  	_ =	shalt  }
0x6a: {  	_ =	shalt  }
0x6b: {  	_ =	shalt  }
0x6c: {  	_ =	shalt  }
0x6d: {  	_ =	shalt  }
0x6e: {  	_ =	shalt  }
0x6f: {  	_ =	shalt  }
0x70: {  	_ =	shalt  }
0x71: {  	_ =	shalt  }
0x72: {  	_ =	shalt  }
0x73: {  	_ =	shalt  }
0x74: {  	_ =	shalt  }
0x75: {  	_ =	shalt  }
0x76: {  	_ =	shalt  }
0x77: {  	_ =	shalt  }
0x78: {  	_ =	shalt  }
0x79: {  	_ =	shalt  }
0x7a: {  	_ =	shalt  }
0x7b: {  	_ =	shalt  }
0x7c: {  	_ =	shalt  }
0x7d: {  	_ =	shalt  }
0x7e: {  	_ =	shalt  }
0x7f: {  	_ =	shalt  }
0x80: {  	_ =	shalt  }
0x81: {  	_ =	shalt  }
0x82: {  	_ =	shalt  }
0x83: {  	_ =	shalt  }
0x84: {  	_ =	shalt  }
0x85: {  	_ =	shalt  }
0x86: {  	_ =	shalt  }
0x87: {  	_ =	shalt  }
.Lfunc_end0:
.L_simem_size_0:
called_computation_lowered:
.L_overlay_start_0:
0x88: {  	s2 =	sld [smem:$0x3FD9]  }
0x89: {  	s3 =	sld [smem:$0x3FFE];
	_ =	sdelay $0x1  }
0x8a: {  	s1 =	srdreg.scid  }
0x8b: {  	s0 =	sand.u32 $0x1, s1  }
0x8c: {  	s17 =	sshll.u32 s0, $0xA;
	s2 =	sadd.s32 s3, s2  }
0x8d: {  	s2 =	sadd.s32 s2, s17  }
0x8e: {  	[smem:$0x3FC4] =	sst s2  }
0x8f: {  	_ = 	snop  }
0x90: {  	s2 =	sld [smem:$0x3FC8]  }
0x91: {  	s18 =	sld [smem:$0x3FC7]  }
0x92: {  	s4 =	sld [smem:$0x3FC6];
	(tm) =	ssettm $0x1  }
0x93: {  	s5 =	sld [smem:$0x3FFB];
	_ =	sdelay $0x3  }
0x94: {  	_ =	strace s5  }
0x95: {  	s5 =	sld [smem:$0x3FFC];
	_ =	sdelay $0x3  }
0x96: {  	_ =	strace s5  }
0x97: {  	s5 =	sld [smem:$0x3FFD];
	_ =	sdelay $0x3  }
0x98: {  	_ =	strace s5  }
0x99: {  	_ =	strace $0x8FFFFFFF  }
0x9a: {  	s19 =	sld [smem:$0x3FDB];
	_ =	sdelay $0x1  }
0x9b: {  	s6 =	simm.s32 $_scs_section_size  }
0x9c: {  	s7 =	simm.s32 $_size__tile_overlayer_lowered;
	s8 =	simm.s32 $_tile_overlayer_lowered  }
0x9d: {  	s22 =	simm.s32 $0x1BFF;
	s21 =	sshll.u32 s8, $0x1;
	s5 =	sadd.s32 s6, s19  }
0x9e: {  	s9 =	simm.s32 $0x0;
	s20 =	sshll.u32 s7, $0x1;
	s7 =	sadd.s32 s21, s5  }
0x9f: {  	[timem:s9], [sflag:s22] =	dma.local [hbm:s7], s20  }
0xa0: {  	_ =	swait.ge [sflag:s22], s20  }
0xa1: {  	s6 =	ssub.s32 $0x0, s20;
	[sflag:s22] =	ssyncset.done $0x0  }
0xa2: {  	[sflag:s22] =	ssyncadd.s32 s6;
	_ =	sdelay $0x1  }
0xa3: {  	s23 =	simm.s32 $0x1B8B  }
0xa4: {  	_ =	swait.ge [sflag:s23], $0x1  }
0xa5: {  	[sflag:s23] =	ssyncset.done $0x0  }
0xa6: {  	s25 =	simm.s32 $0x1B8E;
	s24 =	sld [smem:$0x3FFE];
	[sflag:s23] =	ssyncadd.s32 $0xFFFFFFFF  }
0xa7: {  	s26 =	simm.s32 $execute0_lowered;
	[smem:$0x3FD2] =	sst s25  }
0xa8: {  	s7 =	sshll.u32 s26, $0x1;
	_ =	strace $0x80000046;
	[dreg:$0x1] =	wrdreg $0xFFFFFFFF  }
0xa9: {  	s28 =	simm.s32 $_size_execute0_lowered;
	s5 =	sadd.s32 s5, s7;
	[dreg:$0x0] =	wrdreg $0x0  }
0xaa: {  	s7 =	sshll.u32 s28, $0x1;
	[dreg:$0x2] =	wrdreg s5  }
0xab: {  	[dreg:$0x3] =	wrdreg s7  }
0xac: {  	[dreg:$0x4] =	wrdreg $0xC0  }
0xad: {  	_ =	task [dreg:s9], $0x5FFFF  }
0xae: {  	[dreg:$0x1] =	wrdreg $0xFFFFFFFF  }
0xaf: {  	[dreg:$0x0] =	wrdreg $0x60  }
0xb0: {  	[dreg:$0x2] =	wrdreg s24  }
0xb1: {  	[dreg:$0x3] =	wrdreg s2  }
0xb2: {  	[dreg:$0x4] =	wrdreg s18  }
0xb3: {  	[dreg:$0x5] =	wrdreg s4  }
0xb4: {  	[dreg:$0x6] =	wrdreg $0x9  }
0xb5: {  	_ =	task.clear_ibuf [dreg:s9], $0x7FFFF;
	_ =	strace $0x90000046  }
0xb6: {  	s29 =	simm.s32 $0x9;
	_ =	strace $0x80000048  }
0xb7: {  	_ =	swait.ge [sflag:s29], $0x1  }
0xb8: {  	[sflag:s29] =	ssyncadd.s32 $0xFFFFFFFF  }
0xb9: {  	_ =	strace $0x90000048  }
0xba: {  	_ =	sfence  }
0xbb: {  	s30 =	sld [smem:$0x0];
	_ =	sdelay $0x2  }
0xbc: {  	s31 =	sshll.u32 s1, $0xD;
	s1 =	sshrl.u32 s1, $0x2  }
0xbd: {  	s3 =	sand.u32 $0x4000, s31;
	s1 =	sadd.s32 s1, s30  }
0xbe: {  	s0 =	sor.u32 s3, s0;
	s1 =	sshll.u32 s1, $0x11  }
0xbf: {  	s0 =	sor.u32 s1, s0  }
0xc0: {  	s0 =	sadd.s32 $0x8F2B, s0  }
0xc1: {  	[sflag:s0] =	ssyncadd.remote.s32 $0x1  }
0xc2: {  	_ =	sfence.sel $0xFFFF  }
0xc3: {  	[dreg:$0x0] =	wrdreg $0xFFFFFFFF;
	(pc) =	sbr.abs _section_cstart, $3  }
0xc4: {  	[dreg:$0x1] =	wrdreg $0xFFFFFFFF  }
0xc5: {  	_ =	task.clear_ibuf [dreg:s9], $0x2FFFF;
	_ =	strace $0x9FFFFFFF  }
0xc6: {  	(tm) =	ssettm $0x7FFFFFFF  }
0xc7: {  	_ =	shalt  }
tec
execute0_lowered:
.L_overlay_start_1:
0x0: {  	(tag) =	ssettag $0x1  }
0x1: {  	s0 =	srdreg.scid  }
0x2: {  	s9 =	stileid.u32;
	s2 =	rddreg [dreg:$0x0];
	s5 =	simm.s32 $0x0  }
0x3: {  	s12 =	simm.s32 $0x400;
	s13 =	simm.s32 $0x800;
	s14 =	simm.s32 $0xC00  }
0x4: {  	s15 =	simm.s32 $0x1;
	s16 =	simm.s32 $0x1080;
	s17 =	simm.s32 $0x1500  }
0x5: {  	s18 =	simm.s32 $0x1580;
	s19 =	simm.s32 $0x1600;
	s20 =	simm.s32 $0x1680  }
0x6: {  	s21 =	simm.s32 $0x1700;
	s22 =	simm.s32 $0x1780;
	s28 =	simm.s32 $0x1A00  }
0x7: {  	s29 =	simm.s32 $0x1A80;
	s30 =	simm.s32 $0x1B00;
	s31 =	simm.s32 $0x1B80  }
0x8: {  	s10 =	simm.s32 $0x0;
	s0 =	sand.u32 $0x1, s0;
	s1 =	sshll.u32 s9, $0x1  }
0x9: {  	s3 =	sshrl.u32 s9, $0x1;
	[smem:$0x7FF] =	sst s5;
	s8 =	sadd.s32 $0x889400, s2  }
0xa: {  	p0 =	sgt.u32 s9, $0x7;
	s1 =	sor.u32 s0, s1;
	s6 =	smul.u32 $0x1111000, s3  }
0xb: {  	_ =	strace $0x80000047;
	s0 =	ssub.s32 $0x2, s0;
	[dreg:$0x5] =	wrdreg s8  }
0xc: {  	v2 =	vimm.s32 $0x0;
	v3 =	vlaneseq.u32;
	s26 =	sshll.u32 s3, $0xA;
	s4 =	sand.u32 $0x3, s1;
	s24 =	sshrl.u32 s0, $0x1  }
0xd: {  	vm0 =	vmmov $0xffff;
	v4 =	vimm.s32 $0x3;
	v5 =	vimm.s32 $0x7;
	p1 =	seq.s32 s1, $0x11;
	p2 =	sne.s32 s1, $0x10;
	s7 =	smul.u32 $0x444400, s4  }
0xe: {  	vm1 =	vmmov $0x1;
	v7 =	vimm.s32 $0x1;
	v1 =	vmov s26;
	s26 =	simm.s32 $0x1980;
	s1 =	simm.s32 $0x1C00;
	s0 =	ssub.s32 s0, s24  }
.Ltmp0:
0xf: {  	v8 =	vimm.s32 $0x2;
	v9 =	vimm.s32 $0x4;
	v10 =	vimm.s32 $0x5;
	s0 =	smax.u32 s0, $0x1;
	s6 =	sadd.s32 s6, s7;
	(pc) =	sbr.rel .LBB2_1-.Ltmp0, $4  }
0x10: {  	v11 =	vimm.s32 $0x6;
	v13 =	vimm.s32 $0x9;
	v14 =	vimm.s32 $0xA;
	s24 =	simm.s32 $0x1880;
	[dreg:$0x8] =	wrdreg s0;
	s6 =	sshrl.u32 s6, $0x3  }
0x11: {  	v12 =	vimm.s32 $0x8;
	v15 =	vimm.s32 $0xB;
	v16 =	vimm.s32 $0xC;
	s23 =	sadd.s32 s6, s2;
	s6 =	sadd.s32 $0x889C00, s2;
	s2 =	sadd.s32 $0x889800, s2  }
0x12: {  	v17 =	vimm.s32 $0xD;
	v18 =	vimm.s32 $0xE;
	v19 =	vimm.s32 $0xF;
	s0 =	simm.s32 $0x1C80;
	[dreg:$0x6] =	wrdreg s2;
	s25 =	sadd.s32 $0xC00, s23  }
0x13: {  	v20 =	vimm.f32 $0.0e+00;
	v6 =	vmul.u32 $0x8, v3;
	v0 =	vmov s4;
	s23 =	simm.s32 $0x1800;
	[dreg:$0x7] =	wrdreg s25;
	s25 =	simm.s32 $0x1900  }
.LBB2_24:
0x14: {  	s9 =	simm.s32 $0x1D00;
	s7 =	simm.s32 $0x2  }
0x15: {  	[hbm4b:s8+s5] =	stream.linear.scatter [tilespmem:s9], [sflag:$0x2], $0x800, $0x38;
	[tilespmem:$0x2980] =	vst v63  }
0x16: {  	_ =	swait.ge [sflag:s7], $0x800  }
0x17: {  	[sflag:s7] =	ssyncset.done $0x0  }
0x18: {  	s4 =	sadd.s32 $0x100, s3;
	[sflag:s7] =	ssyncadd.s32 $0xFFFFF800  }
0x19: {  	[hbm4b:s4+s5] =	stream.linear.scatter [tilespmem:s9], [sflag:$0x2], $0x800, $0x38;
	[tilespmem:$0x2980] =	vst v63  }
0x1a: {  	_ =	swait.ge [sflag:s7], $0x800  }
0x1b: {  	[sflag:s7] =	ssyncset.done $0x0  }
0x1c: {  	s11 =	sadd.s32 $0x200, s3;
	[sflag:s7] =	ssyncadd.s32 $0xFFFFF800  }
0x1d: {  	[hbm4b:s11+s5] =	stream.linear.scatter [tilespmem:s9], [sflag:$0x2], $0x800, $0x38;
	[tilespmem:$0x2980] =	vst v63  }
0x1e: {  	_ =	swait.ge [sflag:s7], $0x800  }
0x1f: {  	[sflag:s7] =	ssyncset.done $0x0  }
0x20: {  	s11 =	sadd.s32 $0x300, s3;
	[sflag:s7] =	ssyncadd.s32 $0xFFFFF800  }
0x21: {  	[hbm4b:s11+s5] =	stream.linear.scatter [tilespmem:s9], [sflag:$0x2], $0x800, $0x38;
	[tilespmem:$0x2980] =	vst v63  }
0x22: {  	_ =	swait.ge [sflag:s7], $0x800  }
0x23: {  	[sflag:s7] =	ssyncset.done $0x0  }
0x24: {  	v21 =	vimm.f32 $1.000000000e+00;
	[sflag:s7] =	ssyncadd.s32 $0xFFFFF800  }
0x25: {  	[tilespmem:$0x2900] =	vst v21  }
0x26: {  	[tilespmem:$0x2910] =	vst v21  }
0x27: {  	[tilespmem:$0x2920] =	vst v21  }
0x28: {  	[tilespmem:$0x2930] =	vst v21  }
0x29: {  	[tilespmem:$0x2940] =	vst v21  }
0x2a: {  	[tilespmem:$0x2950] =	vst v21  }
0x2b: {  	[tilespmem:$0x2960] =	vst v21  }
0x2c: {  	[tilespmem:$0x2970] =	vst v21;
	s4 =	rddreg [dreg:$0x1]  }
0x2d: {  	[tilespmem:s5], [sflag:$0x2] =	stream.linear.gather [hbm4b:s4+s5], $0x400, $0x38;
	[tilespmem:$0x2980] =	vst v63  }
0x2e: {  	_ =	swait.ge [sflag:s7], $0x400  }
0x2f: {  	[sflag:s7] =	ssyncset.done $0x0  }
0x30: {  	[sflag:s7] =	ssyncadd.s32 $0xFFFFFC00  }
0x31: {  	[tilespmem:s12], [sflag:$0x2] =	stream.linear.gather [hbm4b:s2+s5], $0x400, $0x38;
	[tilespmem:$0x2980] =	vst v63  }
0x32: {  	_ =	swait.ge [sflag:s7], $0x400  }
0x33: {  	[sflag:s7] =	ssyncset.done $0x0  }
0x34: {  	[sflag:s7] =	ssyncadd.s32 $0xFFFFFC00  }
0x35: {  	v21 =	vld [tilespmem:$0x540];
	_ =	sdelay $0x4  }
0x36: {  	[tilespmem:$0x1FE60] =	vst v21;
	v21 =	vld [tilespmem:$0x550];
	_ =	sdelay $0x4  }
0x37: {  	[tilespmem:$0x1FE70] =	vst v21;
	v21 =	vld [tilespmem:$0x160];
	_ =	sdelay $0x4  }
0x38: {  	[tilespmem:$0x1FE80] =	vst v21;
	v21 =	vld [tilespmem:$0x560];
	_ =	sdelay $0x4  }
0x39: {  	[tilespmem:$0x1FE90] =	vst v21;
	v21 =	vld [tilespmem:$0x170];
	_ =	sdelay $0x4  }
0x3a: {  	[tilespmem:$0x1FEA0] =	vst v21;
	v21 =	vld [tilespmem:$0x570];
	_ =	sdelay $0x4  }
0x3b: {  	[tilespmem:$0x1FEB0] =	vst v21;
	v21 =	vld [tilespmem:$0x180];
	_ =	sdelay $0x4  }
0x3c: {  	[tilespmem:$0x1FEC0] =	vst v21;
	v21 =	vld [tilespmem:$0x580];
	_ =	sdelay $0x4  }
0x3d: {  	[tilespmem:$0x1FED0] =	vst v21;
	v21 =	vld [tilespmem:$0x190];
	_ =	sdelay $0x4  }
0x3e: {  	[tilespmem:$0x1FEE0] =	vst v21;
	v21 =	vld [tilespmem:$0x590];
	_ =	sdelay $0x4  }
0x3f: {  	[tilespmem:$0x1FEF0] =	vst v21;
	v21 =	vld [tilespmem:$0x1A0];
	_ =	sdelay $0x4  }
0x40: {  	[tilespmem:$0x1FF00] =	vst v21;
	v21 =	vld [tilespmem:$0x5A0];
	_ =	sdelay $0x4  }
0x41: {  	[tilespmem:$0x1FF10] =	vst v21;
	v21 =	vld [tilespmem:$0x1B0];
	_ =	sdelay $0x4  }
0x42: {  	[tilespmem:$0x1FF20] =	vst v21;
	v21 =	vld [tilespmem:$0x5B0];
	_ =	sdelay $0x4  }
0x43: {  	[tilespmem:$0x1FF30] =	vst v21;
	v21 =	vld [tilespmem:$0x1C0];
	_ =	sdelay $0x4  }
0x44: {  	[tilespmem:$0x1FF40] =	vst v21;
	v21 =	vld [tilespmem:$0x5C0];
	_ =	sdelay $0x4  }
0x45: {  	[tilespmem:$0x1FF50] =	vst v21;
	v21 =	vld [tilespmem:$0x1D0];
	_ =	sdelay $0x4  }
0x46: {  	[tilespmem:$0x1FF60] =	vst v21;
	v21 =	vld [tilespmem:$0x5D0];
	_ =	sdelay $0x4  }
0x47: {  	[tilespmem:$0x1FF70] =	vst v21;
	v21 =	vld [tilespmem:$0x1E0];
	_ =	sdelay $0x4  }
0x48: {  	[tilespmem:$0x1FF80] =	vst v21;
	v21 =	vld [tilespmem:$0x5E0];
	_ =	sdelay $0x4  }
0x49: {  	[tilespmem:$0x1FF90] =	vst v21;
	v21 =	vld [tilespmem:$0x1F0]  }
0x4a: {  	v23 =	vld [tilespmem:$0x0]  }
0x4b: {  	v24 =	vld [tilespmem:$0x400]  }
0x4c: {  	v29 =	vld [tilespmem:$0x10]  }
0x4d: {  	v30 =	vld [tilespmem:$0x410]  }
0x4e: {  	[tilespmem:$0x1FFA0] =	vst v21;
	v21 =	vld [tilespmem:$0x5F0]  }
0x4f: {  	v33 =	vld [tilespmem:$0x20]  }
0x50: {  	v34 =	vld [tilespmem:$0x420]  }
0x51: {  	v35 =	vld [tilespmem:$0x30]  }
0x52: {  	v36 =	vld [tilespmem:$0x430]  }
0x53: {  	[tilespmem:$0x1FFB0] =	vst v21;
	v21 =	vld [tilespmem:$0x200]  }
0x54: {  	v37 =	vld [tilespmem:$0x40]  }
0x55: {  	v38 =	vld [tilespmem:$0x440]  }
0x56: {  	v39 =	vld [tilespmem:$0x50]  }
0x57: {  	v40 =	vld [tilespmem:$0x450]  }
0x58: {  	[tilespmem:$0x1FFC0] =	vst v21;
	v21 =	vld [tilespmem:$0x600]  }
0x59: {  	v41 =	vld [tilespmem:$0x60]  }
0x5a: {  	v42 =	vld [tilespmem:$0x460]  }
0x5b: {  	v43 =	vld [tilespmem:$0x70]  }
0x5c: {  	v44 =	vld [tilespmem:$0x470]  }
0x5d: {  	[tilespmem:$0x1FFD0] =	vst v21;
	v21 =	vld [tilespmem:$0x210]  }
0x5e: {  	v45 =	vld [tilespmem:$0x80]  }
0x5f: {  	v46 =	vld [tilespmem:$0x480]  }
0x60: {  	v47 =	vld [tilespmem:$0x90]  }
0x61: {  	v48 =	vld [tilespmem:$0x490]  }
0x62: {  	[tilespmem:$0x1FFE0] =	vst v21;
	v21 =	vld [tilespmem:$0x610]  }
0x63: {  	v49 =	vld [tilespmem:$0xA0]  }
0x64: {  	v50 =	vld [tilespmem:$0x4A0]  }
0x65: {  	v51 =	vld [tilespmem:$0xB0]  }
0x66: {  	v52 =	vld [tilespmem:$0x4B0]  }
0x67: {  	v53 =	vld [tilespmem:$0xC0];
	[tilespmem:$0x1FFF0] =	vst v21;
	v21 =	vshll.u32 v23, $0xB  }
0x68: {  	v54 =	vld [tilespmem:$0x4C0];
	v29 =	vshll.u32 v29, $0xB;
	v21 =	vadd.s32 v24, v21  }
0x69: {  	v55 =	vld [tilespmem:$0xD0];
	v33 =	vshll.u32 v33, $0xB;
	[tilespmem:$0x2500] =	vst v21;
	v21 =	vadd.s32 v30, v29  }
0x6a: {  	v56 =	vld [tilespmem:$0x4D0];
	[tilespmem:$0x2510] =	vst v21;
	v21 =	vadd.s32 v34, v33;
	v33 =	vshll.u32 v35, $0xB  }
0x6b: {  	v57 =	vld [tilespmem:$0xE0];
	v37 =	vshll.u32 v37, $0xB;
	[tilespmem:$0x2520] =	vst v21;
	v21 =	vadd.s32 v36, v33  }
0x6c: {  	v58 =	vld [tilespmem:$0x4E0];
	v39 =	vshll.u32 v39, $0xB;
	[tilespmem:$0x2530] =	vst v21;
	v21 =	vadd.s32 v38, v37  }
0x6d: {  	v59 =	vld [tilespmem:$0xF0];
	v41 =	vshll.u32 v41, $0xB;
	[tilespmem:$0x2540] =	vst v21;
	v21 =	vadd.s32 v40, v39  }
0x6e: {  	v60 =	vld [tilespmem:$0x4F0];
	v43 =	vshll.u32 v43, $0xB;
	[tilespmem:$0x2550] =	vst v21;
	v21 =	vadd.s32 v42, v41  }
0x6f: {  	v61 =	vld [tilespmem:$0x100];
	v45 =	vshll.u32 v45, $0xB;
	[tilespmem:$0x2560] =	vst v21;
	v21 =	vadd.s32 v44, v43  }
0x70: {  	v62 =	vld [tilespmem:$0x500];
	v47 =	vshll.u32 v47, $0xB;
	[tilespmem:$0x2570] =	vst v21;
	v21 =	vadd.s32 v46, v45  }
0x71: {  	v63 =	vld [tilespmem:$0x110];
	v49 =	vshll.u32 v49, $0xB;
	[tilespmem:$0x2580] =	vst v21;
	v21 =	vadd.s32 v48, v47  }
0x72: {  	v25 =	vld [tilespmem:$0x510];
	v51 =	vshll.u32 v51, $0xB;
	[tilespmem:$0x2590] =	vst v21;
	v21 =	vadd.s32 v50, v49  }
0x73: {  	v22 =	vld [tilespmem:$0x120];
	[tilespmem:$0x25A0] =	vst v21;
	v21 =	vadd.s32 v52, v51;
	v52 =	vshll.u32 v53, $0xB  }
0x74: {  	v27 =	vld [tilespmem:$0x520];
	v53 =	vshll.u32 v55, $0xB;
	[tilespmem:$0x25B0] =	vst v21;
	v21 =	vadd.s32 v54, v52  }
0x75: {  	v26 =	vld [tilespmem:$0x130];
	v54 =	vshll.u32 v57, $0xB;
	[tilespmem:$0x25C0] =	vst v21;
	v21 =	vadd.s32 v56, v53  }
0x76: {  	v31 =	vld [tilespmem:$0x530];
	v55 =	vshll.u32 v59, $0xB;
	[tilespmem:$0x25D0] =	vst v21;
	v21 =	vadd.s32 v58, v54  }
0x77: {  	v56 =	vshll.u32 v61, $0xB;
	[tilespmem:$0x25E0] =	vst v21;
	v21 =	vadd.s32 v60, v55  }
0x78: {  	v57 =	vshll.u32 v63, $0xB;
	[tilespmem:$0x25F0] =	vst v21;
	v21 =	vadd.s32 v62, v56  }
0x79: {  	v22 =	vshll.u32 v22, $0xB;
	[tilespmem:$0x2600] =	vst v21;
	v21 =	vadd.s32 v25, v57  }
0x7a: {  	[tilespmem:$0x2610] =	vst v21;
	v21 =	vadd.s32 v27, v22;
	v22 =	vshll.u32 v26, $0xB  }
0x7b: {  	v28 =	vld [tilespmem:$0x140];
	[tilespmem:$0x2620] =	vst v21;
	v21 =	vadd.s32 v31, v22  }
0x7c: {  	[tilespmem:$0x2630] =	vst v21;
	v21 =	vld [tilespmem:$0x1FE60];
	_ =	sdelay $0x3  }
0x7d: {  	v22 =	vshll.u32 v28, $0xB  }
0x7e: {  	v32 =	vld [tilespmem:$0x150];
	v21 =	vadd.s32 v21, v22  }
0x7f: {  	[tilespmem:$0x2640] =	vst v21;
	v21 =	vld [tilespmem:$0x1FE70];
	_ =	sdelay $0x3  }
0x80: {  	v22 =	vshll.u32 v32, $0xB  }
0x81: {  	v21 =	vadd.s32 v21, v22;
	v22 =	vld [tilespmem:$0x1FE80]  }
0x82: {  	[tilespmem:$0x2650] =	vst v21;
	v21 =	vld [tilespmem:$0x1FE90];
	_ =	sdelay $0x3  }
0x83: {  	v22 =	vshll.u32 v22, $0xB  }
0x84: {  	v21 =	vadd.s32 v21, v22;
	v22 =	vld [tilespmem:$0x1FEA0]  }
0x85: {  	[tilespmem:$0x2660] =	vst v21;
	v21 =	vld [tilespmem:$0x1FEB0];
	_ =	sdelay $0x3  }
0x86: {  	v22 =	vshll.u32 v22, $0xB  }
0x87: {  	v21 =	vadd.s32 v21, v22;
	v22 =	vld [tilespmem:$0x1FEC0]  }
0x88: {  	[tilespmem:$0x2670] =	vst v21;
	v21 =	vld [tilespmem:$0x1FED0];
	_ =	sdelay $0x3  }
0x89: {  	v22 =	vshll.u32 v22, $0xB  }
0x8a: {  	v21 =	vadd.s32 v21, v22;
	v22 =	vld [tilespmem:$0x1FEE0]  }
0x8b: {  	[tilespmem:$0x2680] =	vst v21;
	v21 =	vld [tilespmem:$0x1FEF0];
	_ =	sdelay $0x2  }
0x8c: {  	v23 =	vld [tilespmem:$0x220]  }
0x8d: {  	v24 =	vld [tilespmem:$0x620];
	v22 =	vshll.u32 v22, $0xB  }
0x8e: {  	v21 =	vadd.s32 v21, v22;
	v22 =	vld [tilespmem:$0x1FF00]  }
0x8f: {  	[tilespmem:$0x2690] =	vst v21;
	v21 =	vld [tilespmem:$0x1FF10]  }
0x90: {  	v29 =	vld [tilespmem:$0x230]  }
0x91: {  	v30 =	vld [tilespmem:$0x630]  }
0x92: {  	v34 =	vld [tilespmem:$0x240]  }
0x93: {  	v35 =	vld [tilespmem:$0x640];
	v22 =	vshll.u32 v22, $0xB  }
0x94: {  	v21 =	vadd.s32 v21, v22;
	v22 =	vld [tilespmem:$0x1FF20]  }
0x95: {  	[tilespmem:$0x26A0] =	vst v21;
	v21 =	vld [tilespmem:$0x1FF30]  }
0x96: {  	v36 =	vld [tilespmem:$0x250]  }
0x97: {  	v33 =	vld [tilespmem:$0x2E0]  }
0x98: {  	v37 =	vld [tilespmem:$0x650]  }
0x99: {  	v38 =	vld [tilespmem:$0x260];
	v22 =	vshll.u32 v22, $0xB  }
0x9a: {  	v21 =	vadd.s32 v21, v22;
	v22 =	vld [tilespmem:$0x1FF40]  }
0x9b: {  	[tilespmem:$0x26B0] =	vst v21;
	v21 =	vld [tilespmem:$0x1FF50]  }
0x9c: {  	v39 =	vld [tilespmem:$0x660]  }
0x9d: {  	v40 =	vld [tilespmem:$0x270]  }
0x9e: {  	v41 =	vld [tilespmem:$0x670]  }
0x9f: {  	v42 =	vld [tilespmem:$0x280];
	v22 =	vshll.u32 v22, $0xB  }
0xa0: {  	v21 =	vadd.s32 v21, v22;
	v22 =	vld [tilespmem:$0x1FF60]  }
0xa1: {  	[tilespmem:$0x26C0] =	vst v21;
	v21 =	vld [tilespmem:$0x1FF70]  }
0xa2: {  	v43 =	vld [tilespmem:$0x680]  }
0xa3: {  	v44 =	vld [tilespmem:$0x290]  }
0xa4: {  	v45 =	vld [tilespmem:$0x690]  }
0xa5: {  	v46 =	vld [tilespmem:$0x2A0];
	v22 =	vshll.u32 v22, $0xB  }
0xa6: {  	v21 =	vadd.s32 v21, v22;
	v22 =	vld [tilespmem:$0x1FF80]  }
0xa7: {  	[tilespmem:$0x26D0] =	vst v21;
	v21 =	vld [tilespmem:$0x1FF90]  }
0xa8: {  	v47 =	vld [tilespmem:$0x6A0]  }
0xa9: {  	v48 =	vld [tilespmem:$0x6E0]  }
0xaa: {  	v49 =	vld [tilespmem:$0x2F0]  }
0xab: {  	v50 =	vld [tilespmem:$0x6F0];
	v22 =	vshll.u32 v22, $0xB  }
0xac: {  	v21 =	vadd.s32 v21, v22;
	v22 =	vld [tilespmem:$0x1FFA0]  }
0xad: {  	[tilespmem:$0x26E0] =	vst v21;
	v21 =	vld [tilespmem:$0x1FFB0]  }
0xae: {  	v51 =	vld [tilespmem:$0x300]  }
0xaf: {  	v59 =	vld [tilespmem:$0x340]  }
0xb0: {  	v52 =	vld [tilespmem:$0x700]  }
0xb1: {  	v63 =	vld [tilespmem:$0x360];
	v22 =	vshll.u32 v22, $0xB  }
0xb2: {  	v21 =	vadd.s32 v21, v22;
	v22 =	vld [tilespmem:$0x1FFC0]  }
0xb3: {  	[tilespmem:$0x26F0] =	vst v21;
	v21 =	vld [tilespmem:$0x1FFD0]  }
0xb4: {  	v53 =	vld [tilespmem:$0x310]  }
0xb5: {  	v61 =	vld [tilespmem:$0x350]  }
0xb6: {  	v54 =	vld [tilespmem:$0x710]  }
0xb7: {  	v58 =	vld [tilespmem:$0x730];
	v22 =	vshll.u32 v22, $0xB  }
0xb8: {  	v21 =	vadd.s32 v21, v22;
	v22 =	vld [tilespmem:$0x1FFE0]  }
0xb9: {  	[tilespmem:$0x2700] =	vst v21;
	v21 =	vld [tilespmem:$0x1FFF0]  }
0xba: {  	v55 =	vld [tilespmem:$0x320]  }
0xbb: {  	v60 =	vld [tilespmem:$0x740]  }
0xbc: {  	v56 =	vld [tilespmem:$0x720]  }
0xbd: {  	v62 =	vld [tilespmem:$0x750];
	v22 =	vshll.u32 v22, $0xB  }
0xbe: {  	v25 =	vld [tilespmem:$0x2B0];
	v21 =	vadd.s32 v21, v22;
	v22 =	vshll.u32 v23, $0xB  }
0xbf: {  	v57 =	vld [tilespmem:$0x7C0];
	[tilespmem:$0x2710] =	vst v21;
	v21 =	vadd.s32 v24, v22;
	v22 =	vshll.u32 v29, $0xB  }
0xc0: {  	v26 =	vld [tilespmem:$0x6B0];
	[tilespmem:$0x2720] =	vst v21;
	v21 =	vadd.s32 v30, v22;
	v22 =	vshll.u32 v34, $0xB  }
0xc1: {  	v27 =	vld [tilespmem:$0x2C0];
	[tilespmem:$0x2730] =	vst v21;
	v21 =	vadd.s32 v35, v22;
	v22 =	vshll.u32 v36, $0xB  }
0xc2: {  	v28 =	vld [tilespmem:$0x6C0];
	[tilespmem:$0x2740] =	vst v21;
	v21 =	vadd.s32 v37, v22;
	v22 =	vshll.u32 v38, $0xB  }
0xc3: {  	v31 =	vld [tilespmem:$0x2D0];
	[tilespmem:$0x2750] =	vst v21;
	v21 =	vadd.s32 v39, v22;
	v22 =	vshll.u32 v40, $0xB  }
0xc4: {  	v32 =	vld [tilespmem:$0x6D0];
	[tilespmem:$0x2760] =	vst v21;
	v21 =	vadd.s32 v41, v22;
	v22 =	vshll.u32 v42, $0xB  }
0xc5: {  	v23 =	vld [tilespmem:$0x330];
	[tilespmem:$0x2770] =	vst v21;
	v21 =	vadd.s32 v43, v22;
	v22 =	vshll.u32 v44, $0xB  }
0xc6: {  	v42 =	vld [tilespmem:$0x760];
	[tilespmem:$0x2780] =	vst v21;
	v21 =	vadd.s32 v45, v22;
	v22 =	vshll.u32 v46, $0xB  }
0xc7: {  	v43 =	vld [tilespmem:$0x370];
	[tilespmem:$0x2790] =	vst v21;
	v21 =	vadd.s32 v47, v22;
	v22 =	vshll.u32 v25, $0xB  }
0xc8: {  	v44 =	vld [tilespmem:$0x770];
	[tilespmem:$0x27A0] =	vst v21;
	v21 =	vadd.s32 v26, v22;
	v22 =	vshll.u32 v27, $0xB  }
0xc9: {  	v45 =	vld [tilespmem:$0x380];
	[tilespmem:$0x27B0] =	vst v21;
	v21 =	vadd.s32 v28, v22;
	v22 =	vshll.u32 v31, $0xB  }
0xca: {  	v46 =	vld [tilespmem:$0x780];
	[tilespmem:$0x27C0] =	vst v21;
	v21 =	vadd.s32 v32, v22;
	v22 =	vshll.u32 v33, $0xB  }
0xcb: {  	v47 =	vld [tilespmem:$0x390];
	[tilespmem:$0x27D0] =	vst v21;
	v21 =	vadd.s32 v48, v22;
	v22 =	vshll.u32 v49, $0xB  }
0xcc: {  	v49 =	vld [tilespmem:$0x790];
	[tilespmem:$0x27E0] =	vst v21;
	v21 =	vadd.s32 v50, v22;
	v22 =	vshll.u32 v51, $0xB  }
0xcd: {  	v51 =	vld [tilespmem:$0x3A0];
	[tilespmem:$0x27F0] =	vst v21;
	v21 =	vadd.s32 v52, v22;
	v22 =	vshll.u32 v53, $0xB  }
0xce: {  	v53 =	vld [tilespmem:$0x7A0];
	[tilespmem:$0x2800] =	vst v21;
	v21 =	vadd.s32 v54, v22;
	v22 =	vshll.u32 v55, $0xB  }
0xcf: {  	v55 =	vld [tilespmem:$0x3B0];
	[tilespmem:$0x2810] =	vst v21;
	v21 =	vadd.s32 v56, v22;
	v22 =	vshll.u32 v23, $0xB  }
0xd0: {  	v23 =	vld [tilespmem:$0x7B0];
	[tilespmem:$0x2820] =	vst v21;
	v21 =	vadd.s32 v58, v22;
	v22 =	vshll.u32 v59, $0xB  }
0xd1: {  	v56 =	vld [tilespmem:$0x3C0];
	[tilespmem:$0x2830] =	vst v21;
	v21 =	vadd.s32 v60, v22;
	v22 =	vshll.u32 v61, $0xB  }
0xd2: {  	v58 =	vld [tilespmem:$0x3D0];
	[tilespmem:$0x2840] =	vst v21;
	v21 =	vadd.s32 v62, v22;
	v22 =	vshll.u32 v63, $0xB  }
0xd3: {  	v59 =	vld [tilespmem:$0x7D0];
	[tilespmem:$0x2850] =	vst v21;
	v21 =	vadd.s32 v42, v22;
	v22 =	vshll.u32 v43, $0xB  }
0xd4: {  	v60 =	vld [tilespmem:$0x3E0];
	[tilespmem:$0x2860] =	vst v21;
	v21 =	vadd.s32 v44, v22;
	v22 =	vshll.u32 v45, $0xB  }
0xd5: {  	v61 =	vld [tilespmem:$0x7E0];
	[tilespmem:$0x2870] =	vst v21;
	v21 =	vadd.s32 v46, v22;
	v22 =	vshll.u32 v47, $0xB  }
0xd6: {  	v62 =	vld [tilespmem:$0x3F0];
	[tilespmem:$0x2880] =	vst v21;
	v21 =	vadd.s32 v49, v22;
	v22 =	vshll.u32 v51, $0xB  }
0xd7: {  	v63 =	vld [tilespmem:$0x7F0];
	[tilespmem:$0x2890] =	vst v21;
	v21 =	vadd.s32 v53, v22;
	v22 =	vshll.u32 v55, $0xB  }
0xd8: {  	[tilespmem:$0x28A0] =	vst v21;
	v21 =	vadd.s32 v23, v22;
	v22 =	vshll.u32 v56, $0xB  }
0xd9: {  	[tilespmem:$0x28B0] =	vst v21;
	v21 =	vadd.s32 v57, v22;
	v22 =	vshll.u32 v58, $0xB  }
0xda: {  	[tilespmem:$0x28C0] =	vst v21;
	v21 =	vadd.s32 v59, v22;
	v22 =	vshll.u32 v60, $0xB  }
0xdb: {  	[tilespmem:$0x28D0] =	vst v21;
	v21 =	vadd.s32 v61, v22;
	v22 =	vshll.u32 v62, $0xB  }
0xdc: {  	[tilespmem:$0x28E0] =	vst v21;
	v21 =	vadd.s32 v63, v22  }
0xdd: {  	s9 =	simm.s32 $0x2500;
	s4 =	simm.s32 $0x2900;
	s2 =	simm.s32 $0x80;
	[tilespmem:$0x28F0] =	vst v21  }
0xde: {  	[hbm4b:s8+s2] =	stream.indirect.scatter [tilespmem:s4], [sflag:$0x1], $0x1, s9, s2, $0xb8;
	[tilespmem:$0x2980] =	vst v63  }
0xdf: {  	s11 =	simm.s32 $0x2580  }
0xe0: {  	[hbm4b:s8+s2] =	stream.indirect.scatter [tilespmem:s4], [sflag:$0x1], $0x1, s11, s2, $0xb8;
	[tilespmem:$0x2980] =	vst v63  }
0xe1: {  	s7 =	simm.s32 $0x2600  }
0xe2: {  	[hbm4b:s8+s2] =	stream.indirect.scatter [tilespmem:s4], [sflag:$0x1], $0x1, s7, s2, $0xb8;
	[tilespmem:$0x2980] =	vst v63  }
0xe3: {  	s9 =	simm.s32 $0x2680  }
0xe4: {  	[hbm4b:s8+s2] =	stream.indirect.scatter [tilespmem:s4], [sflag:$0x1], $0x1, s9, s2, $0xb8;
	[tilespmem:$0x2980] =	vst v63  }
0xe5: {  	s11 =	simm.s32 $0x2700  }
0xe6: {  	[hbm4b:s8+s2] =	stream.indirect.scatter [tilespmem:s4], [sflag:$0x1], $0x1, s11, s2, $0xb8;
	[tilespmem:$0x2980] =	vst v63  }
0xe7: {  	s7 =	simm.s32 $0x2780  }
0xe8: {  	[hbm4b:s8+s2] =	stream.indirect.scatter [tilespmem:s4], [sflag:$0x1], $0x1, s7, s2, $0xb8;
	[tilespmem:$0x2980] =	vst v63  }
0xe9: {  	s9 =	simm.s32 $0x2800  }
0xea: {  	[hbm4b:s8+s2] =	stream.indirect.scatter [tilespmem:s4], [sflag:$0x1], $0x1, s9, s2, $0xb8;
	[tilespmem:$0x2980] =	vst v63  }
0xeb: {  	s11 =	simm.s32 $0x2880  }
0xec: {  	[hbm4b:s8+s2] =	stream.indirect.scatter [tilespmem:s4], [sflag:$0x1], $0x1, s11, s2, $0xb8;
	[tilespmem:$0x2980] =	vst v63  }
0xed: {  	_ =	swait.ge [sflag:s15], $0x80  }
0xee: {  	[sflag:s15] =	ssyncset.done $0x0  }
0xef: {  	[sflag:s15] =	ssyncadd.s32 $0xFFFFFF80  }
0xf0: {  	_ =	swait.ge [sflag:s15], $0x80  }
0xf1: {  	[sflag:s15] =	ssyncset.done $0x0  }
0xf2: {  	[sflag:s15] =	ssyncadd.s32 $0xFFFFFF80  }
0xf3: {  	_ =	swait.ge [sflag:s15], $0x80  }
0xf4: {  	[sflag:s15] =	ssyncset.done $0x0  }
0xf5: {  	[sflag:s15] =	ssyncadd.s32 $0xFFFFFF80  }
0xf6: {  	_ =	swait.ge [sflag:s15], $0x80  }
0xf7: {  	[sflag:s15] =	ssyncset.done $0x0  }
0xf8: {  	[sflag:s15] =	ssyncadd.s32 $0xFFFFFF80  }
0xf9: {  	_ =	swait.ge [sflag:s15], $0x80  }
0xfa: {  	[sflag:s15] =	ssyncset.done $0x0  }
0xfb: {  	[sflag:s15] =	ssyncadd.s32 $0xFFFFFF80  }
0xfc: {  	_ =	swait.ge [sflag:s15], $0x80  }
0xfd: {  	[sflag:s15] =	ssyncset.done $0x0  }
0xfe: {  	[sflag:s15] =	ssyncadd.s32 $0xFFFFFF80  }
0xff: {  	_ =	swait.ge [sflag:s15], $0x80  }
0x100: {  	[sflag:s15] =	ssyncset.done $0x0  }
0x101: {  	[sflag:s15] =	ssyncadd.s32 $0xFFFFFF80  }
0x102: {  	_ =	swait.ge [sflag:s15], $0x80  }
0x103: {  	[sflag:s15] =	ssyncset.done $0x0  }
0x104: {  	[sflag:s15] =	ssyncadd.s32 $0xFFFFFF80  }
.LBB2_25:
0x105: {  	s10 =	sadd.s32 $0x1, s10;
	s2 =	rddreg [dreg:$0x8]  }
0x106: {  	p3 =	sne.s32 s10, s2  }
.Ltmp1:
0x107: {  	_ = 	snop;
	(pc) =	sbr.rel @!p3 .LBB2_26-.Ltmp1, $1  }
0x108: {  	_ =	sdelay $0x3  }
.LBB2_1:
.Ltmp2:
0x109: {  	(pc) =	sbr.rel @p0 .LBB2_16-.Ltmp2, $2  }
0x10a: {  	_ =	sdelay $0x2  }
0x10b: {  	[dreg:$0x9] =	wrdreg s10  }
0x10c: {  	s10 =	simm.s32 $0x0;
	s2 =	rddreg [dreg:$0x1];
	s3 =	simm.s32 $0x2  }
0x10d: {  	[tilespmem:s10], [sflag:$0x2] =	stream.linear.gather [hbm4b:s2+s10], $0x400, $0x38;
	[tilespmem:$0x2980] =	vst v63  }
0x10e: {  	_ =	swait.ge [sflag:s3], $0x400  }
0x10f: {  	[sflag:s3] =	ssyncset.done $0x0  }
0x110: {  	[sflag:s3] =	ssyncadd.s32 $0xFFFFFC00  }
0x111: {  	s9 =	rddreg [dreg:$0x2]  }
0x112: {  	[tilespmem:s12], [sflag:$0x2] =	stream.linear.gather [hbm4b:s9+s10], $0x400, $0x38;
	[tilespmem:$0x2980] =	vst v63  }
0x113: {  	_ =	swait.ge [sflag:s3], $0x400  }
0x114: {  	[sflag:s3] =	ssyncset.done $0x0  }
0x115: {  	[sflag:s3] =	ssyncadd.s32 $0xFFFFFC00  }
0x116: {  	s11 =	rddreg [dreg:$0x3]  }
0x117: {  	[tilespmem:s13], [sflag:$0x2] =	stream.linear.gather [hbm4b:s11+s10], $0x400, $0x38;
	[tilespmem:$0x2980] =	vst v63  }
0x118: {  	_ =	swait.ge [sflag:s3], $0x400  }
0x119: {  	[sflag:s3] =	ssyncset.done $0x0  }
0x11a: {  	[sflag:s3] =	ssyncadd.s32 $0xFFFFFC00  }
0x11b: {  	[tilespmem:$0xC00] =	vst v2  }
0x11c: {  	[tilespmem:$0x1080] =	vst v2  }
0x11d: {  	[tilespmem:$0xC10] =	vst v2  }
0x11e: {  	[tilespmem:$0x1090] =	vst v2  }
0x11f: {  	[tilespmem:$0xC20] =	vst v2  }
0x120: {  	[tilespmem:$0x10A0] =	vst v2  }
0x121: {  	[tilespmem:$0xC30] =	vst v2  }
0x122: {  	[tilespmem:$0x10B0] =	vst v2  }
0x123: {  	[tilespmem:$0xC40] =	vst v2  }
0x124: {  	[tilespmem:$0x10C0] =	vst v2  }
0x125: {  	[tilespmem:$0xC50] =	vst v2  }
0x126: {  	[tilespmem:$0x10D0] =	vst v2  }
0x127: {  	[tilespmem:$0xC60] =	vst v2  }
0x128: {  	[tilespmem:$0x10E0] =	vst v2  }
0x129: {  	[tilespmem:$0xC70] =	vst v2  }
0x12a: {  	[tilespmem:$0x10F0] =	vst v2  }
0x12b: {  	[tilespmem:$0xC80] =	vst v2  }
0x12c: {  	[tilespmem:$0x1100] =	vst v2  }
0x12d: {  	[tilespmem:$0xC90] =	vst v2  }
0x12e: {  	[tilespmem:$0x1110] =	vst v2  }
0x12f: {  	[tilespmem:$0xCA0] =	vst v2  }
0x130: {  	[tilespmem:$0x1120] =	vst v2  }
0x131: {  	[tilespmem:$0xCB0] =	vst v2  }
0x132: {  	[tilespmem:$0x1130] =	vst v2  }
0x133: {  	[tilespmem:$0xCC0] =	vst v2  }
0x134: {  	[tilespmem:$0x1140] =	vst v2  }
0x135: {  	[tilespmem:$0xCD0] =	vst v2  }
0x136: {  	[tilespmem:$0x1150] =	vst v2  }
0x137: {  	[tilespmem:$0xCE0] =	vst v2  }
0x138: {  	[tilespmem:$0x1160] =	vst v2  }
0x139: {  	[tilespmem:$0xCF0] =	vst v2  }
0x13a: {  	[tilespmem:$0x1170] =	vst v2  }
0x13b: {  	[tilespmem:$0xD00] =	vst v2  }
0x13c: {  	[tilespmem:$0x1180] =	vst v2  }
0x13d: {  	[tilespmem:$0xD10] =	vst v2  }
0x13e: {  	[tilespmem:$0x1190] =	vst v2  }
0x13f: {  	[tilespmem:$0xD20] =	vst v2  }
0x140: {  	[tilespmem:$0x11A0] =	vst v2  }
0x141: {  	[tilespmem:$0xD30] =	vst v2  }
0x142: {  	[tilespmem:$0x11B0] =	vst v2  }
0x143: {  	[tilespmem:$0xD40] =	vst v2  }
0x144: {  	[tilespmem:$0x11C0] =	vst v2  }
0x145: {  	[tilespmem:$0xD50] =	vst v2  }
0x146: {  	[tilespmem:$0x11D0] =	vst v2  }
0x147: {  	[tilespmem:$0xD60] =	vst v2  }
0x148: {  	[tilespmem:$0x11E0] =	vst v2  }
0x149: {  	[tilespmem:$0xD70] =	vst v2  }
0x14a: {  	[tilespmem:$0x11F0] =	vst v2  }
0x14b: {  	[tilespmem:$0xD80] =	vst v2  }
0x14c: {  	[tilespmem:$0x1200] =	vst v2  }
0x14d: {  	[tilespmem:$0xD90] =	vst v2  }
0x14e: {  	[tilespmem:$0x1210] =	vst v2  }
0x14f: {  	[tilespmem:$0xDA0] =	vst v2  }
0x150: {  	[tilespmem:$0x1220] =	vst v2  }
0x151: {  	[tilespmem:$0xDB0] =	vst v2  }
0x152: {  	[tilespmem:$0x1230] =	vst v2  }
0x153: {  	[tilespmem:$0xDC0] =	vst v2  }
0x154: {  	[tilespmem:$0x1240] =	vst v2  }
0x155: {  	[tilespmem:$0xDD0] =	vst v2  }
0x156: {  	[tilespmem:$0x1250] =	vst v2  }
0x157: {  	[tilespmem:$0xDE0] =	vst v2  }
0x158: {  	[tilespmem:$0x1260] =	vst v2  }
0x159: {  	[tilespmem:$0xDF0] =	vst v2  }
0x15a: {  	[tilespmem:$0x1270] =	vst v2  }
0x15b: {  	[tilespmem:$0xE00] =	vst v2  }
0x15c: {  	[tilespmem:$0x1280] =	vst v2  }
0x15d: {  	[tilespmem:$0xE10] =	vst v2  }
0x15e: {  	[tilespmem:$0x1290] =	vst v2  }
0x15f: {  	[tilespmem:$0xE20] =	vst v2  }
0x160: {  	[tilespmem:$0x12A0] =	vst v2  }
0x161: {  	[tilespmem:$0xE30] =	vst v2  }
0x162: {  	[tilespmem:$0x12B0] =	vst v2  }
0x163: {  	[tilespmem:$0xE40] =	vst v2  }
0x164: {  	[tilespmem:$0x12C0] =	vst v2  }
0x165: {  	[tilespmem:$0xE50] =	vst v2  }
0x166: {  	[tilespmem:$0x12D0] =	vst v2  }
0x167: {  	[tilespmem:$0xE60] =	vst v2  }
0x168: {  	[tilespmem:$0x12E0] =	vst v2  }
0x169: {  	[tilespmem:$0xE70] =	vst v2  }
0x16a: {  	[tilespmem:$0x12F0] =	vst v2  }
0x16b: {  	[tilespmem:$0xE80] =	vst v2  }
0x16c: {  	[tilespmem:$0x1300] =	vst v2  }
0x16d: {  	[tilespmem:$0xE90] =	vst v2  }
0x16e: {  	[tilespmem:$0x1310] =	vst v2  }
0x16f: {  	[tilespmem:$0xEA0] =	vst v2  }
0x170: {  	[tilespmem:$0x1320] =	vst v2  }
0x171: {  	[tilespmem:$0xEB0] =	vst v2  }
0x172: {  	[tilespmem:$0x1330] =	vst v2  }
0x173: {  	[tilespmem:$0xEC0] =	vst v2  }
0x174: {  	[tilespmem:$0x1340] =	vst v2  }
0x175: {  	[tilespmem:$0xED0] =	vst v2  }
0x176: {  	[tilespmem:$0x1350] =	vst v2  }
0x177: {  	[tilespmem:$0xEE0] =	vst v2  }
0x178: {  	[tilespmem:$0x1360] =	vst v2  }
0x179: {  	[tilespmem:$0xEF0] =	vst v2  }
0x17a: {  	[tilespmem:$0x1370] =	vst v2  }
0x17b: {  	[tilespmem:$0xF00] =	vst v2  }
0x17c: {  	[tilespmem:$0x1380] =	vst v2  }
0x17d: {  	[tilespmem:$0xF10] =	vst v2  }
0x17e: {  	[tilespmem:$0x1390] =	vst v2  }
0x17f: {  	[tilespmem:$0xF20] =	vst v2  }
0x180: {  	[tilespmem:$0x13A0] =	vst v2  }
0x181: {  	[tilespmem:$0xF30] =	vst v2  }
0x182: {  	[tilespmem:$0x13B0] =	vst v2  }
0x183: {  	[tilespmem:$0xF40] =	vst v2  }
0x184: {  	[tilespmem:$0x13C0] =	vst v2  }
0x185: {  	[tilespmem:$0xF50] =	vst v2  }
0x186: {  	[tilespmem:$0x13D0] =	vst v2  }
0x187: {  	[tilespmem:$0xF60] =	vst v2  }
0x188: {  	[tilespmem:$0x13E0] =	vst v2  }
0x189: {  	[tilespmem:$0xF70] =	vst v2  }
0x18a: {  	[tilespmem:$0x13F0] =	vst v2  }
0x18b: {  	[tilespmem:$0xF80] =	vst v2  }
0x18c: {  	[tilespmem:$0x1400] =	vst v2  }
0x18d: {  	[tilespmem:$0xF90] =	vst v2  }
0x18e: {  	[tilespmem:$0x1410] =	vst v2  }
0x18f: {  	[tilespmem:$0xFA0] =	vst v2  }
0x190: {  	[tilespmem:$0x1420] =	vst v2  }
0x191: {  	[tilespmem:$0xFB0] =	vst v2  }
0x192: {  	[tilespmem:$0x1430] =	vst v2  }
0x193: {  	[tilespmem:$0xFC0] =	vst v2  }
0x194: {  	[tilespmem:$0x1440] =	vst v2  }
0x195: {  	[tilespmem:$0xFD0] =	vst v2  }
0x196: {  	[tilespmem:$0x1450] =	vst v2  }
0x197: {  	[tilespmem:$0xFE0] =	vst v2  }
0x198: {  	[tilespmem:$0x1460] =	vst v2  }
0x199: {  	[tilespmem:$0xFF0] =	vst v2  }
0x19a: {  	[tilespmem:$0x1470] =	vst v2  }
0x19b: {  	[tilespmem:$0x1000] =	vst v2  }
0x19c: {  	s8 =	simm.s32 $0x70;
	s4 =	simm.s32 $0x40;
	s3 =	simm.s32 $0xFFFFFFF8;
	[tilespmem:$0x1480] =	vst v2  }
.LBB2_3:
0x19d: {  	v22 =	vld [tilespmem:s4+$0xFFFFFFC0];
	_ =	sdelay $0x4  }
0x19e: {  	vm2 =	veq.s32 v22, v0  }
0x19f: {  	v22 =	vsel vm2, $0x1, v2  }
0x1a0: {  	(xrf0) =	vadd.scan.msk.s32 $0xffff, v22;
	_ =	sdelay $0x2  }
0x1a1: {  	v22 =	vmov s10  }
0x1a2: {  	v22 =	vadd.s32 $0xFFFFFFFF, v22  }
0x1a3: {  	v22 =	vbroadcast v22, $0x0  }
0x1a4: {  	v23, _, _ =	vpop (xrf0)  }
0x1a5: {  	v22 =	vadd.s32 v22, v23;
	(v2sf) =	vpush v23, $0xF;
	_ =	sdelay $0x2  }
0x1a6: {  	s2 =	sadd.s32 $0xFFFFFF90, s8  }
0x1a7: {  	v23 =	vor.u32 s2, v3  }
0x1a8: {  	[tilespmem:v22+s14+$0x0] =	vst.idx.msk vm2, v23  }
0x1a9: {  	v22 =	vld [tilespmem:s4+$0xFFFFFFD0];
	_ =	sdelay $0x4  }
0x1aa: {  	vm2 =	veq.s32 v22, v0  }
0x1ab: {  	v22 =	vsel vm2, $0x1, v2  }
0x1ac: {  	(xrf0) =	vadd.scan.msk.s32 $0xffff, v22;
	_ =	sdelay $0x1  }
0x1ad: {  	s7 =	spop (v2sf)  }
0x1ae: {  	s2 =	sadd.s32 s10, s7  }
0x1af: {  	v22 =	vmov s2  }
0x1b0: {  	v22 =	vadd.s32 $0xFFFFFFFF, v22  }
0x1b1: {  	v23, _, _ =	vpop (xrf0);
	v22 =	vbroadcast v22, $0x0  }
0x1b2: {  	(v2sf) =	vpush v23, $0xF  }
0x1b3: {  	v22 =	vadd.s32 v23, v22;
	_ =	sdelay $0x2  }
0x1b4: {  	s7 =	sadd.s32 $0xFFFFFFA0, s8  }
0x1b5: {  	v23 =	vor.u32 s7, v3  }
0x1b6: {  	[tilespmem:v22+s14+$0x0] =	vst.idx.msk vm2, v23  }
0x1b7: {  	v22 =	vld [tilespmem:s4+$0xFFFFFFE0];
	_ =	sdelay $0x4  }
0x1b8: {  	vm2 =	veq.s32 v22, v0  }
0x1b9: {  	v22 =	vsel vm2, $0x1, v2  }
0x1ba: {  	(xrf0) =	vadd.scan.msk.s32 $0xffff, v22  }
0x1bb: {  	s9 =	spop (v2sf)  }
0x1bc: {  	s2 =	sadd.s32 s2, s9  }
0x1bd: {  	v22 =	vmov s2  }
0x1be: {  	v22 =	vadd.s32 $0xFFFFFFFF, v22  }
0x1bf: {  	v22 =	vbroadcast v22, $0x0  }
0x1c0: {  	v23, _, _ =	vpop (xrf0)  }
0x1c1: {  	v22 =	vadd.s32 v23, v22;
	(v2sf) =	vpush v23, $0xF;
	_ =	sdelay $0x2  }
0x1c2: {  	s10 =	sadd.s32 $0xFFFFFFB0, s8  }
0x1c3: {  	v23 =	vor.u32 s10, v3  }
0x1c4: {  	[tilespmem:v22+s14+$0x0] =	vst.idx.msk vm2, v23  }
0x1c5: {  	v22 =	vld [tilespmem:s4+$0xFFFFFFF0];
	_ =	sdelay $0x4  }
0x1c6: {  	vm2 =	veq.s32 v22, v0  }
0x1c7: {  	v22 =	vsel vm2, $0x1, v2  }
0x1c8: {  	(xrf0) =	vadd.scan.msk.s32 $0xffff, v22;
	_ =	sdelay $0x1  }
0x1c9: {  	s11 =	spop (v2sf)  }
0x1ca: {  	s2 =	sadd.s32 s2, s11  }
0x1cb: {  	v22 =	vmov s2  }
0x1cc: {  	v22 =	vadd.s32 $0xFFFFFFFF, v22  }
0x1cd: {  	v23, _, _ =	vpop (xrf0);
	v22 =	vbroadcast v22, $0x0  }
0x1ce: {  	(v2sf) =	vpush v23, $0xF  }
0x1cf: {  	v22 =	vadd.s32 v23, v22;
	_ =	sdelay $0x2  }
0x1d0: {  	s9 =	sadd.s32 $0xFFFFFFC0, s8  }
0x1d1: {  	v23 =	vor.u32 s9, v3  }
0x1d2: {  	[tilespmem:v22+s14+$0x0] =	vst.idx.msk vm2, v23  }
0x1d3: {  	v22 =	vld [tilespmem:s4+$0x0];
	_ =	sdelay $0x4  }
0x1d4: {  	vm2 =	veq.s32 v22, v0  }
0x1d5: {  	v22 =	vsel vm2, $0x1, v2  }
0x1d6: {  	(xrf0) =	vadd.scan.msk.s32 $0xffff, v22  }
0x1d7: {  	s10 =	spop (v2sf)  }
0x1d8: {  	s2 =	sadd.s32 s2, s10  }
0x1d9: {  	v22 =	vmov s2  }
0x1da: {  	v22 =	vadd.s32 $0xFFFFFFFF, v22  }
0x1db: {  	v22 =	vbroadcast v22, $0x0  }
0x1dc: {  	v23, _, _ =	vpop (xrf0)  }
0x1dd: {  	v22 =	vadd.s32 v23, v22;
	(v2sf) =	vpush v23, $0xF;
	_ =	sdelay $0x2  }
0x1de: {  	s11 =	sadd.s32 $0xFFFFFFD0, s8  }
0x1df: {  	v23 =	vor.u32 s11, v3  }
0x1e0: {  	[tilespmem:v22+s14+$0x0] =	vst.idx.msk vm2, v23  }
0x1e1: {  	v22 =	vld [tilespmem:s4+$0x10];
	_ =	sdelay $0x4  }
0x1e2: {  	vm2 =	veq.s32 v22, v0  }
0x1e3: {  	v22 =	vsel vm2, $0x1, v2  }
0x1e4: {  	(xrf0) =	vadd.scan.msk.s32 $0xffff, v22;
	_ =	sdelay $0x1  }
0x1e5: {  	s9 =	spop (v2sf)  }
0x1e6: {  	s2 =	sadd.s32 s2, s9  }
0x1e7: {  	v22 =	vmov s2  }
0x1e8: {  	v22 =	vadd.s32 $0xFFFFFFFF, v22  }
0x1e9: {  	v23, _, _ =	vpop (xrf0);
	v22 =	vbroadcast v22, $0x0  }
0x1ea: {  	(v2sf) =	vpush v23, $0xF  }
0x1eb: {  	v22 =	vadd.s32 v23, v22;
	_ =	sdelay $0x2  }
0x1ec: {  	s10 =	sadd.s32 $0xFFFFFFE0, s8  }
0x1ed: {  	v23 =	vor.u32 s10, v3  }
0x1ee: {  	[tilespmem:v22+s14+$0x0] =	vst.idx.msk vm2, v23  }
0x1ef: {  	v22 =	vld [tilespmem:s4+$0x20];
	_ =	sdelay $0x4  }
0x1f0: {  	vm2 =	veq.s32 v22, v0  }
0x1f1: {  	v22 =	vsel vm2, $0x1, v2  }
0x1f2: {  	(xrf0) =	vadd.scan.msk.s32 $0xffff, v22  }
0x1f3: {  	s11 =	spop (v2sf)  }
0x1f4: {  	s2 =	sadd.s32 s2, s11  }
0x1f5: {  	v22 =	vmov s2  }
0x1f6: {  	v22 =	vadd.s32 $0xFFFFFFFF, v22  }
0x1f7: {  	v22 =	vbroadcast v22, $0x0  }
0x1f8: {  	v23, _, _ =	vpop (xrf0)  }
0x1f9: {  	v22 =	vadd.s32 v23, v22;
	_ =	sdelay $0x2  }
0x1fa: {  	s9 =	sadd.s32 $0xFFFFFFF0, s8  }
0x1fb: {  	v24 =	vor.u32 s9, v3  }
0x1fc: {  	[tilespmem:v22+s14+$0x0] =	vst.idx.msk vm2, v24  }
0x1fd: {  	v22 =	vld [tilespmem:s4+$0x30];
	_ =	sdelay $0x3  }
0x1fe: {  	(v2sf) =	vpush v23, $0xF  }
0x1ff: {  	vm2 =	veq.s32 v22, v0  }
0x200: {  	v22 =	vsel vm2, $0x1, v2  }
0x201: {  	(xrf0) =	vadd.scan.msk.s32 $0xffff, v22;
	_ =	sdelay $0x5  }
0x202: {  	v22, _, _ =	vpop (xrf0)  }
0x203: {  	(v2sf) =	vpush v22, $0xF;
	_ =	sdelay $0x4  }
0x204: {  	s10 =	spop (v2sf)  }
0x205: {  	s2 =	sadd.s32 s2, s10  }
0x206: {  	v23 =	vmov s2  }
0x207: {  	v23 =	vadd.s32 $0xFFFFFFFF, v23  }
0x208: {  	v23 =	vbroadcast v23, $0x0  }
0x209: {  	s3 =	sadd.s32 $0x8, s3  }
0x20a: {  	p3 =	slt.u32 s3, $0x38;
	v22 =	vadd.s32 v22, v23  }
.Ltmp3:
0x20b: {  	_ = 	snop;
	(pc) =	sbr.rel @p3 .LBB2_3-.Ltmp3, $3  }
0x20c: {  	_ =	sdelay $0x1  }
0x20d: {  	v23 =	vor.u32 s8, v3;
	s11 =	spop (v2sf)  }
0x20e: {  	s4 =	sadd.s32 $0x80, s4;
	s8 =	sadd.s32 $0x80, s8;
	[tilespmem:v22+s14+$0x0] =	vst.idx.msk vm2, v23;
	s10 =	sadd.s32 s2, s11  }
0x20f: {  	s2 =	sadd.s32 $0xF, s10  }
0x210: {  	s3 =	sand.u32 $0xF, s2  }
0x211: {  	s11 =	sshra.s32 s2, $0x1F;
	p4 =	slt.s32 s2, $0x1;
	p3 =	sne.s32 s3, $0x0  }
.Ltmp4:
0x212: {  	s3 =	sshrl.u32 s11, $0x1C;
	p3 =	por !p4, !p3;
	(pc) =	sbr.rel .LBB2_5-.Ltmp4, $4  }
0x213: {  	s2 =	sadd.s32 s3, s2;
	s3 =	simm.s32 $0x1;
	p3 =	por !p3, !p3  }
0x214: {  	s2 =	sshra.s32 s2, $0x4;
	s3 =	simm.s32 @!p3 $0x0  }
0x215: {  	s8 =	ssub.s32 s2, s3  }
0x216: {  	v22 =	vmov s10;
	s10 =	simm.s32 $0x0;
	p3 =	slt.s32 s8, $0x1  }
.LBB2_15:
0x217: {  	s10 =	sadd.s32 $0x1, s10  }
0x218: {  	p4 =	sne.s32 s10, $0x10  }
.Ltmp5:
0x219: {  	_ = 	snop;
	(pc) =	sbr.rel @!p4 .LBB2_16-.Ltmp5, $1  }
0x21a: {  	_ =	sdelay $0x3  }
.LBB2_5:
.Ltmp6:
0x21b: {  	(pc) =	sbr.rel @p3 .LBB2_12-.Ltmp6, $2  }
0x21c: {  	_ =	sdelay $0x2  }
0x21d: {  	s2 =	simm.s32 $0x0  }
0x21e: {  	p5 =	sne.s32 s8, $0x1  }
.Ltmp7:
0x21f: {  	_ = 	snop;
	(pc) =	sbr.rel @!p5 .LBB2_7-.Ltmp7, $3  }
0x220: {  	_ =	sdelay $0x1  }
0x221: {  	s2 =	simm.s32 $0xC00  }
0x222: {  	v24 =	vmov s10;
	s3 =	simm.s32 $0x0;
	p4 =	por $0x0, $0x0;
	v23 =	vld [tilespmem:s2+$0x0];
	s2 =	sadd.s32 $0xFFFFFFFF, s8  }
0x223: {  	_ =	sdelay $0x7  }
0x224: {  	v25 =	vld.idx.msk [tilespmem:v23+s13+$0x0], $0xffff;
	_ =	sdelay $0x4  }
0x225: {  	v26 =	vshra.s32 v25, $0x1F;
	v27 =	vand.u32 $0x7F, v25  }
0x226: {  	vm2 =	vlt.s32 v25, $0x1;
	v26 =	vshrl.u32 v26, $0x19;
	vm3 =	vne.s32 v27, $0x0  }
0x227: {  	v25 =	vadd.s32 v26, v25;
	vm2 =	vmand vm2, vm3  }
0x228: {  	v25 =	vshra.s32 v25, $0x7;
	v26 =	vsel vm2, $0xFFFFFFFF, v2  }
0x229: {  	v27 =	vor.u32 s3, v3;
	v25 =	vadd.s32 v26, v25  }
0x22a: {  	vm2 =	vlt.s32 v27, v22;
	vm3 =	veq.s32 v25, v24  }
0x22b: {  	vm2 =	vmand vm2, vm3  }
0x22c: {  	v25 =	vsel vm2, $0x1, v2  }
0x22d: {  	(xrf0) =	vadd.scan.msk.s32 $0xffff, v25;
	_ =	sdelay $0x2  }
0x22e: {  	v25 =	vmov s3  }
0x22f: {  	v25 =	vadd.s32 $0xFFFFFFFF, v25  }
0x230: {  	v25 =	vbroadcast v25, $0x0  }
0x231: {  	v26, _, _ =	vpop (xrf0)  }
0x232: {  	v25 =	vadd.s32 v25, v26;
	(v2sf) =	vpush v26, $0xF  }
0x233: {  	p5 =	sne.s32 s2, $0x1  }
.Ltmp8:
0x234: {  	_ = 	snop;
	(pc) =	sbr.rel @!p5 .LBB2_9-.Ltmp8, $3  }
0x235: {  	_ =	sdelay $0x1  }
0x236: {  	s7 =	simm.s32 $0xC10;
	s11 =	sadd.s32 $0xFFFFFFFF, s2;
	[tilespmem:v25+s16+$0x0] =	vst.idx.msk vm2, v23  }
0x237: {  	p4 =	por $0x1, $0x1;
	s4 =	simm.s32 $0x0;
	s2 =	simm.s32 $0x0;
	v23 =	vld [tilespmem:s7+$0x0]  }
.LBB2_10:
0x238: {  	p5 =	sne.s32 s11, $0x1;
	_ =	sdelay $0x6  }
0x239: {  	v25 =	vld.idx.msk [tilespmem:v23+s13+$0x0], $0xffff  }
0x23a: {  	s9 =	spop (v2sf)  }
0x23b: {  	s4 =	sadd.s32 s4, s9  }
0x23c: {  	v26 =	vmov s4  }
0x23d: {  	v26 =	vadd.s32 $0xFFFFFFFF, v26  }
0x23e: {  	v26 =	vbroadcast v26, $0x0  }
0x23f: {  	v27 =	vshra.s32 v25, $0x1F;
	v28 =	vand.u32 $0x7F, v25  }
0x240: {  	vm2 =	vlt.s32 v25, $0x1;
	v27 =	vshrl.u32 v27, $0x19;
	vm3 =	vne.s32 v28, $0x0  }
0x241: {  	v25 =	vadd.s32 v27, v25;
	vm2 =	vmand vm2, vm3  }
0x242: {  	s2 =	sadd.s32 $0x10, s2;
	v25 =	vshra.s32 v25, $0x7;
	v27 =	vsel vm2, $0xFFFFFFFF, v2  }
0x243: {  	v28 =	vor.u32 s2, v3;
	v25 =	vadd.s32 v27, v25  }
0x244: {  	vm2 =	vlt.s32 v28, v22;
	vm3 =	veq.s32 v25, v24  }
0x245: {  	vm2 =	vmand vm2, vm3  }
0x246: {  	v25 =	vsel vm2, $0x1, v2  }
0x247: {  	(xrf0) =	vadd.scan.msk.s32 $0xffff, v25;
	_ =	sdelay $0x5  }
0x248: {  	v25, _, _ =	vpop (xrf0)  }
0x249: {  	v26 =	vadd.s32 v26, v25;
	(v2sf) =	vpush v25, $0xF;
	_ =	sdelay $0x1  }
.Ltmp9:
0x24a: {  	(pc) =	sbr.rel @p5 .LBB2_10-.Ltmp9, $3  }
0x24b: {  	_ =	sdelay $0x1  }
0x24c: {  	s7 =	sadd.s32 $0x10, s7;
	[tilespmem:v26+s16+$0x0] =	vst.idx.msk vm2, v23  }
0x24d: {  	s11 =	sadd.s32 $0xFFFFFFFF, s11;
	v23 =	vld [tilespmem:s7+$0x0]  }
.LBB2_11:
0x24e: {  	_ =	sdelay $0x7  }
0x24f: {  	v25 =	vld.idx.msk [tilespmem:v23+s13+$0x0], $0xffff;
	_ =	sdelay $0x4  }
0x250: {  	v26 =	vshra.s32 v25, $0x1F;
	v27 =	vand.u32 $0x7F, v25  }
0x251: {  	vm2 =	vlt.s32 v25, $0x1;
	v26 =	vshrl.u32 v26, $0x19;
	vm3 =	vne.s32 v27, $0x0  }
0x252: {  	s2 =	sadd.s32 @p4 $0x10, s2;
	v25 =	vadd.s32 v26, v25;
	vm2 =	vmand vm2, vm3  }
0x253: {  	s3 =	smov.u32 @p4 s2;
	v25 =	vshra.s32 v25, $0x7;
	v60 =	vsel vm2, $0xFFFFFFFF, v2  }
0x254: {  	v61 =	vor.u32 s3, v3;
	v25 =	vadd.s32 v60, v25  }
0x255: {  	vm2 =	vlt.s32 v61, v22;
	vm3 =	veq.s32 v25, v24  }
0x256: {  	vm2 =	vmand vm2, vm3  }
0x257: {  	v62 =	vsel vm2, $0x1, v2  }
0x258: {  	(xrf0) =	vadd.scan.msk.s32 $0xffff, v62;
	_ =	sdelay $0x5  }
0x259: {  	v24, _, _ =	vpop (xrf0)  }
0x25a: {  	(v2sf) =	vpush v24, $0xF;
	_ =	sdelay $0x3  }
0x25b: {  	s2 =	spop @p4 (v2sf)  }
0x25c: {  	s3 =	simm.s32 $0x0;
	s2 =	sadd.s32 @p4 s4, s2  }
0x25d: {  	s3 =	smov.u32 @p4 s2  }
0x25e: {  	v63 =	vmov s3  }
0x25f: {  	v25 =	vadd.s32 $0xFFFFFFFF, v63  }
0x260: {  	v25 =	vbroadcast v25, $0x0;
	_ =	sdelay $0x1  }
0x261: {  	v24 =	vadd.s32 v25, v24;
	_ =	sdelay $0x3  }
0x262: {  	s11 =	spop (v2sf)  }
0x263: {  	[tilespmem:v24+s16+$0x0] =	vst.idx.msk vm2, v23;
	s2 =	sadd.s32 s3, s11  }
.LBB2_12:
0x264: {  	s3 =	sadd.s32 $0xF, s2  }
0x265: {  	s4 =	sand.u32 $0xF, s3  }
0x266: {  	s7 =	sshra.s32 s3, $0x1F;
	p4 =	slt.s32 s3, $0x1;
	p5 =	sne.s32 s4, $0x0  }
0x267: {  	s11 =	sshrl.u32 s7, $0x1C;
	p4 =	por !p4, !p5  }
0x268: {  	s4 =	simm.s32 $0x1;
	s3 =	sadd.s32 s11, s3;
	p4 =	por !p4, !p4  }
0x269: {  	s3 =	sshra.s32 s3, $0x4;
	s4 =	simm.s32 @!p4 $0x0  }
0x26a: {  	s3 =	ssub.s32 s3, s4  }
0x26b: {  	p4 =	slt.s32 s3, $0x1  }
.Ltmp10:
0x26c: {  	_ = 	snop;
	(pc) =	sbr.rel @p4 .LBB2_15-.Ltmp10, $1  }
0x26d: {  	_ =	sdelay $0x3  }
0x26e: {  	s7 =	sshll.u32 s10, $0x7;
	s9 =	rddreg [dreg:$0x7]  }
0x26f: {  	v23 =	vmov s2;
	s2 =	simm.s32 $0x1080;
	s4 =	simm.s32 $0x0;
	s7 =	sadd.s32 s7, s9  }
.LBB2_14:
0x270: {  	v24 =	vld [tilespmem:s2+$0x0];
	_ =	sdelay $0x7  }
0x271: {  	v25 =	vld.idx.msk [tilespmem:v24+s12+$0x0], $0xffff;
	_ =	sdelay $0x4  }
0x272: {  	v26 =	vshrl.u32 v25, $0x3  }
0x273: {  	v26 =	vmul.u32 $0x88, v26  }
0x274: {  	v25 =	vand.u32 $0x7, v25  }
0x275: {  	v25 =	vor.u32 v25, v26  }
0x276: {  	v26 =	vperm.xlane v25, v2;
	_ =	sdelay $0x1  }
0x277: {  	v27 =	vperm.xlane v25, v7;
	v26 =	vadd.s32 v6, v26;
	_ =	sdelay $0x1  }
0x278: {  	v28 =	vperm.xlane v25, v8;
	v27 =	vadd.s32 v6, v27;
	_ =	sdelay $0x1  }
0x279: {  	v29 =	vperm.xlane v25, v4;
	v28 =	vadd.s32 v6, v28  }
0x27a: {  	[tilespmem:s17], [sflag:$0x1] =	stream.indirect_vreg.gather [hbm4b:s7+s5], $0x80, v26, vm1, $0xb8;
	[tilespmem:$0x2980] =	vst v63  }
0x27b: {  	v41 =	vperm.xlane v25, v9;
	v40 =	vadd.s32 v6, v29  }
0x27c: {  	[tilespmem:s18], [sflag:$0x1] =	stream.indirect_vreg.gather [hbm4b:s7+s5], $0x80, v27, vm1, $0xb8;
	[tilespmem:$0x2980] =	vst v63  }
0x27d: {  	v43 =	vperm.xlane v25, v10;
	v42 =	vadd.s32 v6, v41  }
0x27e: {  	[tilespmem:s19], [sflag:$0x1] =	stream.indirect_vreg.gather [hbm4b:s7+s5], $0x80, v28, vm1, $0xb8;
	[tilespmem:$0x2980] =	vst v63  }
0x27f: {  	v45 =	vperm.xlane v25, v11;
	v44 =	vadd.s32 v6, v43  }
0x280: {  	[tilespmem:s20], [sflag:$0x1] =	stream.indirect_vreg.gather [hbm4b:s7+s5], $0x80, v40, vm1, $0xb8;
	[tilespmem:$0x2980] =	vst v63  }
0x281: {  	v47 =	vperm.xlane v25, v5;
	v46 =	vadd.s32 v6, v45  }
0x282: {  	[tilespmem:s21], [sflag:$0x1] =	stream.indirect_vreg.gather [hbm4b:s7+s5], $0x80, v42, vm1, $0xb8;
	[tilespmem:$0x2980] =	vst v63  }
0x283: {  	v49 =	vperm.xlane v25, v12;
	v48 =	vadd.s32 v6, v47  }
0x284: {  	[tilespmem:s22], [sflag:$0x1] =	stream.indirect_vreg.gather [hbm4b:s7+s5], $0x80, v44, vm1, $0xb8;
	[tilespmem:$0x2980] =	vst v63  }
0x285: {  	v51 =	vperm.xlane v25, v13;
	v50 =	vadd.s32 v6, v49  }
0x286: {  	[tilespmem:s23], [sflag:$0x1] =	stream.indirect_vreg.gather [hbm4b:s7+s5], $0x80, v46, vm1, $0xb8;
	[tilespmem:$0x2980] =	vst v63  }
0x287: {  	v53 =	vperm.xlane v25, v14;
	v52 =	vadd.s32 v6, v51  }
0x288: {  	[tilespmem:s24], [sflag:$0x1] =	stream.indirect_vreg.gather [hbm4b:s7+s5], $0x80, v48, vm1, $0xb8;
	[tilespmem:$0x2980] =	vst v63  }
0x289: {  	v55 =	vperm.xlane v25, v15;
	v54 =	vadd.s32 v6, v53  }
0x28a: {  	[tilespmem:s25], [sflag:$0x1] =	stream.indirect_vreg.gather [hbm4b:s7+s5], $0x80, v50, vm1, $0xb8;
	[tilespmem:$0x2980] =	vst v63  }
0x28b: {  	v57 =	vperm.xlane v25, v16;
	v56 =	vadd.s32 v6, v55  }
0x28c: {  	[tilespmem:s26], [sflag:$0x1] =	stream.indirect_vreg.gather [hbm4b:s7+s5], $0x80, v52, vm1, $0xb8;
	[tilespmem:$0x2980] =	vst v63  }
0x28d: {  	v59 =	vperm.xlane v25, v17;
	v58 =	vadd.s32 v6, v57  }
0x28e: {  	[tilespmem:s28], [sflag:$0x1] =	stream.indirect_vreg.gather [hbm4b:s7+s5], $0x80, v54, vm1, $0xb8;
	[tilespmem:$0x2980] =	vst v63  }
0x28f: {  	v61 =	vperm.xlane v25, v18;
	v60 =	vadd.s32 v6, v59  }
0x290: {  	[tilespmem:s29], [sflag:$0x1] =	stream.indirect_vreg.gather [hbm4b:s7+s5], $0x80, v56, vm1, $0xb8;
	[tilespmem:$0x2980] =	vst v63  }
0x291: {  	v25 =	vperm.xlane v25, v19;
	v62 =	vadd.s32 v6, v61  }
0x292: {  	[tilespmem:s30], [sflag:$0x1] =	stream.indirect_vreg.gather [hbm4b:s7+s5], $0x80, v58, vm1, $0xb8;
	[tilespmem:$0x2980] =	vst v63  }
0x293: {  	v25 =	vadd.s32 v6, v25  }
0x294: {  	[tilespmem:s31], [sflag:$0x1] =	stream.indirect_vreg.gather [hbm4b:s7+s5], $0x80, v60, vm1, $0xb8;
	[tilespmem:$0x2980] =	vst v63  }
0x295: {  	_ = 	snop  }
0x296: {  	v63 =	vor.u32 s4, v3;
	[tilespmem:s1], [sflag:$0x1] =	stream.indirect_vreg.gather [hbm4b:s7+s5], $0x80, v62, vm1, $0xb8;
	[tilespmem:$0x2980] =	vst v63  }
0x297: {  	vm2 =	vlt.s32 v63, v23;
	v24 =	vadd.s32 v1, v24  }
0x298: {  	v24 =	vnsel vm2, $0xFFFFFFFF, v24;
	[tilespmem:s0], [sflag:$0x1] =	stream.indirect_vreg.gather [hbm4b:s7+s5], $0x80, v25, vm1, $0xb8;
	[tilespmem:$0x2980] =	vst v63  }
0x299: {  	_ =	swait.ge [sflag:s15], $0x800  }
0x29a: {  	[sflag:s15] =	ssyncset.done $0x0  }
0x29b: {  	p4 =	sne.s32 s3, $0x1;
	[sflag:s15] =	ssyncadd.s32 $0xFFFFF800;
	(ifvalue) =	ssetifvalue $0xFFFFFFFF  }
.Ltmp11:
0x29c: {  	(ifvalue) =	ssetifvalue $0xFFFFFFFF;
	(pc) =	sbr.rel @p4 .LBB2_14-.Ltmp11, $4  }
0x29d: {  	[hbm4b:s6+s5] =	stream.indirect_vreg.scatter [tilespmem:s17], [sflag:$0x1], $0x80, v24, vm0, $0x40b8;
	[tilespmem:$0x2980] =	vst v63  }
0x29e: {  	_ =	swait.ge [sflag:s15], $0x800  }
0x29f: {  	s2 =	sadd.s32 $0x10, s2;
	[sflag:s15] =	ssyncset.done $0x0  }
0x2a0: {  	s4 =	sadd.s32 $0x10, s4;
	s3 =	sadd.s32 $0xFFFFFFFF, s3;
	[sflag:s15] =	ssyncadd.s32 $0xFFFFF800  }
.Ltmp12:
0x2a1: {  	_ = 	snop;
	(pc) =	sbr.rel .LBB2_15-.Ltmp12, $1  }
0x2a2: {  	_ =	sdelay $0x3  }
.LBB2_7:
.Ltmp13:
0x2a3: {  	(pc) =	sbr.rel .LBB2_11-.Ltmp13, $2  }
0x2a4: {  	_ =	sdelay $0x2  }
0x2a5: {  	s4 =	simm.s32 $0x0;
	s2 =	simm.s32 $0x0  }
.LBB2_9:
.Ltmp14:
0x2a6: {  	(pc) =	sbr.rel .LBB2_11-.Ltmp14, $2  }
0x2a7: {  	_ =	sdelay $0x2  }
0x2a8: {  	s4 =	simm.s32 $0x0;
	s2 =	simm.s32 $0x0  }
.LBB2_16:
.Ltmp15:
0x2a9: {  	(pc) =	sbr.rel @p1 .LBB2_21-.Ltmp15, $2  }
0x2aa: {  	_ =	sdelay $0x2  }
0x2ab: {  	s3 =	simm.s32 $0xFFFFFFF8;
	s2 =	simm.s32 $0x1D40  }
.Ltmp16:
0x2ac: {  	(pc) =	sbr.rel @p2 .LBB2_25-.Ltmp16, $2  }
0x2ad: {  	_ =	sdelay $0x2  }
0x2ae: {  	s10 =	rddreg [dreg:$0x9]  }
0x2af: {  	[tilespmem:s2+$0xFFFFFFC0] =	vst v20  }
0x2b0: {  	[tilespmem:s2+$0x30] =	vst v20  }
0x2b1: {  	[tilespmem:s2+$0x20] =	vst v20  }
0x2b2: {  	[tilespmem:s2+$0x10] =	vst v20  }
0x2b3: {  	[tilespmem:s2+$0x0] =	vst v20  }
0x2b4: {  	[tilespmem:s2+$0xFFFFFFF0] =	vst v20  }
0x2b5: {  	s3 =	sadd.s32 $0x8, s3;
	[tilespmem:s2+$0xFFFFFFE0] =	vst v20  }
.LBB2_19:
0x2b6: {  	s3 =	sadd.s32 $0x8, s3;
	[tilespmem:s2+$0xFFFFFFD0] =	vst v20;
	s2 =	sadd.s32 $0x80, s2  }
0x2b7: {  	[tilespmem:s2+$0xFFFFFFC0] =	vst v20;
	p3 =	slt.u32 s3, $0x78  }
0x2b8: {  	[tilespmem:s2+$0x30] =	vst v20  }
.Ltmp17:
0x2b9: {  	[tilespmem:s2+$0x20] =	vst v20;
	(pc) =	sbr.rel @p3 .LBB2_19-.Ltmp17, $4  }
0x2ba: {  	[tilespmem:s2+$0x10] =	vst v20  }
0x2bb: {  	[tilespmem:s2+$0x0] =	vst v20  }
0x2bc: {  	[tilespmem:s2+$0xFFFFFFF0] =	vst v20  }
0x2bd: {  	[tilespmem:s2+$0xFFFFFFE0] =	vst v20  }
.Ltmp18:
0x2be: {  	(pc) =	sbr.rel .LBB2_24-.Ltmp18, $3  }
0x2bf: {  	_ =	sdelay $0x1  }
0x2c0: {  	s3 =	rddreg [dreg:$0x5]  }
0x2c1: {  	[tilespmem:s2+$0xFFFFFFD0] =	vst v20;
	s2 =	rddreg [dreg:$0x2];
	s8 =	smov.u32 s3  }
.LBB2_21:
0x2c2: {  	[tilespmem:s2+$0xFFFFFFC0] =	vst v20  }
0x2c3: {  	[tilespmem:s2+$0x30] =	vst v20  }
0x2c4: {  	[tilespmem:s2+$0x20] =	vst v20  }
0x2c5: {  	[tilespmem:s2+$0x10] =	vst v20  }
0x2c6: {  	[tilespmem:s2+$0x0] =	vst v20  }
0x2c7: {  	[tilespmem:s2+$0xFFFFFFF0] =	vst v20  }
0x2c8: {  	s3 =	sadd.s32 $0x8, s3;
	[tilespmem:s2+$0xFFFFFFE0] =	vst v20;
	s10 =	rddreg [dreg:$0x9]  }
.LBB2_22:
0x2c9: {  	s3 =	sadd.s32 $0x8, s3;
	[tilespmem:s2+$0xFFFFFFD0] =	vst v20;
	s2 =	sadd.s32 $0x80, s2  }
0x2ca: {  	[tilespmem:s2+$0xFFFFFFC0] =	vst v20;
	p3 =	slt.u32 s3, $0x78  }
0x2cb: {  	[tilespmem:s2+$0x30] =	vst v20  }
.Ltmp19:
0x2cc: {  	[tilespmem:s2+$0x20] =	vst v20;
	(pc) =	sbr.rel @p3 .LBB2_22-.Ltmp19, $4  }
0x2cd: {  	[tilespmem:s2+$0x10] =	vst v20  }
0x2ce: {  	[tilespmem:s2+$0x0] =	vst v20  }
0x2cf: {  	[tilespmem:s2+$0xFFFFFFF0] =	vst v20  }
0x2d0: {  	[tilespmem:s2+$0xFFFFFFE0] =	vst v20  }
.Ltmp20:
0x2d1: {  	(pc) =	sbr.rel .LBB2_24-.Ltmp20, $3  }
0x2d2: {  	_ =	sdelay $0x1  }
0x2d3: {  	s3 =	rddreg [dreg:$0x6]  }
0x2d4: {  	[tilespmem:s2+$0xFFFFFFD0] =	vst v20;
	s2 =	rddreg [dreg:$0x3];
	s8 =	smov.u32 s3  }
.LBB2_26:
0x2d5: {  	_ =	sfence.sel $0x180000  }
0x2d6: {  	[bflag:$0x0] =	sbarrier.arrive $0xFFFF  }
0x2d7: {  	_ =	strace $0x90000047  }
0x2d8: {  	s0 =	stileid.u32;
	[bflag:$0x2] =	sbarrier.arrive $0xFFFF  }
0x2d9: {  	p0 =	sne.s32 s0, $0x0;
	s0 =	rddreg [dreg:$0x4]  }
0x2da: {  	s0 =	sadd.s32 @!p0 $0x100000, s0  }
0x2db: {  	[sflag:s0] =	ssyncadd.tile.s32 @!p0 $0x1;
	_ =	shalt  }
.Lfunc_end2:
_tile_overlayer_lowered:
.L_overlay_start_2:
0x2dc: {  	(tag) =	ssettag $0x2  }
0x2dd: {  	s0 =	rddreg [dreg:$0x0];
	s2 =	stileid.u32  }
0x2de: {  	s1 =	rddreg [dreg:$0x1];
	p0 =	sne.s32 s2, $0x0  }
0x2df: {  	s3 =	rddreg [dreg:$0x2];
	[bflag:$0x3] =	sbarrier.arrive $0xFFFF;
	s2 =	simm.s32 @!p0 $0x1C02  }
0x2e0: {  	[timem:s3], [sflag:s2] =	dma.local @!p0 [hbm:s0], s1  }
0x2e1: {  	s0 =	simm.s32 @!p0 $0x2  }
0x2e2: {  	_ =	swait.ge @!p0 [sflag:s0], s1  }
0x2e3: {  	s1 =	ssub.s32 @!p0 $0x0, s1;
	[sflag:s0] =	ssyncset.done @!p0 $0x0  }
0x2e4: {  	[sflag:s0] =	ssyncadd.s32 @!p0 s1  }
0x2e5: {  	[bflag:$0x3] =	sbarrier.arrive $0xFFFF  }
0x2e6: {  	_ =	shalt  }

</sc_bundles>
